<compile_context>
chip_gen: v7x
topology: tpu7x:2x2x1
jax: 0.10.2.dev20260603
libtpu: 0.0.44.dev20260713+nightly
codegen_flags: <defaults>
</compile_context>

<pallas_src>
import functools

import jax
import jax.numpy as jnp
from jax import lax
from jax.experimental import pallas as pl
from jax.experimental.pallas import tpu as pltpu
from jax.experimental.pallas import tpu_sc as plsc

N = 10000
D = 128
H = 32
E = 320000
G = 64
NT = 16
NC = 2
CW = 128
NCHUNK = 160
EPT = NCHUNK * CW
EPAD = NT * EPT
NB = 8
RPT = 624
TAIL = N - NT * RPT
ACC_ROWS = N + NT
BN = 1000


def _sc_agg_body(yc_hbm, src_hbm, dst_hbm, out_hbm,
                 accum, src_v, dst_v, rows_v, *sems):
    gsem, ssem = sems[:NB], sems[NB:]
    c = lax.axis_index("c")
    s = lax.axis_index("s")
    row0 = c * N + s * RPT
    pltpu.sync_copy(yc_hbm.at[pl.ds(row0, RPT)], accum.at[pl.ds(s * RPT, RPT)])

    @pl.when(s == NT - 1)
    def _tail_in():
        pltpu.sync_copy(yc_hbm.at[pl.ds(c * N + NT * RPT, TAIL)],
                        accum.at[pl.ds(NT * RPT, TAIL)])
    q0 = (c * NT + s) * NCHUNK
    pltpu.sync_copy(src_hbm.at[pl.ds(q0, NCHUNK)], src_v)
    pltpu.sync_copy(dst_hbm.at[pl.ds(q0, NCHUNK)], dst_v)
    plsc.subcore_barrier()

    def gather(o, b):
        return pltpu.async_copy(yc_hbm.at[src_v.at[o]], rows_v.at[b], gsem[b])

    def gather_wait(o, b):
        pltpu.make_async_copy(yc_hbm.at[src_v.at[o]], rows_v.at[b],
                              gsem[b]).wait()

    def scatter(o, b):
        return pltpu.async_copy(rows_v.at[b], accum.at[dst_v.at[o]], ssem[b],
                                add=True)

    def scatter_wait(o, b):
        pltpu.make_async_copy(rows_v.at[b], accum.at[dst_v.at[o]],
                              ssem[b]).wait()

    for b in range(NB):
        gather(b, b)

    @pl.loop(0, NCHUNK // NB - 1)
    def _chunks(t):
        for b in range(NB):
            o = t * NB + b
            gather_wait(o, b)
            scatter(o, b)
        for b in range(NB):
            o = t * NB + b
            scatter_wait(o, b)
            gather(o + NB, b)

    for b in range(NB):
        o = NCHUNK - NB + b
        gather_wait(o, b)
        scatter(o, b)
    for b in range(NB):
        o = NCHUNK - NB + b
        scatter_wait(o, b)

    plsc.subcore_barrier()
    pltpu.sync_copy(accum.at[pl.ds(s * RPT, RPT)], out_hbm.at[pl.ds(row0, RPT)])

    @pl.when(s == NT - 1)
    def _tail_out():
        pltpu.sync_copy(accum.at[pl.ds(NT * RPT, TAIL)],
                        out_hbm.at[pl.ds(c * N + NT * RPT, TAIL)])


@functools.cache
def _get_sc_agg():
    return pl.kernel(
        _sc_agg_body,
        out_type=jax.ShapeDtypeStruct((NC * N, H), jnp.float32),
        mesh=plsc.VectorSubcoreMesh(core_axis_name="c", subcore_axis_name="s"),
        scratch_types=[
            pltpu.VMEM_SHARED((ACC_ROWS, H), jnp.float32),
            pltpu.VMEM((NCHUNK, CW), jnp.int32),
            pltpu.VMEM((NCHUNK, CW), jnp.int32),
            pltpu.VMEM((NB, CW, H), jnp.float32),
        ] + [pltpu.SemaphoreType.DMA] * (2 * NB),
        compiler_params=pltpu.CompilerParams(use_tc_tiling_on_sc=False),
    )


def _tc1_body(x_ref, w_ref, yc_ref):
    yc_ref[...] = jnp.dot(x_ref[...], w_ref[0],
                          preferred_element_type=jnp.float32)


def _tc1(x, w_stack):
    return pl.pallas_call(
        _tc1_body,
        grid=(NC, N // BN),
        in_specs=[
            pl.BlockSpec((BN, D), lambda c, i: (i, 0)),
            pl.BlockSpec((1, D, H), lambda c, i: (c, 0, 0)),
        ],
        out_specs=pl.BlockSpec((BN, H), lambda c, i: (c * (N // BN) + i, 0)),
        out_shape=jax.ShapeDtypeStruct((NC * N, H), jnp.float32),
    )(x, w_stack)


def _tc2_body(p1_ref, p2_ref, b11_ref, w112_ref, b112_ref, b12_ref, w122_ref,
              b122_ref, mw1_ref, mb1_ref, mw2_ref, mb2_ref, wz_ref, zc_ref):
    t1 = jnp.maximum(p1_ref[...] + b11_ref[...], 0.0)
    t2 = jnp.maximum(p2_ref[...] + b12_ref[...], 0.0)
    x1 = jnp.dot(t1, w112_ref[...], preferred_element_type=jnp.float32) + b112_ref[...]
    x2 = jnp.dot(t2, w122_ref[...], preferred_element_type=jnp.float32) + b122_ref[...]
    hcat = jnp.concatenate([x1, x2], axis=1)
    h = jnp.maximum(jnp.dot(hcat, mw1_ref[...],
                            preferred_element_type=jnp.float32) + mb1_ref[...], 0.0)
    h = jnp.dot(h, mw2_ref[...], preferred_element_type=jnp.float32) + mb2_ref[...]
    zc_ref[...] = jnp.dot(h, wz_ref[0], preferred_element_type=jnp.float32)


def _tc2(agg, b11, w112, b112, b12, w122, b122, mw1, mb1, mw2, mb2, wz_stack):
    nb = N // BN
    full = lambda *shape: pl.BlockSpec(shape, lambda c, i: (0,) * len(shape))
    return pl.pallas_call(
        _tc2_body,
        grid=(NC, nb),
        in_specs=[
            pl.BlockSpec((BN, H), lambda c, i: (i, 0)),
            pl.BlockSpec((BN, H), lambda c, i: (nb + i, 0)),
            full(1, H), full(H, H), full(1, H),
            full(1, H), full(H, H), full(1, H),
            full(2 * H, H), full(1, H), full(H, H), full(1, H),
            pl.BlockSpec((1, H, H), lambda c, i: (c, 0, 0)),
        ],
        out_specs=pl.BlockSpec((BN, H), lambda c, i: (c * nb + i, 0)),
        out_shape=jax.ShapeDtypeStruct((NC * N, H), jnp.float32),
    )(agg, agg, b11, w112, b112, b12, w122, b122, mw1, mb1, mw2, mb2, wz_stack)


def _tc3_body(q1_ref, q2_ref, batch_ref, b21_ref, w212_ref, b212_ref, b22_ref,
              w222_ref, b222_ref, mw1_ref, mb1_ref, mw2_ref, mb2_ref,
              lw_ref, lb_ref, out_ref):
    i = pl.program_id(0)
    t1 = jnp.maximum(q1_ref[...] + b21_ref[...], 0.0)
    t2 = jnp.maximum(q2_ref[...] + b22_ref[...], 0.0)
    x1 = jnp.maximum(
        jnp.dot(t1, w212_ref[...], preferred_element_type=jnp.float32) + b212_ref[...], 0.0)
    x2 = jnp.maximum(
        jnp.dot(t2, w222_ref[...], preferred_element_type=jnp.float32) + b222_ref[...], 0.0)
    xcat = jnp.concatenate([x1, x2], axis=1)
    h = jnp.maximum(jnp.dot(xcat, mw1_ref[...],
                            preferred_element_type=jnp.float32) + mb1_ref[...], 0.0)
    h = jnp.dot(h, mw2_ref[...], preferred_element_type=jnp.float32) + mb2_ref[...]
    s = jnp.dot(h, lw_ref[...], preferred_element_type=jnp.float32)
    gids = lax.broadcasted_iota(jnp.int32, (G, BN), 0)
    onehot = (gids == batch_ref[0]).astype(jnp.float32)
    contrib = jnp.dot(onehot, s, preferred_element_type=jnp.float32)

    @pl.when(i == 0)
    def _():
        out_ref[...] = jnp.broadcast_to(lb_ref[...], (G, 1))

    out_ref[...] += contrib


def _tc3(agg, batch2d, b21, w212, b212, b22, w222, b222, mw1, mb1, mw2, mb2,
         lw, lb2d):
    nb = N // BN
    full = lambda *shape: pl.BlockSpec(shape, lambda i: (0,) * len(shape))
    return pl.pallas_call(
        _tc3_body,
        grid=(nb,),
        in_specs=[
            pl.BlockSpec((BN, H), lambda i: (i, 0)),
            pl.BlockSpec((BN, H), lambda i: (nb + i, 0)),
            pl.BlockSpec((1, 1, BN), lambda i: (i, 0, 0)),
            full(1, H), full(H, H), full(1, H),
            full(1, H), full(H, H), full(1, H),
            full(2 * H, H), full(1, H), full(H, H), full(1, H),
            full(H, 1), full(1, 1),
        ],
        out_specs=full(G, 1),
        out_shape=jax.ShapeDtypeStruct((G, 1), jnp.float32),
    )(agg, agg, batch2d, b21, w212, b212, b22, w222, b222, mw1, mb1, mw2, mb2,
      lw, lb2d)


def _prep_edges(ei_local, ei_global):
    pad = EPAD - E
    parts_src, parts_dst = [], []
    for off, ei in ((0, ei_local), (N, ei_global)):
        src = jnp.concatenate([ei[0] + off, jnp.full((pad,), off, jnp.int32)])
        dst = jnp.concatenate([ei[1], jnp.full((pad,), N, jnp.int32)])
        parts_src.append(src.reshape(NT * NCHUNK, CW))
        parts_dst.append(dst.reshape(NT * NCHUNK, CW))
    return (jnp.concatenate(parts_src, axis=0),
            jnp.concatenate(parts_dst, axis=0))


def kernel(x, edge_index_local, edge_index_global, batch, c11_W1, c11_b1,
           c11_W2, c11_b2, c12_W1, c12_b1, c12_W2, c12_b2, c21_W1, c21_b1,
           c21_W2, c21_b2, c22_W1, c22_b1, c22_W2, c22_b2, m1_W1, m1_b1,
           m1_W2, m1_b2, m2_W1, m2_b1, m2_W2, m2_b2, lin_W, lin_b):
    src_all, dst_all = _prep_edges(edge_index_local, edge_index_global)
    r = lambda b: b.reshape(1, H)

    sc_agg = _get_sc_agg()
    yc = _tc1(x, jnp.stack([c11_W1, c12_W1]))
    agg1 = sc_agg(yc, src_all, dst_all)
    zc = _tc2(agg1, r(c11_b1), c11_W2, r(c11_b2), r(c12_b1), c12_W2,
              r(c12_b2), m1_W1, r(m1_b1), m1_W2, r(m1_b2),
              jnp.stack([c21_W1, c22_W1]))
    agg2 = sc_agg(zc, src_all, dst_all)
    out = _tc3(agg2, batch.reshape(N // BN, 1, BN), r(c21_b1), c21_W2, r(c21_b2),
               r(c22_b1), c22_W2, r(c22_b2), m2_W1, r(m2_b1), m2_W2,
               r(m2_b2), lin_W, lin_b.reshape(1, 1))
    return out[:, 0]

# --- scband reference (transcript-rebuilt; emitter-appended) ---
"""Pipeline reference for scband-ginconv-two-aggregators-net-67508295958858 (READ-ONLY COPY).

The authoritative reference and input builder live on the scoring server;
editing this copy changes nothing except your own understanding.
"""

import jax, jax.numpy as jnp
import numpy as np


def setup_inputs(seed: int = 0):
    key = jax.random.key(seed)
    N, D, H, E, G = 10000, 128, 32, 320000, 64
    ki = iter(list(jax.random.split(key, 40)))
    def nrm(shape, scale):
        return jax.random.normal(next(ki), shape, dtype=jnp.float32) * scale
    inp = {}
    inp["x"] = jax.random.normal(next(ki), (N, D), dtype=jnp.float32)
    inp["edge_index_local"] = jax.random.randint(next(ki), (2, E), 0, N, dtype=jnp.int32)
    inp["edge_index_global"] = jax.random.randint(next(ki), (2, E), 0, N, dtype=jnp.int32)
    inp["batch"] = jnp.sort(jax.random.randint(next(ki), (N,), 0, G, dtype=jnp.int32))
    for name, a in [("c11", D), ("c12", D), ("c21", H), ("c22", H)]:
        inp[name + "_W1"] = nrm((a, H), 1.0 / np.sqrt(a))
        inp[name + "_b1"] = jnp.zeros((H,), jnp.float32)
        inp[name + "_W2"] = nrm((H, H), 1.0 / np.sqrt(H))
        inp[name + "_b2"] = jnp.zeros((H,), jnp.float32)
    for name in ["m1", "m2"]:
        inp[name + "_W1"] = nrm((2 * H, H), 1.0 / np.sqrt(2 * H))
        inp[name + "_b1"] = jnp.zeros((H,), jnp.float32)
        inp[name + "_W2"] = nrm((H, H), 1.0 / np.sqrt(H))
        inp[name + "_b2"] = jnp.zeros((H,), jnp.float32)
    inp["lin_W"] = nrm((H, 1), 1.0 / np.sqrt(H))
    inp["lin_b"] = jnp.zeros((1,), jnp.float32)
    return inp


def _gin(x, ei, W1, b1, W2, b2):
    # GINConv, eps=0 (train_eps=False): nn(x + sum_{j in N(i)} x_j)
    agg = jax.ops.segment_sum(x[ei[0]], ei[1], num_segments=x.shape[0])
    h = x + agg
    h = jnp.maximum(h @ W1 + b1, 0.0)
    return h @ W2 + b2


def _mlp(h, W1, b1, W2, b2):
    return jnp.maximum(h @ W1 + b1, 0.0) @ W2 + b2


def reference(x, edge_index_local, edge_index_global, batch, c11_W1, c11_b1, c11_W2, c11_b2, c12_W1, c12_b1, c12_W2, c12_b2, c21_W1, c21_b1, c21_W2, c21_b2, c22_W1, c22_b1, c22_W2, c22_b2, m1_W1, m1_b1, m1_W2, m1_b2, m2_W1, m2_b1, m2_W2, m2_b2, lin_W, lin_b):
    x1 = _gin(x, edge_index_local, c11_W1, c11_b1, c11_W2, c11_b2)
    x2 = _gin(x, edge_index_global, c12_W1, c12_b1, c12_W2, c12_b2)
    h = _mlp(jnp.concatenate([x1, x2], axis=-1), m1_W1, m1_b1, m1_W2, m1_b2)
    x1 = jnp.maximum(_gin(h, edge_index_local, c21_W1, c21_b1, c21_W2, c21_b2), 0.0)
    x2 = jnp.maximum(_gin(h, edge_index_global, c22_W1, c22_b1, c22_W2, c22_b2), 0.0)
    h = _mlp(jnp.concatenate([x1, x2], axis=-1), m2_W1, m2_b1, m2_W2, m2_b2)
    pooled = jax.ops.segment_sum(h, batch, num_segments=64)
    out = (pooled @ lin_W + lin_b).squeeze(-1)
    return out

if __name__ == "__main__":
    import jax
    _d = setup_inputs()
    print(jax.jit(kernel)(*tuple(_d.values())))

</pallas_src>

<mosaic_0001>
#map = affine_map<(d0, d1) -> (0, 0)>
module attributes {stable_mosaic.version = 14 : i64} {
  func.func @_sc_agg_body(%arg0: i32, %arg1: i32, %arg2: memref<20000x32xf32, #tpu.memory_space<hbm>>, %arg3: memref<5120x128xi32, #tpu.memory_space<hbm>>, %arg4: memref<5120x128xi32, #tpu.memory_space<hbm>>, %arg5: memref<20000x32xf32, #tpu.memory_space<hbm>>, %arg6: memref<10016x32xf32, #tpu.memory_space<vmem_shared>>, %arg7: memref<160x128xi32, #tpu.memory_space<vmem>>, %arg8: memref<160x128xi32, #tpu.memory_space<vmem>>, %arg9: memref<8x128x32xf32, #tpu.memory_space<vmem>>, %arg10: memref<!tpu.dma_semaphore, #tpu.memory_space<semaphore_mem>>, %arg11: memref<!tpu.dma_semaphore, #tpu.memory_space<semaphore_mem>>, %arg12: memref<!tpu.dma_semaphore, #tpu.memory_space<semaphore_mem>>, %arg13: memref<!tpu.dma_semaphore, #tpu.memory_space<semaphore_mem>>, %arg14: memref<!tpu.dma_semaphore, #tpu.memory_space<semaphore_mem>>, %arg15: memref<!tpu.dma_semaphore, #tpu.memory_space<semaphore_mem>>, %arg16: memref<!tpu.dma_semaphore, #tpu.memory_space<semaphore_mem>>, %arg17: memref<!tpu.dma_semaphore, #tpu.memory_space<semaphore_mem>>, %arg18: memref<!tpu.dma_semaphore, #tpu.memory_space<semaphore_mem>>, %arg19: memref<!tpu.dma_semaphore, #tpu.memory_space<semaphore_mem>>, %arg20: memref<!tpu.dma_semaphore, #tpu.memory_space<semaphore_mem>>, %arg21: memref<!tpu.dma_semaphore, #tpu.memory_space<semaphore_mem>>, %arg22: memref<!tpu.dma_semaphore, #tpu.memory_space<semaphore_mem>>, %arg23: memref<!tpu.dma_semaphore, #tpu.memory_space<semaphore_mem>>, %arg24: memref<!tpu.dma_semaphore, #tpu.memory_space<semaphore_mem>>, %arg25: memref<!tpu.dma_semaphore, #tpu.memory_space<semaphore_mem>>) attributes {dimension_semantics = [#tpu.dimension_semantics<core_parallel>, #tpu.dimension_semantics<subcore_parallel>], iteration_bounds = array<i64: 2, 16>, scalar_prefetch = 0 : i64, scratch_operands = 20 : i64, tpu.core_type = #tpu.core_type<sc_vector_subcore>, window_params = [{transform_indices = #map}, {transform_indices = #map}, {transform_indices = #map}, {transform_indices = #map}]} {
    %mul3A = arith.constant 10000 : i32
    %mul3A_0 = arith.muli %arg0, %mul3A : i32
    %mul3A_1 = arith.constant 624 : i32
    %mul3A_2 = arith.muli %arg1, %mul3A_1 : i32
    %add3A = arith.addi %mul3A_0, %mul3A_2 : i32
    %mul3A_3 = arith.constant 624 : i32
    %mul3A_4 = arith.muli %arg1, %mul3A_3 : i32
    "tpu.region"() ({
      %run_scoped3A = tpu.sem_alloc : memref<!tpu.dma_semaphore, #tpu.memory_space<semaphore_mem>>
      %dma_start3A_406 = arith.constant 0 : i32
      %dma_start3A_407 = tpu.memref_slice %arg6[%mul3A_4, %dma_start3A_406] : memref<10016x32xf32, #tpu.memory_space<vmem_shared>> -> memref<624x32xf32, #tpu.memory_space<vmem_shared>>
      %dma_start3A_408 = arith.constant 0 : i32
      %dma_start3A_409 = tpu.memref_slice %arg2[%add3A, %dma_start3A_408] : memref<20000x32xf32, #tpu.memory_space<hbm>> -> memref<624x32xf32, #tpu.memory_space<hbm>>
      tpu.enqueue_dma source(%dma_start3A_409 : memref<624x32xf32, #tpu.memory_space<hbm>>) target(%dma_start3A_407 : memref<624x32xf32, #tpu.memory_space<vmem_shared>>) target_semaphore(%run_scoped3A : memref<!tpu.dma_semaphore, #tpu.memory_space<semaphore_mem>>)
      %dma_wait3A_410 = arith.constant 0 : i32
      %dma_wait3A_411 = tpu.memref_slice %arg6[%mul3A_4, %dma_wait3A_410] : memref<10016x32xf32, #tpu.memory_space<vmem_shared>> -> memref<624x32xf32, #tpu.memory_space<vmem_shared>>
      %dma_wait3A_412 = arith.constant 0 : i32
      %dma_wait3A_413 = tpu.memref_slice %arg2[%add3A, %dma_wait3A_412] : memref<20000x32xf32, #tpu.memory_space<hbm>> -> memref<624x32xf32, #tpu.memory_space<hbm>>
      tpu.wait_dma2 semaphore(%run_scoped3A : memref<!tpu.dma_semaphore, #tpu.memory_space<semaphore_mem>>) src(%dma_wait3A_413 : memref<624x32xf32, #tpu.memory_space<hbm>>) dst(%dma_wait3A_411 : memref<624x32xf32, #tpu.memory_space<vmem_shared>>)
      tpu.yield
    }) : () -> ()
    %eq3A = arith.constant 15 : i32
    %eq3A_5 = arith.cmpi eq, %arg1, %eq3A : i32
    %convert_element_type3A = arith.extui %eq3A_5 : i1 to i32
    %cond3A = arith.constant 0 : i32
    %cond3A_6 = arith.cmpi ne, %convert_element_type3A, %cond3A : i32
    scf.if %cond3A_6 {
      %mul3A_406 = arith.constant 10000 : i32
      %mul3A_407 = arith.muli %arg0, %mul3A_406 : i32
      %add3A_408 = arith.constant 9984 : i32
      %add3A_409 = arith.addi %mul3A_407, %add3A_408 : i32
      "tpu.region"() ({
        %run_scoped3A = tpu.sem_alloc : memref<!tpu.dma_semaphore, #tpu.memory_space<semaphore_mem>>
        %dma_start3A_410 = arith.constant 9984 : i32
        %dma_start3A_411 = arith.constant 0 : i32
        %dma_start3A_412 = tpu.memref_slice %arg6[%dma_start3A_410, %dma_start3A_411] : memref<10016x32xf32, #tpu.memory_space<vmem_shared>> -> memref<16x32xf32, #tpu.memory_space<vmem_shared>>
        %dma_start3A_413 = arith.constant 0 : i32
        %dma_start3A_414 = tpu.memref_slice %arg2[%add3A_409, %dma_start3A_413] : memref<20000x32xf32, #tpu.memory_space<hbm>> -> memref<16x32xf32, #tpu.memory_space<hbm>>
        tpu.enqueue_dma source(%dma_start3A_414 : memref<16x32xf32, #tpu.memory_space<hbm>>) target(%dma_start3A_412 : memref<16x32xf32, #tpu.memory_space<vmem_shared>>) target_semaphore(%run_scoped3A : memref<!tpu.dma_semaphore, #tpu.memory_space<semaphore_mem>>)
        %dma_wait3A_415 = arith.constant 9984 : i32
        %dma_wait3A_416 = arith.constant 0 : i32
        %dma_wait3A_417 = tpu.memref_slice %arg6[%dma_wait3A_415, %dma_wait3A_416] : memref<10016x32xf32, #tpu.memory_space<vmem_shared>> -> memref<16x32xf32, #tpu.memory_space<vmem_shared>>
        %dma_wait3A_418 = arith.constant 0 : i32
        %dma_wait3A_419 = tpu.memref_slice %arg2[%add3A_409, %dma_wait3A_418] : memref<20000x32xf32, #tpu.memory_space<hbm>> -> memref<16x32xf32, #tpu.memory_space<hbm>>
        tpu.wait_dma2 semaphore(%run_scoped3A : memref<!tpu.dma_semaphore, #tpu.memory_space<semaphore_mem>>) src(%dma_wait3A_419 : memref<16x32xf32, #tpu.memory_space<hbm>>) dst(%dma_wait3A_417 : memref<16x32xf32, #tpu.memory_space<vmem_shared>>)
        tpu.yield
      }) : () -> ()
    } else {
    }
    %mul3A_7 = arith.constant 16 : i32
    %mul3A_8 = arith.muli %arg0, %mul3A_7 : i32
    %add3A_9 = arith.addi %mul3A_8, %arg1 : i32
    %mul3A_10 = arith.constant 160 : i32
    %mul3A_11 = arith.muli %add3A_9, %mul3A_10 : i32
    "tpu.region"() ({
      %run_scoped3A = tpu.sem_alloc : memref<!tpu.dma_semaphore, #tpu.memory_space<semaphore_mem>>
      %dma_start3A_406 = arith.constant 0 : i32
      %dma_start3A_407 = tpu.memref_slice %arg3[%mul3A_11, %dma_start3A_406] : memref<5120x128xi32, #tpu.memory_space<hbm>> -> memref<160x128xi32, #tpu.memory_space<hbm>>
      %dma_start3A_408 = arith.constant 0 : i32
      %dma_start3A_409 = tpu.memref_slice %arg3[%mul3A_11, %dma_start3A_408] : memref<5120x128xi32, #tpu.memory_space<hbm>> -> memref<160x128xi32, #tpu.memory_space<hbm>>
      tpu.enqueue_dma source(%dma_start3A_409 : memref<160x128xi32, #tpu.memory_space<hbm>>) target(%arg7 : memref<160x128xi32, #tpu.memory_space<vmem>>) target_semaphore(%run_scoped3A : memref<!tpu.dma_semaphore, #tpu.memory_space<semaphore_mem>>)
      %dma_wait3A_410 = arith.constant 0 : i32
      %dma_wait3A_411 = tpu.memref_slice %arg3[%mul3A_11, %dma_wait3A_410] : memref<5120x128xi32, #tpu.memory_space<hbm>> -> memref<160x128xi32, #tpu.memory_space<hbm>>
      %dma_wait3A_412 = arith.constant 0 : i32
      %dma_wait3A_413 = tpu.memref_slice %arg3[%mul3A_11, %dma_wait3A_412] : memref<5120x128xi32, #tpu.memory_space<hbm>> -> memref<160x128xi32, #tpu.memory_space<hbm>>
      tpu.wait_dma2 semaphore(%run_scoped3A : memref<!tpu.dma_semaphore, #tpu.memory_space<semaphore_mem>>) src(%dma_wait3A_413 : memref<160x128xi32, #tpu.memory_space<hbm>>) dst(%arg7 : memref<160x128xi32, #tpu.memory_space<vmem>>)
      tpu.yield
    }) : () -> ()
    "tpu.region"() ({
      %run_scoped3A = tpu.sem_alloc : memref<!tpu.dma_semaphore, #tpu.memory_space<semaphore_mem>>
      %dma_start3A_406 = arith.constant 0 : i32
      %dma_start3A_407 = tpu.memref_slice %arg4[%mul3A_11, %dma_start3A_406] : memref<5120x128xi32, #tpu.memory_space<hbm>> -> memref<160x128xi32, #tpu.memory_space<hbm>>
      %dma_start3A_408 = arith.constant 0 : i32
      %dma_start3A_409 = tpu.memref_slice %arg4[%mul3A_11, %dma_start3A_408] : memref<5120x128xi32, #tpu.memory_space<hbm>> -> memref<160x128xi32, #tpu.memory_space<hbm>>
      tpu.enqueue_dma source(%dma_start3A_409 : memref<160x128xi32, #tpu.memory_space<hbm>>) target(%arg8 : memref<160x128xi32, #tpu.memory_space<vmem>>) target_semaphore(%run_scoped3A : memref<!tpu.dma_semaphore, #tpu.memory_space<semaphore_mem>>)
      %dma_wait3A_410 = arith.constant 0 : i32
      %dma_wait3A_411 = tpu.memref_slice %arg4[%mul3A_11, %dma_wait3A_410] : memref<5120x128xi32, #tpu.memory_space<hbm>> -> memref<160x128xi32, #tpu.memory_space<hbm>>
      %dma_wait3A_412 = arith.constant 0 : i32
      %dma_wait3A_413 = tpu.memref_slice %arg4[%mul3A_11, %dma_wait3A_412] : memref<5120x128xi32, #tpu.memory_space<hbm>> -> memref<160x128xi32, #tpu.memory_space<hbm>>
      tpu.wait_dma2 semaphore(%run_scoped3A : memref<!tpu.dma_semaphore, #tpu.memory_space<semaphore_mem>>) src(%dma_wait3A_413 : memref<160x128xi32, #tpu.memory_space<hbm>>) dst(%arg8 : memref<160x128xi32, #tpu.memory_space<vmem>>)
      tpu.yield
    }) : () -> ()
    %barrier3A = arith.constant 0 : index
    tpu.barrier barrier_id(%barrier3A)
    %dma_start3A = arith.constant 0 : i32
    %dma_start3A_12 = arith.constant 0 : i32
    %dma_start3A_13 = arith.constant 0 : i32
    %dma_start3A_14 = arith.constant 0 : i32
    %dma_start3A_15 = tpu.memref_slice %arg9[%dma_start3A_12, %dma_start3A_13, %dma_start3A_14] : memref<8x128x32xf32, #tpu.memory_space<vmem>> -> memref<1x128x32xf32, #tpu.memory_space<vmem>>
    %dma_start3A_16 = tpu.memref_squeeze %dma_start3A_15 : memref<1x128x32xf32, #tpu.memory_space<vmem>> -> memref<128x32xf32, #tpu.memory_space<vmem>>
    %dma_start3A_17 = arith.constant 0 : i32
    %dma_start3A_18 = tpu.memref_slice %arg7[%dma_start3A, %dma_start3A_17] : memref<160x128xi32, #tpu.memory_space<vmem>> -> memref<1x128xi32, #tpu.memory_space<vmem>>
    %dma_start3A_19 = tpu.memref_squeeze %dma_start3A_18 : memref<1x128xi32, #tpu.memory_space<vmem>> -> memref<128xi32, #tpu.memory_space<vmem>>
    %dma_start3A_20 = arith.constant 0 : i32
    %dma_start3A_21 = arith.constant 0 : i32
    %dma_start3A_22 = tpu.memref_slice %arg2[%dma_start3A_20, %dma_start3A_21] : memref<20000x32xf32, #tpu.memory_space<hbm>> -> memref<20000x32xf32, #tpu.memory_space<hbm>>
    tpu.enqueue_indirect_dma source(%dma_start3A_22 : memref<20000x32xf32, #tpu.memory_space<hbm>>) target(%dma_start3A_16 : memref<128x32xf32, #tpu.memory_space<vmem>>) offsets(%dma_start3A_19 : memref<128xi32, #tpu.memory_space<vmem>>) semaphore(%arg10 : memref<!tpu.dma_semaphore, #tpu.memory_space<semaphore_mem>>)
    %dma_start3A_23 = arith.constant 1 : i32
    %dma_start3A_24 = arith.constant 1 : i32
    %dma_start3A_25 = arith.constant 0 : i32
    %dma_start3A_26 = arith.constant 0 : i32
    %dma_start3A_27 = tpu.memref_slice %arg9[%dma_start3A_24, %dma_start3A_25, %dma_start3A_26] : memref<8x128x32xf32, #tpu.memory_space<vmem>> -> memref<1x128x32xf32, #tpu.memory_space<vmem>>
    %dma_start3A_28 = tpu.memref_squeeze %dma_start3A_27 : memref<1x128x32xf32, #tpu.memory_space<vmem>> -> memref<128x32xf32, #tpu.memory_space<vmem>>
    %dma_start3A_29 = arith.constant 0 : i32
    %dma_start3A_30 = tpu.memref_slice %arg7[%dma_start3A_23, %dma_start3A_29] : memref<160x128xi32, #tpu.memory_space<vmem>> -> memref<1x128xi32, #tpu.memory_space<vmem>>
    %dma_start3A_31 = tpu.memref_squeeze %dma_start3A_30 : memref<1x128xi32, #tpu.memory_space<vmem>> -> memref<128xi32, #tpu.memory_space<vmem>>
    %dma_start3A_32 = arith.constant 0 : i32
    %dma_start3A_33 = arith.constant 0 : i32
    %dma_start3A_34 = tpu.memref_slice %arg2[%dma_start3A_32, %dma_start3A_33] : memref<20000x32xf32, #tpu.memory_space<hbm>> -> memref<20000x32xf32, #tpu.memory_space<hbm>>
    tpu.enqueue_indirect_dma source(%dma_start3A_34 : memref<20000x32xf32, #tpu.memory_space<hbm>>) target(%dma_start3A_28 : memref<128x32xf32, #tpu.memory_space<vmem>>) offsets(%dma_start3A_31 : memref<128xi32, #tpu.memory_space<vmem>>) semaphore(%arg11 : memref<!tpu.dma_semaphore, #tpu.memory_space<semaphore_mem>>)
    %dma_start3A_35 = arith.constant 2 : i32
    %dma_start3A_36 = arith.constant 2 : i32
    %dma_start3A_37 = arith.constant 0 : i32
    %dma_start3A_38 = arith.constant 0 : i32
    %dma_start3A_39 = tpu.memref_slice %arg9[%dma_start3A_36, %dma_start3A_37, %dma_start3A_38] : memref<8x128x32xf32, #tpu.memory_space<vmem>> -> memref<1x128x32xf32, #tpu.memory_space<vmem>>
    %dma_start3A_40 = tpu.memref_squeeze %dma_start3A_39 : memref<1x128x32xf32, #tpu.memory_space<vmem>> -> memref<128x32xf32, #tpu.memory_space<vmem>>
    %dma_start3A_41 = arith.constant 0 : i32
    %dma_start3A_42 = tpu.memref_slice %arg7[%dma_start3A_35, %dma_start3A_41] : memref<160x128xi32, #tpu.memory_space<vmem>> -> memref<1x128xi32, #tpu.memory_space<vmem>>
    %dma_start3A_43 = tpu.memref_squeeze %dma_start3A_42 : memref<1x128xi32, #tpu.memory_space<vmem>> -> memref<128xi32, #tpu.memory_space<vmem>>
    %dma_start3A_44 = arith.constant 0 : i32
    %dma_start3A_45 = arith.constant 0 : i32
    %dma_start3A_46 = tpu.memref_slice %arg2[%dma_start3A_44, %dma_start3A_45] : memref<20000x32xf32, #tpu.memory_space<hbm>> -> memref<20000x32xf32, #tpu.memory_space<hbm>>
    tpu.enqueue_indirect_dma source(%dma_start3A_46 : memref<20000x32xf32, #tpu.memory_space<hbm>>) target(%dma_start3A_40 : memref<128x32xf32, #tpu.memory_space<vmem>>) offsets(%dma_start3A_43 : memref<128xi32, #tpu.memory_space<vmem>>) semaphore(%arg12 : memref<!tpu.dma_semaphore, #tpu.memory_space<semaphore_mem>>)
    %dma_start3A_47 = arith.constant 3 : i32
    %dma_start3A_48 = arith.constant 3 : i32
    %dma_start3A_49 = arith.constant 0 : i32
    %dma_start3A_50 = arith.constant 0 : i32
    %dma_start3A_51 = tpu.memref_slice %arg9[%dma_start3A_48, %dma_start3A_49, %dma_start3A_50] : memref<8x128x32xf32, #tpu.memory_space<vmem>> -> memref<1x128x32xf32, #tpu.memory_space<vmem>>
    %dma_start3A_52 = tpu.memref_squeeze %dma_start3A_51 : memref<1x128x32xf32, #tpu.memory_space<vmem>> -> memref<128x32xf32, #tpu.memory_space<vmem>>
    %dma_start3A_53 = arith.constant 0 : i32
    %dma_start3A_54 = tpu.memref_slice %arg7[%dma_start3A_47, %dma_start3A_53] : memref<160x128xi32, #tpu.memory_space<vmem>> -> memref<1x128xi32, #tpu.memory_space<vmem>>
    %dma_start3A_55 = tpu.memref_squeeze %dma_start3A_54 : memref<1x128xi32, #tpu.memory_space<vmem>> -> memref<128xi32, #tpu.memory_space<vmem>>
    %dma_start3A_56 = arith.constant 0 : i32
    %dma_start3A_57 = arith.constant 0 : i32
    %dma_start3A_58 = tpu.memref_slice %arg2[%dma_start3A_56, %dma_start3A_57] : memref<20000x32xf32, #tpu.memory_space<hbm>> -> memref<20000x32xf32, #tpu.memory_space<hbm>>
    tpu.enqueue_indirect_dma source(%dma_start3A_58 : memref<20000x32xf32, #tpu.memory_space<hbm>>) target(%dma_start3A_52 : memref<128x32xf32, #tpu.memory_space<vmem>>) offsets(%dma_start3A_55 : memref<128xi32, #tpu.memory_space<vmem>>) semaphore(%arg13 : memref<!tpu.dma_semaphore, #tpu.memory_space<semaphore_mem>>)
    %dma_start3A_59 = arith.constant 4 : i32
    %dma_start3A_60 = arith.constant 4 : i32
    %dma_start3A_61 = arith.constant 0 : i32
    %dma_start3A_62 = arith.constant 0 : i32
    %dma_start3A_63 = tpu.memref_slice %arg9[%dma_start3A_60, %dma_start3A_61, %dma_start3A_62] : memref<8x128x32xf32, #tpu.memory_space<vmem>> -> memref<1x128x32xf32, #tpu.memory_space<vmem>>
    %dma_start3A_64 = tpu.memref_squeeze %dma_start3A_63 : memref<1x128x32xf32, #tpu.memory_space<vmem>> -> memref<128x32xf32, #tpu.memory_space<vmem>>
    %dma_start3A_65 = arith.constant 0 : i32
    %dma_start3A_66 = tpu.memref_slice %arg7[%dma_start3A_59, %dma_start3A_65] : memref<160x128xi32, #tpu.memory_space<vmem>> -> memref<1x128xi32, #tpu.memory_space<vmem>>
    %dma_start3A_67 = tpu.memref_squeeze %dma_start3A_66 : memref<1x128xi32, #tpu.memory_space<vmem>> -> memref<128xi32, #tpu.memory_space<vmem>>
    %dma_start3A_68 = arith.constant 0 : i32
    %dma_start3A_69 = arith.constant 0 : i32
    %dma_start3A_70 = tpu.memref_slice %arg2[%dma_start3A_68, %dma_start3A_69] : memref<20000x32xf32, #tpu.memory_space<hbm>> -> memref<20000x32xf32, #tpu.memory_space<hbm>>
    tpu.enqueue_indirect_dma source(%dma_start3A_70 : memref<20000x32xf32, #tpu.memory_space<hbm>>) target(%dma_start3A_64 : memref<128x32xf32, #tpu.memory_space<vmem>>) offsets(%dma_start3A_67 : memref<128xi32, #tpu.memory_space<vmem>>) semaphore(%arg14 : memref<!tpu.dma_semaphore, #tpu.memory_space<semaphore_mem>>)
    %dma_start3A_71 = arith.constant 5 : i32
    %dma_start3A_72 = arith.constant 5 : i32
    %dma_start3A_73 = arith.constant 0 : i32
    %dma_start3A_74 = arith.constant 0 : i32
    %dma_start3A_75 = tpu.memref_slice %arg9[%dma_start3A_72, %dma_start3A_73, %dma_start3A_74] : memref<8x128x32xf32, #tpu.memory_space<vmem>> -> memref<1x128x32xf32, #tpu.memory_space<vmem>>
    %dma_start3A_76 = tpu.memref_squeeze %dma_start3A_75 : memref<1x128x32xf32, #tpu.memory_space<vmem>> -> memref<128x32xf32, #tpu.memory_space<vmem>>
    %dma_start3A_77 = arith.constant 0 : i32
    %dma_start3A_78 = tpu.memref_slice %arg7[%dma_start3A_71, %dma_start3A_77] : memref<160x128xi32, #tpu.memory_space<vmem>> -> memref<1x128xi32, #tpu.memory_space<vmem>>
    %dma_start3A_79 = tpu.memref_squeeze %dma_start3A_78 : memref<1x128xi32, #tpu.memory_space<vmem>> -> memref<128xi32, #tpu.memory_space<vmem>>
    %dma_start3A_80 = arith.constant 0 : i32
    %dma_start3A_81 = arith.constant 0 : i32
    %dma_start3A_82 = tpu.memref_slice %arg2[%dma_start3A_80, %dma_start3A_81] : memref<20000x32xf32, #tpu.memory_space<hbm>> -> memref<20000x32xf32, #tpu.memory_space<hbm>>
    tpu.enqueue_indirect_dma source(%dma_start3A_82 : memref<20000x32xf32, #tpu.memory_space<hbm>>) target(%dma_start3A_76 : memref<128x32xf32, #tpu.memory_space<vmem>>) offsets(%dma_start3A_79 : memref<128xi32, #tpu.memory_space<vmem>>) semaphore(%arg15 : memref<!tpu.dma_semaphore, #tpu.memory_space<semaphore_mem>>)
    %dma_start3A_83 = arith.constant 6 : i32
    %dma_start3A_84 = arith.constant 6 : i32
    %dma_start3A_85 = arith.constant 0 : i32
    %dma_start3A_86 = arith.constant 0 : i32
    %dma_start3A_87 = tpu.memref_slice %arg9[%dma_start3A_84, %dma_start3A_85, %dma_start3A_86] : memref<8x128x32xf32, #tpu.memory_space<vmem>> -> memref<1x128x32xf32, #tpu.memory_space<vmem>>
    %dma_start3A_88 = tpu.memref_squeeze %dma_start3A_87 : memref<1x128x32xf32, #tpu.memory_space<vmem>> -> memref<128x32xf32, #tpu.memory_space<vmem>>
    %dma_start3A_89 = arith.constant 0 : i32
    %dma_start3A_90 = tpu.memref_slice %arg7[%dma_start3A_83, %dma_start3A_89] : memref<160x128xi32, #tpu.memory_space<vmem>> -> memref<1x128xi32, #tpu.memory_space<vmem>>
    %dma_start3A_91 = tpu.memref_squeeze %dma_start3A_90 : memref<1x128xi32, #tpu.memory_space<vmem>> -> memref<128xi32, #tpu.memory_space<vmem>>
    %dma_start3A_92 = arith.constant 0 : i32
    %dma_start3A_93 = arith.constant 0 : i32
    %dma_start3A_94 = tpu.memref_slice %arg2[%dma_start3A_92, %dma_start3A_93] : memref<20000x32xf32, #tpu.memory_space<hbm>> -> memref<20000x32xf32, #tpu.memory_space<hbm>>
    tpu.enqueue_indirect_dma source(%dma_start3A_94 : memref<20000x32xf32, #tpu.memory_space<hbm>>) target(%dma_start3A_88 : memref<128x32xf32, #tpu.memory_space<vmem>>) offsets(%dma_start3A_91 : memref<128xi32, #tpu.memory_space<vmem>>) semaphore(%arg16 : memref<!tpu.dma_semaphore, #tpu.memory_space<semaphore_mem>>)
    %dma_start3A_95 = arith.constant 7 : i32
    %dma_start3A_96 = arith.constant 7 : i32
    %dma_start3A_97 = arith.constant 0 : i32
    %dma_start3A_98 = arith.constant 0 : i32
    %dma_start3A_99 = tpu.memref_slice %arg9[%dma_start3A_96, %dma_start3A_97, %dma_start3A_98] : memref<8x128x32xf32, #tpu.memory_space<vmem>> -> memref<1x128x32xf32, #tpu.memory_space<vmem>>
    %dma_start3A_100 = tpu.memref_squeeze %dma_start3A_99 : memref<1x128x32xf32, #tpu.memory_space<vmem>> -> memref<128x32xf32, #tpu.memory_space<vmem>>
    %dma_start3A_101 = arith.constant 0 : i32
    %dma_start3A_102 = tpu.memref_slice %arg7[%dma_start3A_95, %dma_start3A_101] : memref<160x128xi32, #tpu.memory_space<vmem>> -> memref<1x128xi32, #tpu.memory_space<vmem>>
    %dma_start3A_103 = tpu.memref_squeeze %dma_start3A_102 : memref<1x128xi32, #tpu.memory_space<vmem>> -> memref<128xi32, #tpu.memory_space<vmem>>
    %dma_start3A_104 = arith.constant 0 : i32
    %dma_start3A_105 = arith.constant 0 : i32
    %dma_start3A_106 = tpu.memref_slice %arg2[%dma_start3A_104, %dma_start3A_105] : memref<20000x32xf32, #tpu.memory_space<hbm>> -> memref<20000x32xf32, #tpu.memory_space<hbm>>
    tpu.enqueue_indirect_dma source(%dma_start3A_106 : memref<20000x32xf32, #tpu.memory_space<hbm>>) target(%dma_start3A_100 : memref<128x32xf32, #tpu.memory_space<vmem>>) offsets(%dma_start3A_103 : memref<128xi32, #tpu.memory_space<vmem>>) semaphore(%arg17 : memref<!tpu.dma_semaphore, #tpu.memory_space<semaphore_mem>>)
    %scan3A = arith.constant 0 : i32
    %scan3A_107 = arith.constant 19 : i32
    %scan3A_108 = arith.addi %scan3A, %scan3A_107 : i32
    %scan3A_109 = arith.constant 1 : i32
    scf.for %scan3A_406 = %scan3A to %scan3A_108 step %scan3A_109  : i32 {
      %mul3A_407 = arith.constant 1 : i32
      %mul3A_408 = arith.muli %scan3A_406, %mul3A_407 : i32
      %add3A_409 = arith.constant 0 : i32
      %add3A_410 = arith.addi %add3A_409, %mul3A_408 : i32
      %mul3A_411 = arith.constant 8 : i32
      %mul3A_412 = arith.muli %add3A_410, %mul3A_411 : i32
      %add3A_413 = arith.constant 0 : i32
      %add3A_414 = arith.addi %mul3A_412, %add3A_413 : i32
      %dma_wait3A_415 = arith.constant 0 : i32
      %dma_wait3A_416 = arith.constant 0 : i32
      %dma_wait3A_417 = arith.constant 0 : i32
      %dma_wait3A_418 = tpu.memref_slice %arg9[%dma_wait3A_415, %dma_wait3A_416, %dma_wait3A_417] : memref<8x128x32xf32, #tpu.memory_space<vmem>> -> memref<1x128x32xf32, #tpu.memory_space<vmem>>
      %dma_wait3A_419 = tpu.memref_squeeze %dma_wait3A_418 : memref<1x128x32xf32, #tpu.memory_space<vmem>> -> memref<128x32xf32, #tpu.memory_space<vmem>>
      %dma_wait3A_420 = arith.constant 0 : i32
      %dma_wait3A_421 = tpu.memref_slice %arg7[%add3A_414, %dma_wait3A_420] : memref<160x128xi32, #tpu.memory_space<vmem>> -> memref<1x128xi32, #tpu.memory_space<vmem>>
      %dma_wait3A_422 = tpu.memref_squeeze %dma_wait3A_421 : memref<1x128xi32, #tpu.memory_space<vmem>> -> memref<128xi32, #tpu.memory_space<vmem>>
      %dma_wait3A_423 = arith.constant 0 : i32
      %dma_wait3A_424 = arith.constant 0 : i32
      %dma_wait3A_425 = tpu.memref_slice %arg2[%dma_wait3A_423, %dma_wait3A_424] : memref<20000x32xf32, #tpu.memory_space<hbm>> -> memref<20000x32xf32, #tpu.memory_space<hbm>>
      tpu.wait_indirect_dma semaphore(%arg10 : memref<!tpu.dma_semaphore, #tpu.memory_space<semaphore_mem>>) src(%dma_wait3A_425 : memref<20000x32xf32, #tpu.memory_space<hbm>>) dst(%dma_wait3A_419 : memref<128x32xf32, #tpu.memory_space<vmem>>)
      %dma_start3A_426 = arith.constant 0 : i32
      %dma_start3A_427 = arith.constant 0 : i32
      %dma_start3A_428 = arith.constant 0 : i32
      %dma_start3A_429 = tpu.memref_slice %arg9[%dma_start3A_426, %dma_start3A_427, %dma_start3A_428] : memref<8x128x32xf32, #tpu.memory_space<vmem>> -> memref<1x128x32xf32, #tpu.memory_space<vmem>>
      %dma_start3A_430 = tpu.memref_squeeze %dma_start3A_429 : memref<1x128x32xf32, #tpu.memory_space<vmem>> -> memref<128x32xf32, #tpu.memory_space<vmem>>
      %dma_start3A_431 = arith.constant 0 : i32
      %dma_start3A_432 = tpu.memref_slice %arg8[%add3A_414, %dma_start3A_431] : memref<160x128xi32, #tpu.memory_space<vmem>> -> memref<1x128xi32, #tpu.memory_space<vmem>>
      %dma_start3A_433 = tpu.memref_squeeze %dma_start3A_432 : memref<1x128xi32, #tpu.memory_space<vmem>> -> memref<128xi32, #tpu.memory_space<vmem>>
      %dma_start3A_434 = arith.constant 0 : i32
      %dma_start3A_435 = arith.constant 0 : i32
      %dma_start3A_436 = tpu.memref_slice %arg6[%dma_start3A_434, %dma_start3A_435] : memref<10016x32xf32, #tpu.memory_space<vmem_shared>> -> memref<10016x32xf32, #tpu.memory_space<vmem_shared>>
      tpu.enqueue_indirect_dma source(%dma_start3A_430 : memref<128x32xf32, #tpu.memory_space<vmem>>) target(%dma_start3A_436 : memref<10016x32xf32, #tpu.memory_space<vmem_shared>>) offsets(%dma_start3A_433 : memref<128xi32, #tpu.memory_space<vmem>>) semaphore(%arg18 : memref<!tpu.dma_semaphore, #tpu.memory_space<semaphore_mem>>) {add = true}
      %mul3A_437 = arith.constant 8 : i32
      %mul3A_438 = arith.muli %add3A_410, %mul3A_437 : i32
      %add3A_439 = arith.constant 1 : i32
      %add3A_440 = arith.addi %mul3A_438, %add3A_439 : i32
      %dma_wait3A_441 = arith.constant 1 : i32
      %dma_wait3A_442 = arith.constant 0 : i32
      %dma_wait3A_443 = arith.constant 0 : i32
      %dma_wait3A_444 = tpu.memref_slice %arg9[%dma_wait3A_441, %dma_wait3A_442, %dma_wait3A_443] : memref<8x128x32xf32, #tpu.memory_space<vmem>> -> memref<1x128x32xf32, #tpu.memory_space<vmem>>
      %dma_wait3A_445 = tpu.memref_squeeze %dma_wait3A_444 : memref<1x128x32xf32, #tpu.memory_space<vmem>> -> memref<128x32xf32, #tpu.memory_space<vmem>>
      %dma_wait3A_446 = arith.constant 0 : i32
      %dma_wait3A_447 = tpu.memref_slice %arg7[%add3A_440, %dma_wait3A_446] : memref<160x128xi32, #tpu.memory_space<vmem>> -> memref<1x128xi32, #tpu.memory_space<vmem>>
      %dma_wait3A_448 = tpu.memref_squeeze %dma_wait3A_447 : memref<1x128xi32, #tpu.memory_space<vmem>> -> memref<128xi32, #tpu.memory_space<vmem>>
      %dma_wait3A_449 = arith.constant 0 : i32
      %dma_wait3A_450 = arith.constant 0 : i32
      %dma_wait3A_451 = tpu.memref_slice %arg2[%dma_wait3A_449, %dma_wait3A_450] : memref<20000x32xf32, #tpu.memory_space<hbm>> -> memref<20000x32xf32, #tpu.memory_space<hbm>>
      tpu.wait_indirect_dma semaphore(%arg11 : memref<!tpu.dma_semaphore, #tpu.memory_space<semaphore_mem>>) src(%dma_wait3A_451 : memref<20000x32xf32, #tpu.memory_space<hbm>>) dst(%dma_wait3A_445 : memref<128x32xf32, #tpu.memory_space<vmem>>)
      %dma_start3A_452 = arith.constant 1 : i32
      %dma_start3A_453 = arith.constant 0 : i32
      %dma_start3A_454 = arith.constant 0 : i32
      %dma_start3A_455 = tpu.memref_slice %arg9[%dma_start3A_452, %dma_start3A_453, %dma_start3A_454] : memref<8x128x32xf32, #tpu.memory_space<vmem>> -> memref<1x128x32xf32, #tpu.memory_space<vmem>>
      %dma_start3A_456 = tpu.memref_squeeze %dma_start3A_455 : memref<1x128x32xf32, #tpu.memory_space<vmem>> -> memref<128x32xf32, #tpu.memory_space<vmem>>
      %dma_start3A_457 = arith.constant 0 : i32
      %dma_start3A_458 = tpu.memref_slice %arg8[%add3A_440, %dma_start3A_457] : memref<160x128xi32, #tpu.memory_space<vmem>> -> memref<1x128xi32, #tpu.memory_space<vmem>>
      %dma_start3A_459 = tpu.memref_squeeze %dma_start3A_458 : memref<1x128xi32, #tpu.memory_space<vmem>> -> memref<128xi32, #tpu.memory_space<vmem>>
      %dma_start3A_460 = arith.constant 0 : i32
      %dma_start3A_461 = arith.constant 0 : i32
      %dma_start3A_462 = tpu.memref_slice %arg6[%dma_start3A_460, %dma_start3A_461] : memref<10016x32xf32, #tpu.memory_space<vmem_shared>> -> memref<10016x32xf32, #tpu.memory_space<vmem_shared>>
      tpu.enqueue_indirect_dma source(%dma_start3A_456 : memref<128x32xf32, #tpu.memory_space<vmem>>) target(%dma_start3A_462 : memref<10016x32xf32, #tpu.memory_space<vmem_shared>>) offsets(%dma_start3A_459 : memref<128xi32, #tpu.memory_space<vmem>>) semaphore(%arg19 : memref<!tpu.dma_semaphore, #tpu.memory_space<semaphore_mem>>) {add = true}
      %mul3A_463 = arith.constant 8 : i32
      %mul3A_464 = arith.muli %add3A_410, %mul3A_463 : i32
      %add3A_465 = arith.constant 2 : i32
      %add3A_466 = arith.addi %mul3A_464, %add3A_465 : i32
      %dma_wait3A_467 = arith.constant 2 : i32
      %dma_wait3A_468 = arith.constant 0 : i32
      %dma_wait3A_469 = arith.constant 0 : i32
      %dma_wait3A_470 = tpu.memref_slice %arg9[%dma_wait3A_467, %dma_wait3A_468, %dma_wait3A_469] : memref<8x128x32xf32, #tpu.memory_space<vmem>> -> memref<1x128x32xf32, #tpu.memory_space<vmem>>
      %dma_wait3A_471 = tpu.memref_squeeze %dma_wait3A_470 : memref<1x128x32xf32, #tpu.memory_space<vmem>> -> memref<128x32xf32, #tpu.memory_space<vmem>>
      %dma_wait3A_472 = arith.constant 0 : i32
      %dma_wait3A_473 = tpu.memref_slice %arg7[%add3A_466, %dma_wait3A_472] : memref<160x128xi32, #tpu.memory_space<vmem>> -> memref<1x128xi32, #tpu.memory_space<vmem>>
      %dma_wait3A_474 = tpu.memref_squeeze %dma_wait3A_473 : memref<1x128xi32, #tpu.memory_space<vmem>> -> memref<128xi32, #tpu.memory_space<vmem>>
      %dma_wait3A_475 = arith.constant 0 : i32
      %dma_wait3A_476 = arith.constant 0 : i32
      %dma_wait3A_477 = tpu.memref_slice %arg2[%dma_wait3A_475, %dma_wait3A_476] : memref<20000x32xf32, #tpu.memory_space<hbm>> -> memref<20000x32xf32, #tpu.memory_space<hbm>>
      tpu.wait_indirect_dma semaphore(%arg12 : memref<!tpu.dma_semaphore, #tpu.memory_space<semaphore_mem>>) src(%dma_wait3A_477 : memref<20000x32xf32, #tpu.memory_space<hbm>>) dst(%dma_wait3A_471 : memref<128x32xf32, #tpu.memory_space<vmem>>)
      %dma_start3A_478 = arith.constant 2 : i32
      %dma_start3A_479 = arith.constant 0 : i32
      %dma_start3A_480 = arith.constant 0 : i32
      %dma_start3A_481 = tpu.memref_slice %arg9[%dma_start3A_478, %dma_start3A_479, %dma_start3A_480] : memref<8x128x32xf32, #tpu.memory_space<vmem>> -> memref<1x128x32xf32, #tpu.memory_space<vmem>>
      %dma_start3A_482 = tpu.memref_squeeze %dma_start3A_481 : memref<1x128x32xf32, #tpu.memory_space<vmem>> -> memref<128x32xf32, #tpu.memory_space<vmem>>
      %dma_start3A_483 = arith.constant 0 : i32
      %dma_start3A_484 = tpu.memref_slice %arg8[%add3A_466, %dma_start3A_483] : memref<160x128xi32, #tpu.memory_space<vmem>> -> memref<1x128xi32, #tpu.memory_space<vmem>>
      %dma_start3A_485 = tpu.memref_squeeze %dma_start3A_484 : memref<1x128xi32, #tpu.memory_space<vmem>> -> memref<128xi32, #tpu.memory_space<vmem>>
      %dma_start3A_486 = arith.constant 0 : i32
      %dma_start3A_487 = arith.constant 0 : i32
      %dma_start3A_488 = tpu.memref_slice %arg6[%dma_start3A_486, %dma_start3A_487] : memref<10016x32xf32, #tpu.memory_space<vmem_shared>> -> memref<10016x32xf32, #tpu.memory_space<vmem_shared>>
      tpu.enqueue_indirect_dma source(%dma_start3A_482 : memref<128x32xf32, #tpu.memory_space<vmem>>) target(%dma_start3A_488 : memref<10016x32xf32, #tpu.memory_space<vmem_shared>>) offsets(%dma_start3A_485 : memref<128xi32, #tpu.memory_space<vmem>>) semaphore(%arg20 : memref<!tpu.dma_semaphore, #tpu.memory_space<semaphore_mem>>) {add = true}
      %mul3A_489 = arith.constant 8 : i32
      %mul3A_490 = arith.muli %add3A_410, %mul3A_489 : i32
      %add3A_491 = arith.constant 3 : i32
      %add3A_492 = arith.addi %mul3A_490, %add3A_491 : i32
      %dma_wait3A_493 = arith.constant 3 : i32
      %dma_wait3A_494 = arith.constant 0 : i32
      %dma_wait3A_495 = arith.constant 0 : i32
      %dma_wait3A_496 = tpu.memref_slice %arg9[%dma_wait3A_493, %dma_wait3A_494, %dma_wait3A_495] : memref<8x128x32xf32, #tpu.memory_space<vmem>> -> memref<1x128x32xf32, #tpu.memory_space<vmem>>
      %dma_wait3A_497 = tpu.memref_squeeze %dma_wait3A_496 : memref<1x128x32xf32, #tpu.memory_space<vmem>> -> memref<128x32xf32, #tpu.memory_space<vmem>>
      %dma_wait3A_498 = arith.constant 0 : i32
      %dma_wait3A_499 = tpu.memref_slice %arg7[%add3A_492, %dma_wait3A_498] : memref<160x128xi32, #tpu.memory_space<vmem>> -> memref<1x128xi32, #tpu.memory_space<vmem>>
      %dma_wait3A_500 = tpu.memref_squeeze %dma_wait3A_499 : memref<1x128xi32, #tpu.memory_space<vmem>> -> memref<128xi32, #tpu.memory_space<vmem>>
      %dma_wait3A_501 = arith.constant 0 : i32
      %dma_wait3A_502 = arith.constant 0 : i32
      %dma_wait3A_503 = tpu.memref_slice %arg2[%dma_wait3A_501, %dma_wait3A_502] : memref<20000x32xf32, #tpu.memory_space<hbm>> -> memref<20000x32xf32, #tpu.memory_space<hbm>>
      tpu.wait_indirect_dma semaphore(%arg13 : memref<!tpu.dma_semaphore, #tpu.memory_space<semaphore_mem>>) src(%dma_wait3A_503 : memref<20000x32xf32, #tpu.memory_space<hbm>>) dst(%dma_wait3A_497 : memref<128x32xf32, #tpu.memory_space<vmem>>)
      %dma_start3A_504 = arith.constant 3 : i32
      %dma_start3A_505 = arith.constant 0 : i32
      %dma_start3A_506 = arith.constant 0 : i32
      %dma_start3A_507 = tpu.memref_slice %arg9[%dma_start3A_504, %dma_start3A_505, %dma_start3A_506] : memref<8x128x32xf32, #tpu.memory_space<vmem>> -> memref<1x128x32xf32, #tpu.memory_space<vmem>>
      %dma_start3A_508 = tpu.memref_squeeze %dma_start3A_507 : memref<1x128x32xf32, #tpu.memory_space<vmem>> -> memref<128x32xf32, #tpu.memory_space<vmem>>
      %dma_start3A_509 = arith.constant 0 : i32
      %dma_start3A_510 = tpu.memref_slice %arg8[%add3A_492, %dma_start3A_509] : memref<160x128xi32, #tpu.memory_space<vmem>> -> memref<1x128xi32, #tpu.memory_space<vmem>>
      %dma_start3A_511 = tpu.memref_squeeze %dma_start3A_510 : memref<1x128xi32, #tpu.memory_space<vmem>> -> memref<128xi32, #tpu.memory_space<vmem>>
      %dma_start3A_512 = arith.constant 0 : i32
      %dma_start3A_513 = arith.constant 0 : i32
      %dma_start3A_514 = tpu.memref_slice %arg6[%dma_start3A_512, %dma_start3A_513] : memref<10016x32xf32, #tpu.memory_space<vmem_shared>> -> memref<10016x32xf32, #tpu.memory_space<vmem_shared>>
      tpu.enqueue_indirect_dma source(%dma_start3A_508 : memref<128x32xf32, #tpu.memory_space<vmem>>) target(%dma_start3A_514 : memref<10016x32xf32, #tpu.memory_space<vmem_shared>>) offsets(%dma_start3A_511 : memref<128xi32, #tpu.memory_space<vmem>>) semaphore(%arg21 : memref<!tpu.dma_semaphore, #tpu.memory_space<semaphore_mem>>) {add = true}
      %mul3A_515 = arith.constant 8 : i32
      %mul3A_516 = arith.muli %add3A_410, %mul3A_515 : i32
      %add3A_517 = arith.constant 4 : i32
      %add3A_518 = arith.addi %mul3A_516, %add3A_517 : i32
      %dma_wait3A_519 = arith.constant 4 : i32
      %dma_wait3A_520 = arith.constant 0 : i32
      %dma_wait3A_521 = arith.constant 0 : i32
      %dma_wait3A_522 = tpu.memref_slice %arg9[%dma_wait3A_519, %dma_wait3A_520, %dma_wait3A_521] : memref<8x128x32xf32, #tpu.memory_space<vmem>> -> memref<1x128x32xf32, #tpu.memory_space<vmem>>
      %dma_wait3A_523 = tpu.memref_squeeze %dma_wait3A_522 : memref<1x128x32xf32, #tpu.memory_space<vmem>> -> memref<128x32xf32, #tpu.memory_space<vmem>>
      %dma_wait3A_524 = arith.constant 0 : i32
      %dma_wait3A_525 = tpu.memref_slice %arg7[%add3A_518, %dma_wait3A_524] : memref<160x128xi32, #tpu.memory_space<vmem>> -> memref<1x128xi32, #tpu.memory_space<vmem>>
      %dma_wait3A_526 = tpu.memref_squeeze %dma_wait3A_525 : memref<1x128xi32, #tpu.memory_space<vmem>> -> memref<128xi32, #tpu.memory_space<vmem>>
      %dma_wait3A_527 = arith.constant 0 : i32
      %dma_wait3A_528 = arith.constant 0 : i32
      %dma_wait3A_529 = tpu.memref_slice %arg2[%dma_wait3A_527, %dma_wait3A_528] : memref<20000x32xf32, #tpu.memory_space<hbm>> -> memref<20000x32xf32, #tpu.memory_space<hbm>>
      tpu.wait_indirect_dma semaphore(%arg14 : memref<!tpu.dma_semaphore, #tpu.memory_space<semaphore_mem>>) src(%dma_wait3A_529 : memref<20000x32xf32, #tpu.memory_space<hbm>>) dst(%dma_wait3A_523 : memref<128x32xf32, #tpu.memory_space<vmem>>)
      %dma_start3A_530 = arith.constant 4 : i32
      %dma_start3A_531 = arith.constant 0 : i32
      %dma_start3A_532 = arith.constant 0 : i32
      %dma_start3A_533 = tpu.memref_slice %arg9[%dma_start3A_530, %dma_start3A_531, %dma_start3A_532] : memref<8x128x32xf32, #tpu.memory_space<vmem>> -> memref<1x128x32xf32, #tpu.memory_space<vmem>>
      %dma_start3A_534 = tpu.memref_squeeze %dma_start3A_533 : memref<1x128x32xf32, #tpu.memory_space<vmem>> -> memref<128x32xf32, #tpu.memory_space<vmem>>
      %dma_start3A_535 = arith.constant 0 : i32
      %dma_start3A_536 = tpu.memref_slice %arg8[%add3A_518, %dma_start3A_535] : memref<160x128xi32, #tpu.memory_space<vmem>> -> memref<1x128xi32, #tpu.memory_space<vmem>>
      %dma_start3A_537 = tpu.memref_squeeze %dma_start3A_536 : memref<1x128xi32, #tpu.memory_space<vmem>> -> memref<128xi32, #tpu.memory_space<vmem>>
      %dma_start3A_538 = arith.constant 0 : i32
      %dma_start3A_539 = arith.constant 0 : i32
      %dma_start3A_540 = tpu.memref_slice %arg6[%dma_start3A_538, %dma_start3A_539] : memref<10016x32xf32, #tpu.memory_space<vmem_shared>> -> memref<10016x32xf32, #tpu.memory_space<vmem_shared>>
      tpu.enqueue_indirect_dma source(%dma_start3A_534 : memref<128x32xf32, #tpu.memory_space<vmem>>) target(%dma_start3A_540 : memref<10016x32xf32, #tpu.memory_space<vmem_shared>>) offsets(%dma_start3A_537 : memref<128xi32, #tpu.memory_space<vmem>>) semaphore(%arg22 : memref<!tpu.dma_semaphore, #tpu.memory_space<semaphore_mem>>) {add = true}
      %mul3A_541 = arith.constant 8 : i32
      %mul3A_542 = arith.muli %add3A_410, %mul3A_541 : i32
      %add3A_543 = arith.constant 5 : i32
      %add3A_544 = arith.addi %mul3A_542, %add3A_543 : i32
      %dma_wait3A_545 = arith.constant 5 : i32
      %dma_wait3A_546 = arith.constant 0 : i32
      %dma_wait3A_547 = arith.constant 0 : i32
      %dma_wait3A_548 = tpu.memref_slice %arg9[%dma_wait3A_545, %dma_wait3A_546, %dma_wait3A_547] : memref<8x128x32xf32, #tpu.memory_space<vmem>> -> memref<1x128x32xf32, #tpu.memory_space<vmem>>
      %dma_wait3A_549 = tpu.memref_squeeze %dma_wait3A_548 : memref<1x128x32xf32, #tpu.memory_space<vmem>> -> memref<128x32xf32, #tpu.memory_space<vmem>>
      %dma_wait3A_550 = arith.constant 0 : i32
      %dma_wait3A_551 = tpu.memref_slice %arg7[%add3A_544, %dma_wait3A_550] : memref<160x128xi32, #tpu.memory_space<vmem>> -> memref<1x128xi32, #tpu.memory_space<vmem>>
      %dma_wait3A_552 = tpu.memref_squeeze %dma_wait3A_551 : memref<1x128xi32, #tpu.memory_space<vmem>> -> memref<128xi32, #tpu.memory_space<vmem>>
      %dma_wait3A_553 = arith.constant 0 : i32
      %dma_wait3A_554 = arith.constant 0 : i32
      %dma_wait3A_555 = tpu.memref_slice %arg2[%dma_wait3A_553, %dma_wait3A_554] : memref<20000x32xf32, #tpu.memory_space<hbm>> -> memref<20000x32xf32, #tpu.memory_space<hbm>>
      tpu.wait_indirect_dma semaphore(%arg15 : memref<!tpu.dma_semaphore, #tpu.memory_space<semaphore_mem>>) src(%dma_wait3A_555 : memref<20000x32xf32, #tpu.memory_space<hbm>>) dst(%dma_wait3A_549 : memref<128x32xf32, #tpu.memory_space<vmem>>)
      %dma_start3A_556 = arith.constant 5 : i32
      %dma_start3A_557 = arith.constant 0 : i32
      %dma_start3A_558 = arith.constant 0 : i32
      %dma_start3A_559 = tpu.memref_slice %arg9[%dma_start3A_556, %dma_start3A_557, %dma_start3A_558] : memref<8x128x32xf32, #tpu.memory_space<vmem>> -> memref<1x128x32xf32, #tpu.memory_space<vmem>>
      %dma_start3A_560 = tpu.memref_squeeze %dma_start3A_559 : memref<1x128x32xf32, #tpu.memory_space<vmem>> -> memref<128x32xf32, #tpu.memory_space<vmem>>
      %dma_start3A_561 = arith.constant 0 : i32
      %dma_start3A_562 = tpu.memref_slice %arg8[%add3A_544, %dma_start3A_561] : memref<160x128xi32, #tpu.memory_space<vmem>> -> memref<1x128xi32, #tpu.memory_space<vmem>>
      %dma_start3A_563 = tpu.memref_squeeze %dma_start3A_562 : memref<1x128xi32, #tpu.memory_space<vmem>> -> memref<128xi32, #tpu.memory_space<vmem>>
      %dma_start3A_564 = arith.constant 0 : i32
      %dma_start3A_565 = arith.constant 0 : i32
      %dma_start3A_566 = tpu.memref_slice %arg6[%dma_start3A_564, %dma_start3A_565] : memref<10016x32xf32, #tpu.memory_space<vmem_shared>> -> memref<10016x32xf32, #tpu.memory_space<vmem_shared>>
      tpu.enqueue_indirect_dma source(%dma_start3A_560 : memref<128x32xf32, #tpu.memory_space<vmem>>) target(%dma_start3A_566 : memref<10016x32xf32, #tpu.memory_space<vmem_shared>>) offsets(%dma_start3A_563 : memref<128xi32, #tpu.memory_space<vmem>>) semaphore(%arg23 : memref<!tpu.dma_semaphore, #tpu.memory_space<semaphore_mem>>) {add = true}
      %mul3A_567 = arith.constant 8 : i32
      %mul3A_568 = arith.muli %add3A_410, %mul3A_567 : i32
      %add3A_569 = arith.constant 6 : i32
      %add3A_570 = arith.addi %mul3A_568, %add3A_569 : i32
      %dma_wait3A_571 = arith.constant 6 : i32
      %dma_wait3A_572 = arith.constant 0 : i32
      %dma_wait3A_573 = arith.constant 0 : i32
      %dma_wait3A_574 = tpu.memref_slice %arg9[%dma_wait3A_571, %dma_wait3A_572, %dma_wait3A_573] : memref<8x128x32xf32, #tpu.memory_space<vmem>> -> memref<1x128x32xf32, #tpu.memory_space<vmem>>
      %dma_wait3A_575 = tpu.memref_squeeze %dma_wait3A_574 : memref<1x128x32xf32, #tpu.memory_space<vmem>> -> memref<128x32xf32, #tpu.memory_space<vmem>>
      %dma_wait3A_576 = arith.constant 0 : i32
      %dma_wait3A_577 = tpu.memref_slice %arg7[%add3A_570, %dma_wait3A_576] : memref<160x128xi32, #tpu.memory_space<vmem>> -> memref<1x128xi32, #tpu.memory_space<vmem>>
      %dma_wait3A_578 = tpu.memref_squeeze %dma_wait3A_577 : memref<1x128xi32, #tpu.memory_space<vmem>> -> memref<128xi32, #tpu.memory_space<vmem>>
      %dma_wait3A_579 = arith.constant 0 : i32
      %dma_wait3A_580 = arith.constant 0 : i32
      %dma_wait3A_581 = tpu.memref_slice %arg2[%dma_wait3A_579, %dma_wait3A_580] : memref<20000x32xf32, #tpu.memory_space<hbm>> -> memref<20000x32xf32, #tpu.memory_space<hbm>>
      tpu.wait_indirect_dma semaphore(%arg16 : memref<!tpu.dma_semaphore, #tpu.memory_space<semaphore_mem>>) src(%dma_wait3A_581 : memref<20000x32xf32, #tpu.memory_space<hbm>>) dst(%dma_wait3A_575 : memref<128x32xf32, #tpu.memory_space<vmem>>)
      %dma_start3A_582 = arith.constant 6 : i32
      %dma_start3A_583 = arith.constant 0 : i32
      %dma_start3A_584 = arith.constant 0 : i32
      %dma_start3A_585 = tpu.memref_slice %arg9[%dma_start3A_582, %dma_start3A_583, %dma_start3A_584] : memref<8x128x32xf32, #tpu.memory_space<vmem>> -> memref<1x128x32xf32, #tpu.memory_space<vmem>>
      %dma_start3A_586 = tpu.memref_squeeze %dma_start3A_585 : memref<1x128x32xf32, #tpu.memory_space<vmem>> -> memref<128x32xf32, #tpu.memory_space<vmem>>
      %dma_start3A_587 = arith.constant 0 : i32
      %dma_start3A_588 = tpu.memref_slice %arg8[%add3A_570, %dma_start3A_587] : memref<160x128xi32, #tpu.memory_space<vmem>> -> memref<1x128xi32, #tpu.memory_space<vmem>>
      %dma_start3A_589 = tpu.memref_squeeze %dma_start3A_588 : memref<1x128xi32, #tpu.memory_space<vmem>> -> memref<128xi32, #tpu.memory_space<vmem>>
      %dma_start3A_590 = arith.constant 0 : i32
      %dma_start3A_591 = arith.constant 0 : i32
      %dma_start3A_592 = tpu.memref_slice %arg6[%dma_start3A_590, %dma_start3A_591] : memref<10016x32xf32, #tpu.memory_space<vmem_shared>> -> memref<10016x32xf32, #tpu.memory_space<vmem_shared>>
      tpu.enqueue_indirect_dma source(%dma_start3A_586 : memref<128x32xf32, #tpu.memory_space<vmem>>) target(%dma_start3A_592 : memref<10016x32xf32, #tpu.memory_space<vmem_shared>>) offsets(%dma_start3A_589 : memref<128xi32, #tpu.memory_space<vmem>>) semaphore(%arg24 : memref<!tpu.dma_semaphore, #tpu.memory_space<semaphore_mem>>) {add = true}
      %mul3A_593 = arith.constant 8 : i32
      %mul3A_594 = arith.muli %add3A_410, %mul3A_593 : i32
      %add3A_595 = arith.constant 7 : i32
      %add3A_596 = arith.addi %mul3A_594, %add3A_595 : i32
      %dma_wait3A_597 = arith.constant 7 : i32
      %dma_wait3A_598 = arith.constant 0 : i32
      %dma_wait3A_599 = arith.constant 0 : i32
      %dma_wait3A_600 = tpu.memref_slice %arg9[%dma_wait3A_597, %dma_wait3A_598, %dma_wait3A_599] : memref<8x128x32xf32, #tpu.memory_space<vmem>> -> memref<1x128x32xf32, #tpu.memory_space<vmem>>
      %dma_wait3A_601 = tpu.memref_squeeze %dma_wait3A_600 : memref<1x128x32xf32, #tpu.memory_space<vmem>> -> memref<128x32xf32, #tpu.memory_space<vmem>>
      %dma_wait3A_602 = arith.constant 0 : i32
      %dma_wait3A_603 = tpu.memref_slice %arg7[%add3A_596, %dma_wait3A_602] : memref<160x128xi32, #tpu.memory_space<vmem>> -> memref<1x128xi32, #tpu.memory_space<vmem>>
      %dma_wait3A_604 = tpu.memref_squeeze %dma_wait3A_603 : memref<1x128xi32, #tpu.memory_space<vmem>> -> memref<128xi32, #tpu.memory_space<vmem>>
      %dma_wait3A_605 = arith.constant 0 : i32
      %dma_wait3A_606 = arith.constant 0 : i32
      %dma_wait3A_607 = tpu.memref_slice %arg2[%dma_wait3A_605, %dma_wait3A_606] : memref<20000x32xf32, #tpu.memory_space<hbm>> -> memref<20000x32xf32, #tpu.memory_space<hbm>>
      tpu.wait_indirect_dma semaphore(%arg17 : memref<!tpu.dma_semaphore, #tpu.memory_space<semaphore_mem>>) src(%dma_wait3A_607 : memref<20000x32xf32, #tpu.memory_space<hbm>>) dst(%dma_wait3A_601 : memref<128x32xf32, #tpu.memory_space<vmem>>)
      %dma_start3A_608 = arith.constant 7 : i32
      %dma_start3A_609 = arith.constant 0 : i32
      %dma_start3A_610 = arith.constant 0 : i32
      %dma_start3A_611 = tpu.memref_slice %arg9[%dma_start3A_608, %dma_start3A_609, %dma_start3A_610] : memref<8x128x32xf32, #tpu.memory_space<vmem>> -> memref<1x128x32xf32, #tpu.memory_space<vmem>>
      %dma_start3A_612 = tpu.memref_squeeze %dma_start3A_611 : memref<1x128x32xf32, #tpu.memory_space<vmem>> -> memref<128x32xf32, #tpu.memory_space<vmem>>
      %dma_start3A_613 = arith.constant 0 : i32
      %dma_start3A_614 = tpu.memref_slice %arg8[%add3A_596, %dma_start3A_613] : memref<160x128xi32, #tpu.memory_space<vmem>> -> memref<1x128xi32, #tpu.memory_space<vmem>>
      %dma_start3A_615 = tpu.memref_squeeze %dma_start3A_614 : memref<1x128xi32, #tpu.memory_space<vmem>> -> memref<128xi32, #tpu.memory_space<vmem>>
      %dma_start3A_616 = arith.constant 0 : i32
      %dma_start3A_617 = arith.constant 0 : i32
      %dma_start3A_618 = tpu.memref_slice %arg6[%dma_start3A_616, %dma_start3A_617] : memref<10016x32xf32, #tpu.memory_space<vmem_shared>> -> memref<10016x32xf32, #tpu.memory_space<vmem_shared>>
      tpu.enqueue_indirect_dma source(%dma_start3A_612 : memref<128x32xf32, #tpu.memory_space<vmem>>) target(%dma_start3A_618 : memref<10016x32xf32, #tpu.memory_space<vmem_shared>>) offsets(%dma_start3A_615 : memref<128xi32, #tpu.memory_space<vmem>>) semaphore(%arg25 : memref<!tpu.dma_semaphore, #tpu.memory_space<semaphore_mem>>) {add = true}
      %mul3A_619 = arith.constant 8 : i32
      %mul3A_620 = arith.muli %add3A_410, %mul3A_619 : i32
      %add3A_621 = arith.constant 0 : i32
      %add3A_622 = arith.addi %mul3A_620, %add3A_621 : i32
      %dma_wait3A_623 = arith.constant 0 : i32
      %dma_wait3A_624 = arith.constant 0 : i32
      %dma_wait3A_625 = arith.constant 0 : i32
      %dma_wait3A_626 = tpu.memref_slice %arg9[%dma_wait3A_623, %dma_wait3A_624, %dma_wait3A_625] : memref<8x128x32xf32, #tpu.memory_space<vmem>> -> memref<1x128x32xf32, #tpu.memory_space<vmem>>
      %dma_wait3A_627 = tpu.memref_squeeze %dma_wait3A_626 : memref<1x128x32xf32, #tpu.memory_space<vmem>> -> memref<128x32xf32, #tpu.memory_space<vmem>>
      %dma_wait3A_628 = arith.constant 0 : i32
      %dma_wait3A_629 = tpu.memref_slice %arg8[%add3A_622, %dma_wait3A_628] : memref<160x128xi32, #tpu.memory_space<vmem>> -> memref<1x128xi32, #tpu.memory_space<vmem>>
      %dma_wait3A_630 = tpu.memref_squeeze %dma_wait3A_629 : memref<1x128xi32, #tpu.memory_space<vmem>> -> memref<128xi32, #tpu.memory_space<vmem>>
      %dma_wait3A_631 = arith.constant 0 : i32
      %dma_wait3A_632 = arith.constant 0 : i32
      %dma_wait3A_633 = tpu.memref_slice %arg6[%dma_wait3A_631, %dma_wait3A_632] : memref<10016x32xf32, #tpu.memory_space<vmem_shared>> -> memref<10016x32xf32, #tpu.memory_space<vmem_shared>>
      tpu.wait_indirect_dma semaphore(%arg18 : memref<!tpu.dma_semaphore, #tpu.memory_space<semaphore_mem>>) src(%dma_wait3A_627 : memref<128x32xf32, #tpu.memory_space<vmem>>) dst(%dma_wait3A_633 : memref<10016x32xf32, #tpu.memory_space<vmem_shared>>)
      %add3A_634 = arith.constant 8 : i32
      %add3A_635 = arith.addi %add3A_622, %add3A_634 : i32
      %dma_start3A_636 = arith.constant 0 : i32
      %dma_start3A_637 = arith.constant 0 : i32
      %dma_start3A_638 = arith.constant 0 : i32
      %dma_start3A_639 = tpu.memref_slice %arg9[%dma_start3A_636, %dma_start3A_637, %dma_start3A_638] : memref<8x128x32xf32, #tpu.memory_space<vmem>> -> memref<1x128x32xf32, #tpu.memory_space<vmem>>
      %dma_start3A_640 = tpu.memref_squeeze %dma_start3A_639 : memref<1x128x32xf32, #tpu.memory_space<vmem>> -> memref<128x32xf32, #tpu.memory_space<vmem>>
      %dma_start3A_641 = arith.constant 0 : i32
      %dma_start3A_642 = tpu.memref_slice %arg7[%add3A_635, %dma_start3A_641] : memref<160x128xi32, #tpu.memory_space<vmem>> -> memref<1x128xi32, #tpu.memory_space<vmem>>
      %dma_start3A_643 = tpu.memref_squeeze %dma_start3A_642 : memref<1x128xi32, #tpu.memory_space<vmem>> -> memref<128xi32, #tpu.memory_space<vmem>>
      %dma_start3A_644 = arith.constant 0 : i32
      %dma_start3A_645 = arith.constant 0 : i32
      %dma_start3A_646 = tpu.memref_slice %arg2[%dma_start3A_644, %dma_start3A_645] : memref<20000x32xf32, #tpu.memory_space<hbm>> -> memref<20000x32xf32, #tpu.memory_space<hbm>>
      tpu.enqueue_indirect_dma source(%dma_start3A_646 : memref<20000x32xf32, #tpu.memory_space<hbm>>) target(%dma_start3A_640 : memref<128x32xf32, #tpu.memory_space<vmem>>) offsets(%dma_start3A_643 : memref<128xi32, #tpu.memory_space<vmem>>) semaphore(%arg10 : memref<!tpu.dma_semaphore, #tpu.memory_space<semaphore_mem>>)
      %mul3A_647 = arith.constant 8 : i32
      %mul3A_648 = arith.muli %add3A_410, %mul3A_647 : i32
      %add3A_649 = arith.constant 1 : i32
      %add3A_650 = arith.addi %mul3A_648, %add3A_649 : i32
      %dma_wait3A_651 = arith.constant 1 : i32
      %dma_wait3A_652 = arith.constant 0 : i32
      %dma_wait3A_653 = arith.constant 0 : i32
      %dma_wait3A_654 = tpu.memref_slice %arg9[%dma_wait3A_651, %dma_wait3A_652, %dma_wait3A_653] : memref<8x128x32xf32, #tpu.memory_space<vmem>> -> memref<1x128x32xf32, #tpu.memory_space<vmem>>
      %dma_wait3A_655 = tpu.memref_squeeze %dma_wait3A_654 : memref<1x128x32xf32, #tpu.memory_space<vmem>> -> memref<128x32xf32, #tpu.memory_space<vmem>>
      %dma_wait3A_656 = arith.constant 0 : i32
      %dma_wait3A_657 = tpu.memref_slice %arg8[%add3A_650, %dma_wait3A_656] : memref<160x128xi32, #tpu.memory_space<vmem>> -> memref<1x128xi32, #tpu.memory_space<vmem>>
      %dma_wait3A_658 = tpu.memref_squeeze %dma_wait3A_657 : memref<1x128xi32, #tpu.memory_space<vmem>> -> memref<128xi32, #tpu.memory_space<vmem>>
      %dma_wait3A_659 = arith.constant 0 : i32
      %dma_wait3A_660 = arith.constant 0 : i32
      %dma_wait3A_661 = tpu.memref_slice %arg6[%dma_wait3A_659, %dma_wait3A_660] : memref<10016x32xf32, #tpu.memory_space<vmem_shared>> -> memref<10016x32xf32, #tpu.memory_space<vmem_shared>>
      tpu.wait_indirect_dma semaphore(%arg19 : memref<!tpu.dma_semaphore, #tpu.memory_space<semaphore_mem>>) src(%dma_wait3A_655 : memref<128x32xf32, #tpu.memory_space<vmem>>) dst(%dma_wait3A_661 : memref<10016x32xf32, #tpu.memory_space<vmem_shared>>)
      %add3A_662 = arith.constant 8 : i32
      %add3A_663 = arith.addi %add3A_650, %add3A_662 : i32
      %dma_start3A_664 = arith.constant 1 : i32
      %dma_start3A_665 = arith.constant 0 : i32
      %dma_start3A_666 = arith.constant 0 : i32
      %dma_start3A_667 = tpu.memref_slice %arg9[%dma_start3A_664, %dma_start3A_665, %dma_start3A_666] : memref<8x128x32xf32, #tpu.memory_space<vmem>> -> memref<1x128x32xf32, #tpu.memory_space<vmem>>
      %dma_start3A_668 = tpu.memref_squeeze %dma_start3A_667 : memref<1x128x32xf32, #tpu.memory_space<vmem>> -> memref<128x32xf32, #tpu.memory_space<vmem>>
      %dma_start3A_669 = arith.constant 0 : i32
      %dma_start3A_670 = tpu.memref_slice %arg7[%add3A_663, %dma_start3A_669] : memref<160x128xi32, #tpu.memory_space<vmem>> -> memref<1x128xi32, #tpu.memory_space<vmem>>
      %dma_start3A_671 = tpu.memref_squeeze %dma_start3A_670 : memref<1x128xi32, #tpu.memory_space<vmem>> -> memref<128xi32, #tpu.memory_space<vmem>>
      %dma_start3A_672 = arith.constant 0 : i32
      %dma_start3A_673 = arith.constant 0 : i32
      %dma_start3A_674 = tpu.memref_slice %arg2[%dma_start3A_672, %dma_start3A_673] : memref<20000x32xf32, #tpu.memory_space<hbm>> -> memref<20000x32xf32, #tpu.memory_space<hbm>>
      tpu.enqueue_indirect_dma source(%dma_start3A_674 : memref<20000x32xf32, #tpu.memory_space<hbm>>) target(%dma_start3A_668 : memref<128x32xf32, #tpu.memory_space<vmem>>) offsets(%dma_start3A_671 : memref<128xi32, #tpu.memory_space<vmem>>) semaphore(%arg11 : memref<!tpu.dma_semaphore, #tpu.memory_space<semaphore_mem>>)
      %mul3A_675 = arith.constant 8 : i32
      %mul3A_676 = arith.muli %add3A_410, %mul3A_675 : i32
      %add3A_677 = arith.constant 2 : i32
      %add3A_678 = arith.addi %mul3A_676, %add3A_677 : i32
      %dma_wait3A_679 = arith.constant 2 : i32
      %dma_wait3A_680 = arith.constant 0 : i32
      %dma_wait3A_681 = arith.constant 0 : i32
      %dma_wait3A_682 = tpu.memref_slice %arg9[%dma_wait3A_679, %dma_wait3A_680, %dma_wait3A_681] : memref<8x128x32xf32, #tpu.memory_space<vmem>> -> memref<1x128x32xf32, #tpu.memory_space<vmem>>
      %dma_wait3A_683 = tpu.memref_squeeze %dma_wait3A_682 : memref<1x128x32xf32, #tpu.memory_space<vmem>> -> memref<128x32xf32, #tpu.memory_space<vmem>>
      %dma_wait3A_684 = arith.constant 0 : i32
      %dma_wait3A_685 = tpu.memref_slice %arg8[%add3A_678, %dma_wait3A_684] : memref<160x128xi32, #tpu.memory_space<vmem>> -> memref<1x128xi32, #tpu.memory_space<vmem>>
      %dma_wait3A_686 = tpu.memref_squeeze %dma_wait3A_685 : memref<1x128xi32, #tpu.memory_space<vmem>> -> memref<128xi32, #tpu.memory_space<vmem>>
      %dma_wait3A_687 = arith.constant 0 : i32
      %dma_wait3A_688 = arith.constant 0 : i32
      %dma_wait3A_689 = tpu.memref_slice %arg6[%dma_wait3A_687, %dma_wait3A_688] : memref<10016x32xf32, #tpu.memory_space<vmem_shared>> -> memref<10016x32xf32, #tpu.memory_space<vmem_shared>>
      tpu.wait_indirect_dma semaphore(%arg20 : memref<!tpu.dma_semaphore, #tpu.memory_space<semaphore_mem>>) src(%dma_wait3A_683 : memref<128x32xf32, #tpu.memory_space<vmem>>) dst(%dma_wait3A_689 : memref<10016x32xf32, #tpu.memory_space<vmem_shared>>)
      %add3A_690 = arith.constant 8 : i32
      %add3A_691 = arith.addi %add3A_678, %add3A_690 : i32
      %dma_start3A_692 = arith.constant 2 : i32
      %dma_start3A_693 = arith.constant 0 : i32
      %dma_start3A_694 = arith.constant 0 : i32
      %dma_start3A_695 = tpu.memref_slice %arg9[%dma_start3A_692, %dma_start3A_693, %dma_start3A_694] : memref<8x128x32xf32, #tpu.memory_space<vmem>> -> memref<1x128x32xf32, #tpu.memory_space<vmem>>
      %dma_start3A_696 = tpu.memref_squeeze %dma_start3A_695 : memref<1x128x32xf32, #tpu.memory_space<vmem>> -> memref<128x32xf32, #tpu.memory_space<vmem>>
      %dma_start3A_697 = arith.constant 0 : i32
      %dma_start3A_698 = tpu.memref_slice %arg7[%add3A_691, %dma_start3A_697] : memref<160x128xi32, #tpu.memory_space<vmem>> -> memref<1x128xi32, #tpu.memory_space<vmem>>
      %dma_start3A_699 = tpu.memref_squeeze %dma_start3A_698 : memref<1x128xi32, #tpu.memory_space<vmem>> -> memref<128xi32, #tpu.memory_space<vmem>>
      %dma_start3A_700 = arith.constant 0 : i32
      %dma_start3A_701 = arith.constant 0 : i32
      %dma_start3A_702 = tpu.memref_slice %arg2[%dma_start3A_700, %dma_start3A_701] : memref<20000x32xf32, #tpu.memory_space<hbm>> -> memref<20000x32xf32, #tpu.memory_space<hbm>>
      tpu.enqueue_indirect_dma source(%dma_start3A_702 : memref<20000x32xf32, #tpu.memory_space<hbm>>) target(%dma_start3A_696 : memref<128x32xf32, #tpu.memory_space<vmem>>) offsets(%dma_start3A_699 : memref<128xi32, #tpu.memory_space<vmem>>) semaphore(%arg12 : memref<!tpu.dma_semaphore, #tpu.memory_space<semaphore_mem>>)
      %mul3A_703 = arith.constant 8 : i32
      %mul3A_704 = arith.muli %add3A_410, %mul3A_703 : i32
      %add3A_705 = arith.constant 3 : i32
      %add3A_706 = arith.addi %mul3A_704, %add3A_705 : i32
      %dma_wait3A_707 = arith.constant 3 : i32
      %dma_wait3A_708 = arith.constant 0 : i32
      %dma_wait3A_709 = arith.constant 0 : i32
      %dma_wait3A_710 = tpu.memref_slice %arg9[%dma_wait3A_707, %dma_wait3A_708, %dma_wait3A_709] : memref<8x128x32xf32, #tpu.memory_space<vmem>> -> memref<1x128x32xf32, #tpu.memory_space<vmem>>
      %dma_wait3A_711 = tpu.memref_squeeze %dma_wait3A_710 : memref<1x128x32xf32, #tpu.memory_space<vmem>> -> memref<128x32xf32, #tpu.memory_space<vmem>>
      %dma_wait3A_712 = arith.constant 0 : i32
      %dma_wait3A_713 = tpu.memref_slice %arg8[%add3A_706, %dma_wait3A_712] : memref<160x128xi32, #tpu.memory_space<vmem>> -> memref<1x128xi32, #tpu.memory_space<vmem>>
      %dma_wait3A_714 = tpu.memref_squeeze %dma_wait3A_713 : memref<1x128xi32, #tpu.memory_space<vmem>> -> memref<128xi32, #tpu.memory_space<vmem>>
      %dma_wait3A_715 = arith.constant 0 : i32
      %dma_wait3A_716 = arith.constant 0 : i32
      %dma_wait3A_717 = tpu.memref_slice %arg6[%dma_wait3A_715, %dma_wait3A_716] : memref<10016x32xf32, #tpu.memory_space<vmem_shared>> -> memref<10016x32xf32, #tpu.memory_space<vmem_shared>>
      tpu.wait_indirect_dma semaphore(%arg21 : memref<!tpu.dma_semaphore, #tpu.memory_space<semaphore_mem>>) src(%dma_wait3A_711 : memref<128x32xf32, #tpu.memory_space<vmem>>) dst(%dma_wait3A_717 : memref<10016x32xf32, #tpu.memory_space<vmem_shared>>)
      %add3A_718 = arith.constant 8 : i32
      %add3A_719 = arith.addi %add3A_706, %add3A_718 : i32
      %dma_start3A_720 = arith.constant 3 : i32
      %dma_start3A_721 = arith.constant 0 : i32
      %dma_start3A_722 = arith.constant 0 : i32
      %dma_start3A_723 = tpu.memref_slice %arg9[%dma_start3A_720, %dma_start3A_721, %dma_start3A_722] : memref<8x128x32xf32, #tpu.memory_space<vmem>> -> memref<1x128x32xf32, #tpu.memory_space<vmem>>
      %dma_start3A_724 = tpu.memref_squeeze %dma_start3A_723 : memref<1x128x32xf32, #tpu.memory_space<vmem>> -> memref<128x32xf32, #tpu.memory_space<vmem>>
      %dma_start3A_725 = arith.constant 0 : i32
      %dma_start3A_726 = tpu.memref_slice %arg7[%add3A_719, %dma_start3A_725] : memref<160x128xi32, #tpu.memory_space<vmem>> -> memref<1x128xi32, #tpu.memory_space<vmem>>
      %dma_start3A_727 = tpu.memref_squeeze %dma_start3A_726 : memref<1x128xi32, #tpu.memory_space<vmem>> -> memref<128xi32, #tpu.memory_space<vmem>>
      %dma_start3A_728 = arith.constant 0 : i32
      %dma_start3A_729 = arith.constant 0 : i32
      %dma_start3A_730 = tpu.memref_slice %arg2[%dma_start3A_728, %dma_start3A_729] : memref<20000x32xf32, #tpu.memory_space<hbm>> -> memref<20000x32xf32, #tpu.memory_space<hbm>>
      tpu.enqueue_indirect_dma source(%dma_start3A_730 : memref<20000x32xf32, #tpu.memory_space<hbm>>) target(%dma_start3A_724 : memref<128x32xf32, #tpu.memory_space<vmem>>) offsets(%dma_start3A_727 : memref<128xi32, #tpu.memory_space<vmem>>) semaphore(%arg13 : memref<!tpu.dma_semaphore, #tpu.memory_space<semaphore_mem>>)
      %mul3A_731 = arith.constant 8 : i32
      %mul3A_732 = arith.muli %add3A_410, %mul3A_731 : i32
      %add3A_733 = arith.constant 4 : i32
      %add3A_734 = arith.addi %mul3A_732, %add3A_733 : i32
      %dma_wait3A_735 = arith.constant 4 : i32
      %dma_wait3A_736 = arith.constant 0 : i32
      %dma_wait3A_737 = arith.constant 0 : i32
      %dma_wait3A_738 = tpu.memref_slice %arg9[%dma_wait3A_735, %dma_wait3A_736, %dma_wait3A_737] : memref<8x128x32xf32, #tpu.memory_space<vmem>> -> memref<1x128x32xf32, #tpu.memory_space<vmem>>
      %dma_wait3A_739 = tpu.memref_squeeze %dma_wait3A_738 : memref<1x128x32xf32, #tpu.memory_space<vmem>> -> memref<128x32xf32, #tpu.memory_space<vmem>>
      %dma_wait3A_740 = arith.constant 0 : i32
      %dma_wait3A_741 = tpu.memref_slice %arg8[%add3A_734, %dma_wait3A_740] : memref<160x128xi32, #tpu.memory_space<vmem>> -> memref<1x128xi32, #tpu.memory_space<vmem>>
      %dma_wait3A_742 = tpu.memref_squeeze %dma_wait3A_741 : memref<1x128xi32, #tpu.memory_space<vmem>> -> memref<128xi32, #tpu.memory_space<vmem>>
      %dma_wait3A_743 = arith.constant 0 : i32
      %dma_wait3A_744 = arith.constant 0 : i32
      %dma_wait3A_745 = tpu.memref_slice %arg6[%dma_wait3A_743, %dma_wait3A_744] : memref<10016x32xf32, #tpu.memory_space<vmem_shared>> -> memref<10016x32xf32, #tpu.memory_space<vmem_shared>>
      tpu.wait_indirect_dma semaphore(%arg22 : memref<!tpu.dma_semaphore, #tpu.memory_space<semaphore_mem>>) src(%dma_wait3A_739 : memref<128x32xf32, #tpu.memory_space<vmem>>) dst(%dma_wait3A_745 : memref<10016x32xf32, #tpu.memory_space<vmem_shared>>)
      %add3A_746 = arith.constant 8 : i32
      %add3A_747 = arith.addi %add3A_734, %add3A_746 : i32
      %dma_start3A_748 = arith.constant 4 : i32
      %dma_start3A_749 = arith.constant 0 : i32
      %dma_start3A_750 = arith.constant 0 : i32
      %dma_start3A_751 = tpu.memref_slice %arg9[%dma_start3A_748, %dma_start3A_749, %dma_start3A_750] : memref<8x128x32xf32, #tpu.memory_space<vmem>> -> memref<1x128x32xf32, #tpu.memory_space<vmem>>
      %dma_start3A_752 = tpu.memref_squeeze %dma_start3A_751 : memref<1x128x32xf32, #tpu.memory_space<vmem>> -> memref<128x32xf32, #tpu.memory_space<vmem>>
      %dma_start3A_753 = arith.constant 0 : i32
      %dma_start3A_754 = tpu.memref_slice %arg7[%add3A_747, %dma_start3A_753] : memref<160x128xi32, #tpu.memory_space<vmem>> -> memref<1x128xi32, #tpu.memory_space<vmem>>
      %dma_start3A_755 = tpu.memref_squeeze %dma_start3A_754 : memref<1x128xi32, #tpu.memory_space<vmem>> -> memref<128xi32, #tpu.memory_space<vmem>>
      %dma_start3A_756 = arith.constant 0 : i32
      %dma_start3A_757 = arith.constant 0 : i32
      %dma_start3A_758 = tpu.memref_slice %arg2[%dma_start3A_756, %dma_start3A_757] : memref<20000x32xf32, #tpu.memory_space<hbm>> -> memref<20000x32xf32, #tpu.memory_space<hbm>>
      tpu.enqueue_indirect_dma source(%dma_start3A_758 : memref<20000x32xf32, #tpu.memory_space<hbm>>) target(%dma_start3A_752 : memref<128x32xf32, #tpu.memory_space<vmem>>) offsets(%dma_start3A_755 : memref<128xi32, #tpu.memory_space<vmem>>) semaphore(%arg14 : memref<!tpu.dma_semaphore, #tpu.memory_space<semaphore_mem>>)
      %mul3A_759 = arith.constant 8 : i32
      %mul3A_760 = arith.muli %add3A_410, %mul3A_759 : i32
      %add3A_761 = arith.constant 5 : i32
      %add3A_762 = arith.addi %mul3A_760, %add3A_761 : i32
      %dma_wait3A_763 = arith.constant 5 : i32
      %dma_wait3A_764 = arith.constant 0 : i32
      %dma_wait3A_765 = arith.constant 0 : i32
      %dma_wait3A_766 = tpu.memref_slice %arg9[%dma_wait3A_763, %dma_wait3A_764, %dma_wait3A_765] : memref<8x128x32xf32, #tpu.memory_space<vmem>> -> memref<1x128x32xf32, #tpu.memory_space<vmem>>
      %dma_wait3A_767 = tpu.memref_squeeze %dma_wait3A_766 : memref<1x128x32xf32, #tpu.memory_space<vmem>> -> memref<128x32xf32, #tpu.memory_space<vmem>>
      %dma_wait3A_768 = arith.constant 0 : i32
      %dma_wait3A_769 = tpu.memref_slice %arg8[%add3A_762, %dma_wait3A_768] : memref<160x128xi32, #tpu.memory_space<vmem>> -> memref<1x128xi32, #tpu.memory_space<vmem>>
      %dma_wait3A_770 = tpu.memref_squeeze %dma_wait3A_769 : memref<1x128xi32, #tpu.memory_space<vmem>> -> memref<128xi32, #tpu.memory_space<vmem>>
      %dma_wait3A_771 = arith.constant 0 : i32
      %dma_wait3A_772 = arith.constant 0 : i32
      %dma_wait3A_773 = tpu.memref_slice %arg6[%dma_wait3A_771, %dma_wait3A_772] : memref<10016x32xf32, #tpu.memory_space<vmem_shared>> -> memref<10016x32xf32, #tpu.memory_space<vmem_shared>>
      tpu.wait_indirect_dma semaphore(%arg23 : memref<!tpu.dma_semaphore, #tpu.memory_space<semaphore_mem>>) src(%dma_wait3A_767 : memref<128x32xf32, #tpu.memory_space<vmem>>) dst(%dma_wait3A_773 : memref<10016x32xf32, #tpu.memory_space<vmem_shared>>)
      %add3A_774 = arith.constant 8 : i32
      %add3A_775 = arith.addi %add3A_762, %add3A_774 : i32
      %dma_start3A_776 = arith.constant 5 : i32
      %dma_start3A_777 = arith.constant 0 : i32
      %dma_start3A_778 = arith.constant 0 : i32
      %dma_start3A_779 = tpu.memref_slice %arg9[%dma_start3A_776, %dma_start3A_777, %dma_start3A_778] : memref<8x128x32xf32, #tpu.memory_space<vmem>> -> memref<1x128x32xf32, #tpu.memory_space<vmem>>
      %dma_start3A_780 = tpu.memref_squeeze %dma_start3A_779 : memref<1x128x32xf32, #tpu.memory_space<vmem>> -> memref<128x32xf32, #tpu.memory_space<vmem>>
      %dma_start3A_781 = arith.constant 0 : i32
      %dma_start3A_782 = tpu.memref_slice %arg7[%add3A_775, %dma_start3A_781] : memref<160x128xi32, #tpu.memory_space<vmem>> -> memref<1x128xi32, #tpu.memory_space<vmem>>
      %dma_start3A_783 = tpu.memref_squeeze %dma_start3A_782 : memref<1x128xi32, #tpu.memory_space<vmem>> -> memref<128xi32, #tpu.memory_space<vmem>>
      %dma_start3A_784 = arith.constant 0 : i32
      %dma_start3A_785 = arith.constant 0 : i32
      %dma_start3A_786 = tpu.memref_slice %arg2[%dma_start3A_784, %dma_start3A_785] : memref<20000x32xf32, #tpu.memory_space<hbm>> -> memref<20000x32xf32, #tpu.memory_space<hbm>>
      tpu.enqueue_indirect_dma source(%dma_start3A_786 : memref<20000x32xf32, #tpu.memory_space<hbm>>) target(%dma_start3A_780 : memref<128x32xf32, #tpu.memory_space<vmem>>) offsets(%dma_start3A_783 : memref<128xi32, #tpu.memory_space<vmem>>) semaphore(%arg15 : memref<!tpu.dma_semaphore, #tpu.memory_space<semaphore_mem>>)
      %mul3A_787 = arith.constant 8 : i32
      %mul3A_788 = arith.muli %add3A_410, %mul3A_787 : i32
      %add3A_789 = arith.constant 6 : i32
      %add3A_790 = arith.addi %mul3A_788, %add3A_789 : i32
      %dma_wait3A_791 = arith.constant 6 : i32
      %dma_wait3A_792 = arith.constant 0 : i32
      %dma_wait3A_793 = arith.constant 0 : i32
      %dma_wait3A_794 = tpu.memref_slice %arg9[%dma_wait3A_791, %dma_wait3A_792, %dma_wait3A_793] : memref<8x128x32xf32, #tpu.memory_space<vmem>> -> memref<1x128x32xf32, #tpu.memory_space<vmem>>
      %dma_wait3A_795 = tpu.memref_squeeze %dma_wait3A_794 : memref<1x128x32xf32, #tpu.memory_space<vmem>> -> memref<128x32xf32, #tpu.memory_space<vmem>>
      %dma_wait3A_796 = arith.constant 0 : i32
      %dma_wait3A_797 = tpu.memref_slice %arg8[%add3A_790, %dma_wait3A_796] : memref<160x128xi32, #tpu.memory_space<vmem>> -> memref<1x128xi32, #tpu.memory_space<vmem>>
      %dma_wait3A_798 = tpu.memref_squeeze %dma_wait3A_797 : memref<1x128xi32, #tpu.memory_space<vmem>> -> memref<128xi32, #tpu.memory_space<vmem>>
      %dma_wait3A_799 = arith.constant 0 : i32
      %dma_wait3A_800 = arith.constant 0 : i32
      %dma_wait3A_801 = tpu.memref_slice %arg6[%dma_wait3A_799, %dma_wait3A_800] : memref<10016x32xf32, #tpu.memory_space<vmem_shared>> -> memref<10016x32xf32, #tpu.memory_space<vmem_shared>>
      tpu.wait_indirect_dma semaphore(%arg24 : memref<!tpu.dma_semaphore, #tpu.memory_space<semaphore_mem>>) src(%dma_wait3A_795 : memref<128x32xf32, #tpu.memory_space<vmem>>) dst(%dma_wait3A_801 : memref<10016x32xf32, #tpu.memory_space<vmem_shared>>)
      %add3A_802 = arith.constant 8 : i32
      %add3A_803 = arith.addi %add3A_790, %add3A_802 : i32
      %dma_start3A_804 = arith.constant 6 : i32
      %dma_start3A_805 = arith.constant 0 : i32
      %dma_start3A_806 = arith.constant 0 : i32
      %dma_start3A_807 = tpu.memref_slice %arg9[%dma_start3A_804, %dma_start3A_805, %dma_start3A_806] : memref<8x128x32xf32, #tpu.memory_space<vmem>> -> memref<1x128x32xf32, #tpu.memory_space<vmem>>
      %dma_start3A_808 = tpu.memref_squeeze %dma_start3A_807 : memref<1x128x32xf32, #tpu.memory_space<vmem>> -> memref<128x32xf32, #tpu.memory_space<vmem>>
      %dma_start3A_809 = arith.constant 0 : i32
      %dma_start3A_810 = tpu.memref_slice %arg7[%add3A_803, %dma_start3A_809] : memref<160x128xi32, #tpu.memory_space<vmem>> -> memref<1x128xi32, #tpu.memory_space<vmem>>
      %dma_start3A_811 = tpu.memref_squeeze %dma_start3A_810 : memref<1x128xi32, #tpu.memory_space<vmem>> -> memref<128xi32, #tpu.memory_space<vmem>>
      %dma_start3A_812 = arith.constant 0 : i32
      %dma_start3A_813 = arith.constant 0 : i32
      %dma_start3A_814 = tpu.memref_slice %arg2[%dma_start3A_812, %dma_start3A_813] : memref<20000x32xf32, #tpu.memory_space<hbm>> -> memref<20000x32xf32, #tpu.memory_space<hbm>>
      tpu.enqueue_indirect_dma source(%dma_start3A_814 : memref<20000x32xf32, #tpu.memory_space<hbm>>) target(%dma_start3A_808 : memref<128x32xf32, #tpu.memory_space<vmem>>) offsets(%dma_start3A_811 : memref<128xi32, #tpu.memory_space<vmem>>) semaphore(%arg16 : memref<!tpu.dma_semaphore, #tpu.memory_space<semaphore_mem>>)
      %mul3A_815 = arith.constant 8 : i32
      %mul3A_816 = arith.muli %add3A_410, %mul3A_815 : i32
      %add3A_817 = arith.constant 7 : i32
      %add3A_818 = arith.addi %mul3A_816, %add3A_817 : i32
      %dma_wait3A_819 = arith.constant 7 : i32
      %dma_wait3A_820 = arith.constant 0 : i32
      %dma_wait3A_821 = arith.constant 0 : i32
      %dma_wait3A_822 = tpu.memref_slice %arg9[%dma_wait3A_819, %dma_wait3A_820, %dma_wait3A_821] : memref<8x128x32xf32, #tpu.memory_space<vmem>> -> memref<1x128x32xf32, #tpu.memory_space<vmem>>
      %dma_wait3A_823 = tpu.memref_squeeze %dma_wait3A_822 : memref<1x128x32xf32, #tpu.memory_space<vmem>> -> memref<128x32xf32, #tpu.memory_space<vmem>>
      %dma_wait3A_824 = arith.constant 0 : i32
      %dma_wait3A_825 = tpu.memref_slice %arg8[%add3A_818, %dma_wait3A_824] : memref<160x128xi32, #tpu.memory_space<vmem>> -> memref<1x128xi32, #tpu.memory_space<vmem>>
      %dma_wait3A_826 = tpu.memref_squeeze %dma_wait3A_825 : memref<1x128xi32, #tpu.memory_space<vmem>> -> memref<128xi32, #tpu.memory_space<vmem>>
      %dma_wait3A_827 = arith.constant 0 : i32
      %dma_wait3A_828 = arith.constant 0 : i32
      %dma_wait3A_829 = tpu.memref_slice %arg6[%dma_wait3A_827, %dma_wait3A_828] : memref<10016x32xf32, #tpu.memory_space<vmem_shared>> -> memref<10016x32xf32, #tpu.memory_space<vmem_shared>>
      tpu.wait_indirect_dma semaphore(%arg25 : memref<!tpu.dma_semaphore, #tpu.memory_space<semaphore_mem>>) src(%dma_wait3A_823 : memref<128x32xf32, #tpu.memory_space<vmem>>) dst(%dma_wait3A_829 : memref<10016x32xf32, #tpu.memory_space<vmem_shared>>)
      %add3A_830 = arith.constant 8 : i32
      %add3A_831 = arith.addi %add3A_818, %add3A_830 : i32
      %dma_start3A_832 = arith.constant 7 : i32
      %dma_start3A_833 = arith.constant 0 : i32
      %dma_start3A_834 = arith.constant 0 : i32
      %dma_start3A_835 = tpu.memref_slice %arg9[%dma_start3A_832, %dma_start3A_833, %dma_start3A_834] : memref<8x128x32xf32, #tpu.memory_space<vmem>> -> memref<1x128x32xf32, #tpu.memory_space<vmem>>
      %dma_start3A_836 = tpu.memref_squeeze %dma_start3A_835 : memref<1x128x32xf32, #tpu.memory_space<vmem>> -> memref<128x32xf32, #tpu.memory_space<vmem>>
      %dma_start3A_837 = arith.constant 0 : i32
      %dma_start3A_838 = tpu.memref_slice %arg7[%add3A_831, %dma_start3A_837] : memref<160x128xi32, #tpu.memory_space<vmem>> -> memref<1x128xi32, #tpu.memory_space<vmem>>
      %dma_start3A_839 = tpu.memref_squeeze %dma_start3A_838 : memref<1x128xi32, #tpu.memory_space<vmem>> -> memref<128xi32, #tpu.memory_space<vmem>>
      %dma_start3A_840 = arith.constant 0 : i32
      %dma_start3A_841 = arith.constant 0 : i32
      %dma_start3A_842 = tpu.memref_slice %arg2[%dma_start3A_840, %dma_start3A_841] : memref<20000x32xf32, #tpu.memory_space<hbm>> -> memref<20000x32xf32, #tpu.memory_space<hbm>>
      tpu.enqueue_indirect_dma source(%dma_start3A_842 : memref<20000x32xf32, #tpu.memory_space<hbm>>) target(%dma_start3A_836 : memref<128x32xf32, #tpu.memory_space<vmem>>) offsets(%dma_start3A_839 : memref<128xi32, #tpu.memory_space<vmem>>) semaphore(%arg17 : memref<!tpu.dma_semaphore, #tpu.memory_space<semaphore_mem>>)
    }
    %scan3A_110 = arith.constant 19 : i32
    %dma_wait3A = arith.constant 152 : i32
    %dma_wait3A_111 = arith.constant 0 : i32
    %dma_wait3A_112 = arith.constant 0 : i32
    %dma_wait3A_113 = arith.constant 0 : i32
    %dma_wait3A_114 = tpu.memref_slice %arg9[%dma_wait3A_111, %dma_wait3A_112, %dma_wait3A_113] : memref<8x128x32xf32, #tpu.memory_space<vmem>> -> memref<1x128x32xf32, #tpu.memory_space<vmem>>
    %dma_wait3A_115 = tpu.memref_squeeze %dma_wait3A_114 : memref<1x128x32xf32, #tpu.memory_space<vmem>> -> memref<128x32xf32, #tpu.memory_space<vmem>>
    %dma_wait3A_116 = arith.constant 0 : i32
    %dma_wait3A_117 = tpu.memref_slice %arg7[%dma_wait3A, %dma_wait3A_116] : memref<160x128xi32, #tpu.memory_space<vmem>> -> memref<1x128xi32, #tpu.memory_space<vmem>>
    %dma_wait3A_118 = tpu.memref_squeeze %dma_wait3A_117 : memref<1x128xi32, #tpu.memory_space<vmem>> -> memref<128xi32, #tpu.memory_space<vmem>>
    %dma_wait3A_119 = arith.constant 0 : i32
    %dma_wait3A_120 = arith.constant 0 : i32
    %dma_wait3A_121 = tpu.memref_slice %arg2[%dma_wait3A_119, %dma_wait3A_120] : memref<20000x32xf32, #tpu.memory_space<hbm>> -> memref<20000x32xf32, #tpu.memory_space<hbm>>
    tpu.wait_indirect_dma semaphore(%arg10 : memref<!tpu.dma_semaphore, #tpu.memory_space<semaphore_mem>>) src(%dma_wait3A_121 : memref<20000x32xf32, #tpu.memory_space<hbm>>) dst(%dma_wait3A_115 : memref<128x32xf32, #tpu.memory_space<vmem>>)
    %dma_start3A_122 = arith.constant 0 : i32
    %dma_start3A_123 = arith.constant 152 : i32
    %dma_start3A_124 = arith.constant 0 : i32
    %dma_start3A_125 = arith.constant 0 : i32
    %dma_start3A_126 = tpu.memref_slice %arg9[%dma_start3A_122, %dma_start3A_124, %dma_start3A_125] : memref<8x128x32xf32, #tpu.memory_space<vmem>> -> memref<1x128x32xf32, #tpu.memory_space<vmem>>
    %dma_start3A_127 = tpu.memref_squeeze %dma_start3A_126 : memref<1x128x32xf32, #tpu.memory_space<vmem>> -> memref<128x32xf32, #tpu.memory_space<vmem>>
    %dma_start3A_128 = arith.constant 0 : i32
    %dma_start3A_129 = tpu.memref_slice %arg8[%dma_start3A_123, %dma_start3A_128] : memref<160x128xi32, #tpu.memory_space<vmem>> -> memref<1x128xi32, #tpu.memory_space<vmem>>
    %dma_start3A_130 = tpu.memref_squeeze %dma_start3A_129 : memref<1x128xi32, #tpu.memory_space<vmem>> -> memref<128xi32, #tpu.memory_space<vmem>>
    %dma_start3A_131 = arith.constant 0 : i32
    %dma_start3A_132 = arith.constant 0 : i32
    %dma_start3A_133 = tpu.memref_slice %arg6[%dma_start3A_131, %dma_start3A_132] : memref<10016x32xf32, #tpu.memory_space<vmem_shared>> -> memref<10016x32xf32, #tpu.memory_space<vmem_shared>>
    tpu.enqueue_indirect_dma source(%dma_start3A_127 : memref<128x32xf32, #tpu.memory_space<vmem>>) target(%dma_start3A_133 : memref<10016x32xf32, #tpu.memory_space<vmem_shared>>) offsets(%dma_start3A_130 : memref<128xi32, #tpu.memory_space<vmem>>) semaphore(%arg18 : memref<!tpu.dma_semaphore, #tpu.memory_space<semaphore_mem>>) {add = true}
    %dma_wait3A_134 = arith.constant 153 : i32
    %dma_wait3A_135 = arith.constant 1 : i32
    %dma_wait3A_136 = arith.constant 0 : i32
    %dma_wait3A_137 = arith.constant 0 : i32
    %dma_wait3A_138 = tpu.memref_slice %arg9[%dma_wait3A_135, %dma_wait3A_136, %dma_wait3A_137] : memref<8x128x32xf32, #tpu.memory_space<vmem>> -> memref<1x128x32xf32, #tpu.memory_space<vmem>>
    %dma_wait3A_139 = tpu.memref_squeeze %dma_wait3A_138 : memref<1x128x32xf32, #tpu.memory_space<vmem>> -> memref<128x32xf32, #tpu.memory_space<vmem>>
    %dma_wait3A_140 = arith.constant 0 : i32
    %dma_wait3A_141 = tpu.memref_slice %arg7[%dma_wait3A_134, %dma_wait3A_140] : memref<160x128xi32, #tpu.memory_space<vmem>> -> memref<1x128xi32, #tpu.memory_space<vmem>>
    %dma_wait3A_142 = tpu.memref_squeeze %dma_wait3A_141 : memref<1x128xi32, #tpu.memory_space<vmem>> -> memref<128xi32, #tpu.memory_space<vmem>>
    %dma_wait3A_143 = arith.constant 0 : i32
    %dma_wait3A_144 = arith.constant 0 : i32
    %dma_wait3A_145 = tpu.memref_slice %arg2[%dma_wait3A_143, %dma_wait3A_144] : memref<20000x32xf32, #tpu.memory_space<hbm>> -> memref<20000x32xf32, #tpu.memory_space<hbm>>
    tpu.wait_indirect_dma semaphore(%arg11 : memref<!tpu.dma_semaphore, #tpu.memory_space<semaphore_mem>>) src(%dma_wait3A_145 : memref<20000x32xf32, #tpu.memory_space<hbm>>) dst(%dma_wait3A_139 : memref<128x32xf32, #tpu.memory_space<vmem>>)
    %dma_start3A_146 = arith.constant 1 : i32
    %dma_start3A_147 = arith.constant 153 : i32
    %dma_start3A_148 = arith.constant 0 : i32
    %dma_start3A_149 = arith.constant 0 : i32
    %dma_start3A_150 = tpu.memref_slice %arg9[%dma_start3A_146, %dma_start3A_148, %dma_start3A_149] : memref<8x128x32xf32, #tpu.memory_space<vmem>> -> memref<1x128x32xf32, #tpu.memory_space<vmem>>
    %dma_start3A_151 = tpu.memref_squeeze %dma_start3A_150 : memref<1x128x32xf32, #tpu.memory_space<vmem>> -> memref<128x32xf32, #tpu.memory_space<vmem>>
    %dma_start3A_152 = arith.constant 0 : i32
    %dma_start3A_153 = tpu.memref_slice %arg8[%dma_start3A_147, %dma_start3A_152] : memref<160x128xi32, #tpu.memory_space<vmem>> -> memref<1x128xi32, #tpu.memory_space<vmem>>
    %dma_start3A_154 = tpu.memref_squeeze %dma_start3A_153 : memref<1x128xi32, #tpu.memory_space<vmem>> -> memref<128xi32, #tpu.memory_space<vmem>>
    %dma_start3A_155 = arith.constant 0 : i32
    %dma_start3A_156 = arith.constant 0 : i32
    %dma_start3A_157 = tpu.memref_slice %arg6[%dma_start3A_155, %dma_start3A_156] : memref<10016x32xf32, #tpu.memory_space<vmem_shared>> -> memref<10016x32xf32, #tpu.memory_space<vmem_shared>>
    tpu.enqueue_indirect_dma source(%dma_start3A_151 : memref<128x32xf32, #tpu.memory_space<vmem>>) target(%dma_start3A_157 : memref<10016x32xf32, #tpu.memory_space<vmem_shared>>) offsets(%dma_start3A_154 : memref<128xi32, #tpu.memory_space<vmem>>) semaphore(%arg19 : memref<!tpu.dma_semaphore, #tpu.memory_space<semaphore_mem>>) {add = true}
    %dma_wait3A_158 = arith.constant 154 : i32
    %dma_wait3A_159 = arith.constant 2 : i32
    %dma_wait3A_160 = arith.constant 0 : i32
    %dma_wait3A_161 = arith.constant 0 : i32
    %dma_wait3A_162 = tpu.memref_slice %arg9[%dma_wait3A_159, %dma_wait3A_160, %dma_wait3A_161] : memref<8x128x32xf32, #tpu.memory_space<vmem>> -> memref<1x128x32xf32, #tpu.memory_space<vmem>>
    %dma_wait3A_163 = tpu.memref_squeeze %dma_wait3A_162 : memref<1x128x32xf32, #tpu.memory_space<vmem>> -> memref<128x32xf32, #tpu.memory_space<vmem>>
    %dma_wait3A_164 = arith.constant 0 : i32
    %dma_wait3A_165 = tpu.memref_slice %arg7[%dma_wait3A_158, %dma_wait3A_164] : memref<160x128xi32, #tpu.memory_space<vmem>> -> memref<1x128xi32, #tpu.memory_space<vmem>>
    %dma_wait3A_166 = tpu.memref_squeeze %dma_wait3A_165 : memref<1x128xi32, #tpu.memory_space<vmem>> -> memref<128xi32, #tpu.memory_space<vmem>>
    %dma_wait3A_167 = arith.constant 0 : i32
    %dma_wait3A_168 = arith.constant 0 : i32
    %dma_wait3A_169 = tpu.memref_slice %arg2[%dma_wait3A_167, %dma_wait3A_168] : memref<20000x32xf32, #tpu.memory_space<hbm>> -> memref<20000x32xf32, #tpu.memory_space<hbm>>
    tpu.wait_indirect_dma semaphore(%arg12 : memref<!tpu.dma_semaphore, #tpu.memory_space<semaphore_mem>>) src(%dma_wait3A_169 : memref<20000x32xf32, #tpu.memory_space<hbm>>) dst(%dma_wait3A_163 : memref<128x32xf32, #tpu.memory_space<vmem>>)
    %dma_start3A_170 = arith.constant 2 : i32
    %dma_start3A_171 = arith.constant 154 : i32
    %dma_start3A_172 = arith.constant 0 : i32
    %dma_start3A_173 = arith.constant 0 : i32
    %dma_start3A_174 = tpu.memref_slice %arg9[%dma_start3A_170, %dma_start3A_172, %dma_start3A_173] : memref<8x128x32xf32, #tpu.memory_space<vmem>> -> memref<1x128x32xf32, #tpu.memory_space<vmem>>
    %dma_start3A_175 = tpu.memref_squeeze %dma_start3A_174 : memref<1x128x32xf32, #tpu.memory_space<vmem>> -> memref<128x32xf32, #tpu.memory_space<vmem>>
    %dma_start3A_176 = arith.constant 0 : i32
    %dma_start3A_177 = tpu.memref_slice %arg8[%dma_start3A_171, %dma_start3A_176] : memref<160x128xi32, #tpu.memory_space<vmem>> -> memref<1x128xi32, #tpu.memory_space<vmem>>
    %dma_start3A_178 = tpu.memref_squeeze %dma_start3A_177 : memref<1x128xi32, #tpu.memory_space<vmem>> -> memref<128xi32, #tpu.memory_space<vmem>>
    %dma_start3A_179 = arith.constant 0 : i32
    %dma_start3A_180 = arith.constant 0 : i32
    %dma_start3A_181 = tpu.memref_slice %arg6[%dma_start3A_179, %dma_start3A_180] : memref<10016x32xf32, #tpu.memory_space<vmem_shared>> -> memref<10016x32xf32, #tpu.memory_space<vmem_shared>>
    tpu.enqueue_indirect_dma source(%dma_start3A_175 : memref<128x32xf32, #tpu.memory_space<vmem>>) target(%dma_start3A_181 : memref<10016x32xf32, #tpu.memory_space<vmem_shared>>) offsets(%dma_start3A_178 : memref<128xi32, #tpu.memory_space<vmem>>) semaphore(%arg20 : memref<!tpu.dma_semaphore, #tpu.memory_space<semaphore_mem>>) {add = true}
    %dma_wait3A_182 = arith.constant 155 : i32
    %dma_wait3A_183 = arith.constant 3 : i32
    %dma_wait3A_184 = arith.constant 0 : i32
    %dma_wait3A_185 = arith.constant 0 : i32
    %dma_wait3A_186 = tpu.memref_slice %arg9[%dma_wait3A_183, %dma_wait3A_184, %dma_wait3A_185] : memref<8x128x32xf32, #tpu.memory_space<vmem>> -> memref<1x128x32xf32, #tpu.memory_space<vmem>>
    %dma_wait3A_187 = tpu.memref_squeeze %dma_wait3A_186 : memref<1x128x32xf32, #tpu.memory_space<vmem>> -> memref<128x32xf32, #tpu.memory_space<vmem>>
    %dma_wait3A_188 = arith.constant 0 : i32
    %dma_wait3A_189 = tpu.memref_slice %arg7[%dma_wait3A_182, %dma_wait3A_188] : memref<160x128xi32, #tpu.memory_space<vmem>> -> memref<1x128xi32, #tpu.memory_space<vmem>>
    %dma_wait3A_190 = tpu.memref_squeeze %dma_wait3A_189 : memref<1x128xi32, #tpu.memory_space<vmem>> -> memref<128xi32, #tpu.memory_space<vmem>>
    %dma_wait3A_191 = arith.constant 0 : i32
    %dma_wait3A_192 = arith.constant 0 : i32
    %dma_wait3A_193 = tpu.memref_slice %arg2[%dma_wait3A_191, %dma_wait3A_192] : memref<20000x32xf32, #tpu.memory_space<hbm>> -> memref<20000x32xf32, #tpu.memory_space<hbm>>
    tpu.wait_indirect_dma semaphore(%arg13 : memref<!tpu.dma_semaphore, #tpu.memory_space<semaphore_mem>>) src(%dma_wait3A_193 : memref<20000x32xf32, #tpu.memory_space<hbm>>) dst(%dma_wait3A_187 : memref<128x32xf32, #tpu.memory_space<vmem>>)
    %dma_start3A_194 = arith.constant 3 : i32
    %dma_start3A_195 = arith.constant 155 : i32
    %dma_start3A_196 = arith.constant 0 : i32
    %dma_start3A_197 = arith.constant 0 : i32
    %dma_start3A_198 = tpu.memref_slice %arg9[%dma_start3A_194, %dma_start3A_196, %dma_start3A_197] : memref<8x128x32xf32, #tpu.memory_space<vmem>> -> memref<1x128x32xf32, #tpu.memory_space<vmem>>
    %dma_start3A_199 = tpu.memref_squeeze %dma_start3A_198 : memref<1x128x32xf32, #tpu.memory_space<vmem>> -> memref<128x32xf32, #tpu.memory_space<vmem>>
    %dma_start3A_200 = arith.constant 0 : i32
    %dma_start3A_201 = tpu.memref_slice %arg8[%dma_start3A_195, %dma_start3A_200] : memref<160x128xi32, #tpu.memory_space<vmem>> -> memref<1x128xi32, #tpu.memory_space<vmem>>
    %dma_start3A_202 = tpu.memref_squeeze %dma_start3A_201 : memref<1x128xi32, #tpu.memory_space<vmem>> -> memref<128xi32, #tpu.memory_space<vmem>>
    %dma_start3A_203 = arith.constant 0 : i32
    %dma_start3A_204 = arith.constant 0 : i32
    %dma_start3A_205 = tpu.memref_slice %arg6[%dma_start3A_203, %dma_start3A_204] : memref<10016x32xf32, #tpu.memory_space<vmem_shared>> -> memref<10016x32xf32, #tpu.memory_space<vmem_shared>>
    tpu.enqueue_indirect_dma source(%dma_start3A_199 : memref<128x32xf32, #tpu.memory_space<vmem>>) target(%dma_start3A_205 : memref<10016x32xf32, #tpu.memory_space<vmem_shared>>) offsets(%dma_start3A_202 : memref<128xi32, #tpu.memory_space<vmem>>) semaphore(%arg21 : memref<!tpu.dma_semaphore, #tpu.memory_space<semaphore_mem>>) {add = true}
    %dma_wait3A_206 = arith.constant 156 : i32
    %dma_wait3A_207 = arith.constant 4 : i32
    %dma_wait3A_208 = arith.constant 0 : i32
    %dma_wait3A_209 = arith.constant 0 : i32
    %dma_wait3A_210 = tpu.memref_slice %arg9[%dma_wait3A_207, %dma_wait3A_208, %dma_wait3A_209] : memref<8x128x32xf32, #tpu.memory_space<vmem>> -> memref<1x128x32xf32, #tpu.memory_space<vmem>>
    %dma_wait3A_211 = tpu.memref_squeeze %dma_wait3A_210 : memref<1x128x32xf32, #tpu.memory_space<vmem>> -> memref<128x32xf32, #tpu.memory_space<vmem>>
    %dma_wait3A_212 = arith.constant 0 : i32
    %dma_wait3A_213 = tpu.memref_slice %arg7[%dma_wait3A_206, %dma_wait3A_212] : memref<160x128xi32, #tpu.memory_space<vmem>> -> memref<1x128xi32, #tpu.memory_space<vmem>>
    %dma_wait3A_214 = tpu.memref_squeeze %dma_wait3A_213 : memref<1x128xi32, #tpu.memory_space<vmem>> -> memref<128xi32, #tpu.memory_space<vmem>>
    %dma_wait3A_215 = arith.constant 0 : i32
    %dma_wait3A_216 = arith.constant 0 : i32
    %dma_wait3A_217 = tpu.memref_slice %arg2[%dma_wait3A_215, %dma_wait3A_216] : memref<20000x32xf32, #tpu.memory_space<hbm>> -> memref<20000x32xf32, #tpu.memory_space<hbm>>
    tpu.wait_indirect_dma semaphore(%arg14 : memref<!tpu.dma_semaphore, #tpu.memory_space<semaphore_mem>>) src(%dma_wait3A_217 : memref<20000x32xf32, #tpu.memory_space<hbm>>) dst(%dma_wait3A_211 : memref<128x32xf32, #tpu.memory_space<vmem>>)
    %dma_start3A_218 = arith.constant 4 : i32
    %dma_start3A_219 = arith.constant 156 : i32
    %dma_start3A_220 = arith.constant 0 : i32
    %dma_start3A_221 = arith.constant 0 : i32
    %dma_start3A_222 = tpu.memref_slice %arg9[%dma_start3A_218, %dma_start3A_220, %dma_start3A_221] : memref<8x128x32xf32, #tpu.memory_space<vmem>> -> memref<1x128x32xf32, #tpu.memory_space<vmem>>
    %dma_start3A_223 = tpu.memref_squeeze %dma_start3A_222 : memref<1x128x32xf32, #tpu.memory_space<vmem>> -> memref<128x32xf32, #tpu.memory_space<vmem>>
    %dma_start3A_224 = arith.constant 0 : i32
    %dma_start3A_225 = tpu.memref_slice %arg8[%dma_start3A_219, %dma_start3A_224] : memref<160x128xi32, #tpu.memory_space<vmem>> -> memref<1x128xi32, #tpu.memory_space<vmem>>
    %dma_start3A_226 = tpu.memref_squeeze %dma_start3A_225 : memref<1x128xi32, #tpu.memory_space<vmem>> -> memref<128xi32, #tpu.memory_space<vmem>>
    %dma_start3A_227 = arith.constant 0 : i32
    %dma_start3A_228 = arith.constant 0 : i32
    %dma_start3A_229 = tpu.memref_slice %arg6[%dma_start3A_227, %dma_start3A_228] : memref<10016x32xf32, #tpu.memory_space<vmem_shared>> -> memref<10016x32xf32, #tpu.memory_space<vmem_shared>>
    tpu.enqueue_indirect_dma source(%dma_start3A_223 : memref<128x32xf32, #tpu.memory_space<vmem>>) target(%dma_start3A_229 : memref<10016x32xf32, #tpu.memory_space<vmem_shared>>) offsets(%dma_start3A_226 : memref<128xi32, #tpu.memory_space<vmem>>) semaphore(%arg22 : memref<!tpu.dma_semaphore, #tpu.memory_space<semaphore_mem>>) {add = true}
    %dma_wait3A_230 = arith.constant 157 : i32
    %dma_wait3A_231 = arith.constant 5 : i32
    %dma_wait3A_232 = arith.constant 0 : i32
    %dma_wait3A_233 = arith.constant 0 : i32
    %dma_wait3A_234 = tpu.memref_slice %arg9[%dma_wait3A_231, %dma_wait3A_232, %dma_wait3A_233] : memref<8x128x32xf32, #tpu.memory_space<vmem>> -> memref<1x128x32xf32, #tpu.memory_space<vmem>>
    %dma_wait3A_235 = tpu.memref_squeeze %dma_wait3A_234 : memref<1x128x32xf32, #tpu.memory_space<vmem>> -> memref<128x32xf32, #tpu.memory_space<vmem>>
    %dma_wait3A_236 = arith.constant 0 : i32
    %dma_wait3A_237 = tpu.memref_slice %arg7[%dma_wait3A_230, %dma_wait3A_236] : memref<160x128xi32, #tpu.memory_space<vmem>> -> memref<1x128xi32, #tpu.memory_space<vmem>>
    %dma_wait3A_238 = tpu.memref_squeeze %dma_wait3A_237 : memref<1x128xi32, #tpu.memory_space<vmem>> -> memref<128xi32, #tpu.memory_space<vmem>>
    %dma_wait3A_239 = arith.constant 0 : i32
    %dma_wait3A_240 = arith.constant 0 : i32
    %dma_wait3A_241 = tpu.memref_slice %arg2[%dma_wait3A_239, %dma_wait3A_240] : memref<20000x32xf32, #tpu.memory_space<hbm>> -> memref<20000x32xf32, #tpu.memory_space<hbm>>
    tpu.wait_indirect_dma semaphore(%arg15 : memref<!tpu.dma_semaphore, #tpu.memory_space<semaphore_mem>>) src(%dma_wait3A_241 : memref<20000x32xf32, #tpu.memory_space<hbm>>) dst(%dma_wait3A_235 : memref<128x32xf32, #tpu.memory_space<vmem>>)
    %dma_start3A_242 = arith.constant 5 : i32
    %dma_start3A_243 = arith.constant 157 : i32
    %dma_start3A_244 = arith.constant 0 : i32
    %dma_start3A_245 = arith.constant 0 : i32
    %dma_start3A_246 = tpu.memref_slice %arg9[%dma_start3A_242, %dma_start3A_244, %dma_start3A_245] : memref<8x128x32xf32, #tpu.memory_space<vmem>> -> memref<1x128x32xf32, #tpu.memory_space<vmem>>
    %dma_start3A_247 = tpu.memref_squeeze %dma_start3A_246 : memref<1x128x32xf32, #tpu.memory_space<vmem>> -> memref<128x32xf32, #tpu.memory_space<vmem>>
    %dma_start3A_248 = arith.constant 0 : i32
    %dma_start3A_249 = tpu.memref_slice %arg8[%dma_start3A_243, %dma_start3A_248] : memref<160x128xi32, #tpu.memory_space<vmem>> -> memref<1x128xi32, #tpu.memory_space<vmem>>
    %dma_start3A_250 = tpu.memref_squeeze %dma_start3A_249 : memref<1x128xi32, #tpu.memory_space<vmem>> -> memref<128xi32, #tpu.memory_space<vmem>>
    %dma_start3A_251 = arith.constant 0 : i32
    %dma_start3A_252 = arith.constant 0 : i32
    %dma_start3A_253 = tpu.memref_slice %arg6[%dma_start3A_251, %dma_start3A_252] : memref<10016x32xf32, #tpu.memory_space<vmem_shared>> -> memref<10016x32xf32, #tpu.memory_space<vmem_shared>>
    tpu.enqueue_indirect_dma source(%dma_start3A_247 : memref<128x32xf32, #tpu.memory_space<vmem>>) target(%dma_start3A_253 : memref<10016x32xf32, #tpu.memory_space<vmem_shared>>) offsets(%dma_start3A_250 : memref<128xi32, #tpu.memory_space<vmem>>) semaphore(%arg23 : memref<!tpu.dma_semaphore, #tpu.memory_space<semaphore_mem>>) {add = true}
    %dma_wait3A_254 = arith.constant 158 : i32
    %dma_wait3A_255 = arith.constant 6 : i32
    %dma_wait3A_256 = arith.constant 0 : i32
    %dma_wait3A_257 = arith.constant 0 : i32
    %dma_wait3A_258 = tpu.memref_slice %arg9[%dma_wait3A_255, %dma_wait3A_256, %dma_wait3A_257] : memref<8x128x32xf32, #tpu.memory_space<vmem>> -> memref<1x128x32xf32, #tpu.memory_space<vmem>>
    %dma_wait3A_259 = tpu.memref_squeeze %dma_wait3A_258 : memref<1x128x32xf32, #tpu.memory_space<vmem>> -> memref<128x32xf32, #tpu.memory_space<vmem>>
    %dma_wait3A_260 = arith.constant 0 : i32
    %dma_wait3A_261 = tpu.memref_slice %arg7[%dma_wait3A_254, %dma_wait3A_260] : memref<160x128xi32, #tpu.memory_space<vmem>> -> memref<1x128xi32, #tpu.memory_space<vmem>>
    %dma_wait3A_262 = tpu.memref_squeeze %dma_wait3A_261 : memref<1x128xi32, #tpu.memory_space<vmem>> -> memref<128xi32, #tpu.memory_space<vmem>>
    %dma_wait3A_263 = arith.constant 0 : i32
    %dma_wait3A_264 = arith.constant 0 : i32
    %dma_wait3A_265 = tpu.memref_slice %arg2[%dma_wait3A_263, %dma_wait3A_264] : memref<20000x32xf32, #tpu.memory_space<hbm>> -> memref<20000x32xf32, #tpu.memory_space<hbm>>
    tpu.wait_indirect_dma semaphore(%arg16 : memref<!tpu.dma_semaphore, #tpu.memory_space<semaphore_mem>>) src(%dma_wait3A_265 : memref<20000x32xf32, #tpu.memory_space<hbm>>) dst(%dma_wait3A_259 : memref<128x32xf32, #tpu.memory_space<vmem>>)
    %dma_start3A_266 = arith.constant 6 : i32
    %dma_start3A_267 = arith.constant 158 : i32
    %dma_start3A_268 = arith.constant 0 : i32
    %dma_start3A_269 = arith.constant 0 : i32
    %dma_start3A_270 = tpu.memref_slice %arg9[%dma_start3A_266, %dma_start3A_268, %dma_start3A_269] : memref<8x128x32xf32, #tpu.memory_space<vmem>> -> memref<1x128x32xf32, #tpu.memory_space<vmem>>
    %dma_start3A_271 = tpu.memref_squeeze %dma_start3A_270 : memref<1x128x32xf32, #tpu.memory_space<vmem>> -> memref<128x32xf32, #tpu.memory_space<vmem>>
    %dma_start3A_272 = arith.constant 0 : i32
    %dma_start3A_273 = tpu.memref_slice %arg8[%dma_start3A_267, %dma_start3A_272] : memref<160x128xi32, #tpu.memory_space<vmem>> -> memref<1x128xi32, #tpu.memory_space<vmem>>
    %dma_start3A_274 = tpu.memref_squeeze %dma_start3A_273 : memref<1x128xi32, #tpu.memory_space<vmem>> -> memref<128xi32, #tpu.memory_space<vmem>>
    %dma_start3A_275 = arith.constant 0 : i32
    %dma_start3A_276 = arith.constant 0 : i32
    %dma_start3A_277 = tpu.memref_slice %arg6[%dma_start3A_275, %dma_start3A_276] : memref<10016x32xf32, #tpu.memory_space<vmem_shared>> -> memref<10016x32xf32, #tpu.memory_space<vmem_shared>>
    tpu.enqueue_indirect_dma source(%dma_start3A_271 : memref<128x32xf32, #tpu.memory_space<vmem>>) target(%dma_start3A_277 : memref<10016x32xf32, #tpu.memory_space<vmem_shared>>) offsets(%dma_start3A_274 : memref<128xi32, #tpu.memory_space<vmem>>) semaphore(%arg24 : memref<!tpu.dma_semaphore, #tpu.memory_space<semaphore_mem>>) {add = true}
    %dma_wait3A_278 = arith.constant 159 : i32
    %dma_wait3A_279 = arith.constant 7 : i32
    %dma_wait3A_280 = arith.constant 0 : i32
    %dma_wait3A_281 = arith.constant 0 : i32
    %dma_wait3A_282 = tpu.memref_slice %arg9[%dma_wait3A_279, %dma_wait3A_280, %dma_wait3A_281] : memref<8x128x32xf32, #tpu.memory_space<vmem>> -> memref<1x128x32xf32, #tpu.memory_space<vmem>>
    %dma_wait3A_283 = tpu.memref_squeeze %dma_wait3A_282 : memref<1x128x32xf32, #tpu.memory_space<vmem>> -> memref<128x32xf32, #tpu.memory_space<vmem>>
    %dma_wait3A_284 = arith.constant 0 : i32
    %dma_wait3A_285 = tpu.memref_slice %arg7[%dma_wait3A_278, %dma_wait3A_284] : memref<160x128xi32, #tpu.memory_space<vmem>> -> memref<1x128xi32, #tpu.memory_space<vmem>>
    %dma_wait3A_286 = tpu.memref_squeeze %dma_wait3A_285 : memref<1x128xi32, #tpu.memory_space<vmem>> -> memref<128xi32, #tpu.memory_space<vmem>>
    %dma_wait3A_287 = arith.constant 0 : i32
    %dma_wait3A_288 = arith.constant 0 : i32
    %dma_wait3A_289 = tpu.memref_slice %arg2[%dma_wait3A_287, %dma_wait3A_288] : memref<20000x32xf32, #tpu.memory_space<hbm>> -> memref<20000x32xf32, #tpu.memory_space<hbm>>
    tpu.wait_indirect_dma semaphore(%arg17 : memref<!tpu.dma_semaphore, #tpu.memory_space<semaphore_mem>>) src(%dma_wait3A_289 : memref<20000x32xf32, #tpu.memory_space<hbm>>) dst(%dma_wait3A_283 : memref<128x32xf32, #tpu.memory_space<vmem>>)
    %dma_start3A_290 = arith.constant 7 : i32
    %dma_start3A_291 = arith.constant 159 : i32
    %dma_start3A_292 = arith.constant 0 : i32
    %dma_start3A_293 = arith.constant 0 : i32
    %dma_start3A_294 = tpu.memref_slice %arg9[%dma_start3A_290, %dma_start3A_292, %dma_start3A_293] : memref<8x128x32xf32, #tpu.memory_space<vmem>> -> memref<1x128x32xf32, #tpu.memory_space<vmem>>
    %dma_start3A_295 = tpu.memref_squeeze %dma_start3A_294 : memref<1x128x32xf32, #tpu.memory_space<vmem>> -> memref<128x32xf32, #tpu.memory_space<vmem>>
    %dma_start3A_296 = arith.constant 0 : i32
    %dma_start3A_297 = tpu.memref_slice %arg8[%dma_start3A_291, %dma_start3A_296] : memref<160x128xi32, #tpu.memory_space<vmem>> -> memref<1x128xi32, #tpu.memory_space<vmem>>
    %dma_start3A_298 = tpu.memref_squeeze %dma_start3A_297 : memref<1x128xi32, #tpu.memory_space<vmem>> -> memref<128xi32, #tpu.memory_space<vmem>>
    %dma_start3A_299 = arith.constant 0 : i32
    %dma_start3A_300 = arith.constant 0 : i32
    %dma_start3A_301 = tpu.memref_slice %arg6[%dma_start3A_299, %dma_start3A_300] : memref<10016x32xf32, #tpu.memory_space<vmem_shared>> -> memref<10016x32xf32, #tpu.memory_space<vmem_shared>>
    tpu.enqueue_indirect_dma source(%dma_start3A_295 : memref<128x32xf32, #tpu.memory_space<vmem>>) target(%dma_start3A_301 : memref<10016x32xf32, #tpu.memory_space<vmem_shared>>) offsets(%dma_start3A_298 : memref<128xi32, #tpu.memory_space<vmem>>) semaphore(%arg25 : memref<!tpu.dma_semaphore, #tpu.memory_space<semaphore_mem>>) {add = true}
    %dma_wait3A_302 = arith.constant 0 : i32
    %dma_wait3A_303 = arith.constant 152 : i32
    %dma_wait3A_304 = arith.constant 0 : i32
    %dma_wait3A_305 = arith.constant 0 : i32
    %dma_wait3A_306 = tpu.memref_slice %arg9[%dma_wait3A_302, %dma_wait3A_304, %dma_wait3A_305] : memref<8x128x32xf32, #tpu.memory_space<vmem>> -> memref<1x128x32xf32, #tpu.memory_space<vmem>>
    %dma_wait3A_307 = tpu.memref_squeeze %dma_wait3A_306 : memref<1x128x32xf32, #tpu.memory_space<vmem>> -> memref<128x32xf32, #tpu.memory_space<vmem>>
    %dma_wait3A_308 = arith.constant 0 : i32
    %dma_wait3A_309 = tpu.memref_slice %arg8[%dma_wait3A_303, %dma_wait3A_308] : memref<160x128xi32, #tpu.memory_space<vmem>> -> memref<1x128xi32, #tpu.memory_space<vmem>>
    %dma_wait3A_310 = tpu.memref_squeeze %dma_wait3A_309 : memref<1x128xi32, #tpu.memory_space<vmem>> -> memref<128xi32, #tpu.memory_space<vmem>>
    %dma_wait3A_311 = arith.constant 0 : i32
    %dma_wait3A_312 = arith.constant 0 : i32
    %dma_wait3A_313 = tpu.memref_slice %arg6[%dma_wait3A_311, %dma_wait3A_312] : memref<10016x32xf32, #tpu.memory_space<vmem_shared>> -> memref<10016x32xf32, #tpu.memory_space<vmem_shared>>
    tpu.wait_indirect_dma semaphore(%arg18 : memref<!tpu.dma_semaphore, #tpu.memory_space<semaphore_mem>>) src(%dma_wait3A_307 : memref<128x32xf32, #tpu.memory_space<vmem>>) dst(%dma_wait3A_313 : memref<10016x32xf32, #tpu.memory_space<vmem_shared>>)
    %dma_wait3A_314 = arith.constant 1 : i32
    %dma_wait3A_315 = arith.constant 153 : i32
    %dma_wait3A_316 = arith.constant 0 : i32
    %dma_wait3A_317 = arith.constant 0 : i32
    %dma_wait3A_318 = tpu.memref_slice %arg9[%dma_wait3A_314, %dma_wait3A_316, %dma_wait3A_317] : memref<8x128x32xf32, #tpu.memory_space<vmem>> -> memref<1x128x32xf32, #tpu.memory_space<vmem>>
    %dma_wait3A_319 = tpu.memref_squeeze %dma_wait3A_318 : memref<1x128x32xf32, #tpu.memory_space<vmem>> -> memref<128x32xf32, #tpu.memory_space<vmem>>
    %dma_wait3A_320 = arith.constant 0 : i32
    %dma_wait3A_321 = tpu.memref_slice %arg8[%dma_wait3A_315, %dma_wait3A_320] : memref<160x128xi32, #tpu.memory_space<vmem>> -> memref<1x128xi32, #tpu.memory_space<vmem>>
    %dma_wait3A_322 = tpu.memref_squeeze %dma_wait3A_321 : memref<1x128xi32, #tpu.memory_space<vmem>> -> memref<128xi32, #tpu.memory_space<vmem>>
    %dma_wait3A_323 = arith.constant 0 : i32
    %dma_wait3A_324 = arith.constant 0 : i32
    %dma_wait3A_325 = tpu.memref_slice %arg6[%dma_wait3A_323, %dma_wait3A_324] : memref<10016x32xf32, #tpu.memory_space<vmem_shared>> -> memref<10016x32xf32, #tpu.memory_space<vmem_shared>>
    tpu.wait_indirect_dma semaphore(%arg19 : memref<!tpu.dma_semaphore, #tpu.memory_space<semaphore_mem>>) src(%dma_wait3A_319 : memref<128x32xf32, #tpu.memory_space<vmem>>) dst(%dma_wait3A_325 : memref<10016x32xf32, #tpu.memory_space<vmem_shared>>)
    %dma_wait3A_326 = arith.constant 2 : i32
    %dma_wait3A_327 = arith.constant 154 : i32
    %dma_wait3A_328 = arith.constant 0 : i32
    %dma_wait3A_329 = arith.constant 0 : i32
    %dma_wait3A_330 = tpu.memref_slice %arg9[%dma_wait3A_326, %dma_wait3A_328, %dma_wait3A_329] : memref<8x128x32xf32, #tpu.memory_space<vmem>> -> memref<1x128x32xf32, #tpu.memory_space<vmem>>
    %dma_wait3A_331 = tpu.memref_squeeze %dma_wait3A_330 : memref<1x128x32xf32, #tpu.memory_space<vmem>> -> memref<128x32xf32, #tpu.memory_space<vmem>>
    %dma_wait3A_332 = arith.constant 0 : i32
    %dma_wait3A_333 = tpu.memref_slice %arg8[%dma_wait3A_327, %dma_wait3A_332] : memref<160x128xi32, #tpu.memory_space<vmem>> -> memref<1x128xi32, #tpu.memory_space<vmem>>
    %dma_wait3A_334 = tpu.memref_squeeze %dma_wait3A_333 : memref<1x128xi32, #tpu.memory_space<vmem>> -> memref<128xi32, #tpu.memory_space<vmem>>
    %dma_wait3A_335 = arith.constant 0 : i32
    %dma_wait3A_336 = arith.constant 0 : i32
    %dma_wait3A_337 = tpu.memref_slice %arg6[%dma_wait3A_335, %dma_wait3A_336] : memref<10016x32xf32, #tpu.memory_space<vmem_shared>> -> memref<10016x32xf32, #tpu.memory_space<vmem_shared>>
    tpu.wait_indirect_dma semaphore(%arg20 : memref<!tpu.dma_semaphore, #tpu.memory_space<semaphore_mem>>) src(%dma_wait3A_331 : memref<128x32xf32, #tpu.memory_space<vmem>>) dst(%dma_wait3A_337 : memref<10016x32xf32, #tpu.memory_space<vmem_shared>>)
    %dma_wait3A_338 = arith.constant 3 : i32
    %dma_wait3A_339 = arith.constant 155 : i32
    %dma_wait3A_340 = arith.constant 0 : i32
    %dma_wait3A_341 = arith.constant 0 : i32
    %dma_wait3A_342 = tpu.memref_slice %arg9[%dma_wait3A_338, %dma_wait3A_340, %dma_wait3A_341] : memref<8x128x32xf32, #tpu.memory_space<vmem>> -> memref<1x128x32xf32, #tpu.memory_space<vmem>>
    %dma_wait3A_343 = tpu.memref_squeeze %dma_wait3A_342 : memref<1x128x32xf32, #tpu.memory_space<vmem>> -> memref<128x32xf32, #tpu.memory_space<vmem>>
    %dma_wait3A_344 = arith.constant 0 : i32
    %dma_wait3A_345 = tpu.memref_slice %arg8[%dma_wait3A_339, %dma_wait3A_344] : memref<160x128xi32, #tpu.memory_space<vmem>> -> memref<1x128xi32, #tpu.memory_space<vmem>>
    %dma_wait3A_346 = tpu.memref_squeeze %dma_wait3A_345 : memref<1x128xi32, #tpu.memory_space<vmem>> -> memref<128xi32, #tpu.memory_space<vmem>>
    %dma_wait3A_347 = arith.constant 0 : i32
    %dma_wait3A_348 = arith.constant 0 : i32
    %dma_wait3A_349 = tpu.memref_slice %arg6[%dma_wait3A_347, %dma_wait3A_348] : memref<10016x32xf32, #tpu.memory_space<vmem_shared>> -> memref<10016x32xf32, #tpu.memory_space<vmem_shared>>
    tpu.wait_indirect_dma semaphore(%arg21 : memref<!tpu.dma_semaphore, #tpu.memory_space<semaphore_mem>>) src(%dma_wait3A_343 : memref<128x32xf32, #tpu.memory_space<vmem>>) dst(%dma_wait3A_349 : memref<10016x32xf32, #tpu.memory_space<vmem_shared>>)
    %dma_wait3A_350 = arith.constant 4 : i32
    %dma_wait3A_351 = arith.constant 156 : i32
    %dma_wait3A_352 = arith.constant 0 : i32
    %dma_wait3A_353 = arith.constant 0 : i32
    %dma_wait3A_354 = tpu.memref_slice %arg9[%dma_wait3A_350, %dma_wait3A_352, %dma_wait3A_353] : memref<8x128x32xf32, #tpu.memory_space<vmem>> -> memref<1x128x32xf32, #tpu.memory_space<vmem>>
    %dma_wait3A_355 = tpu.memref_squeeze %dma_wait3A_354 : memref<1x128x32xf32, #tpu.memory_space<vmem>> -> memref<128x32xf32, #tpu.memory_space<vmem>>
    %dma_wait3A_356 = arith.constant 0 : i32
    %dma_wait3A_357 = tpu.memref_slice %arg8[%dma_wait3A_351, %dma_wait3A_356] : memref<160x128xi32, #tpu.memory_space<vmem>> -> memref<1x128xi32, #tpu.memory_space<vmem>>
    %dma_wait3A_358 = tpu.memref_squeeze %dma_wait3A_357 : memref<1x128xi32, #tpu.memory_space<vmem>> -> memref<128xi32, #tpu.memory_space<vmem>>
    %dma_wait3A_359 = arith.constant 0 : i32
    %dma_wait3A_360 = arith.constant 0 : i32
    %dma_wait3A_361 = tpu.memref_slice %arg6[%dma_wait3A_359, %dma_wait3A_360] : memref<10016x32xf32, #tpu.memory_space<vmem_shared>> -> memref<10016x32xf32, #tpu.memory_space<vmem_shared>>
    tpu.wait_indirect_dma semaphore(%arg22 : memref<!tpu.dma_semaphore, #tpu.memory_space<semaphore_mem>>) src(%dma_wait3A_355 : memref<128x32xf32, #tpu.memory_space<vmem>>) dst(%dma_wait3A_361 : memref<10016x32xf32, #tpu.memory_space<vmem_shared>>)
    %dma_wait3A_362 = arith.constant 5 : i32
    %dma_wait3A_363 = arith.constant 157 : i32
    %dma_wait3A_364 = arith.constant 0 : i32
    %dma_wait3A_365 = arith.constant 0 : i32
    %dma_wait3A_366 = tpu.memref_slice %arg9[%dma_wait3A_362, %dma_wait3A_364, %dma_wait3A_365] : memref<8x128x32xf32, #tpu.memory_space<vmem>> -> memref<1x128x32xf32, #tpu.memory_space<vmem>>
    %dma_wait3A_367 = tpu.memref_squeeze %dma_wait3A_366 : memref<1x128x32xf32, #tpu.memory_space<vmem>> -> memref<128x32xf32, #tpu.memory_space<vmem>>
    %dma_wait3A_368 = arith.constant 0 : i32
    %dma_wait3A_369 = tpu.memref_slice %arg8[%dma_wait3A_363, %dma_wait3A_368] : memref<160x128xi32, #tpu.memory_space<vmem>> -> memref<1x128xi32, #tpu.memory_space<vmem>>
    %dma_wait3A_370 = tpu.memref_squeeze %dma_wait3A_369 : memref<1x128xi32, #tpu.memory_space<vmem>> -> memref<128xi32, #tpu.memory_space<vmem>>
    %dma_wait3A_371 = arith.constant 0 : i32
    %dma_wait3A_372 = arith.constant 0 : i32
    %dma_wait3A_373 = tpu.memref_slice %arg6[%dma_wait3A_371, %dma_wait3A_372] : memref<10016x32xf32, #tpu.memory_space<vmem_shared>> -> memref<10016x32xf32, #tpu.memory_space<vmem_shared>>
    tpu.wait_indirect_dma semaphore(%arg23 : memref<!tpu.dma_semaphore, #tpu.memory_space<semaphore_mem>>) src(%dma_wait3A_367 : memref<128x32xf32, #tpu.memory_space<vmem>>) dst(%dma_wait3A_373 : memref<10016x32xf32, #tpu.memory_space<vmem_shared>>)
    %dma_wait3A_374 = arith.constant 6 : i32
    %dma_wait3A_375 = arith.constant 158 : i32
    %dma_wait3A_376 = arith.constant 0 : i32
    %dma_wait3A_377 = arith.constant 0 : i32
    %dma_wait3A_378 = tpu.memref_slice %arg9[%dma_wait3A_374, %dma_wait3A_376, %dma_wait3A_377] : memref<8x128x32xf32, #tpu.memory_space<vmem>> -> memref<1x128x32xf32, #tpu.memory_space<vmem>>
    %dma_wait3A_379 = tpu.memref_squeeze %dma_wait3A_378 : memref<1x128x32xf32, #tpu.memory_space<vmem>> -> memref<128x32xf32, #tpu.memory_space<vmem>>
    %dma_wait3A_380 = arith.constant 0 : i32
    %dma_wait3A_381 = tpu.memref_slice %arg8[%dma_wait3A_375, %dma_wait3A_380] : memref<160x128xi32, #tpu.memory_space<vmem>> -> memref<1x128xi32, #tpu.memory_space<vmem>>
    %dma_wait3A_382 = tpu.memref_squeeze %dma_wait3A_381 : memref<1x128xi32, #tpu.memory_space<vmem>> -> memref<128xi32, #tpu.memory_space<vmem>>
    %dma_wait3A_383 = arith.constant 0 : i32
    %dma_wait3A_384 = arith.constant 0 : i32
    %dma_wait3A_385 = tpu.memref_slice %arg6[%dma_wait3A_383, %dma_wait3A_384] : memref<10016x32xf32, #tpu.memory_space<vmem_shared>> -> memref<10016x32xf32, #tpu.memory_space<vmem_shared>>
    tpu.wait_indirect_dma semaphore(%arg24 : memref<!tpu.dma_semaphore, #tpu.memory_space<semaphore_mem>>) src(%dma_wait3A_379 : memref<128x32xf32, #tpu.memory_space<vmem>>) dst(%dma_wait3A_385 : memref<10016x32xf32, #tpu.memory_space<vmem_shared>>)
    %dma_wait3A_386 = arith.constant 7 : i32
    %dma_wait3A_387 = arith.constant 159 : i32
    %dma_wait3A_388 = arith.constant 0 : i32
    %dma_wait3A_389 = arith.constant 0 : i32
    %dma_wait3A_390 = tpu.memref_slice %arg9[%dma_wait3A_386, %dma_wait3A_388, %dma_wait3A_389] : memref<8x128x32xf32, #tpu.memory_space<vmem>> -> memref<1x128x32xf32, #tpu.memory_space<vmem>>
    %dma_wait3A_391 = tpu.memref_squeeze %dma_wait3A_390 : memref<1x128x32xf32, #tpu.memory_space<vmem>> -> memref<128x32xf32, #tpu.memory_space<vmem>>
    %dma_wait3A_392 = arith.constant 0 : i32
    %dma_wait3A_393 = tpu.memref_slice %arg8[%dma_wait3A_387, %dma_wait3A_392] : memref<160x128xi32, #tpu.memory_space<vmem>> -> memref<1x128xi32, #tpu.memory_space<vmem>>
    %dma_wait3A_394 = tpu.memref_squeeze %dma_wait3A_393 : memref<1x128xi32, #tpu.memory_space<vmem>> -> memref<128xi32, #tpu.memory_space<vmem>>
    %dma_wait3A_395 = arith.constant 0 : i32
    %dma_wait3A_396 = arith.constant 0 : i32
    %dma_wait3A_397 = tpu.memref_slice %arg6[%dma_wait3A_395, %dma_wait3A_396] : memref<10016x32xf32, #tpu.memory_space<vmem_shared>> -> memref<10016x32xf32, #tpu.memory_space<vmem_shared>>
    tpu.wait_indirect_dma semaphore(%arg25 : memref<!tpu.dma_semaphore, #tpu.memory_space<semaphore_mem>>) src(%dma_wait3A_391 : memref<128x32xf32, #tpu.memory_space<vmem>>) dst(%dma_wait3A_397 : memref<10016x32xf32, #tpu.memory_space<vmem_shared>>)
    %barrier3A_398 = arith.constant 0 : index
    tpu.barrier barrier_id(%barrier3A_398)
    %mul3A_399 = arith.constant 624 : i32
    %mul3A_400 = arith.muli %arg1, %mul3A_399 : i32
    "tpu.region"() ({
      %run_scoped3A = tpu.sem_alloc : memref<!tpu.dma_semaphore, #tpu.memory_space<semaphore_mem>>
      %dma_start3A_406 = arith.constant 0 : i32
      %dma_start3A_407 = tpu.memref_slice %arg5[%add3A, %dma_start3A_406] : memref<20000x32xf32, #tpu.memory_space<hbm>> -> memref<624x32xf32, #tpu.memory_space<hbm>>
      %dma_start3A_408 = arith.constant 0 : i32
      %dma_start3A_409 = tpu.memref_slice %arg6[%mul3A_400, %dma_start3A_408] : memref<10016x32xf32, #tpu.memory_space<vmem_shared>> -> memref<624x32xf32, #tpu.memory_space<vmem_shared>>
      tpu.enqueue_dma source(%dma_start3A_409 : memref<624x32xf32, #tpu.memory_space<vmem_shared>>) target(%dma_start3A_407 : memref<624x32xf32, #tpu.memory_space<hbm>>) target_semaphore(%run_scoped3A : memref<!tpu.dma_semaphore, #tpu.memory_space<semaphore_mem>>)
      %dma_wait3A_410 = arith.constant 0 : i32
      %dma_wait3A_411 = tpu.memref_slice %arg5[%add3A, %dma_wait3A_410] : memref<20000x32xf32, #tpu.memory_space<hbm>> -> memref<624x32xf32, #tpu.memory_space<hbm>>
      %dma_wait3A_412 = arith.constant 0 : i32
      %dma_wait3A_413 = tpu.memref_slice %arg6[%mul3A_400, %dma_wait3A_412] : memref<10016x32xf32, #tpu.memory_space<vmem_shared>> -> memref<624x32xf32, #tpu.memory_space<vmem_shared>>
      tpu.wait_dma2 semaphore(%run_scoped3A : memref<!tpu.dma_semaphore, #tpu.memory_space<semaphore_mem>>) src(%dma_wait3A_413 : memref<624x32xf32, #tpu.memory_space<vmem_shared>>) dst(%dma_wait3A_411 : memref<624x32xf32, #tpu.memory_space<hbm>>)
      tpu.yield
    }) : () -> ()
    %eq3A_401 = arith.constant 15 : i32
    %eq3A_402 = arith.cmpi eq, %arg1, %eq3A_401 : i32
    %convert_element_type3A_403 = arith.extui %eq3A_402 : i1 to i32
    %cond3A_404 = arith.constant 0 : i32
    %cond3A_405 = arith.cmpi ne, %convert_element_type3A_403, %cond3A_404 : i32
    scf.if %cond3A_405 {
      %mul3A_406 = arith.constant 10000 : i32
      %mul3A_407 = arith.muli %arg0, %mul3A_406 : i32
      %add3A_408 = arith.constant 9984 : i32
      %add3A_409 = arith.addi %mul3A_407, %add3A_408 : i32
      "tpu.region"() ({
        %run_scoped3A = tpu.sem_alloc : memref<!tpu.dma_semaphore, #tpu.memory_space<semaphore_mem>>
        %dma_start3A_410 = arith.constant 0 : i32
        %dma_start3A_411 = tpu.memref_slice %arg5[%add3A_409, %dma_start3A_410] : memref<20000x32xf32, #tpu.memory_space<hbm>> -> memref<16x32xf32, #tpu.memory_space<hbm>>
        %dma_start3A_412 = arith.constant 9984 : i32
        %dma_start3A_413 = arith.constant 0 : i32
        %dma_start3A_414 = tpu.memref_slice %arg6[%dma_start3A_412, %dma_start3A_413] : memref<10016x32xf32, #tpu.memory_space<vmem_shared>> -> memref<16x32xf32, #tpu.memory_space<vmem_shared>>
        tpu.enqueue_dma source(%dma_start3A_414 : memref<16x32xf32, #tpu.memory_space<vmem_shared>>) target(%dma_start3A_411 : memref<16x32xf32, #tpu.memory_space<hbm>>) target_semaphore(%run_scoped3A : memref<!tpu.dma_semaphore, #tpu.memory_space<semaphore_mem>>)
        %dma_wait3A_415 = arith.constant 0 : i32
        %dma_wait3A_416 = tpu.memref_slice %arg5[%add3A_409, %dma_wait3A_415] : memref<20000x32xf32, #tpu.memory_space<hbm>> -> memref<16x32xf32, #tpu.memory_space<hbm>>
        %dma_wait3A_417 = arith.constant 9984 : i32
        %dma_wait3A_418 = arith.constant 0 : i32
        %dma_wait3A_419 = tpu.memref_slice %arg6[%dma_wait3A_417, %dma_wait3A_418] : memref<10016x32xf32, #tpu.memory_space<vmem_shared>> -> memref<16x32xf32, #tpu.memory_space<vmem_shared>>
        tpu.wait_dma2 semaphore(%run_scoped3A : memref<!tpu.dma_semaphore, #tpu.memory_space<semaphore_mem>>) src(%dma_wait3A_419 : memref<16x32xf32, #tpu.memory_space<vmem_shared>>) dst(%dma_wait3A_416 : memref<16x32xf32, #tpu.memory_space<hbm>>)
        tpu.yield
      }) : () -> ()
    } else {
    }
    return
  }
}

#map = affine_map<(d0, d1) -> (0, 0)>
module attributes {stable_mosaic.version = 14 : i64} {
  func.func @_sc_agg_body(%arg0: i32, %arg1: i32, %arg2: memref<20000x32xf32, #tpu.memory_space<hbm>>, %arg3: memref<5120x128xi32, #tpu.memory_space<hbm>>, %arg4: memref<5120x128xi32, #tpu.memory_space<hbm>>, %arg5: memref<20000x32xf32, #tpu.memory_space<hbm>>, %arg6: memref<10016x32xf32, #tpu.memory_space<vmem_shared>>, %arg7: memref<160x128xi32, #tpu.memory_space<vmem>>, %arg8: memref<160x128xi32, #tpu.memory_space<vmem>>, %arg9: memref<8x128x32xf32, #tpu.memory_space<vmem>>, %arg10: memref<!tpu.dma_semaphore, #tpu.memory_space<semaphore_mem>>, %arg11: memref<!tpu.dma_semaphore, #tpu.memory_space<semaphore_mem>>, %arg12: memref<!tpu.dma_semaphore, #tpu.memory_space<semaphore_mem>>, %arg13: memref<!tpu.dma_semaphore, #tpu.memory_space<semaphore_mem>>, %arg14: memref<!tpu.dma_semaphore, #tpu.memory_space<semaphore_mem>>, %arg15: memref<!tpu.dma_semaphore, #tpu.memory_space<semaphore_mem>>, %arg16: memref<!tpu.dma_semaphore, #tpu.memory_space<semaphore_mem>>, %arg17: memref<!tpu.dma_semaphore, #tpu.memory_space<semaphore_mem>>, %arg18: memref<!tpu.dma_semaphore, #tpu.memory_space<semaphore_mem>>, %arg19: memref<!tpu.dma_semaphore, #tpu.memory_space<semaphore_mem>>, %arg20: memref<!tpu.dma_semaphore, #tpu.memory_space<semaphore_mem>>, %arg21: memref<!tpu.dma_semaphore, #tpu.memory_space<semaphore_mem>>, %arg22: memref<!tpu.dma_semaphore, #tpu.memory_space<semaphore_mem>>, %arg23: memref<!tpu.dma_semaphore, #tpu.memory_space<semaphore_mem>>, %arg24: memref<!tpu.dma_semaphore, #tpu.memory_space<semaphore_mem>>, %arg25: memref<!tpu.dma_semaphore, #tpu.memory_space<semaphore_mem>>) attributes {dimension_semantics = [#tpu.dimension_semantics<core_parallel>, #tpu.dimension_semantics<subcore_parallel>], iteration_bounds = array<i64: 2, 16>, scalar_prefetch = 0 : i64, scratch_operands = 20 : i64, tpu.core_type = #tpu.core_type<sc_vector_subcore>, window_params = [{transform_indices = #map}, {transform_indices = #map}, {transform_indices = #map}, {transform_indices = #map}]} {
    %mul3A = arith.constant 10000 : i32
    %mul3A_0 = arith.muli %arg0, %mul3A : i32
    %mul3A_1 = arith.constant 624 : i32
    %mul3A_2 = arith.muli %arg1, %mul3A_1 : i32
    %add3A = arith.addi %mul3A_0, %mul3A_2 : i32
    %mul3A_3 = arith.constant 624 : i32
    %mul3A_4 = arith.muli %arg1, %mul3A_3 : i32
    "tpu.region"() ({
      %run_scoped3A = tpu.sem_alloc : memref<!tpu.dma_semaphore, #tpu.memory_space<semaphore_mem>>
      %dma_start3A_406 = arith.constant 0 : i32
      %dma_start3A_407 = tpu.memref_slice %arg6[%mul3A_4, %dma_start3A_406] : memref<10016x32xf32, #tpu.memory_space<vmem_shared>> -> memref<624x32xf32, #tpu.memory_space<vmem_shared>>
      %dma_start3A_408 = arith.constant 0 : i32
      %dma_start3A_409 = tpu.memref_slice %arg2[%add3A, %dma_start3A_408] : memref<20000x32xf32, #tpu.memory_space<hbm>> -> memref<624x32xf32, #tpu.memory_space<hbm>>
      tpu.enqueue_dma source(%dma_start3A_409 : memref<624x32xf32, #tpu.memory_space<hbm>>) target(%dma_start3A_407 : memref<624x32xf32, #tpu.memory_space<vmem_shared>>) target_semaphore(%run_scoped3A : memref<!tpu.dma_semaphore, #tpu.memory_space<semaphore_mem>>)
      %dma_wait3A_410 = arith.constant 0 : i32
      %dma_wait3A_411 = tpu.memref_slice %arg6[%mul3A_4, %dma_wait3A_410] : memref<10016x32xf32, #tpu.memory_space<vmem_shared>> -> memref<624x32xf32, #tpu.memory_space<vmem_shared>>
      %dma_wait3A_412 = arith.constant 0 : i32
      %dma_wait3A_413 = tpu.memref_slice %arg2[%add3A, %dma_wait3A_412] : memref<20000x32xf32, #tpu.memory_space<hbm>> -> memref<624x32xf32, #tpu.memory_space<hbm>>
      tpu.wait_dma2 semaphore(%run_scoped3A : memref<!tpu.dma_semaphore, #tpu.memory_space<semaphore_mem>>) src(%dma_wait3A_413 : memref<624x32xf32, #tpu.memory_space<hbm>>) dst(%dma_wait3A_411 : memref<624x32xf32, #tpu.memory_space<vmem_shared>>)
      tpu.yield
    }) : () -> ()
    %eq3A = arith.constant 15 : i32
    %eq3A_5 = arith.cmpi eq, %arg1, %eq3A : i32
    %convert_element_type3A = arith.extui %eq3A_5 : i1 to i32
    %cond3A = arith.constant 0 : i32
    %cond3A_6 = arith.cmpi ne, %convert_element_type3A, %cond3A : i32
    scf.if %cond3A_6 {
      %mul3A_406 = arith.constant 10000 : i32
      %mul3A_407 = arith.muli %arg0, %mul3A_406 : i32
      %add3A_408 = arith.constant 9984 : i32
      %add3A_409 = arith.addi %mul3A_407, %add3A_408 : i32
      "tpu.region"() ({
        %run_scoped3A = tpu.sem_alloc : memref<!tpu.dma_semaphore, #tpu.memory_space<semaphore_mem>>
        %dma_start3A_410 = arith.constant 9984 : i32
        %dma_start3A_411 = arith.constant 0 : i32
        %dma_start3A_412 = tpu.memref_slice %arg6[%dma_start3A_410, %dma_start3A_411] : memref<10016x32xf32, #tpu.memory_space<vmem_shared>> -> memref<16x32xf32, #tpu.memory_space<vmem_shared>>
        %dma_start3A_413 = arith.constant 0 : i32
        %dma_start3A_414 = tpu.memref_slice %arg2[%add3A_409, %dma_start3A_413] : memref<20000x32xf32, #tpu.memory_space<hbm>> -> memref<16x32xf32, #tpu.memory_space<hbm>>
        tpu.enqueue_dma source(%dma_start3A_414 : memref<16x32xf32, #tpu.memory_space<hbm>>) target(%dma_start3A_412 : memref<16x32xf32, #tpu.memory_space<vmem_shared>>) target_semaphore(%run_scoped3A : memref<!tpu.dma_semaphore, #tpu.memory_space<semaphore_mem>>)
        %dma_wait3A_415 = arith.constant 9984 : i32
        %dma_wait3A_416 = arith.constant 0 : i32
        %dma_wait3A_417 = tpu.memref_slice %arg6[%dma_wait3A_415, %dma_wait3A_416] : memref<10016x32xf32, #tpu.memory_space<vmem_shared>> -> memref<16x32xf32, #tpu.memory_space<vmem_shared>>
        %dma_wait3A_418 = arith.constant 0 : i32
        %dma_wait3A_419 = tpu.memref_slice %arg2[%add3A_409, %dma_wait3A_418] : memref<20000x32xf32, #tpu.memory_space<hbm>> -> memref<16x32xf32, #tpu.memory_space<hbm>>
        tpu.wait_dma2 semaphore(%run_scoped3A : memref<!tpu.dma_semaphore, #tpu.memory_space<semaphore_mem>>) src(%dma_wait3A_419 : memref<16x32xf32, #tpu.memory_space<hbm>>) dst(%dma_wait3A_417 : memref<16x32xf32, #tpu.memory_space<vmem_shared>>)
        tpu.yield
      }) : () -> ()
    } else {
    }
    %mul3A_7 = arith.constant 16 : i32
    %mul3A_8 = arith.muli %arg0, %mul3A_7 : i32
    %add3A_9 = arith.addi %mul3A_8, %arg1 : i32
    %mul3A_10 = arith.constant 160 : i32
    %mul3A_11 = arith.muli %add3A_9, %mul3A_10 : i32
    "tpu.region"() ({
      %run_scoped3A = tpu.sem_alloc : memref<!tpu.dma_semaphore, #tpu.memory_space<semaphore_mem>>
      %dma_start3A_406 = arith.constant 0 : i32
      %dma_start3A_407 = tpu.memref_slice %arg3[%mul3A_11, %dma_start3A_406] : memref<5120x128xi32, #tpu.memory_space<hbm>> -> memref<160x128xi32, #tpu.memory_space<hbm>>
      %dma_start3A_408 = arith.constant 0 : i32
      %dma_start3A_409 = tpu.memref_slice %arg3[%mul3A_11, %dma_start3A_408] : memref<5120x128xi32, #tpu.memory_space<hbm>> -> memref<160x128xi32, #tpu.memory_space<hbm>>
      tpu.enqueue_dma source(%dma_start3A_409 : memref<160x128xi32, #tpu.memory_space<hbm>>) target(%arg7 : memref<160x128xi32, #tpu.memory_space<vmem>>) target_semaphore(%run_scoped3A : memref<!tpu.dma_semaphore, #tpu.memory_space<semaphore_mem>>)
      %dma_wait3A_410 = arith.constant 0 : i32
      %dma_wait3A_411 = tpu.memref_slice %arg3[%mul3A_11, %dma_wait3A_410] : memref<5120x128xi32, #tpu.memory_space<hbm>> -> memref<160x128xi32, #tpu.memory_space<hbm>>
      %dma_wait3A_412 = arith.constant 0 : i32
      %dma_wait3A_413 = tpu.memref_slice %arg3[%mul3A_11, %dma_wait3A_412] : memref<5120x128xi32, #tpu.memory_space<hbm>> -> memref<160x128xi32, #tpu.memory_space<hbm>>
      tpu.wait_dma2 semaphore(%run_scoped3A : memref<!tpu.dma_semaphore, #tpu.memory_space<semaphore_mem>>) src(%dma_wait3A_413 : memref<160x128xi32, #tpu.memory_space<hbm>>) dst(%arg7 : memref<160x128xi32, #tpu.memory_space<vmem>>)
      tpu.yield
    }) : () -> ()
    "tpu.region"() ({
      %run_scoped3A = tpu.sem_alloc : memref<!tpu.dma_semaphore, #tpu.memory_space<semaphore_mem>>
      %dma_start3A_406 = arith.constant 0 : i32
      %dma_start3A_407 = tpu.memref_slice %arg4[%mul3A_11, %dma_start3A_406] : memref<5120x128xi32, #tpu.memory_space<hbm>> -> memref<160x128xi32, #tpu.memory_space<hbm>>
      %dma_start3A_408 = arith.constant 0 : i32
      %dma_start3A_409 = tpu.memref_slice %arg4[%mul3A_11, %dma_start3A_408] : memref<5120x128xi32, #tpu.memory_space<hbm>> -> memref<160x128xi32, #tpu.memory_space<hbm>>
      tpu.enqueue_dma source(%dma_start3A_409 : memref<160x128xi32, #tpu.memory_space<hbm>>) target(%arg8 : memref<160x128xi32, #tpu.memory_space<vmem>>) target_semaphore(%run_scoped3A : memref<!tpu.dma_semaphore, #tpu.memory_space<semaphore_mem>>)
      %dma_wait3A_410 = arith.constant 0 : i32
      %dma_wait3A_411 = tpu.memref_slice %arg4[%mul3A_11, %dma_wait3A_410] : memref<5120x128xi32, #tpu.memory_space<hbm>> -> memref<160x128xi32, #tpu.memory_space<hbm>>
      %dma_wait3A_412 = arith.constant 0 : i32
      %dma_wait3A_413 = tpu.memref_slice %arg4[%mul3A_11, %dma_wait3A_412] : memref<5120x128xi32, #tpu.memory_space<hbm>> -> memref<160x128xi32, #tpu.memory_space<hbm>>
      tpu.wait_dma2 semaphore(%run_scoped3A : memref<!tpu.dma_semaphore, #tpu.memory_space<semaphore_mem>>) src(%dma_wait3A_413 : memref<160x128xi32, #tpu.memory_space<hbm>>) dst(%arg8 : memref<160x128xi32, #tpu.memory_space<vmem>>)
      tpu.yield
    }) : () -> ()
    %barrier3A = arith.constant 0 : index
    tpu.barrier barrier_id(%barrier3A)
    %dma_start3A = arith.constant 0 : i32
    %dma_start3A_12 = arith.constant 0 : i32
    %dma_start3A_13 = arith.constant 0 : i32
    %dma_start3A_14 = arith.constant 0 : i32
    %dma_start3A_15 = tpu.memref_slice %arg9[%dma_start3A_12, %dma_start3A_13, %dma_start3A_14] : memref<8x128x32xf32, #tpu.memory_space<vmem>> -> memref<1x128x32xf32, #tpu.memory_space<vmem>>
    %dma_start3A_16 = tpu.memref_squeeze %dma_start3A_15 : memref<1x128x32xf32, #tpu.memory_space<vmem>> -> memref<128x32xf32, #tpu.memory_space<vmem>>
    %dma_start3A_17 = arith.constant 0 : i32
    %dma_start3A_18 = tpu.memref_slice %arg7[%dma_start3A, %dma_start3A_17] : memref<160x128xi32, #tpu.memory_space<vmem>> -> memref<1x128xi32, #tpu.memory_space<vmem>>
    %dma_start3A_19 = tpu.memref_squeeze %dma_start3A_18 : memref<1x128xi32, #tpu.memory_space<vmem>> -> memref<128xi32, #tpu.memory_space<vmem>>
    %dma_start3A_20 = arith.constant 0 : i32
    %dma_start3A_21 = arith.constant 0 : i32
    %dma_start3A_22 = tpu.memref_slice %arg2[%dma_start3A_20, %dma_start3A_21] : memref<20000x32xf32, #tpu.memory_space<hbm>> -> memref<20000x32xf32, #tpu.memory_space<hbm>>
    tpu.enqueue_indirect_dma source(%dma_start3A_22 : memref<20000x32xf32, #tpu.memory_space<hbm>>) target(%dma_start3A_16 : memref<128x32xf32, #tpu.memory_space<vmem>>) offsets(%dma_start3A_19 : memref<128xi32, #tpu.memory_space<vmem>>) semaphore(%arg10 : memref<!tpu.dma_semaphore, #tpu.memory_space<semaphore_mem>>)
    %dma_start3A_23 = arith.constant 1 : i32
    %dma_start3A_24 = arith.constant 1 : i32
    %dma_start3A_25 = arith.constant 0 : i32
    %dma_start3A_26 = arith.constant 0 : i32
    %dma_start3A_27 = tpu.memref_slice %arg9[%dma_start3A_24, %dma_start3A_25, %dma_start3A_26] : memref<8x128x32xf32, #tpu.memory_space<vmem>> -> memref<1x128x32xf32, #tpu.memory_space<vmem>>
    %dma_start3A_28 = tpu.memref_squeeze %dma_start3A_27 : memref<1x128x32xf32, #tpu.memory_space<vmem>> -> memref<128x32xf32, #tpu.memory_space<vmem>>
    %dma_start3A_29 = arith.constant 0 : i32
    %dma_start3A_30 = tpu.memref_slice %arg7[%dma_start3A_23, %dma_start3A_29] : memref<160x128xi32, #tpu.memory_space<vmem>> -> memref<1x128xi32, #tpu.memory_space<vmem>>
    %dma_start3A_31 = tpu.memref_squeeze %dma_start3A_30 : memref<1x128xi32, #tpu.memory_space<vmem>> -> memref<128xi32, #tpu.memory_space<vmem>>
    %dma_start3A_32 = arith.constant 0 : i32
    %dma_start3A_33 = arith.constant 0 : i32
    %dma_start3A_34 = tpu.memref_slice %arg2[%dma_start3A_32, %dma_start3A_33] : memref<20000x32xf32, #tpu.memory_space<hbm>> -> memref<20000x32xf32, #tpu.memory_space<hbm>>
    tpu.enqueue_indirect_dma source(%dma_start3A_34 : memref<20000x32xf32, #tpu.memory_space<hbm>>) target(%dma_start3A_28 : memref<128x32xf32, #tpu.memory_space<vmem>>) offsets(%dma_start3A_31 : memref<128xi32, #tpu.memory_space<vmem>>) semaphore(%arg11 : memref<!tpu.dma_semaphore, #tpu.memory_space<semaphore_mem>>)
    %dma_start3A_35 = arith.constant 2 : i32
    %dma_start3A_36 = arith.constant 2 : i32
    %dma_start3A_37 = arith.constant 0 : i32
    %dma_start3A_38 = arith.constant 0 : i32
    %dma_start3A_39 = tpu.memref_slice %arg9[%dma_start3A_36, %dma_start3A_37, %dma_start3A_38] : memref<8x128x32xf32, #tpu.memory_space<vmem>> -> memref<1x128x32xf32, #tpu.memory_space<vmem>>
    %dma_start3A_40 = tpu.memref_squeeze %dma_start3A_39 : memref<1x128x32xf32, #tpu.memory_space<vmem>> -> memref<128x32xf32, #tpu.memory_space<vmem>>
    %dma_start3A_41 = arith.constant 0 : i32
    %dma_start3A_42 = tpu.memref_slice %arg7[%dma_start3A_35, %dma_start3A_41] : memref<160x128xi32, #tpu.memory_space<vmem>> -> memref<1x128xi32, #tpu.memory_space<vmem>>
    %dma_start3A_43 = tpu.memref_squeeze %dma_start3A_42 : memref<1x128xi32, #tpu.memory_space<vmem>> -> memref<128xi32, #tpu.memory_space<vmem>>
    %dma_start3A_44 = arith.constant 0 : i32
    %dma_start3A_45 = arith.constant 0 : i32
    %dma_start3A_46 = tpu.memref_slice %arg2[%dma_start3A_44, %dma_start3A_45] : memref<20000x32xf32, #tpu.memory_space<hbm>> -> memref<20000x32xf32, #tpu.memory_space<hbm>>
    tpu.enqueue_indirect_dma source(%dma_start3A_46 : memref<20000x32xf32, #tpu.memory_space<hbm>>) target(%dma_start3A_40 : memref<128x32xf32, #tpu.memory_space<vmem>>) offsets(%dma_start3A_43 : memref<128xi32, #tpu.memory_space<vmem>>) semaphore(%arg12 : memref<!tpu.dma_semaphore, #tpu.memory_space<semaphore_mem>>)
    %dma_start3A_47 = arith.constant 3 : i32
    %dma_start3A_48 = arith.constant 3 : i32
    %dma_start3A_49 = arith.constant 0 : i32
    %dma_start3A_50 = arith.constant 0 : i32
    %dma_start3A_51 = tpu.memref_slice %arg9[%dma_start3A_48, %dma_start3A_49, %dma_start3A_50] : memref<8x128x32xf32, #tpu.memory_space<vmem>> -> memref<1x128x32xf32, #tpu.memory_space<vmem>>
    %dma_start3A_52 = tpu.memref_squeeze %dma_start3A_51 : memref<1x128x32xf32, #tpu.memory_space<vmem>> -> memref<128x32xf32, #tpu.memory_space<vmem>>
    %dma_start3A_53 = arith.constant 0 : i32
    %dma_start3A_54 = tpu.memref_slice %arg7[%dma_start3A_47, %dma_start3A_53] : memref<160x128xi32, #tpu.memory_space<vmem>> -> memref<1x128xi32, #tpu.memory_space<vmem>>
    %dma_start3A_55 = tpu.memref_squeeze %dma_start3A_54 : memref<1x128xi32, #tpu.memory_space<vmem>> -> memref<128xi32, #tpu.memory_space<vmem>>
    %dma_start3A_56 = arith.constant 0 : i32
    %dma_start3A_57 = arith.constant 0 : i32
    %dma_start3A_58 = tpu.memref_slice %arg2[%dma_start3A_56, %dma_start3A_57] : memref<20000x32xf32, #tpu.memory_space<hbm>> -> memref<20000x32xf32, #tpu.memory_space<hbm>>
    tpu.enqueue_indirect_dma source(%dma_start3A_58 : memref<20000x32xf32, #tpu.memory_space<hbm>>) target(%dma_start3A_52 : memref<128x32xf32, #tpu.memory_space<vmem>>) offsets(%dma_start3A_55 : memref<128xi32, #tpu.memory_space<vmem>>) semaphore(%arg13 : memref<!tpu.dma_semaphore, #tpu.memory_space<semaphore_mem>>)
    %dma_start3A_59 = arith.constant 4 : i32
    %dma_start3A_60 = arith.constant 4 : i32
    %dma_start3A_61 = arith.constant 0 : i32
    %dma_start3A_62 = arith.constant 0 : i32
    %dma_start3A_63 = tpu.memref_slice %arg9[%dma_start3A_60, %dma_start3A_61, %dma_start3A_62] : memref<8x128x32xf32, #tpu.memory_space<vmem>> -> memref<1x128x32xf32, #tpu.memory_space<vmem>>
    %dma_start3A_64 = tpu.memref_squeeze %dma_start3A_63 : memref<1x128x32xf32, #tpu.memory_space<vmem>> -> memref<128x32xf32, #tpu.memory_space<vmem>>
    %dma_start3A_65 = arith.constant 0 : i32
    %dma_start3A_66 = tpu.memref_slice %arg7[%dma_start3A_59, %dma_start3A_65] : memref<160x128xi32, #tpu.memory_space<vmem>> -> memref<1x128xi32, #tpu.memory_space<vmem>>
    %dma_start3A_67 = tpu.memref_squeeze %dma_start3A_66 : memref<1x128xi32, #tpu.memory_space<vmem>> -> memref<128xi32, #tpu.memory_space<vmem>>
    %dma_start3A_68 = arith.constant 0 : i32
    %dma_start3A_69 = arith.constant 0 : i32
    %dma_start3A_70 = tpu.memref_slice %arg2[%dma_start3A_68, %dma_start3A_69] : memref<20000x32xf32, #tpu.memory_space<hbm>> -> memref<20000x32xf32, #tpu.memory_space<hbm>>
    tpu.enqueue_indirect_dma source(%dma_start3A_70 : memref<20000x32xf32, #tpu.memory_space<hbm>>) target(%dma_start3A_64 : memref<128x32xf32, #tpu.memory_space<vmem>>) offsets(%dma_start3A_67 : memref<128xi32, #tpu.memory_space<vmem>>) semaphore(%arg14 : memref<!tpu.dma_semaphore, #tpu.memory_space<semaphore_mem>>)
    %dma_start3A_71 = arith.constant 5 : i32
    %dma_start3A_72 = arith.constant 5 : i32
    %dma_start3A_73 = arith.constant 0 : i32
    %dma_start3A_74 = arith.constant 0 : i32
    %dma_start3A_75 = tpu.memref_slice %arg9[%dma_start3A_72, %dma_start3A_73, %dma_start3A_74] : memref<8x128x32xf32, #tpu.memory_space<vmem>> -> memref<1x128x32xf32, #tpu.memory_space<vmem>>
    %dma_start3A_76 = tpu.memref_squeeze %dma_start3A_75 : memref<1x128x32xf32, #tpu.memory_space<vmem>> -> memref<128x32xf32, #tpu.memory_space<vmem>>
    %dma_start3A_77 = arith.constant 0 : i32
    %dma_start3A_78 = tpu.memref_slice %arg7[%dma_start3A_71, %dma_start3A_77] : memref<160x128xi32, #tpu.memory_space<vmem>> -> memref<1x128xi32, #tpu.memory_space<vmem>>
    %dma_start3A_79 = tpu.memref_squeeze %dma_start3A_78 : memref<1x128xi32, #tpu.memory_space<vmem>> -> memref<128xi32, #tpu.memory_space<vmem>>
    %dma_start3A_80 = arith.constant 0 : i32
    %dma_start3A_81 = arith.constant 0 : i32
    %dma_start3A_82 = tpu.memref_slice %arg2[%dma_start3A_80, %dma_start3A_81] : memref<20000x32xf32, #tpu.memory_space<hbm>> -> memref<20000x32xf32, #tpu.memory_space<hbm>>
    tpu.enqueue_indirect_dma source(%dma_start3A_82 : memref<20000x32xf32, #tpu.memory_space<hbm>>) target(%dma_start3A_76 : memref<128x32xf32, #tpu.memory_space<vmem>>) offsets(%dma_start3A_79 : memref<128xi32, #tpu.memory_space<vmem>>) semaphore(%arg15 : memref<!tpu.dma_semaphore, #tpu.memory_space<semaphore_mem>>)
    %dma_start3A_83 = arith.constant 6 : i32
    %dma_start3A_84 = arith.constant 6 : i32
    %dma_start3A_85 = arith.constant 0 : i32
    %dma_start3A_86 = arith.constant 0 : i32
    %dma_start3A_87 = tpu.memref_slice %arg9[%dma_start3A_84, %dma_start3A_85, %dma_start3A_86] : memref<8x128x32xf32, #tpu.memory_space<vmem>> -> memref<1x128x32xf32, #tpu.memory_space<vmem>>
    %dma_start3A_88 = tpu.memref_squeeze %dma_start3A_87 : memref<1x128x32xf32, #tpu.memory_space<vmem>> -> memref<128x32xf32, #tpu.memory_space<vmem>>
    %dma_start3A_89 = arith.constant 0 : i32
    %dma_start3A_90 = tpu.memref_slice %arg7[%dma_start3A_83, %dma_start3A_89] : memref<160x128xi32, #tpu.memory_space<vmem>> -> memref<1x128xi32, #tpu.memory_space<vmem>>
    %dma_start3A_91 = tpu.memref_squeeze %dma_start3A_90 : memref<1x128xi32, #tpu.memory_space<vmem>> -> memref<128xi32, #tpu.memory_space<vmem>>
    %dma_start3A_92 = arith.constant 0 : i32
    %dma_start3A_93 = arith.constant 0 : i32
    %dma_start3A_94 = tpu.memref_slice %arg2[%dma_start3A_92, %dma_start3A_93] : memref<20000x32xf32, #tpu.memory_space<hbm>> -> memref<20000x32xf32, #tpu.memory_space<hbm>>
    tpu.enqueue_indirect_dma source(%dma_start3A_94 : memref<20000x32xf32, #tpu.memory_space<hbm>>) target(%dma_start3A_88 : memref<128x32xf32, #tpu.memory_space<vmem>>) offsets(%dma_start3A_91 : memref<128xi32, #tpu.memory_space<vmem>>) semaphore(%arg16 : memref<!tpu.dma_semaphore, #tpu.memory_space<semaphore_mem>>)
    %dma_start3A_95 = arith.constant 7 : i32
    %dma_start3A_96 = arith.constant 7 : i32
    %dma_start3A_97 = arith.constant 0 : i32
    %dma_start3A_98 = arith.constant 0 : i32
    %dma_start3A_99 = tpu.memref_slice %arg9[%dma_start3A_96, %dma_start3A_97, %dma_start3A_98] : memref<8x128x32xf32, #tpu.memory_space<vmem>> -> memref<1x128x32xf32, #tpu.memory_space<vmem>>
    %dma_start3A_100 = tpu.memref_squeeze %dma_start3A_99 : memref<1x128x32xf32, #tpu.memory_space<vmem>> -> memref<128x32xf32, #tpu.memory_space<vmem>>
    %dma_start3A_101 = arith.constant 0 : i32
    %dma_start3A_102 = tpu.memref_slice %arg7[%dma_start3A_95, %dma_start3A_101] : memref<160x128xi32, #tpu.memory_space<vmem>> -> memref<1x128xi32, #tpu.memory_space<vmem>>
    %dma_start3A_103 = tpu.memref_squeeze %dma_start3A_102 : memref<1x128xi32, #tpu.memory_space<vmem>> -> memref<128xi32, #tpu.memory_space<vmem>>
    %dma_start3A_104 = arith.constant 0 : i32
    %dma_start3A_105 = arith.constant 0 : i32
    %dma_start3A_106 = tpu.memref_slice %arg2[%dma_start3A_104, %dma_start3A_105] : memref<20000x32xf32, #tpu.memory_space<hbm>> -> memref<20000x32xf32, #tpu.memory_space<hbm>>
    tpu.enqueue_indirect_dma source(%dma_start3A_106 : memref<20000x32xf32, #tpu.memory_space<hbm>>) target(%dma_start3A_100 : memref<128x32xf32, #tpu.memory_space<vmem>>) offsets(%dma_start3A_103 : memref<128xi32, #tpu.memory_space<vmem>>) semaphore(%arg17 : memref<!tpu.dma_semaphore, #tpu.memory_space<semaphore_mem>>)
    %scan3A = arith.constant 0 : i32
    %scan3A_107 = arith.constant 19 : i32
    %scan3A_108 = arith.addi %scan3A, %scan3A_107 : i32
    %scan3A_109 = arith.constant 1 : i32
    scf.for %scan3A_406 = %scan3A to %scan3A_108 step %scan3A_109  : i32 {
      %mul3A_407 = arith.constant 1 : i32
      %mul3A_408 = arith.muli %scan3A_406, %mul3A_407 : i32
      %add3A_409 = arith.constant 0 : i32
      %add3A_410 = arith.addi %add3A_409, %mul3A_408 : i32
      %mul3A_411 = arith.constant 8 : i32
      %mul3A_412 = arith.muli %add3A_410, %mul3A_411 : i32
      %add3A_413 = arith.constant 0 : i32
      %add3A_414 = arith.addi %mul3A_412, %add3A_413 : i32
      %dma_wait3A_415 = arith.constant 0 : i32
      %dma_wait3A_416 = arith.constant 0 : i32
      %dma_wait3A_417 = arith.constant 0 : i32
      %dma_wait3A_418 = tpu.memref_slice %arg9[%dma_wait3A_415, %dma_wait3A_416, %dma_wait3A_417] : memref<8x128x32xf32, #tpu.memory_space<vmem>> -> memref<1x128x32xf32, #tpu.memory_space<vmem>>
      %dma_wait3A_419 = tpu.memref_squeeze %dma_wait3A_418 : memref<1x128x32xf32, #tpu.memory_space<vmem>> -> memref<128x32xf32, #tpu.memory_space<vmem>>
      %dma_wait3A_420 = arith.constant 0 : i32
      %dma_wait3A_421 = tpu.memref_slice %arg7[%add3A_414, %dma_wait3A_420] : memref<160x128xi32, #tpu.memory_space<vmem>> -> memref<1x128xi32, #tpu.memory_space<vmem>>
      %dma_wait3A_422 = tpu.memref_squeeze %dma_wait3A_421 : memref<1x128xi32, #tpu.memory_space<vmem>> -> memref<128xi32, #tpu.memory_space<vmem>>
      %dma_wait3A_423 = arith.constant 0 : i32
      %dma_wait3A_424 = arith.constant 0 : i32
      %dma_wait3A_425 = tpu.memref_slice %arg2[%dma_wait3A_423, %dma_wait3A_424] : memref<20000x32xf32, #tpu.memory_space<hbm>> -> memref<20000x32xf32, #tpu.memory_space<hbm>>
      tpu.wait_indirect_dma semaphore(%arg10 : memref<!tpu.dma_semaphore, #tpu.memory_space<semaphore_mem>>) src(%dma_wait3A_425 : memref<20000x32xf32, #tpu.memory_space<hbm>>) dst(%dma_wait3A_419 : memref<128x32xf32, #tpu.memory_space<vmem>>)
      %dma_start3A_426 = arith.constant 0 : i32
      %dma_start3A_427 = arith.constant 0 : i32
      %dma_start3A_428 = arith.constant 0 : i32
      %dma_start3A_429 = tpu.memref_slice %arg9[%dma_start3A_426, %dma_start3A_427, %dma_start3A_428] : memref<8x128x32xf32, #tpu.memory_space<vmem>> -> memref<1x128x32xf32, #tpu.memory_space<vmem>>
      %dma_start3A_430 = tpu.memref_squeeze %dma_start3A_429 : memref<1x128x32xf32, #tpu.memory_space<vmem>> -> memref<128x32xf32, #tpu.memory_space<vmem>>
      %dma_start3A_431 = arith.constant 0 : i32
      %dma_start3A_432 = tpu.memref_slice %arg8[%add3A_414, %dma_start3A_431] : memref<160x128xi32, #tpu.memory_space<vmem>> -> memref<1x128xi32, #tpu.memory_space<vmem>>
      %dma_start3A_433 = tpu.memref_squeeze %dma_start3A_432 : memref<1x128xi32, #tpu.memory_space<vmem>> -> memref<128xi32, #tpu.memory_space<vmem>>
      %dma_start3A_434 = arith.constant 0 : i32
      %dma_start3A_435 = arith.constant 0 : i32
      %dma_start3A_436 = tpu.memref_slice %arg6[%dma_start3A_434, %dma_start3A_435] : memref<10016x32xf32, #tpu.memory_space<vmem_shared>> -> memref<10016x32xf32, #tpu.memory_space<vmem_shared>>
      tpu.enqueue_indirect_dma source(%dma_start3A_430 : memref<128x32xf32, #tpu.memory_space<vmem>>) target(%dma_start3A_436 : memref<10016x32xf32, #tpu.memory_space<vmem_shared>>) offsets(%dma_start3A_433 : memref<128xi32, #tpu.memory_space<vmem>>) semaphore(%arg18 : memref<!tpu.dma_semaphore, #tpu.memory_space<semaphore_mem>>) {add = true}
      %mul3A_437 = arith.constant 8 : i32
      %mul3A_438 = arith.muli %add3A_410, %mul3A_437 : i32
      %add3A_439 = arith.constant 1 : i32
      %add3A_440 = arith.addi %mul3A_438, %add3A_439 : i32
      %dma_wait3A_441 = arith.constant 1 : i32
      %dma_wait3A_442 = arith.constant 0 : i32
      %dma_wait3A_443 = arith.constant 0 : i32
      %dma_wait3A_444 = tpu.memref_slice %arg9[%dma_wait3A_441, %dma_wait3A_442, %dma_wait3A_443] : memref<8x128x32xf32, #tpu.memory_space<vmem>> -> memref<1x128x32xf32, #tpu.memory_space<vmem>>
      %dma_wait3A_445 = tpu.memref_squeeze %dma_wait3A_444 : memref<1x128x32xf32, #tpu.memory_space<vmem>> -> memref<128x32xf32, #tpu.memory_space<vmem>>
      %dma_wait3A_446 = arith.constant 0 : i32
      %dma_wait3A_447 = tpu.memref_slice %arg7[%add3A_440, %dma_wait3A_446] : memref<160x128xi32, #tpu.memory_space<vmem>> -> memref<1x128xi32, #tpu.memory_space<vmem>>
      %dma_wait3A_448 = tpu.memref_squeeze %dma_wait3A_447 : memref<1x128xi32, #tpu.memory_space<vmem>> -> memref<128xi32, #tpu.memory_space<vmem>>
      %dma_wait3A_449 = arith.constant 0 : i32
      %dma_wait3A_450 = arith.constant 0 : i32
      %dma_wait3A_451 = tpu.memref_slice %arg2[%dma_wait3A_449, %dma_wait3A_450] : memref<20000x32xf32, #tpu.memory_space<hbm>> -> memref<20000x32xf32, #tpu.memory_space<hbm>>
      tpu.wait_indirect_dma semaphore(%arg11 : memref<!tpu.dma_semaphore, #tpu.memory_space<semaphore_mem>>) src(%dma_wait3A_451 : memref<20000x32xf32, #tpu.memory_space<hbm>>) dst(%dma_wait3A_445 : memref<128x32xf32, #tpu.memory_space<vmem>>)
      %dma_start3A_452 = arith.constant 1 : i32
      %dma_start3A_453 = arith.constant 0 : i32
      %dma_start3A_454 = arith.constant 0 : i32
      %dma_start3A_455 = tpu.memref_slice %arg9[%dma_start3A_452, %dma_start3A_453, %dma_start3A_454] : memref<8x128x32xf32, #tpu.memory_space<vmem>> -> memref<1x128x32xf32, #tpu.memory_space<vmem>>
      %dma_start3A_456 = tpu.memref_squeeze %dma_start3A_455 : memref<1x128x32xf32, #tpu.memory_space<vmem>> -> memref<128x32xf32, #tpu.memory_space<vmem>>
      %dma_start3A_457 = arith.constant 0 : i32
      %dma_start3A_458 = tpu.memref_slice %arg8[%add3A_440, %dma_start3A_457] : memref<160x128xi32, #tpu.memory_space<vmem>> -> memref<1x128xi32, #tpu.memory_space<vmem>>
      %dma_start3A_459 = tpu.memref_squeeze %dma_start3A_458 : memref<1x128xi32, #tpu.memory_space<vmem>> -> memref<128xi32, #tpu.memory_space<vmem>>
      %dma_start3A_460 = arith.constant 0 : i32
      %dma_start3A_461 = arith.constant 0 : i32
      %dma_start3A_462 = tpu.memref_slice %arg6[%dma_start3A_460, %dma_start3A_461] : memref<10016x32xf32, #tpu.memory_space<vmem_shared>> -> memref<10016x32xf32, #tpu.memory_space<vmem_shared>>
      tpu.enqueue_indirect_dma source(%dma_start3A_456 : memref<128x32xf32, #tpu.memory_space<vmem>>) target(%dma_start3A_462 : memref<10016x32xf32, #tpu.memory_space<vmem_shared>>) offsets(%dma_start3A_459 : memref<128xi32, #tpu.memory_space<vmem>>) semaphore(%arg19 : memref<!tpu.dma_semaphore, #tpu.memory_space<semaphore_mem>>) {add = true}
      %mul3A_463 = arith.constant 8 : i32
      %mul3A_464 = arith.muli %add3A_410, %mul3A_463 : i32
      %add3A_465 = arith.constant 2 : i32
      %add3A_466 = arith.addi %mul3A_464, %add3A_465 : i32
      %dma_wait3A_467 = arith.constant 2 : i32
      %dma_wait3A_468 = arith.constant 0 : i32
      %dma_wait3A_469 = arith.constant 0 : i32
      %dma_wait3A_470 = tpu.memref_slice %arg9[%dma_wait3A_467, %dma_wait3A_468, %dma_wait3A_469] : memref<8x128x32xf32, #tpu.memory_space<vmem>> -> memref<1x128x32xf32, #tpu.memory_space<vmem>>
      %dma_wait3A_471 = tpu.memref_squeeze %dma_wait3A_470 : memref<1x128x32xf32, #tpu.memory_space<vmem>> -> memref<128x32xf32, #tpu.memory_space<vmem>>
      %dma_wait3A_472 = arith.constant 0 : i32
      %dma_wait3A_473 = tpu.memref_slice %arg7[%add3A_466, %dma_wait3A_472] : memref<160x128xi32, #tpu.memory_space<vmem>> -> memref<1x128xi32, #tpu.memory_space<vmem>>
      %dma_wait3A_474 = tpu.memref_squeeze %dma_wait3A_473 : memref<1x128xi32, #tpu.memory_space<vmem>> -> memref<128xi32, #tpu.memory_space<vmem>>
      %dma_wait3A_475 = arith.constant 0 : i32
      %dma_wait3A_476 = arith.constant 0 : i32
      %dma_wait3A_477 = tpu.memref_slice %arg2[%dma_wait3A_475, %dma_wait3A_476] : memref<20000x32xf32, #tpu.memory_space<hbm>> -> memref<20000x32xf32, #tpu.memory_space<hbm>>
      tpu.wait_indirect_dma semaphore(%arg12 : memref<!tpu.dma_semaphore, #tpu.memory_space<semaphore_mem>>) src(%dma_wait3A_477 : memref<20000x32xf32, #tpu.memory_space<hbm>>) dst(%dma_wait3A_471 : memref<128x32xf32, #tpu.memory_space<vmem>>)
      %dma_start3A_478 = arith.constant 2 : i32
      %dma_start3A_479 = arith.constant 0 : i32
      %dma_start3A_480 = arith.constant 0 : i32
      %dma_start3A_481 = tpu.memref_slice %arg9[%dma_start3A_478, %dma_start3A_479, %dma_start3A_480] : memref<8x128x32xf32, #tpu.memory_space<vmem>> -> memref<1x128x32xf32, #tpu.memory_space<vmem>>
      %dma_start3A_482 = tpu.memref_squeeze %dma_start3A_481 : memref<1x128x32xf32, #tpu.memory_space<vmem>> -> memref<128x32xf32, #tpu.memory_space<vmem>>
      %dma_start3A_483 = arith.constant 0 : i32
      %dma_start3A_484 = tpu.memref_slice %arg8[%add3A_466, %dma_start3A_483] : memref<160x128xi32, #tpu.memory_space<vmem>> -> memref<1x128xi32, #tpu.memory_space<vmem>>
      %dma_start3A_485 = tpu.memref_squeeze %dma_start3A_484 : memref<1x128xi32, #tpu.memory_space<vmem>> -> memref<128xi32, #tpu.memory_space<vmem>>
      %dma_start3A_486 = arith.constant 0 : i32
      %dma_start3A_487 = arith.constant 0 : i32
      %dma_start3A_488 = tpu.memref_slice %arg6[%dma_start3A_486, %dma_start3A_487] : memref<10016x32xf32, #tpu.memory_space<vmem_shared>> -> memref<10016x32xf32, #tpu.memory_space<vmem_shared>>
      tpu.enqueue_indirect_dma source(%dma_start3A_482 : memref<128x32xf32, #tpu.memory_space<vmem>>) target(%dma_start3A_488 : memref<10016x32xf32, #tpu.memory_space<vmem_shared>>) offsets(%dma_start3A_485 : memref<128xi32, #tpu.memory_space<vmem>>) semaphore(%arg20 : memref<!tpu.dma_semaphore, #tpu.memory_space<semaphore_mem>>) {add = true}
      %mul3A_489 = arith.constant 8 : i32
      %mul3A_490 = arith.muli %add3A_410, %mul3A_489 : i32
      %add3A_491 = arith.constant 3 : i32
      %add3A_492 = arith.addi %mul3A_490, %add3A_491 : i32
      %dma_wait3A_493 = arith.constant 3 : i32
      %dma_wait3A_494 = arith.constant 0 : i32
      %dma_wait3A_495 = arith.constant 0 : i32
      %dma_wait3A_496 = tpu.memref_slice %arg9[%dma_wait3A_493, %dma_wait3A_494, %dma_wait3A_495] : memref<8x128x32xf32, #tpu.memory_space<vmem>> -> memref<1x128x32xf32, #tpu.memory_space<vmem>>
      %dma_wait3A_497 = tpu.memref_squeeze %dma_wait3A_496 : memref<1x128x32xf32, #tpu.memory_space<vmem>> -> memref<128x32xf32, #tpu.memory_space<vmem>>
      %dma_wait3A_498 = arith.constant 0 : i32
      %dma_wait3A_499 = tpu.memref_slice %arg7[%add3A_492, %dma_wait3A_498] : memref<160x128xi32, #tpu.memory_space<vmem>> -> memref<1x128xi32, #tpu.memory_space<vmem>>
      %dma_wait3A_500 = tpu.memref_squeeze %dma_wait3A_499 : memref<1x128xi32, #tpu.memory_space<vmem>> -> memref<128xi32, #tpu.memory_space<vmem>>
      %dma_wait3A_501 = arith.constant 0 : i32
      %dma_wait3A_502 = arith.constant 0 : i32
      %dma_wait3A_503 = tpu.memref_slice %arg2[%dma_wait3A_501, %dma_wait3A_502] : memref<20000x32xf32, #tpu.memory_space<hbm>> -> memref<20000x32xf32, #tpu.memory_space<hbm>>
      tpu.wait_indirect_dma semaphore(%arg13 : memref<!tpu.dma_semaphore, #tpu.memory_space<semaphore_mem>>) src(%dma_wait3A_503 : memref<20000x32xf32, #tpu.memory_space<hbm>>) dst(%dma_wait3A_497 : memref<128x32xf32, #tpu.memory_space<vmem>>)
      %dma_start3A_504 = arith.constant 3 : i32
      %dma_start3A_505 = arith.constant 0 : i32
      %dma_start3A_506 = arith.constant 0 : i32
      %dma_start3A_507 = tpu.memref_slice %arg9[%dma_start3A_504, %dma_start3A_505, %dma_start3A_506] : memref<8x128x32xf32, #tpu.memory_space<vmem>> -> memref<1x128x32xf32, #tpu.memory_space<vmem>>
      %dma_start3A_508 = tpu.memref_squeeze %dma_start3A_507 : memref<1x128x32xf32, #tpu.memory_space<vmem>> -> memref<128x32xf32, #tpu.memory_space<vmem>>
      %dma_start3A_509 = arith.constant 0 : i32
      %dma_start3A_510 = tpu.memref_slice %arg8[%add3A_492, %dma_start3A_509] : memref<160x128xi32, #tpu.memory_space<vmem>> -> memref<1x128xi32, #tpu.memory_space<vmem>>
      %dma_start3A_511 = tpu.memref_squeeze %dma_start3A_510 : memref<1x128xi32, #tpu.memory_space<vmem>> -> memref<128xi32, #tpu.memory_space<vmem>>
      %dma_start3A_512 = arith.constant 0 : i32
      %dma_start3A_513 = arith.constant 0 : i32
      %dma_start3A_514 = tpu.memref_slice %arg6[%dma_start3A_512, %dma_start3A_513] : memref<10016x32xf32, #tpu.memory_space<vmem_shared>> -> memref<10016x32xf32, #tpu.memory_space<vmem_shared>>
      tpu.enqueue_indirect_dma source(%dma_start3A_508 : memref<128x32xf32, #tpu.memory_space<vmem>>) target(%dma_start3A_514 : memref<10016x32xf32, #tpu.memory_space<vmem_shared>>) offsets(%dma_start3A_511 : memref<128xi32, #tpu.memory_space<vmem>>) semaphore(%arg21 : memref<!tpu.dma_semaphore, #tpu.memory_space<semaphore_mem>>) {add = true}
      %mul3A_515 = arith.constant 8 : i32
      %mul3A_516 = arith.muli %add3A_410, %mul3A_515 : i32
      %add3A_517 = arith.constant 4 : i32
      %add3A_518 = arith.addi %mul3A_516, %add3A_517 : i32
      %dma_wait3A_519 = arith.constant 4 : i32
      %dma_wait3A_520 = arith.constant 0 : i32
      %dma_wait3A_521 = arith.constant 0 : i32
      %dma_wait3A_522 = tpu.memref_slice %arg9[%dma_wait3A_519, %dma_wait3A_520, %dma_wait3A_521] : memref<8x128x32xf32, #tpu.memory_space<vmem>> -> memref<1x128x32xf32, #tpu.memory_space<vmem>>
      %dma_wait3A_523 = tpu.memref_squeeze %dma_wait3A_522 : memref<1x128x32xf32, #tpu.memory_space<vmem>> -> memref<128x32xf32, #tpu.memory_space<vmem>>
      %dma_wait3A_524 = arith.constant 0 : i32
      %dma_wait3A_525 = tpu.memref_slice %arg7[%add3A_518, %dma_wait3A_524] : memref<160x128xi32, #tpu.memory_space<vmem>> -> memref<1x128xi32, #tpu.memory_space<vmem>>
      %dma_wait3A_526 = tpu.memref_squeeze %dma_wait3A_525 : memref<1x128xi32, #tpu.memory_space<vmem>> -> memref<128xi32, #tpu.memory_space<vmem>>
      %dma_wait3A_527 = arith.constant 0 : i32
      %dma_wait3A_528 = arith.constant 0 : i32
      %dma_wait3A_529 = tpu.memref_slice %arg2[%dma_wait3A_527, %dma_wait3A_528] : memref<20000x32xf32, #tpu.memory_space<hbm>> -> memref<20000x32xf32, #tpu.memory_space<hbm>>
      tpu.wait_indirect_dma semaphore(%arg14 : memref<!tpu.dma_semaphore, #tpu.memory_space<semaphore_mem>>) src(%dma_wait3A_529 : memref<20000x32xf32, #tpu.memory_space<hbm>>) dst(%dma_wait3A_523 : memref<128x32xf32, #tpu.memory_space<vmem>>)
      %dma_start3A_530 = arith.constant 4 : i32
      %dma_start3A_531 = arith.constant 0 : i32
      %dma_start3A_532 = arith.constant 0 : i32
      %dma_start3A_533 = tpu.memref_slice %arg9[%dma_start3A_530, %dma_start3A_531, %dma_start3A_532] : memref<8x128x32xf32, #tpu.memory_space<vmem>> -> memref<1x128x32xf32, #tpu.memory_space<vmem>>
      %dma_start3A_534 = tpu.memref_squeeze %dma_start3A_533 : memref<1x128x32xf32, #tpu.memory_space<vmem>> -> memref<128x32xf32, #tpu.memory_space<vmem>>
      %dma_start3A_535 = arith.constant 0 : i32
      %dma_start3A_536 = tpu.memref_slice %arg8[%add3A_518, %dma_start3A_535] : memref<160x128xi32, #tpu.memory_space<vmem>> -> memref<1x128xi32, #tpu.memory_space<vmem>>
      %dma_start3A_537 = tpu.memref_squeeze %dma_start3A_536 : memref<1x128xi32, #tpu.memory_space<vmem>> -> memref<128xi32, #tpu.memory_space<vmem>>
      %dma_start3A_538 = arith.constant 0 : i32
      %dma_start3A_539 = arith.constant 0 : i32
      %dma_start3A_540 = tpu.memref_slice %arg6[%dma_start3A_538, %dma_start3A_539] : memref<10016x32xf32, #tpu.memory_space<vmem_shared>> -> memref<10016x32xf32, #tpu.memory_space<vmem_shared>>
      tpu.enqueue_indirect_dma source(%dma_start3A_534 : memref<128x32xf32, #tpu.memory_space<vmem>>) target(%dma_start3A_540 : memref<10016x32xf32, #tpu.memory_space<vmem_shared>>) offsets(%dma_start3A_537 : memref<128xi32, #tpu.memory_space<vmem>>) semaphore(%arg22 : memref<!tpu.dma_semaphore, #tpu.memory_space<semaphore_mem>>) {add = true}
      %mul3A_541 = arith.constant 8 : i32
      %mul3A_542 = arith.muli %add3A_410, %mul3A_541 : i32
      %add3A_543 = arith.constant 5 : i32
      %add3A_544 = arith.addi %mul3A_542, %add3A_543 : i32
      %dma_wait3A_545 = arith.constant 5 : i32
      %dma_wait3A_546 = arith.constant 0 : i32
      %dma_wait3A_547 = arith.constant 0 : i32
      %dma_wait3A_548 = tpu.memref_slice %arg9[%dma_wait3A_545, %dma_wait3A_546, %dma_wait3A_547] : memref<8x128x32xf32, #tpu.memory_space<vmem>> -> memref<1x128x32xf32, #tpu.memory_space<vmem>>
      %dma_wait3A_549 = tpu.memref_squeeze %dma_wait3A_548 : memref<1x128x32xf32, #tpu.memory_space<vmem>> -> memref<128x32xf32, #tpu.memory_space<vmem>>
      %dma_wait3A_550 = arith.constant 0 : i32
      %dma_wait3A_551 = tpu.memref_slice %arg7[%add3A_544, %dma_wait3A_550] : memref<160x128xi32, #tpu.memory_space<vmem>> -> memref<1x128xi32, #tpu.memory_space<vmem>>
      %dma_wait3A_552 = tpu.memref_squeeze %dma_wait3A_551 : memref<1x128xi32, #tpu.memory_space<vmem>> -> memref<128xi32, #tpu.memory_space<vmem>>
      %dma_wait3A_553 = arith.constant 0 : i32
      %dma_wait3A_554 = arith.constant 0 : i32
      %dma_wait3A_555 = tpu.memref_slice %arg2[%dma_wait3A_553, %dma_wait3A_554] : memref<20000x32xf32, #tpu.memory_space<hbm>> -> memref<20000x32xf32, #tpu.memory_space<hbm>>
      tpu.wait_indirect_dma semaphore(%arg15 : memref<!tpu.dma_semaphore, #tpu.memory_space<semaphore_mem>>) src(%dma_wait3A_555 : memref<20000x32xf32, #tpu.memory_space<hbm>>) dst(%dma_wait3A_549 : memref<128x32xf32, #tpu.memory_space<vmem>>)
      %dma_start3A_556 = arith.constant 5 : i32
      %dma_start3A_557 = arith.constant 0 : i32
      %dma_start3A_558 = arith.constant 0 : i32
      %dma_start3A_559 = tpu.memref_slice %arg9[%dma_start3A_556, %dma_start3A_557, %dma_start3A_558] : memref<8x128x32xf32, #tpu.memory_space<vmem>> -> memref<1x128x32xf32, #tpu.memory_space<vmem>>
      %dma_start3A_560 = tpu.memref_squeeze %dma_start3A_559 : memref<1x128x32xf32, #tpu.memory_space<vmem>> -> memref<128x32xf32, #tpu.memory_space<vmem>>
      %dma_start3A_561 = arith.constant 0 : i32
      %dma_start3A_562 = tpu.memref_slice %arg8[%add3A_544, %dma_start3A_561] : memref<160x128xi32, #tpu.memory_space<vmem>> -> memref<1x128xi32, #tpu.memory_space<vmem>>
      %dma_start3A_563 = tpu.memref_squeeze %dma_start3A_562 : memref<1x128xi32, #tpu.memory_space<vmem>> -> memref<128xi32, #tpu.memory_space<vmem>>
      %dma_start3A_564 = arith.constant 0 : i32
      %dma_start3A_565 = arith.constant 0 : i32
      %dma_start3A_566 = tpu.memref_slice %arg6[%dma_start3A_564, %dma_start3A_565] : memref<10016x32xf32, #tpu.memory_space<vmem_shared>> -> memref<10016x32xf32, #tpu.memory_space<vmem_shared>>
      tpu.enqueue_indirect_dma source(%dma_start3A_560 : memref<128x32xf32, #tpu.memory_space<vmem>>) target(%dma_start3A_566 : memref<10016x32xf32, #tpu.memory_space<vmem_shared>>) offsets(%dma_start3A_563 : memref<128xi32, #tpu.memory_space<vmem>>) semaphore(%arg23 : memref<!tpu.dma_semaphore, #tpu.memory_space<semaphore_mem>>) {add = true}
      %mul3A_567 = arith.constant 8 : i32
      %mul3A_568 = arith.muli %add3A_410, %mul3A_567 : i32
      %add3A_569 = arith.constant 6 : i32
      %add3A_570 = arith.addi %mul3A_568, %add3A_569 : i32
      %dma_wait3A_571 = arith.constant 6 : i32
      %dma_wait3A_572 = arith.constant 0 : i32
      %dma_wait3A_573 = arith.constant 0 : i32
      %dma_wait3A_574 = tpu.memref_slice %arg9[%dma_wait3A_571, %dma_wait3A_572, %dma_wait3A_573] : memref<8x128x32xf32, #tpu.memory_space<vmem>> -> memref<1x128x32xf32, #tpu.memory_space<vmem>>
      %dma_wait3A_575 = tpu.memref_squeeze %dma_wait3A_574 : memref<1x128x32xf32, #tpu.memory_space<vmem>> -> memref<128x32xf32, #tpu.memory_space<vmem>>
      %dma_wait3A_576 = arith.constant 0 : i32
      %dma_wait3A_577 = tpu.memref_slice %arg7[%add3A_570, %dma_wait3A_576] : memref<160x128xi32, #tpu.memory_space<vmem>> -> memref<1x128xi32, #tpu.memory_space<vmem>>
      %dma_wait3A_578 = tpu.memref_squeeze %dma_wait3A_577 : memref<1x128xi32, #tpu.memory_space<vmem>> -> memref<128xi32, #tpu.memory_space<vmem>>
      %dma_wait3A_579 = arith.constant 0 : i32
      %dma_wait3A_580 = arith.constant 0 : i32
      %dma_wait3A_581 = tpu.memref_slice %arg2[%dma_wait3A_579, %dma_wait3A_580] : memref<20000x32xf32, #tpu.memory_space<hbm>> -> memref<20000x32xf32, #tpu.memory_space<hbm>>
      tpu.wait_indirect_dma semaphore(%arg16 : memref<!tpu.dma_semaphore, #tpu.memory_space<semaphore_mem>>) src(%dma_wait3A_581 : memref<20000x32xf32, #tpu.memory_space<hbm>>) dst(%dma_wait3A_575 : memref<128x32xf32, #tpu.memory_space<vmem>>)
      %dma_start3A_582 = arith.constant 6 : i32
      %dma_start3A_583 = arith.constant 0 : i32
      %dma_start3A_584 = arith.constant 0 : i32
      %dma_start3A_585 = tpu.memref_slice %arg9[%dma_start3A_582, %dma_start3A_583, %dma_start3A_584] : memref<8x128x32xf32, #tpu.memory_space<vmem>> -> memref<1x128x32xf32, #tpu.memory_space<vmem>>
      %dma_start3A_586 = tpu.memref_squeeze %dma_start3A_585 : memref<1x128x32xf32, #tpu.memory_space<vmem>> -> memref<128x32xf32, #tpu.memory_space<vmem>>
      %dma_start3A_587 = arith.constant 0 : i32
      %dma_start3A_588 = tpu.memref_slice %arg8[%add3A_570, %dma_start3A_587] : memref<160x128xi32, #tpu.memory_space<vmem>> -> memref<1x128xi32, #tpu.memory_space<vmem>>
      %dma_start3A_589 = tpu.memref_squeeze %dma_start3A_588 : memref<1x128xi32, #tpu.memory_space<vmem>> -> memref<128xi32, #tpu.memory_space<vmem>>
      %dma_start3A_590 = arith.constant 0 : i32
      %dma_start3A_591 = arith.constant 0 : i32
      %dma_start3A_592 = tpu.memref_slice %arg6[%dma_start3A_590, %dma_start3A_591] : memref<10016x32xf32, #tpu.memory_space<vmem_shared>> -> memref<10016x32xf32, #tpu.memory_space<vmem_shared>>
      tpu.enqueue_indirect_dma source(%dma_start3A_586 : memref<128x32xf32, #tpu.memory_space<vmem>>) target(%dma_start3A_592 : memref<10016x32xf32, #tpu.memory_space<vmem_shared>>) offsets(%dma_start3A_589 : memref<128xi32, #tpu.memory_space<vmem>>) semaphore(%arg24 : memref<!tpu.dma_semaphore, #tpu.memory_space<semaphore_mem>>) {add = true}
      %mul3A_593 = arith.constant 8 : i32
      %mul3A_594 = arith.muli %add3A_410, %mul3A_593 : i32
      %add3A_595 = arith.constant 7 : i32
      %add3A_596 = arith.addi %mul3A_594, %add3A_595 : i32
      %dma_wait3A_597 = arith.constant 7 : i32
      %dma_wait3A_598 = arith.constant 0 : i32
      %dma_wait3A_599 = arith.constant 0 : i32
      %dma_wait3A_600 = tpu.memref_slice %arg9[%dma_wait3A_597, %dma_wait3A_598, %dma_wait3A_599] : memref<8x128x32xf32, #tpu.memory_space<vmem>> -> memref<1x128x32xf32, #tpu.memory_space<vmem>>
      %dma_wait3A_601 = tpu.memref_squeeze %dma_wait3A_600 : memref<1x128x32xf32, #tpu.memory_space<vmem>> -> memref<128x32xf32, #tpu.memory_space<vmem>>
      %dma_wait3A_602 = arith.constant 0 : i32
      %dma_wait3A_603 = tpu.memref_slice %arg7[%add3A_596, %dma_wait3A_602] : memref<160x128xi32, #tpu.memory_space<vmem>> -> memref<1x128xi32, #tpu.memory_space<vmem>>
      %dma_wait3A_604 = tpu.memref_squeeze %dma_wait3A_603 : memref<1x128xi32, #tpu.memory_space<vmem>> -> memref<128xi32, #tpu.memory_space<vmem>>
      %dma_wait3A_605 = arith.constant 0 : i32
      %dma_wait3A_606 = arith.constant 0 : i32
      %dma_wait3A_607 = tpu.memref_slice %arg2[%dma_wait3A_605, %dma_wait3A_606] : memref<20000x32xf32, #tpu.memory_space<hbm>> -> memref<20000x32xf32, #tpu.memory_space<hbm>>
      tpu.wait_indirect_dma semaphore(%arg17 : memref<!tpu.dma_semaphore, #tpu.memory_space<semaphore_mem>>) src(%dma_wait3A_607 : memref<20000x32xf32, #tpu.memory_space<hbm>>) dst(%dma_wait3A_601 : memref<128x32xf32, #tpu.memory_space<vmem>>)
      %dma_start3A_608 = arith.constant 7 : i32
      %dma_start3A_609 = arith.constant 0 : i32
      %dma_start3A_610 = arith.constant 0 : i32
      %dma_start3A_611 = tpu.memref_slice %arg9[%dma_start3A_608, %dma_start3A_609, %dma_start3A_610] : memref<8x128x32xf32, #tpu.memory_space<vmem>> -> memref<1x128x32xf32, #tpu.memory_space<vmem>>
      %dma_start3A_612 = tpu.memref_squeeze %dma_start3A_611 : memref<1x128x32xf32, #tpu.memory_space<vmem>> -> memref<128x32xf32, #tpu.memory_space<vmem>>
      %dma_start3A_613 = arith.constant 0 : i32
      %dma_start3A_614 = tpu.memref_slice %arg8[%add3A_596, %dma_start3A_613] : memref<160x128xi32, #tpu.memory_space<vmem>> -> memref<1x128xi32, #tpu.memory_space<vmem>>
      %dma_start3A_615 = tpu.memref_squeeze %dma_start3A_614 : memref<1x128xi32, #tpu.memory_space<vmem>> -> memref<128xi32, #tpu.memory_space<vmem>>
      %dma_start3A_616 = arith.constant 0 : i32
      %dma_start3A_617 = arith.constant 0 : i32
      %dma_start3A_618 = tpu.memref_slice %arg6[%dma_start3A_616, %dma_start3A_617] : memref<10016x32xf32, #tpu.memory_space<vmem_shared>> -> memref<10016x32xf32, #tpu.memory_space<vmem_shared>>
      tpu.enqueue_indirect_dma source(%dma_start3A_612 : memref<128x32xf32, #tpu.memory_space<vmem>>) target(%dma_start3A_618 : memref<10016x32xf32, #tpu.memory_space<vmem_shared>>) offsets(%dma_start3A_615 : memref<128xi32, #tpu.memory_space<vmem>>) semaphore(%arg25 : memref<!tpu.dma_semaphore, #tpu.memory_space<semaphore_mem>>) {add = true}
      %mul3A_619 = arith.constant 8 : i32
      %mul3A_620 = arith.muli %add3A_410, %mul3A_619 : i32
      %add3A_621 = arith.constant 0 : i32
      %add3A_622 = arith.addi %mul3A_620, %add3A_621 : i32
      %dma_wait3A_623 = arith.constant 0 : i32
      %dma_wait3A_624 = arith.constant 0 : i32
      %dma_wait3A_625 = arith.constant 0 : i32
      %dma_wait3A_626 = tpu.memref_slice %arg9[%dma_wait3A_623, %dma_wait3A_624, %dma_wait3A_625] : memref<8x128x32xf32, #tpu.memory_space<vmem>> -> memref<1x128x32xf32, #tpu.memory_space<vmem>>
      %dma_wait3A_627 = tpu.memref_squeeze %dma_wait3A_626 : memref<1x128x32xf32, #tpu.memory_space<vmem>> -> memref<128x32xf32, #tpu.memory_space<vmem>>
      %dma_wait3A_628 = arith.constant 0 : i32
      %dma_wait3A_629 = tpu.memref_slice %arg8[%add3A_622, %dma_wait3A_628] : memref<160x128xi32, #tpu.memory_space<vmem>> -> memref<1x128xi32, #tpu.memory_space<vmem>>
      %dma_wait3A_630 = tpu.memref_squeeze %dma_wait3A_629 : memref<1x128xi32, #tpu.memory_space<vmem>> -> memref<128xi32, #tpu.memory_space<vmem>>
      %dma_wait3A_631 = arith.constant 0 : i32
      %dma_wait3A_632 = arith.constant 0 : i32
      %dma_wait3A_633 = tpu.memref_slice %arg6[%dma_wait3A_631, %dma_wait3A_632] : memref<10016x32xf32, #tpu.memory_space<vmem_shared>> -> memref<10016x32xf32, #tpu.memory_space<vmem_shared>>
      tpu.wait_indirect_dma semaphore(%arg18 : memref<!tpu.dma_semaphore, #tpu.memory_space<semaphore_mem>>) src(%dma_wait3A_627 : memref<128x32xf32, #tpu.memory_space<vmem>>) dst(%dma_wait3A_633 : memref<10016x32xf32, #tpu.memory_space<vmem_shared>>)
      %add3A_634 = arith.constant 8 : i32
      %add3A_635 = arith.addi %add3A_622, %add3A_634 : i32
      %dma_start3A_636 = arith.constant 0 : i32
      %dma_start3A_637 = arith.constant 0 : i32
      %dma_start3A_638 = arith.constant 0 : i32
      %dma_start3A_639 = tpu.memref_slice %arg9[%dma_start3A_636, %dma_start3A_637, %dma_start3A_638] : memref<8x128x32xf32, #tpu.memory_space<vmem>> -> memref<1x128x32xf32, #tpu.memory_space<vmem>>
      %dma_start3A_640 = tpu.memref_squeeze %dma_start3A_639 : memref<1x128x32xf32, #tpu.memory_space<vmem>> -> memref<128x32xf32, #tpu.memory_space<vmem>>
      %dma_start3A_641 = arith.constant 0 : i32
      %dma_start3A_642 = tpu.memref_slice %arg7[%add3A_635, %dma_start3A_641] : memref<160x128xi32, #tpu.memory_space<vmem>> -> memref<1x128xi32, #tpu.memory_space<vmem>>
      %dma_start3A_643 = tpu.memref_squeeze %dma_start3A_642 : memref<1x128xi32, #tpu.memory_space<vmem>> -> memref<128xi32, #tpu.memory_space<vmem>>
      %dma_start3A_644 = arith.constant 0 : i32
      %dma_start3A_645 = arith.constant 0 : i32
      %dma_start3A_646 = tpu.memref_slice %arg2[%dma_start3A_644, %dma_start3A_645] : memref<20000x32xf32, #tpu.memory_space<hbm>> -> memref<20000x32xf32, #tpu.memory_space<hbm>>
      tpu.enqueue_indirect_dma source(%dma_start3A_646 : memref<20000x32xf32, #tpu.memory_space<hbm>>) target(%dma_start3A_640 : memref<128x32xf32, #tpu.memory_space<vmem>>) offsets(%dma_start3A_643 : memref<128xi32, #tpu.memory_space<vmem>>) semaphore(%arg10 : memref<!tpu.dma_semaphore, #tpu.memory_space<semaphore_mem>>)
      %mul3A_647 = arith.constant 8 : i32
      %mul3A_648 = arith.muli %add3A_410, %mul3A_647 : i32
      %add3A_649 = arith.constant 1 : i32
      %add3A_650 = arith.addi %mul3A_648, %add3A_649 : i32
      %dma_wait3A_651 = arith.constant 1 : i32
      %dma_wait3A_652 = arith.constant 0 : i32
      %dma_wait3A_653 = arith.constant 0 : i32
      %dma_wait3A_654 = tpu.memref_slice %arg9[%dma_wait3A_651, %dma_wait3A_652, %dma_wait3A_653] : memref<8x128x32xf32, #tpu.memory_space<vmem>> -> memref<1x128x32xf32, #tpu.memory_space<vmem>>
      %dma_wait3A_655 = tpu.memref_squeeze %dma_wait3A_654 : memref<1x128x32xf32, #tpu.memory_space<vmem>> -> memref<128x32xf32, #tpu.memory_space<vmem>>
      %dma_wait3A_656 = arith.constant 0 : i32
      %dma_wait3A_657 = tpu.memref_slice %arg8[%add3A_650, %dma_wait3A_656] : memref<160x128xi32, #tpu.memory_space<vmem>> -> memref<1x128xi32, #tpu.memory_space<vmem>>
      %dma_wait3A_658 = tpu.memref_squeeze %dma_wait3A_657 : memref<1x128xi32, #tpu.memory_space<vmem>> -> memref<128xi32, #tpu.memory_space<vmem>>
      %dma_wait3A_659 = arith.constant 0 : i32
      %dma_wait3A_660 = arith.constant 0 : i32
      %dma_wait3A_661 = tpu.memref_slice %arg6[%dma_wait3A_659, %dma_wait3A_660] : memref<10016x32xf32, #tpu.memory_space<vmem_shared>> -> memref<10016x32xf32, #tpu.memory_space<vmem_shared>>
      tpu.wait_indirect_dma semaphore(%arg19 : memref<!tpu.dma_semaphore, #tpu.memory_space<semaphore_mem>>) src(%dma_wait3A_655 : memref<128x32xf32, #tpu.memory_space<vmem>>) dst(%dma_wait3A_661 : memref<10016x32xf32, #tpu.memory_space<vmem_shared>>)
      %add3A_662 = arith.constant 8 : i32
      %add3A_663 = arith.addi %add3A_650, %add3A_662 : i32
      %dma_start3A_664 = arith.constant 1 : i32
      %dma_start3A_665 = arith.constant 0 : i32
      %dma_start3A_666 = arith.constant 0 : i32
      %dma_start3A_667 = tpu.memref_slice %arg9[%dma_start3A_664, %dma_start3A_665, %dma_start3A_666] : memref<8x128x32xf32, #tpu.memory_space<vmem>> -> memref<1x128x32xf32, #tpu.memory_space<vmem>>
      %dma_start3A_668 = tpu.memref_squeeze %dma_start3A_667 : memref<1x128x32xf32, #tpu.memory_space<vmem>> -> memref<128x32xf32, #tpu.memory_space<vmem>>
      %dma_start3A_669 = arith.constant 0 : i32
      %dma_start3A_670 = tpu.memref_slice %arg7[%add3A_663, %dma_start3A_669] : memref<160x128xi32, #tpu.memory_space<vmem>> -> memref<1x128xi32, #tpu.memory_space<vmem>>
      %dma_start3A_671 = tpu.memref_squeeze %dma_start3A_670 : memref<1x128xi32, #tpu.memory_space<vmem>> -> memref<128xi32, #tpu.memory_space<vmem>>
      %dma_start3A_672 = arith.constant 0 : i32
      %dma_start3A_673 = arith.constant 0 : i32
      %dma_start3A_674 = tpu.memref_slice %arg2[%dma_start3A_672, %dma_start3A_673] : memref<20000x32xf32, #tpu.memory_space<hbm>> -> memref<20000x32xf32, #tpu.memory_space<hbm>>
      tpu.enqueue_indirect_dma source(%dma_start3A_674 : memref<20000x32xf32, #tpu.memory_space<hbm>>) target(%dma_start3A_668 : memref<128x32xf32, #tpu.memory_space<vmem>>) offsets(%dma_start3A_671 : memref<128xi32, #tpu.memory_space<vmem>>) semaphore(%arg11 : memref<!tpu.dma_semaphore, #tpu.memory_space<semaphore_mem>>)
      %mul3A_675 = arith.constant 8 : i32
      %mul3A_676 = arith.muli %add3A_410, %mul3A_675 : i32
      %add3A_677 = arith.constant 2 : i32
      %add3A_678 = arith.addi %mul3A_676, %add3A_677 : i32
      %dma_wait3A_679 = arith.constant 2 : i32
      %dma_wait3A_680 = arith.constant 0 : i32
      %dma_wait3A_681 = arith.constant 0 : i32
      %dma_wait3A_682 = tpu.memref_slice %arg9[%dma_wait3A_679, %dma_wait3A_680, %dma_wait3A_681] : memref<8x128x32xf32, #tpu.memory_space<vmem>> -> memref<1x128x32xf32, #tpu.memory_space<vmem>>
      %dma_wait3A_683 = tpu.memref_squeeze %dma_wait3A_682 : memref<1x128x32xf32, #tpu.memory_space<vmem>> -> memref<128x32xf32, #tpu.memory_space<vmem>>
      %dma_wait3A_684 = arith.constant 0 : i32
      %dma_wait3A_685 = tpu.memref_slice %arg8[%add3A_678, %dma_wait3A_684] : memref<160x128xi32, #tpu.memory_space<vmem>> -> memref<1x128xi32, #tpu.memory_space<vmem>>
      %dma_wait3A_686 = tpu.memref_squeeze %dma_wait3A_685 : memref<1x128xi32, #tpu.memory_space<vmem>> -> memref<128xi32, #tpu.memory_space<vmem>>
      %dma_wait3A_687 = arith.constant 0 : i32
      %dma_wait3A_688 = arith.constant 0 : i32
      %dma_wait3A_689 = tpu.memref_slice %arg6[%dma_wait3A_687, %dma_wait3A_688] : memref<10016x32xf32, #tpu.memory_space<vmem_shared>> -> memref<10016x32xf32, #tpu.memory_space<vmem_shared>>
      tpu.wait_indirect_dma semaphore(%arg20 : memref<!tpu.dma_semaphore, #tpu.memory_space<semaphore_mem>>) src(%dma_wait3A_683 : memref<128x32xf32, #tpu.memory_space<vmem>>) dst(%dma_wait3A_689 : memref<10016x32xf32, #tpu.memory_space<vmem_shared>>)
      %add3A_690 = arith.constant 8 : i32
      %add3A_691 = arith.addi %add3A_678, %add3A_690 : i32
      %dma_start3A_692 = arith.constant 2 : i32
      %dma_start3A_693 = arith.constant 0 : i32
      %dma_start3A_694 = arith.constant 0 : i32
      %dma_start3A_695 = tpu.memref_slice %arg9[%dma_start3A_692, %dma_start3A_693, %dma_start3A_694] : memref<8x128x32xf32, #tpu.memory_space<vmem>> -> memref<1x128x32xf32, #tpu.memory_space<vmem>>
      %dma_start3A_696 = tpu.memref_squeeze %dma_start3A_695 : memref<1x128x32xf32, #tpu.memory_space<vmem>> -> memref<128x32xf32, #tpu.memory_space<vmem>>
      %dma_start3A_697 = arith.constant 0 : i32
      %dma_start3A_698 = tpu.memref_slice %arg7[%add3A_691, %dma_start3A_697] : memref<160x128xi32, #tpu.memory_space<vmem>> -> memref<1x128xi32, #tpu.memory_space<vmem>>
      %dma_start3A_699 = tpu.memref_squeeze %dma_start3A_698 : memref<1x128xi32, #tpu.memory_space<vmem>> -> memref<128xi32, #tpu.memory_space<vmem>>
      %dma_start3A_700 = arith.constant 0 : i32
      %dma_start3A_701 = arith.constant 0 : i32
      %dma_start3A_702 = tpu.memref_slice %arg2[%dma_start3A_700, %dma_start3A_701] : memref<20000x32xf32, #tpu.memory_space<hbm>> -> memref<20000x32xf32, #tpu.memory_space<hbm>>
      tpu.enqueue_indirect_dma source(%dma_start3A_702 : memref<20000x32xf32, #tpu.memory_space<hbm>>) target(%dma_start3A_696 : memref<128x32xf32, #tpu.memory_space<vmem>>) offsets(%dma_start3A_699 : memref<128xi32, #tpu.memory_space<vmem>>) semaphore(%arg12 : memref<!tpu.dma_semaphore, #tpu.memory_space<semaphore_mem>>)
      %mul3A_703 = arith.constant 8 : i32
      %mul3A_704 = arith.muli %add3A_410, %mul3A_703 : i32
      %add3A_705 = arith.constant 3 : i32
      %add3A_706 = arith.addi %mul3A_704, %add3A_705 : i32
      %dma_wait3A_707 = arith.constant 3 : i32
      %dma_wait3A_708 = arith.constant 0 : i32
      %dma_wait3A_709 = arith.constant 0 : i32
      %dma_wait3A_710 = tpu.memref_slice %arg9[%dma_wait3A_707, %dma_wait3A_708, %dma_wait3A_709] : memref<8x128x32xf32, #tpu.memory_space<vmem>> -> memref<1x128x32xf32, #tpu.memory_space<vmem>>
      %dma_wait3A_711 = tpu.memref_squeeze %dma_wait3A_710 : memref<1x128x32xf32, #tpu.memory_space<vmem>> -> memref<128x32xf32, #tpu.memory_space<vmem>>
      %dma_wait3A_712 = arith.constant 0 : i32
      %dma_wait3A_713 = tpu.memref_slice %arg8[%add3A_706, %dma_wait3A_712] : memref<160x128xi32, #tpu.memory_space<vmem>> -> memref<1x128xi32, #tpu.memory_space<vmem>>
      %dma_wait3A_714 = tpu.memref_squeeze %dma_wait3A_713 : memref<1x128xi32, #tpu.memory_space<vmem>> -> memref<128xi32, #tpu.memory_space<vmem>>
      %dma_wait3A_715 = arith.constant 0 : i32
      %dma_wait3A_716 = arith.constant 0 : i32
      %dma_wait3A_717 = tpu.memref_slice %arg6[%dma_wait3A_715, %dma_wait3A_716] : memref<10016x32xf32, #tpu.memory_space<vmem_shared>> -> memref<10016x32xf32, #tpu.memory_space<vmem_shared>>
      tpu.wait_indirect_dma semaphore(%arg21 : memref<!tpu.dma_semaphore, #tpu.memory_space<semaphore_mem>>) src(%dma_wait3A_711 : memref<128x32xf32, #tpu.memory_space<vmem>>) dst(%dma_wait3A_717 : memref<10016x32xf32, #tpu.memory_space<vmem_shared>>)
      %add3A_718 = arith.constant 8 : i32
      %add3A_719 = arith.addi %add3A_706, %add3A_718 : i32
      %dma_start3A_720 = arith.constant 3 : i32
      %dma_start3A_721 = arith.constant 0 : i32
      %dma_start3A_722 = arith.constant 0 : i32
      %dma_start3A_723 = tpu.memref_slice %arg9[%dma_start3A_720, %dma_start3A_721, %dma_start3A_722] : memref<8x128x32xf32, #tpu.memory_space<vmem>> -> memref<1x128x32xf32, #tpu.memory_space<vmem>>
      %dma_start3A_724 = tpu.memref_squeeze %dma_start3A_723 : memref<1x128x32xf32, #tpu.memory_space<vmem>> -> memref<128x32xf32, #tpu.memory_space<vmem>>
      %dma_start3A_725 = arith.constant 0 : i32
      %dma_start3A_726 = tpu.memref_slice %arg7[%add3A_719, %dma_start3A_725] : memref<160x128xi32, #tpu.memory_space<vmem>> -> memref<1x128xi32, #tpu.memory_space<vmem>>
      %dma_start3A_727 = tpu.memref_squeeze %dma_start3A_726 : memref<1x128xi32, #tpu.memory_space<vmem>> -> memref<128xi32, #tpu.memory_space<vmem>>
      %dma_start3A_728 = arith.constant 0 : i32
      %dma_start3A_729 = arith.constant 0 : i32
      %dma_start3A_730 = tpu.memref_slice %arg2[%dma_start3A_728, %dma_start3A_729] : memref<20000x32xf32, #tpu.memory_space<hbm>> -> memref<20000x32xf32, #tpu.memory_space<hbm>>
      tpu.enqueue_indirect_dma source(%dma_start3A_730 : memref<20000x32xf32, #tpu.memory_space<hbm>>) target(%dma_start3A_724 : memref<128x32xf32, #tpu.memory_space<vmem>>) offsets(%dma_start3A_727 : memref<128xi32, #tpu.memory_space<vmem>>) semaphore(%arg13 : memref<!tpu.dma_semaphore, #tpu.memory_space<semaphore_mem>>)
      %mul3A_731 = arith.constant 8 : i32
      %mul3A_732 = arith.muli %add3A_410, %mul3A_731 : i32
      %add3A_733 = arith.constant 4 : i32
      %add3A_734 = arith.addi %mul3A_732, %add3A_733 : i32
      %dma_wait3A_735 = arith.constant 4 : i32
      %dma_wait3A_736 = arith.constant 0 : i32
      %dma_wait3A_737 = arith.constant 0 : i32
      %dma_wait3A_738 = tpu.memref_slice %arg9[%dma_wait3A_735, %dma_wait3A_736, %dma_wait3A_737] : memref<8x128x32xf32, #tpu.memory_space<vmem>> -> memref<1x128x32xf32, #tpu.memory_space<vmem>>
      %dma_wait3A_739 = tpu.memref_squeeze %dma_wait3A_738 : memref<1x128x32xf32, #tpu.memory_space<vmem>> -> memref<128x32xf32, #tpu.memory_space<vmem>>
      %dma_wait3A_740 = arith.constant 0 : i32
      %dma_wait3A_741 = tpu.memref_slice %arg8[%add3A_734, %dma_wait3A_740] : memref<160x128xi32, #tpu.memory_space<vmem>> -> memref<1x128xi32, #tpu.memory_space<vmem>>
      %dma_wait3A_742 = tpu.memref_squeeze %dma_wait3A_741 : memref<1x128xi32, #tpu.memory_space<vmem>> -> memref<128xi32, #tpu.memory_space<vmem>>
      %dma_wait3A_743 = arith.constant 0 : i32
      %dma_wait3A_744 = arith.constant 0 : i32
      %dma_wait3A_745 = tpu.memref_slice %arg6[%dma_wait3A_743, %dma_wait3A_744] : memref<10016x32xf32, #tpu.memory_space<vmem_shared>> -> memref<10016x32xf32, #tpu.memory_space<vmem_shared>>
      tpu.wait_indirect_dma semaphore(%arg22 : memref<!tpu.dma_semaphore, #tpu.memory_space<semaphore_mem>>) src(%dma_wait3A_739 : memref<128x32xf32, #tpu.memory_space<vmem>>) dst(%dma_wait3A_745 : memref<10016x32xf32, #tpu.memory_space<vmem_shared>>)
      %add3A_746 = arith.constant 8 : i32
      %add3A_747 = arith.addi %add3A_734, %add3A_746 : i32
      %dma_start3A_748 = arith.constant 4 : i32
      %dma_start3A_749 = arith.constant 0 : i32
      %dma_start3A_750 = arith.constant 0 : i32
      %dma_start3A_751 = tpu.memref_slice %arg9[%dma_start3A_748, %dma_start3A_749, %dma_start3A_750] : memref<8x128x32xf32, #tpu.memory_space<vmem>> -> memref<1x128x32xf32, #tpu.memory_space<vmem>>
      %dma_start3A_752 = tpu.memref_squeeze %dma_start3A_751 : memref<1x128x32xf32, #tpu.memory_space<vmem>> -> memref<128x32xf32, #tpu.memory_space<vmem>>
      %dma_start3A_753 = arith.constant 0 : i32
      %dma_start3A_754 = tpu.memref_slice %arg7[%add3A_747, %dma_start3A_753] : memref<160x128xi32, #tpu.memory_space<vmem>> -> memref<1x128xi32, #tpu.memory_space<vmem>>
      %dma_start3A_755 = tpu.memref_squeeze %dma_start3A_754 : memref<1x128xi32, #tpu.memory_space<vmem>> -> memref<128xi32, #tpu.memory_space<vmem>>
      %dma_start3A_756 = arith.constant 0 : i32
      %dma_start3A_757 = arith.constant 0 : i32
      %dma_start3A_758 = tpu.memref_slice %arg2[%dma_start3A_756, %dma_start3A_757] : memref<20000x32xf32, #tpu.memory_space<hbm>> -> memref<20000x32xf32, #tpu.memory_space<hbm>>
      tpu.enqueue_indirect_dma source(%dma_start3A_758 : memref<20000x32xf32, #tpu.memory_space<hbm>>) target(%dma_start3A_752 : memref<128x32xf32, #tpu.memory_space<vmem>>) offsets(%dma_start3A_755 : memref<128xi32, #tpu.memory_space<vmem>>) semaphore(%arg14 : memref<!tpu.dma_semaphore, #tpu.memory_space<semaphore_mem>>)
      %mul3A_759 = arith.constant 8 : i32
      %mul3A_760 = arith.muli %add3A_410, %mul3A_759 : i32
      %add3A_761 = arith.constant 5 : i32
      %add3A_762 = arith.addi %mul3A_760, %add3A_761 : i32
      %dma_wait3A_763 = arith.constant 5 : i32
      %dma_wait3A_764 = arith.constant 0 : i32
      %dma_wait3A_765 = arith.constant 0 : i32
      %dma_wait3A_766 = tpu.memref_slice %arg9[%dma_wait3A_763, %dma_wait3A_764, %dma_wait3A_765] : memref<8x128x32xf32, #tpu.memory_space<vmem>> -> memref<1x128x32xf32, #tpu.memory_space<vmem>>
      %dma_wait3A_767 = tpu.memref_squeeze %dma_wait3A_766 : memref<1x128x32xf32, #tpu.memory_space<vmem>> -> memref<128x32xf32, #tpu.memory_space<vmem>>
      %dma_wait3A_768 = arith.constant 0 : i32
      %dma_wait3A_769 = tpu.memref_slice %arg8[%add3A_762, %dma_wait3A_768] : memref<160x128xi32, #tpu.memory_space<vmem>> -> memref<1x128xi32, #tpu.memory_space<vmem>>
      %dma_wait3A_770 = tpu.memref_squeeze %dma_wait3A_769 : memref<1x128xi32, #tpu.memory_space<vmem>> -> memref<128xi32, #tpu.memory_space<vmem>>
      %dma_wait3A_771 = arith.constant 0 : i32
      %dma_wait3A_772 = arith.constant 0 : i32
      %dma_wait3A_773 = tpu.memref_slice %arg6[%dma_wait3A_771, %dma_wait3A_772] : memref<10016x32xf32, #tpu.memory_space<vmem_shared>> -> memref<10016x32xf32, #tpu.memory_space<vmem_shared>>
      tpu.wait_indirect_dma semaphore(%arg23 : memref<!tpu.dma_semaphore, #tpu.memory_space<semaphore_mem>>) src(%dma_wait3A_767 : memref<128x32xf32, #tpu.memory_space<vmem>>) dst(%dma_wait3A_773 : memref<10016x32xf32, #tpu.memory_space<vmem_shared>>)
      %add3A_774 = arith.constant 8 : i32
      %add3A_775 = arith.addi %add3A_762, %add3A_774 : i32
      %dma_start3A_776 = arith.constant 5 : i32
      %dma_start3A_777 = arith.constant 0 : i32
      %dma_start3A_778 = arith.constant 0 : i32
      %dma_start3A_779 = tpu.memref_slice %arg9[%dma_start3A_776, %dma_start3A_777, %dma_start3A_778] : memref<8x128x32xf32, #tpu.memory_space<vmem>> -> memref<1x128x32xf32, #tpu.memory_space<vmem>>
      %dma_start3A_780 = tpu.memref_squeeze %dma_start3A_779 : memref<1x128x32xf32, #tpu.memory_space<vmem>> -> memref<128x32xf32, #tpu.memory_space<vmem>>
      %dma_start3A_781 = arith.constant 0 : i32
      %dma_start3A_782 = tpu.memref_slice %arg7[%add3A_775, %dma_start3A_781] : memref<160x128xi32, #tpu.memory_space<vmem>> -> memref<1x128xi32, #tpu.memory_space<vmem>>
      %dma_start3A_783 = tpu.memref_squeeze %dma_start3A_782 : memref<1x128xi32, #tpu.memory_space<vmem>> -> memref<128xi32, #tpu.memory_space<vmem>>
      %dma_start3A_784 = arith.constant 0 : i32
      %dma_start3A_785 = arith.constant 0 : i32
      %dma_start3A_786 = tpu.memref_slice %arg2[%dma_start3A_784, %dma_start3A_785] : memref<20000x32xf32, #tpu.memory_space<hbm>> -> memref<20000x32xf32, #tpu.memory_space<hbm>>
      tpu.enqueue_indirect_dma source(%dma_start3A_786 : memref<20000x32xf32, #tpu.memory_space<hbm>>) target(%dma_start3A_780 : memref<128x32xf32, #tpu.memory_space<vmem>>) offsets(%dma_start3A_783 : memref<128xi32, #tpu.memory_space<vmem>>) semaphore(%arg15 : memref<!tpu.dma_semaphore, #tpu.memory_space<semaphore_mem>>)
      %mul3A_787 = arith.constant 8 : i32
      %mul3A_788 = arith.muli %add3A_410, %mul3A_787 : i32
      %add3A_789 = arith.constant 6 : i32
      %add3A_790 = arith.addi %mul3A_788, %add3A_789 : i32
      %dma_wait3A_791 = arith.constant 6 : i32
      %dma_wait3A_792 = arith.constant 0 : i32
      %dma_wait3A_793 = arith.constant 0 : i32
      %dma_wait3A_794 = tpu.memref_slice %arg9[%dma_wait3A_791, %dma_wait3A_792, %dma_wait3A_793] : memref<8x128x32xf32, #tpu.memory_space<vmem>> -> memref<1x128x32xf32, #tpu.memory_space<vmem>>
      %dma_wait3A_795 = tpu.memref_squeeze %dma_wait3A_794 : memref<1x128x32xf32, #tpu.memory_space<vmem>> -> memref<128x32xf32, #tpu.memory_space<vmem>>
      %dma_wait3A_796 = arith.constant 0 : i32
      %dma_wait3A_797 = tpu.memref_slice %arg8[%add3A_790, %dma_wait3A_796] : memref<160x128xi32, #tpu.memory_space<vmem>> -> memref<1x128xi32, #tpu.memory_space<vmem>>
      %dma_wait3A_798 = tpu.memref_squeeze %dma_wait3A_797 : memref<1x128xi32, #tpu.memory_space<vmem>> -> memref<128xi32, #tpu.memory_space<vmem>>
      %dma_wait3A_799 = arith.constant 0 : i32
      %dma_wait3A_800 = arith.constant 0 : i32
      %dma_wait3A_801 = tpu.memref_slice %arg6[%dma_wait3A_799, %dma_wait3A_800] : memref<10016x32xf32, #tpu.memory_space<vmem_shared>> -> memref<10016x32xf32, #tpu.memory_space<vmem_shared>>
      tpu.wait_indirect_dma semaphore(%arg24 : memref<!tpu.dma_semaphore, #tpu.memory_space<semaphore_mem>>) src(%dma_wait3A_795 : memref<128x32xf32, #tpu.memory_space<vmem>>) dst(%dma_wait3A_801 : memref<10016x32xf32, #tpu.memory_space<vmem_shared>>)
      %add3A_802 = arith.constant 8 : i32
      %add3A_803 = arith.addi %add3A_790, %add3A_802 : i32
      %dma_start3A_804 = arith.constant 6 : i32
      %dma_start3A_805 = arith.constant 0 : i32
      %dma_start3A_806 = arith.constant 0 : i32
      %dma_start3A_807 = tpu.memref_slice %arg9[%dma_start3A_804, %dma_start3A_805, %dma_start3A_806] : memref<8x128x32xf32, #tpu.memory_space<vmem>> -> memref<1x128x32xf32, #tpu.memory_space<vmem>>
      %dma_start3A_808 = tpu.memref_squeeze %dma_start3A_807 : memref<1x128x32xf32, #tpu.memory_space<vmem>> -> memref<128x32xf32, #tpu.memory_space<vmem>>
      %dma_start3A_809 = arith.constant 0 : i32
      %dma_start3A_810 = tpu.memref_slice %arg7[%add3A_803, %dma_start3A_809] : memref<160x128xi32, #tpu.memory_space<vmem>> -> memref<1x128xi32, #tpu.memory_space<vmem>>
      %dma_start3A_811 = tpu.memref_squeeze %dma_start3A_810 : memref<1x128xi32, #tpu.memory_space<vmem>> -> memref<128xi32, #tpu.memory_space<vmem>>
      %dma_start3A_812 = arith.constant 0 : i32
      %dma_start3A_813 = arith.constant 0 : i32
      %dma_start3A_814 = tpu.memref_slice %arg2[%dma_start3A_812, %dma_start3A_813] : memref<20000x32xf32, #tpu.memory_space<hbm>> -> memref<20000x32xf32, #tpu.memory_space<hbm>>
      tpu.enqueue_indirect_dma source(%dma_start3A_814 : memref<20000x32xf32, #tpu.memory_space<hbm>>) target(%dma_start3A_808 : memref<128x32xf32, #tpu.memory_space<vmem>>) offsets(%dma_start3A_811 : memref<128xi32, #tpu.memory_space<vmem>>) semaphore(%arg16 : memref<!tpu.dma_semaphore, #tpu.memory_space<semaphore_mem>>)
      %mul3A_815 = arith.constant 8 : i32
      %mul3A_816 = arith.muli %add3A_410, %mul3A_815 : i32
      %add3A_817 = arith.constant 7 : i32
      %add3A_818 = arith.addi %mul3A_816, %add3A_817 : i32
      %dma_wait3A_819 = arith.constant 7 : i32
      %dma_wait3A_820 = arith.constant 0 : i32
      %dma_wait3A_821 = arith.constant 0 : i32
      %dma_wait3A_822 = tpu.memref_slice %arg9[%dma_wait3A_819, %dma_wait3A_820, %dma_wait3A_821] : memref<8x128x32xf32, #tpu.memory_space<vmem>> -> memref<1x128x32xf32, #tpu.memory_space<vmem>>
      %dma_wait3A_823 = tpu.memref_squeeze %dma_wait3A_822 : memref<1x128x32xf32, #tpu.memory_space<vmem>> -> memref<128x32xf32, #tpu.memory_space<vmem>>
      %dma_wait3A_824 = arith.constant 0 : i32
      %dma_wait3A_825 = tpu.memref_slice %arg8[%add3A_818, %dma_wait3A_824] : memref<160x128xi32, #tpu.memory_space<vmem>> -> memref<1x128xi32, #tpu.memory_space<vmem>>
      %dma_wait3A_826 = tpu.memref_squeeze %dma_wait3A_825 : memref<1x128xi32, #tpu.memory_space<vmem>> -> memref<128xi32, #tpu.memory_space<vmem>>
      %dma_wait3A_827 = arith.constant 0 : i32
      %dma_wait3A_828 = arith.constant 0 : i32
      %dma_wait3A_829 = tpu.memref_slice %arg6[%dma_wait3A_827, %dma_wait3A_828] : memref<10016x32xf32, #tpu.memory_space<vmem_shared>> -> memref<10016x32xf32, #tpu.memory_space<vmem_shared>>
      tpu.wait_indirect_dma semaphore(%arg25 : memref<!tpu.dma_semaphore, #tpu.memory_space<semaphore_mem>>) src(%dma_wait3A_823 : memref<128x32xf32, #tpu.memory_space<vmem>>) dst(%dma_wait3A_829 : memref<10016x32xf32, #tpu.memory_space<vmem_shared>>)
      %add3A_830 = arith.constant 8 : i32
      %add3A_831 = arith.addi %add3A_818, %add3A_830 : i32
      %dma_start3A_832 = arith.constant 7 : i32
      %dma_start3A_833 = arith.constant 0 : i32
      %dma_start3A_834 = arith.constant 0 : i32
      %dma_start3A_835 = tpu.memref_slice %arg9[%dma_start3A_832, %dma_start3A_833, %dma_start3A_834] : memref<8x128x32xf32, #tpu.memory_space<vmem>> -> memref<1x128x32xf32, #tpu.memory_space<vmem>>
      %dma_start3A_836 = tpu.memref_squeeze %dma_start3A_835 : memref<1x128x32xf32, #tpu.memory_space<vmem>> -> memref<128x32xf32, #tpu.memory_space<vmem>>
      %dma_start3A_837 = arith.constant 0 : i32
      %dma_start3A_838 = tpu.memref_slice %arg7[%add3A_831, %dma_start3A_837] : memref<160x128xi32, #tpu.memory_space<vmem>> -> memref<1x128xi32, #tpu.memory_space<vmem>>
      %dma_start3A_839 = tpu.memref_squeeze %dma_start3A_838 : memref<1x128xi32, #tpu.memory_space<vmem>> -> memref<128xi32, #tpu.memory_space<vmem>>
      %dma_start3A_840 = arith.constant 0 : i32
      %dma_start3A_841 = arith.constant 0 : i32
      %dma_start3A_842 = tpu.memref_slice %arg2[%dma_start3A_840, %dma_start3A_841] : memref<20000x32xf32, #tpu.memory_space<hbm>> -> memref<20000x32xf32, #tpu.memory_space<hbm>>
      tpu.enqueue_indirect_dma source(%dma_start3A_842 : memref<20000x32xf32, #tpu.memory_space<hbm>>) target(%dma_start3A_836 : memref<128x32xf32, #tpu.memory_space<vmem>>) offsets(%dma_start3A_839 : memref<128xi32, #tpu.memory_space<vmem>>) semaphore(%arg17 : memref<!tpu.dma_semaphore, #tpu.memory_space<semaphore_mem>>)
    }
    %scan3A_110 = arith.constant 19 : i32
    %dma_wait3A = arith.constant 152 : i32
    %dma_wait3A_111 = arith.constant 0 : i32
    %dma_wait3A_112 = arith.constant 0 : i32
    %dma_wait3A_113 = arith.constant 0 : i32
    %dma_wait3A_114 = tpu.memref_slice %arg9[%dma_wait3A_111, %dma_wait3A_112, %dma_wait3A_113] : memref<8x128x32xf32, #tpu.memory_space<vmem>> -> memref<1x128x32xf32, #tpu.memory_space<vmem>>
    %dma_wait3A_115 = tpu.memref_squeeze %dma_wait3A_114 : memref<1x128x32xf32, #tpu.memory_space<vmem>> -> memref<128x32xf32, #tpu.memory_space<vmem>>
    %dma_wait3A_116 = arith.constant 0 : i32
    %dma_wait3A_117 = tpu.memref_slice %arg7[%dma_wait3A, %dma_wait3A_116] : memref<160x128xi32, #tpu.memory_space<vmem>> -> memref<1x128xi32, #tpu.memory_space<vmem>>
    %dma_wait3A_118 = tpu.memref_squeeze %dma_wait3A_117 : memref<1x128xi32, #tpu.memory_space<vmem>> -> memref<128xi32, #tpu.memory_space<vmem>>
    %dma_wait3A_119 = arith.constant 0 : i32
    %dma_wait3A_120 = arith.constant 0 : i32
    %dma_wait3A_121 = tpu.memref_slice %arg2[%dma_wait3A_119, %dma_wait3A_120] : memref<20000x32xf32, #tpu.memory_space<hbm>> -> memref<20000x32xf32, #tpu.memory_space<hbm>>
    tpu.wait_indirect_dma semaphore(%arg10 : memref<!tpu.dma_semaphore, #tpu.memory_space<semaphore_mem>>) src(%dma_wait3A_121 : memref<20000x32xf32, #tpu.memory_space<hbm>>) dst(%dma_wait3A_115 : memref<128x32xf32, #tpu.memory_space<vmem>>)
    %dma_start3A_122 = arith.constant 0 : i32
    %dma_start3A_123 = arith.constant 152 : i32
    %dma_start3A_124 = arith.constant 0 : i32
    %dma_start3A_125 = arith.constant 0 : i32
    %dma_start3A_126 = tpu.memref_slice %arg9[%dma_start3A_122, %dma_start3A_124, %dma_start3A_125] : memref<8x128x32xf32, #tpu.memory_space<vmem>> -> memref<1x128x32xf32, #tpu.memory_space<vmem>>
    %dma_start3A_127 = tpu.memref_squeeze %dma_start3A_126 : memref<1x128x32xf32, #tpu.memory_space<vmem>> -> memref<128x32xf32, #tpu.memory_space<vmem>>
    %dma_start3A_128 = arith.constant 0 : i32
    %dma_start3A_129 = tpu.memref_slice %arg8[%dma_start3A_123, %dma_start3A_128] : memref<160x128xi32, #tpu.memory_space<vmem>> -> memref<1x128xi32, #tpu.memory_space<vmem>>
    %dma_start3A_130 = tpu.memref_squeeze %dma_start3A_129 : memref<1x128xi32, #tpu.memory_space<vmem>> -> memref<128xi32, #tpu.memory_space<vmem>>
    %dma_start3A_131 = arith.constant 0 : i32
    %dma_start3A_132 = arith.constant 0 : i32
    %dma_start3A_133 = tpu.memref_slice %arg6[%dma_start3A_131, %dma_start3A_132] : memref<10016x32xf32, #tpu.memory_space<vmem_shared>> -> memref<10016x32xf32, #tpu.memory_space<vmem_shared>>
    tpu.enqueue_indirect_dma source(%dma_start3A_127 : memref<128x32xf32, #tpu.memory_space<vmem>>) target(%dma_start3A_133 : memref<10016x32xf32, #tpu.memory_space<vmem_shared>>) offsets(%dma_start3A_130 : memref<128xi32, #tpu.memory_space<vmem>>) semaphore(%arg18 : memref<!tpu.dma_semaphore, #tpu.memory_space<semaphore_mem>>) {add = true}
    %dma_wait3A_134 = arith.constant 153 : i32
    %dma_wait3A_135 = arith.constant 1 : i32
    %dma_wait3A_136 = arith.constant 0 : i32
    %dma_wait3A_137 = arith.constant 0 : i32
    %dma_wait3A_138 = tpu.memref_slice %arg9[%dma_wait3A_135, %dma_wait3A_136, %dma_wait3A_137] : memref<8x128x32xf32, #tpu.memory_space<vmem>> -> memref<1x128x32xf32, #tpu.memory_space<vmem>>
    %dma_wait3A_139 = tpu.memref_squeeze %dma_wait3A_138 : memref<1x128x32xf32, #tpu.memory_space<vmem>> -> memref<128x32xf32, #tpu.memory_space<vmem>>
    %dma_wait3A_140 = arith.constant 0 : i32
    %dma_wait3A_141 = tpu.memref_slice %arg7[%dma_wait3A_134, %dma_wait3A_140] : memref<160x128xi32, #tpu.memory_space<vmem>> -> memref<1x128xi32, #tpu.memory_space<vmem>>
    %dma_wait3A_142 = tpu.memref_squeeze %dma_wait3A_141 : memref<1x128xi32, #tpu.memory_space<vmem>> -> memref<128xi32, #tpu.memory_space<vmem>>
    %dma_wait3A_143 = arith.constant 0 : i32
    %dma_wait3A_144 = arith.constant 0 : i32
    %dma_wait3A_145 = tpu.memref_slice %arg2[%dma_wait3A_143, %dma_wait3A_144] : memref<20000x32xf32, #tpu.memory_space<hbm>> -> memref<20000x32xf32, #tpu.memory_space<hbm>>
    tpu.wait_indirect_dma semaphore(%arg11 : memref<!tpu.dma_semaphore, #tpu.memory_space<semaphore_mem>>) src(%dma_wait3A_145 : memref<20000x32xf32, #tpu.memory_space<hbm>>) dst(%dma_wait3A_139 : memref<128x32xf32, #tpu.memory_space<vmem>>)
    %dma_start3A_146 = arith.constant 1 : i32
    %dma_start3A_147 = arith.constant 153 : i32
    %dma_start3A_148 = arith.constant 0 : i32
    %dma_start3A_149 = arith.constant 0 : i32
    %dma_start3A_150 = tpu.memref_slice %arg9[%dma_start3A_146, %dma_start3A_148, %dma_start3A_149] : memref<8x128x32xf32, #tpu.memory_space<vmem>> -> memref<1x128x32xf32, #tpu.memory_space<vmem>>
    %dma_start3A_151 = tpu.memref_squeeze %dma_start3A_150 : memref<1x128x32xf32, #tpu.memory_space<vmem>> -> memref<128x32xf32, #tpu.memory_space<vmem>>
    %dma_start3A_152 = arith.constant 0 : i32
    %dma_start3A_153 = tpu.memref_slice %arg8[%dma_start3A_147, %dma_start3A_152] : memref<160x128xi32, #tpu.memory_space<vmem>> -> memref<1x128xi32, #tpu.memory_space<vmem>>
    %dma_start3A_154 = tpu.memref_squeeze %dma_start3A_153 : memref<1x128xi32, #tpu.memory_space<vmem>> -> memref<128xi32, #tpu.memory_space<vmem>>
    %dma_start3A_155 = arith.constant 0 : i32
    %dma_start3A_156 = arith.constant 0 : i32
    %dma_start3A_157 = tpu.memref_slice %arg6[%dma_start3A_155, %dma_start3A_156] : memref<10016x32xf32, #tpu.memory_space<vmem_shared>> -> memref<10016x32xf32, #tpu.memory_space<vmem_shared>>
    tpu.enqueue_indirect_dma source(%dma_start3A_151 : memref<128x32xf32, #tpu.memory_space<vmem>>) target(%dma_start3A_157 : memref<10016x32xf32, #tpu.memory_space<vmem_shared>>) offsets(%dma_start3A_154 : memref<128xi32, #tpu.memory_space<vmem>>) semaphore(%arg19 : memref<!tpu.dma_semaphore, #tpu.memory_space<semaphore_mem>>) {add = true}
    %dma_wait3A_158 = arith.constant 154 : i32
    %dma_wait3A_159 = arith.constant 2 : i32
    %dma_wait3A_160 = arith.constant 0 : i32
    %dma_wait3A_161 = arith.constant 0 : i32
    %dma_wait3A_162 = tpu.memref_slice %arg9[%dma_wait3A_159, %dma_wait3A_160, %dma_wait3A_161] : memref<8x128x32xf32, #tpu.memory_space<vmem>> -> memref<1x128x32xf32, #tpu.memory_space<vmem>>
    %dma_wait3A_163 = tpu.memref_squeeze %dma_wait3A_162 : memref<1x128x32xf32, #tpu.memory_space<vmem>> -> memref<128x32xf32, #tpu.memory_space<vmem>>
    %dma_wait3A_164 = arith.constant 0 : i32
    %dma_wait3A_165 = tpu.memref_slice %arg7[%dma_wait3A_158, %dma_wait3A_164] : memref<160x128xi32, #tpu.memory_space<vmem>> -> memref<1x128xi32, #tpu.memory_space<vmem>>
    %dma_wait3A_166 = tpu.memref_squeeze %dma_wait3A_165 : memref<1x128xi32, #tpu.memory_space<vmem>> -> memref<128xi32, #tpu.memory_space<vmem>>
    %dma_wait3A_167 = arith.constant 0 : i32
    %dma_wait3A_168 = arith.constant 0 : i32
    %dma_wait3A_169 = tpu.memref_slice %arg2[%dma_wait3A_167, %dma_wait3A_168] : memref<20000x32xf32, #tpu.memory_space<hbm>> -> memref<20000x32xf32, #tpu.memory_space<hbm>>
    tpu.wait_indirect_dma semaphore(%arg12 : memref<!tpu.dma_semaphore, #tpu.memory_space<semaphore_mem>>) src(%dma_wait3A_169 : memref<20000x32xf32, #tpu.memory_space<hbm>>) dst(%dma_wait3A_163 : memref<128x32xf32, #tpu.memory_space<vmem>>)
    %dma_start3A_170 = arith.constant 2 : i32
    %dma_start3A_171 = arith.constant 154 : i32
    %dma_start3A_172 = arith.constant 0 : i32
    %dma_start3A_173 = arith.constant 0 : i32
    %dma_start3A_174 = tpu.memref_slice %arg9[%dma_start3A_170, %dma_start3A_172, %dma_start3A_173] : memref<8x128x32xf32, #tpu.memory_space<vmem>> -> memref<1x128x32xf32, #tpu.memory_space<vmem>>
    %dma_start3A_175 = tpu.memref_squeeze %dma_start3A_174 : memref<1x128x32xf32, #tpu.memory_space<vmem>> -> memref<128x32xf32, #tpu.memory_space<vmem>>
    %dma_start3A_176 = arith.constant 0 : i32
    %dma_start3A_177 = tpu.memref_slice %arg8[%dma_start3A_171, %dma_start3A_176] : memref<160x128xi32, #tpu.memory_space<vmem>> -> memref<1x128xi32, #tpu.memory_space<vmem>>
    %dma_start3A_178 = tpu.memref_squeeze %dma_start3A_177 : memref<1x128xi32, #tpu.memory_space<vmem>> -> memref<128xi32, #tpu.memory_space<vmem>>
    %dma_start3A_179 = arith.constant 0 : i32
    %dma_start3A_180 = arith.constant 0 : i32
    %dma_start3A_181 = tpu.memref_slice %arg6[%dma_start3A_179, %dma_start3A_180] : memref<10016x32xf32, #tpu.memory_space<vmem_shared>> -> memref<10016x32xf32, #tpu.memory_space<vmem_shared>>
    tpu.enqueue_indirect_dma source(%dma_start3A_175 : memref<128x32xf32, #tpu.memory_space<vmem>>) target(%dma_start3A_181 : memref<10016x32xf32, #tpu.memory_space<vmem_shared>>) offsets(%dma_start3A_178 : memref<128xi32, #tpu.memory_space<vmem>>) semaphore(%arg20 : memref<!tpu.dma_semaphore, #tpu.memory_space<semaphore_mem>>) {add = true}
    %dma_wait3A_182 = arith.constant 155 : i32
    %dma_wait3A_183 = arith.constant 3 : i32
    %dma_wait3A_184 = arith.constant 0 : i32
    %dma_wait3A_185 = arith.constant 0 : i32
    %dma_wait3A_186 = tpu.memref_slice %arg9[%dma_wait3A_183, %dma_wait3A_184, %dma_wait3A_185] : memref<8x128x32xf32, #tpu.memory_space<vmem>> -> memref<1x128x32xf32, #tpu.memory_space<vmem>>
    %dma_wait3A_187 = tpu.memref_squeeze %dma_wait3A_186 : memref<1x128x32xf32, #tpu.memory_space<vmem>> -> memref<128x32xf32, #tpu.memory_space<vmem>>
    %dma_wait3A_188 = arith.constant 0 : i32
    %dma_wait3A_189 = tpu.memref_slice %arg7[%dma_wait3A_182, %dma_wait3A_188] : memref<160x128xi32, #tpu.memory_space<vmem>> -> memref<1x128xi32, #tpu.memory_space<vmem>>
    %dma_wait3A_190 = tpu.memref_squeeze %dma_wait3A_189 : memref<1x128xi32, #tpu.memory_space<vmem>> -> memref<128xi32, #tpu.memory_space<vmem>>
    %dma_wait3A_191 = arith.constant 0 : i32
    %dma_wait3A_192 = arith.constant 0 : i32
    %dma_wait3A_193 = tpu.memref_slice %arg2[%dma_wait3A_191, %dma_wait3A_192] : memref<20000x32xf32, #tpu.memory_space<hbm>> -> memref<20000x32xf32, #tpu.memory_space<hbm>>
    tpu.wait_indirect_dma semaphore(%arg13 : memref<!tpu.dma_semaphore, #tpu.memory_space<semaphore_mem>>) src(%dma_wait3A_193 : memref<20000x32xf32, #tpu.memory_space<hbm>>) dst(%dma_wait3A_187 : memref<128x32xf32, #tpu.memory_space<vmem>>)
    %dma_start3A_194 = arith.constant 3 : i32
    %dma_start3A_195 = arith.constant 155 : i32
    %dma_start3A_196 = arith.constant 0 : i32
    %dma_start3A_197 = arith.constant 0 : i32
    %dma_start3A_198 = tpu.memref_slice %arg9[%dma_start3A_194, %dma_start3A_196, %dma_start3A_197] : memref<8x128x32xf32, #tpu.memory_space<vmem>> -> memref<1x128x32xf32, #tpu.memory_space<vmem>>
    %dma_start3A_199 = tpu.memref_squeeze %dma_start3A_198 : memref<1x128x32xf32, #tpu.memory_space<vmem>> -> memref<128x32xf32, #tpu.memory_space<vmem>>
    %dma_start3A_200 = arith.constant 0 : i32
    %dma_start3A_201 = tpu.memref_slice %arg8[%dma_start3A_195, %dma_start3A_200] : memref<160x128xi32, #tpu.memory_space<vmem>> -> memref<1x128xi32, #tpu.memory_space<vmem>>
    %dma_start3A_202 = tpu.memref_squeeze %dma_start3A_201 : memref<1x128xi32, #tpu.memory_space<vmem>> -> memref<128xi32, #tpu.memory_space<vmem>>
    %dma_start3A_203 = arith.constant 0 : i32
    %dma_start3A_204 = arith.constant 0 : i32
    %dma_start3A_205 = tpu.memref_slice %arg6[%dma_start3A_203, %dma_start3A_204] : memref<10016x32xf32, #tpu.memory_space<vmem_shared>> -> memref<10016x32xf32, #tpu.memory_space<vmem_shared>>
    tpu.enqueue_indirect_dma source(%dma_start3A_199 : memref<128x32xf32, #tpu.memory_space<vmem>>) target(%dma_start3A_205 : memref<10016x32xf32, #tpu.memory_space<vmem_shared>>) offsets(%dma_start3A_202 : memref<128xi32, #tpu.memory_space<vmem>>) semaphore(%arg21 : memref<!tpu.dma_semaphore, #tpu.memory_space<semaphore_mem>>) {add = true}
    %dma_wait3A_206 = arith.constant 156 : i32
    %dma_wait3A_207 = arith.constant 4 : i32
    %dma_wait3A_208 = arith.constant 0 : i32
    %dma_wait3A_209 = arith.constant 0 : i32
    %dma_wait3A_210 = tpu.memref_slice %arg9[%dma_wait3A_207, %dma_wait3A_208, %dma_wait3A_209] : memref<8x128x32xf32, #tpu.memory_space<vmem>> -> memref<1x128x32xf32, #tpu.memory_space<vmem>>
    %dma_wait3A_211 = tpu.memref_squeeze %dma_wait3A_210 : memref<1x128x32xf32, #tpu.memory_space<vmem>> -> memref<128x32xf32, #tpu.memory_space<vmem>>
    %dma_wait3A_212 = arith.constant 0 : i32
    %dma_wait3A_213 = tpu.memref_slice %arg7[%dma_wait3A_206, %dma_wait3A_212] : memref<160x128xi32, #tpu.memory_space<vmem>> -> memref<1x128xi32, #tpu.memory_space<vmem>>
    %dma_wait3A_214 = tpu.memref_squeeze %dma_wait3A_213 : memref<1x128xi32, #tpu.memory_space<vmem>> -> memref<128xi32, #tpu.memory_space<vmem>>
    %dma_wait3A_215 = arith.constant 0 : i32
    %dma_wait3A_216 = arith.constant 0 : i32
    %dma_wait3A_217 = tpu.memref_slice %arg2[%dma_wait3A_215, %dma_wait3A_216] : memref<20000x32xf32, #tpu.memory_space<hbm>> -> memref<20000x32xf32, #tpu.memory_space<hbm>>
    tpu.wait_indirect_dma semaphore(%arg14 : memref<!tpu.dma_semaphore, #tpu.memory_space<semaphore_mem>>) src(%dma_wait3A_217 : memref<20000x32xf32, #tpu.memory_space<hbm>>) dst(%dma_wait3A_211 : memref<128x32xf32, #tpu.memory_space<vmem>>)
    %dma_start3A_218 = arith.constant 4 : i32
    %dma_start3A_219 = arith.constant 156 : i32
    %dma_start3A_220 = arith.constant 0 : i32
    %dma_start3A_221 = arith.constant 0 : i32
    %dma_start3A_222 = tpu.memref_slice %arg9[%dma_start3A_218, %dma_start3A_220, %dma_start3A_221] : memref<8x128x32xf32, #tpu.memory_space<vmem>> -> memref<1x128x32xf32, #tpu.memory_space<vmem>>
    %dma_start3A_223 = tpu.memref_squeeze %dma_start3A_222 : memref<1x128x32xf32, #tpu.memory_space<vmem>> -> memref<128x32xf32, #tpu.memory_space<vmem>>
    %dma_start3A_224 = arith.constant 0 : i32
    %dma_start3A_225 = tpu.memref_slice %arg8[%dma_start3A_219, %dma_start3A_224] : memref<160x128xi32, #tpu.memory_space<vmem>> -> memref<1x128xi32, #tpu.memory_space<vmem>>
    %dma_start3A_226 = tpu.memref_squeeze %dma_start3A_225 : memref<1x128xi32, #tpu.memory_space<vmem>> -> memref<128xi32, #tpu.memory_space<vmem>>
    %dma_start3A_227 = arith.constant 0 : i32
    %dma_start3A_228 = arith.constant 0 : i32
    %dma_start3A_229 = tpu.memref_slice %arg6[%dma_start3A_227, %dma_start3A_228] : memref<10016x32xf32, #tpu.memory_space<vmem_shared>> -> memref<10016x32xf32, #tpu.memory_space<vmem_shared>>
    tpu.enqueue_indirect_dma source(%dma_start3A_223 : memref<128x32xf32, #tpu.memory_space<vmem>>) target(%dma_start3A_229 : memref<10016x32xf32, #tpu.memory_space<vmem_shared>>) offsets(%dma_start3A_226 : memref<128xi32, #tpu.memory_space<vmem>>) semaphore(%arg22 : memref<!tpu.dma_semaphore, #tpu.memory_space<semaphore_mem>>) {add = true}
    %dma_wait3A_230 = arith.constant 157 : i32
    %dma_wait3A_231 = arith.constant 5 : i32
    %dma_wait3A_232 = arith.constant 0 : i32
    %dma_wait3A_233 = arith.constant 0 : i32
    %dma_wait3A_234 = tpu.memref_slice %arg9[%dma_wait3A_231, %dma_wait3A_232, %dma_wait3A_233] : memref<8x128x32xf32, #tpu.memory_space<vmem>> -> memref<1x128x32xf32, #tpu.memory_space<vmem>>
    %dma_wait3A_235 = tpu.memref_squeeze %dma_wait3A_234 : memref<1x128x32xf32, #tpu.memory_space<vmem>> -> memref<128x32xf32, #tpu.memory_space<vmem>>
    %dma_wait3A_236 = arith.constant 0 : i32
    %dma_wait3A_237 = tpu.memref_slice %arg7[%dma_wait3A_230, %dma_wait3A_236] : memref<160x128xi32, #tpu.memory_space<vmem>> -> memref<1x128xi32, #tpu.memory_space<vmem>>
    %dma_wait3A_238 = tpu.memref_squeeze %dma_wait3A_237 : memref<1x128xi32, #tpu.memory_space<vmem>> -> memref<128xi32, #tpu.memory_space<vmem>>
    %dma_wait3A_239 = arith.constant 0 : i32
    %dma_wait3A_240 = arith.constant 0 : i32
    %dma_wait3A_241 = tpu.memref_slice %arg2[%dma_wait3A_239, %dma_wait3A_240] : memref<20000x32xf32, #tpu.memory_space<hbm>> -> memref<20000x32xf32, #tpu.memory_space<hbm>>
    tpu.wait_indirect_dma semaphore(%arg15 : memref<!tpu.dma_semaphore, #tpu.memory_space<semaphore_mem>>) src(%dma_wait3A_241 : memref<20000x32xf32, #tpu.memory_space<hbm>>) dst(%dma_wait3A_235 : memref<128x32xf32, #tpu.memory_space<vmem>>)
    %dma_start3A_242 = arith.constant 5 : i32
    %dma_start3A_243 = arith.constant 157 : i32
    %dma_start3A_244 = arith.constant 0 : i32
    %dma_start3A_245 = arith.constant 0 : i32
    %dma_start3A_246 = tpu.memref_slice %arg9[%dma_start3A_242, %dma_start3A_244, %dma_start3A_245] : memref<8x128x32xf32, #tpu.memory_space<vmem>> -> memref<1x128x32xf32, #tpu.memory_space<vmem>>
    %dma_start3A_247 = tpu.memref_squeeze %dma_start3A_246 : memref<1x128x32xf32, #tpu.memory_space<vmem>> -> memref<128x32xf32, #tpu.memory_space<vmem>>
    %dma_start3A_248 = arith.constant 0 : i32
    %dma_start3A_249 = tpu.memref_slice %arg8[%dma_start3A_243, %dma_start3A_248] : memref<160x128xi32, #tpu.memory_space<vmem>> -> memref<1x128xi32, #tpu.memory_space<vmem>>
    %dma_start3A_250 = tpu.memref_squeeze %dma_start3A_249 : memref<1x128xi32, #tpu.memory_space<vmem>> -> memref<128xi32, #tpu.memory_space<vmem>>
    %dma_start3A_251 = arith.constant 0 : i32
    %dma_start3A_252 = arith.constant 0 : i32
    %dma_start3A_253 = tpu.memref_slice %arg6[%dma_start3A_251, %dma_start3A_252] : memref<10016x32xf32, #tpu.memory_space<vmem_shared>> -> memref<10016x32xf32, #tpu.memory_space<vmem_shared>>
    tpu.enqueue_indirect_dma source(%dma_start3A_247 : memref<128x32xf32, #tpu.memory_space<vmem>>) target(%dma_start3A_253 : memref<10016x32xf32, #tpu.memory_space<vmem_shared>>) offsets(%dma_start3A_250 : memref<128xi32, #tpu.memory_space<vmem>>) semaphore(%arg23 : memref<!tpu.dma_semaphore, #tpu.memory_space<semaphore_mem>>) {add = true}
    %dma_wait3A_254 = arith.constant 158 : i32
    %dma_wait3A_255 = arith.constant 6 : i32
    %dma_wait3A_256 = arith.constant 0 : i32
    %dma_wait3A_257 = arith.constant 0 : i32
    %dma_wait3A_258 = tpu.memref_slice %arg9[%dma_wait3A_255, %dma_wait3A_256, %dma_wait3A_257] : memref<8x128x32xf32, #tpu.memory_space<vmem>> -> memref<1x128x32xf32, #tpu.memory_space<vmem>>
    %dma_wait3A_259 = tpu.memref_squeeze %dma_wait3A_258 : memref<1x128x32xf32, #tpu.memory_space<vmem>> -> memref<128x32xf32, #tpu.memory_space<vmem>>
    %dma_wait3A_260 = arith.constant 0 : i32
    %dma_wait3A_261 = tpu.memref_slice %arg7[%dma_wait3A_254, %dma_wait3A_260] : memref<160x128xi32, #tpu.memory_space<vmem>> -> memref<1x128xi32, #tpu.memory_space<vmem>>
    %dma_wait3A_262 = tpu.memref_squeeze %dma_wait3A_261 : memref<1x128xi32, #tpu.memory_space<vmem>> -> memref<128xi32, #tpu.memory_space<vmem>>
    %dma_wait3A_263 = arith.constant 0 : i32
    %dma_wait3A_264 = arith.constant 0 : i32
    %dma_wait3A_265 = tpu.memref_slice %arg2[%dma_wait3A_263, %dma_wait3A_264] : memref<20000x32xf32, #tpu.memory_space<hbm>> -> memref<20000x32xf32, #tpu.memory_space<hbm>>
    tpu.wait_indirect_dma semaphore(%arg16 : memref<!tpu.dma_semaphore, #tpu.memory_space<semaphore_mem>>) src(%dma_wait3A_265 : memref<20000x32xf32, #tpu.memory_space<hbm>>) dst(%dma_wait3A_259 : memref<128x32xf32, #tpu.memory_space<vmem>>)
    %dma_start3A_266 = arith.constant 6 : i32
    %dma_start3A_267 = arith.constant 158 : i32
    %dma_start3A_268 = arith.constant 0 : i32
    %dma_start3A_269 = arith.constant 0 : i32
    %dma_start3A_270 = tpu.memref_slice %arg9[%dma_start3A_266, %dma_start3A_268, %dma_start3A_269] : memref<8x128x32xf32, #tpu.memory_space<vmem>> -> memref<1x128x32xf32, #tpu.memory_space<vmem>>
    %dma_start3A_271 = tpu.memref_squeeze %dma_start3A_270 : memref<1x128x32xf32, #tpu.memory_space<vmem>> -> memref<128x32xf32, #tpu.memory_space<vmem>>
    %dma_start3A_272 = arith.constant 0 : i32
    %dma_start3A_273 = tpu.memref_slice %arg8[%dma_start3A_267, %dma_start3A_272] : memref<160x128xi32, #tpu.memory_space<vmem>> -> memref<1x128xi32, #tpu.memory_space<vmem>>
    %dma_start3A_274 = tpu.memref_squeeze %dma_start3A_273 : memref<1x128xi32, #tpu.memory_space<vmem>> -> memref<128xi32, #tpu.memory_space<vmem>>
    %dma_start3A_275 = arith.constant 0 : i32
    %dma_start3A_276 = arith.constant 0 : i32
    %dma_start3A_277 = tpu.memref_slice %arg6[%dma_start3A_275, %dma_start3A_276] : memref<10016x32xf32, #tpu.memory_space<vmem_shared>> -> memref<10016x32xf32, #tpu.memory_space<vmem_shared>>
    tpu.enqueue_indirect_dma source(%dma_start3A_271 : memref<128x32xf32, #tpu.memory_space<vmem>>) target(%dma_start3A_277 : memref<10016x32xf32, #tpu.memory_space<vmem_shared>>) offsets(%dma_start3A_274 : memref<128xi32, #tpu.memory_space<vmem>>) semaphore(%arg24 : memref<!tpu.dma_semaphore, #tpu.memory_space<semaphore_mem>>) {add = true}
    %dma_wait3A_278 = arith.constant 159 : i32
    %dma_wait3A_279 = arith.constant 7 : i32
    %dma_wait3A_280 = arith.constant 0 : i32
    %dma_wait3A_281 = arith.constant 0 : i32
    %dma_wait3A_282 = tpu.memref_slice %arg9[%dma_wait3A_279, %dma_wait3A_280, %dma_wait3A_281] : memref<8x128x32xf32, #tpu.memory_space<vmem>> -> memref<1x128x32xf32, #tpu.memory_space<vmem>>
    %dma_wait3A_283 = tpu.memref_squeeze %dma_wait3A_282 : memref<1x128x32xf32, #tpu.memory_space<vmem>> -> memref<128x32xf32, #tpu.memory_space<vmem>>
    %dma_wait3A_284 = arith.constant 0 : i32
    %dma_wait3A_285 = tpu.memref_slice %arg7[%dma_wait3A_278, %dma_wait3A_284] : memref<160x128xi32, #tpu.memory_space<vmem>> -> memref<1x128xi32, #tpu.memory_space<vmem>>
    %dma_wait3A_286 = tpu.memref_squeeze %dma_wait3A_285 : memref<1x128xi32, #tpu.memory_space<vmem>> -> memref<128xi32, #tpu.memory_space<vmem>>
    %dma_wait3A_287 = arith.constant 0 : i32
    %dma_wait3A_288 = arith.constant 0 : i32
    %dma_wait3A_289 = tpu.memref_slice %arg2[%dma_wait3A_287, %dma_wait3A_288] : memref<20000x32xf32, #tpu.memory_space<hbm>> -> memref<20000x32xf32, #tpu.memory_space<hbm>>
    tpu.wait_indirect_dma semaphore(%arg17 : memref<!tpu.dma_semaphore, #tpu.memory_space<semaphore_mem>>) src(%dma_wait3A_289 : memref<20000x32xf32, #tpu.memory_space<hbm>>) dst(%dma_wait3A_283 : memref<128x32xf32, #tpu.memory_space<vmem>>)
    %dma_start3A_290 = arith.constant 7 : i32
    %dma_start3A_291 = arith.constant 159 : i32
    %dma_start3A_292 = arith.constant 0 : i32
    %dma_start3A_293 = arith.constant 0 : i32
    %dma_start3A_294 = tpu.memref_slice %arg9[%dma_start3A_290, %dma_start3A_292, %dma_start3A_293] : memref<8x128x32xf32, #tpu.memory_space<vmem>> -> memref<1x128x32xf32, #tpu.memory_space<vmem>>
    %dma_start3A_295 = tpu.memref_squeeze %dma_start3A_294 : memref<1x128x32xf32, #tpu.memory_space<vmem>> -> memref<128x32xf32, #tpu.memory_space<vmem>>
    %dma_start3A_296 = arith.constant 0 : i32
    %dma_start3A_297 = tpu.memref_slice %arg8[%dma_start3A_291, %dma_start3A_296] : memref<160x128xi32, #tpu.memory_space<vmem>> -> memref<1x128xi32, #tpu.memory_space<vmem>>
    %dma_start3A_298 = tpu.memref_squeeze %dma_start3A_297 : memref<1x128xi32, #tpu.memory_space<vmem>> -> memref<128xi32, #tpu.memory_space<vmem>>
    %dma_start3A_299 = arith.constant 0 : i32
    %dma_start3A_300 = arith.constant 0 : i32
    %dma_start3A_301 = tpu.memref_slice %arg6[%dma_start3A_299, %dma_start3A_300] : memref<10016x32xf32, #tpu.memory_space<vmem_shared>> -> memref<10016x32xf32, #tpu.memory_space<vmem_shared>>
    tpu.enqueue_indirect_dma source(%dma_start3A_295 : memref<128x32xf32, #tpu.memory_space<vmem>>) target(%dma_start3A_301 : memref<10016x32xf32, #tpu.memory_space<vmem_shared>>) offsets(%dma_start3A_298 : memref<128xi32, #tpu.memory_space<vmem>>) semaphore(%arg25 : memref<!tpu.dma_semaphore, #tpu.memory_space<semaphore_mem>>) {add = true}
    %dma_wait3A_302 = arith.constant 0 : i32
    %dma_wait3A_303 = arith.constant 152 : i32
    %dma_wait3A_304 = arith.constant 0 : i32
    %dma_wait3A_305 = arith.constant 0 : i32
    %dma_wait3A_306 = tpu.memref_slice %arg9[%dma_wait3A_302, %dma_wait3A_304, %dma_wait3A_305] : memref<8x128x32xf32, #tpu.memory_space<vmem>> -> memref<1x128x32xf32, #tpu.memory_space<vmem>>
    %dma_wait3A_307 = tpu.memref_squeeze %dma_wait3A_306 : memref<1x128x32xf32, #tpu.memory_space<vmem>> -> memref<128x32xf32, #tpu.memory_space<vmem>>
    %dma_wait3A_308 = arith.constant 0 : i32
    %dma_wait3A_309 = tpu.memref_slice %arg8[%dma_wait3A_303, %dma_wait3A_308] : memref<160x128xi32, #tpu.memory_space<vmem>> -> memref<1x128xi32, #tpu.memory_space<vmem>>
    %dma_wait3A_310 = tpu.memref_squeeze %dma_wait3A_309 : memref<1x128xi32, #tpu.memory_space<vmem>> -> memref<128xi32, #tpu.memory_space<vmem>>
    %dma_wait3A_311 = arith.constant 0 : i32
    %dma_wait3A_312 = arith.constant 0 : i32
    %dma_wait3A_313 = tpu.memref_slice %arg6[%dma_wait3A_311, %dma_wait3A_312] : memref<10016x32xf32, #tpu.memory_space<vmem_shared>> -> memref<10016x32xf32, #tpu.memory_space<vmem_shared>>
    tpu.wait_indirect_dma semaphore(%arg18 : memref<!tpu.dma_semaphore, #tpu.memory_space<semaphore_mem>>) src(%dma_wait3A_307 : memref<128x32xf32, #tpu.memory_space<vmem>>) dst(%dma_wait3A_313 : memref<10016x32xf32, #tpu.memory_space<vmem_shared>>)
    %dma_wait3A_314 = arith.constant 1 : i32
    %dma_wait3A_315 = arith.constant 153 : i32
    %dma_wait3A_316 = arith.constant 0 : i32
    %dma_wait3A_317 = arith.constant 0 : i32
    %dma_wait3A_318 = tpu.memref_slice %arg9[%dma_wait3A_314, %dma_wait3A_316, %dma_wait3A_317] : memref<8x128x32xf32, #tpu.memory_space<vmem>> -> memref<1x128x32xf32, #tpu.memory_space<vmem>>
    %dma_wait3A_319 = tpu.memref_squeeze %dma_wait3A_318 : memref<1x128x32xf32, #tpu.memory_space<vmem>> -> memref<128x32xf32, #tpu.memory_space<vmem>>
    %dma_wait3A_320 = arith.constant 0 : i32
    %dma_wait3A_321 = tpu.memref_slice %arg8[%dma_wait3A_315, %dma_wait3A_320] : memref<160x128xi32, #tpu.memory_space<vmem>> -> memref<1x128xi32, #tpu.memory_space<vmem>>
    %dma_wait3A_322 = tpu.memref_squeeze %dma_wait3A_321 : memref<1x128xi32, #tpu.memory_space<vmem>> -> memref<128xi32, #tpu.memory_space<vmem>>
    %dma_wait3A_323 = arith.constant 0 : i32
    %dma_wait3A_324 = arith.constant 0 : i32
    %dma_wait3A_325 = tpu.memref_slice %arg6[%dma_wait3A_323, %dma_wait3A_324] : memref<10016x32xf32, #tpu.memory_space<vmem_shared>> -> memref<10016x32xf32, #tpu.memory_space<vmem_shared>>
    tpu.wait_indirect_dma semaphore(%arg19 : memref<!tpu.dma_semaphore, #tpu.memory_space<semaphore_mem>>) src(%dma_wait3A_319 : memref<128x32xf32, #tpu.memory_space<vmem>>) dst(%dma_wait3A_325 : memref<10016x32xf32, #tpu.memory_space<vmem_shared>>)
    %dma_wait3A_326 = arith.constant 2 : i32
    %dma_wait3A_327 = arith.constant 154 : i32
    %dma_wait3A_328 = arith.constant 0 : i32
    %dma_wait3A_329 = arith.constant 0 : i32
    %dma_wait3A_330 = tpu.memref_slice %arg9[%dma_wait3A_326, %dma_wait3A_328, %dma_wait3A_329] : memref<8x128x32xf32, #tpu.memory_space<vmem>> -> memref<1x128x32xf32, #tpu.memory_space<vmem>>
    %dma_wait3A_331 = tpu.memref_squeeze %dma_wait3A_330 : memref<1x128x32xf32, #tpu.memory_space<vmem>> -> memref<128x32xf32, #tpu.memory_space<vmem>>
    %dma_wait3A_332 = arith.constant 0 : i32
    %dma_wait3A_333 = tpu.memref_slice %arg8[%dma_wait3A_327, %dma_wait3A_332] : memref<160x128xi32, #tpu.memory_space<vmem>> -> memref<1x128xi32, #tpu.memory_space<vmem>>
    %dma_wait3A_334 = tpu.memref_squeeze %dma_wait3A_333 : memref<1x128xi32, #tpu.memory_space<vmem>> -> memref<128xi32, #tpu.memory_space<vmem>>
    %dma_wait3A_335 = arith.constant 0 : i32
    %dma_wait3A_336 = arith.constant 0 : i32
    %dma_wait3A_337 = tpu.memref_slice %arg6[%dma_wait3A_335, %dma_wait3A_336] : memref<10016x32xf32, #tpu.memory_space<vmem_shared>> -> memref<10016x32xf32, #tpu.memory_space<vmem_shared>>
    tpu.wait_indirect_dma semaphore(%arg20 : memref<!tpu.dma_semaphore, #tpu.memory_space<semaphore_mem>>) src(%dma_wait3A_331 : memref<128x32xf32, #tpu.memory_space<vmem>>) dst(%dma_wait3A_337 : memref<10016x32xf32, #tpu.memory_space<vmem_shared>>)
    %dma_wait3A_338 = arith.constant 3 : i32
    %dma_wait3A_339 = arith.constant 155 : i32
    %dma_wait3A_340 = arith.constant 0 : i32
    %dma_wait3A_341 = arith.constant 0 : i32
    %dma_wait3A_342 = tpu.memref_slice %arg9[%dma_wait3A_338, %dma_wait3A_340, %dma_wait3A_341] : memref<8x128x32xf32, #tpu.memory_space<vmem>> -> memref<1x128x32xf32, #tpu.memory_space<vmem>>
    %dma_wait3A_343 = tpu.memref_squeeze %dma_wait3A_342 : memref<1x128x32xf32, #tpu.memory_space<vmem>> -> memref<128x32xf32, #tpu.memory_space<vmem>>
    %dma_wait3A_344 = arith.constant 0 : i32
    %dma_wait3A_345 = tpu.memref_slice %arg8[%dma_wait3A_339, %dma_wait3A_344] : memref<160x128xi32, #tpu.memory_space<vmem>> -> memref<1x128xi32, #tpu.memory_space<vmem>>
    %dma_wait3A_346 = tpu.memref_squeeze %dma_wait3A_345 : memref<1x128xi32, #tpu.memory_space<vmem>> -> memref<128xi32, #tpu.memory_space<vmem>>
    %dma_wait3A_347 = arith.constant 0 : i32
    %dma_wait3A_348 = arith.constant 0 : i32
    %dma_wait3A_349 = tpu.memref_slice %arg6[%dma_wait3A_347, %dma_wait3A_348] : memref<10016x32xf32, #tpu.memory_space<vmem_shared>> -> memref<10016x32xf32, #tpu.memory_space<vmem_shared>>
    tpu.wait_indirect_dma semaphore(%arg21 : memref<!tpu.dma_semaphore, #tpu.memory_space<semaphore_mem>>) src(%dma_wait3A_343 : memref<128x32xf32, #tpu.memory_space<vmem>>) dst(%dma_wait3A_349 : memref<10016x32xf32, #tpu.memory_space<vmem_shared>>)
    %dma_wait3A_350 = arith.constant 4 : i32
    %dma_wait3A_351 = arith.constant 156 : i32
    %dma_wait3A_352 = arith.constant 0 : i32
    %dma_wait3A_353 = arith.constant 0 : i32
    %dma_wait3A_354 = tpu.memref_slice %arg9[%dma_wait3A_350, %dma_wait3A_352, %dma_wait3A_353] : memref<8x128x32xf32, #tpu.memory_space<vmem>> -> memref<1x128x32xf32, #tpu.memory_space<vmem>>
    %dma_wait3A_355 = tpu.memref_squeeze %dma_wait3A_354 : memref<1x128x32xf32, #tpu.memory_space<vmem>> -> memref<128x32xf32, #tpu.memory_space<vmem>>
    %dma_wait3A_356 = arith.constant 0 : i32
    %dma_wait3A_357 = tpu.memref_slice %arg8[%dma_wait3A_351, %dma_wait3A_356] : memref<160x128xi32, #tpu.memory_space<vmem>> -> memref<1x128xi32, #tpu.memory_space<vmem>>
    %dma_wait3A_358 = tpu.memref_squeeze %dma_wait3A_357 : memref<1x128xi32, #tpu.memory_space<vmem>> -> memref<128xi32, #tpu.memory_space<vmem>>
    %dma_wait3A_359 = arith.constant 0 : i32
    %dma_wait3A_360 = arith.constant 0 : i32
    %dma_wait3A_361 = tpu.memref_slice %arg6[%dma_wait3A_359, %dma_wait3A_360] : memref<10016x32xf32, #tpu.memory_space<vmem_shared>> -> memref<10016x32xf32, #tpu.memory_space<vmem_shared>>
    tpu.wait_indirect_dma semaphore(%arg22 : memref<!tpu.dma_semaphore, #tpu.memory_space<semaphore_mem>>) src(%dma_wait3A_355 : memref<128x32xf32, #tpu.memory_space<vmem>>) dst(%dma_wait3A_361 : memref<10016x32xf32, #tpu.memory_space<vmem_shared>>)
    %dma_wait3A_362 = arith.constant 5 : i32
    %dma_wait3A_363 = arith.constant 157 : i32
    %dma_wait3A_364 = arith.constant 0 : i32
    %dma_wait3A_365 = arith.constant 0 : i32
    %dma_wait3A_366 = tpu.memref_slice %arg9[%dma_wait3A_362, %dma_wait3A_364, %dma_wait3A_365] : memref<8x128x32xf32, #tpu.memory_space<vmem>> -> memref<1x128x32xf32, #tpu.memory_space<vmem>>
    %dma_wait3A_367 = tpu.memref_squeeze %dma_wait3A_366 : memref<1x128x32xf32, #tpu.memory_space<vmem>> -> memref<128x32xf32, #tpu.memory_space<vmem>>
    %dma_wait3A_368 = arith.constant 0 : i32
    %dma_wait3A_369 = tpu.memref_slice %arg8[%dma_wait3A_363, %dma_wait3A_368] : memref<160x128xi32, #tpu.memory_space<vmem>> -> memref<1x128xi32, #tpu.memory_space<vmem>>
    %dma_wait3A_370 = tpu.memref_squeeze %dma_wait3A_369 : memref<1x128xi32, #tpu.memory_space<vmem>> -> memref<128xi32, #tpu.memory_space<vmem>>
    %dma_wait3A_371 = arith.constant 0 : i32
    %dma_wait3A_372 = arith.constant 0 : i32
    %dma_wait3A_373 = tpu.memref_slice %arg6[%dma_wait3A_371, %dma_wait3A_372] : memref<10016x32xf32, #tpu.memory_space<vmem_shared>> -> memref<10016x32xf32, #tpu.memory_space<vmem_shared>>
    tpu.wait_indirect_dma semaphore(%arg23 : memref<!tpu.dma_semaphore, #tpu.memory_space<semaphore_mem>>) src(%dma_wait3A_367 : memref<128x32xf32, #tpu.memory_space<vmem>>) dst(%dma_wait3A_373 : memref<10016x32xf32, #tpu.memory_space<vmem_shared>>)
    %dma_wait3A_374 = arith.constant 6 : i32
    %dma_wait3A_375 = arith.constant 158 : i32
    %dma_wait3A_376 = arith.constant 0 : i32
    %dma_wait3A_377 = arith.constant 0 : i32
    %dma_wait3A_378 = tpu.memref_slice %arg9[%dma_wait3A_374, %dma_wait3A_376, %dma_wait3A_377] : memref<8x128x32xf32, #tpu.memory_space<vmem>> -> memref<1x128x32xf32, #tpu.memory_space<vmem>>
    %dma_wait3A_379 = tpu.memref_squeeze %dma_wait3A_378 : memref<1x128x32xf32, #tpu.memory_space<vmem>> -> memref<128x32xf32, #tpu.memory_space<vmem>>
    %dma_wait3A_380 = arith.constant 0 : i32
    %dma_wait3A_381 = tpu.memref_slice %arg8[%dma_wait3A_375, %dma_wait3A_380] : memref<160x128xi32, #tpu.memory_space<vmem>> -> memref<1x128xi32, #tpu.memory_space<vmem>>
    %dma_wait3A_382 = tpu.memref_squeeze %dma_wait3A_381 : memref<1x128xi32, #tpu.memory_space<vmem>> -> memref<128xi32, #tpu.memory_space<vmem>>
    %dma_wait3A_383 = arith.constant 0 : i32
    %dma_wait3A_384 = arith.constant 0 : i32
    %dma_wait3A_385 = tpu.memref_slice %arg6[%dma_wait3A_383, %dma_wait3A_384] : memref<10016x32xf32, #tpu.memory_space<vmem_shared>> -> memref<10016x32xf32, #tpu.memory_space<vmem_shared>>
    tpu.wait_indirect_dma semaphore(%arg24 : memref<!tpu.dma_semaphore, #tpu.memory_space<semaphore_mem>>) src(%dma_wait3A_379 : memref<128x32xf32, #tpu.memory_space<vmem>>) dst(%dma_wait3A_385 : memref<10016x32xf32, #tpu.memory_space<vmem_shared>>)
    %dma_wait3A_386 = arith.constant 7 : i32
    %dma_wait3A_387 = arith.constant 159 : i32
    %dma_wait3A_388 = arith.constant 0 : i32
    %dma_wait3A_389 = arith.constant 0 : i32
    %dma_wait3A_390 = tpu.memref_slice %arg9[%dma_wait3A_386, %dma_wait3A_388, %dma_wait3A_389] : memref<8x128x32xf32, #tpu.memory_space<vmem>> -> memref<1x128x32xf32, #tpu.memory_space<vmem>>
    %dma_wait3A_391 = tpu.memref_squeeze %dma_wait3A_390 : memref<1x128x32xf32, #tpu.memory_space<vmem>> -> memref<128x32xf32, #tpu.memory_space<vmem>>
    %dma_wait3A_392 = arith.constant 0 : i32
    %dma_wait3A_393 = tpu.memref_slice %arg8[%dma_wait3A_387, %dma_wait3A_392] : memref<160x128xi32, #tpu.memory_space<vmem>> -> memref<1x128xi32, #tpu.memory_space<vmem>>
    %dma_wait3A_394 = tpu.memref_squeeze %dma_wait3A_393 : memref<1x128xi32, #tpu.memory_space<vmem>> -> memref<128xi32, #tpu.memory_space<vmem>>
    %dma_wait3A_395 = arith.constant 0 : i32
    %dma_wait3A_396 = arith.constant 0 : i32
    %dma_wait3A_397 = tpu.memref_slice %arg6[%dma_wait3A_395, %dma_wait3A_396] : memref<10016x32xf32, #tpu.memory_space<vmem_shared>> -> memref<10016x32xf32, #tpu.memory_space<vmem_shared>>
    tpu.wait_indirect_dma semaphore(%arg25 : memref<!tpu.dma_semaphore, #tpu.memory_space<semaphore_mem>>) src(%dma_wait3A_391 : memref<128x32xf32, #tpu.memory_space<vmem>>) dst(%dma_wait3A_397 : memref<10016x32xf32, #tpu.memory_space<vmem_shared>>)
    %barrier3A_398 = arith.constant 0 : index
    tpu.barrier barrier_id(%barrier3A_398)
    %mul3A_399 = arith.constant 624 : i32
    %mul3A_400 = arith.muli %arg1, %mul3A_399 : i32
    "tpu.region"() ({
      %run_scoped3A = tpu.sem_alloc : memref<!tpu.dma_semaphore, #tpu.memory_space<semaphore_mem>>
      %dma_start3A_406 = arith.constant 0 : i32
      %dma_start3A_407 = tpu.memref_slice %arg5[%add3A, %dma_start3A_406] : memref<20000x32xf32, #tpu.memory_space<hbm>> -> memref<624x32xf32, #tpu.memory_space<hbm>>
      %dma_start3A_408 = arith.constant 0 : i32
      %dma_start3A_409 = tpu.memref_slice %arg6[%mul3A_400, %dma_start3A_408] : memref<10016x32xf32, #tpu.memory_space<vmem_shared>> -> memref<624x32xf32, #tpu.memory_space<vmem_shared>>
      tpu.enqueue_dma source(%dma_start3A_409 : memref<624x32xf32, #tpu.memory_space<vmem_shared>>) target(%dma_start3A_407 : memref<624x32xf32, #tpu.memory_space<hbm>>) target_semaphore(%run_scoped3A : memref<!tpu.dma_semaphore, #tpu.memory_space<semaphore_mem>>)
      %dma_wait3A_410 = arith.constant 0 : i32
      %dma_wait3A_411 = tpu.memref_slice %arg5[%add3A, %dma_wait3A_410] : memref<20000x32xf32, #tpu.memory_space<hbm>> -> memref<624x32xf32, #tpu.memory_space<hbm>>
      %dma_wait3A_412 = arith.constant 0 : i32
      %dma_wait3A_413 = tpu.memref_slice %arg6[%mul3A_400, %dma_wait3A_412] : memref<10016x32xf32, #tpu.memory_space<vmem_shared>> -> memref<624x32xf32, #tpu.memory_space<vmem_shared>>
      tpu.wait_dma2 semaphore(%run_scoped3A : memref<!tpu.dma_semaphore, #tpu.memory_space<semaphore_mem>>) src(%dma_wait3A_413 : memref<624x32xf32, #tpu.memory_space<vmem_shared>>) dst(%dma_wait3A_411 : memref<624x32xf32, #tpu.memory_space<hbm>>)
      tpu.yield
    }) : () -> ()
    %eq3A_401 = arith.constant 15 : i32
    %eq3A_402 = arith.cmpi eq, %arg1, %eq3A_401 : i32
    %convert_element_type3A_403 = arith.extui %eq3A_402 : i1 to i32
    %cond3A_404 = arith.constant 0 : i32
    %cond3A_405 = arith.cmpi ne, %convert_element_type3A_403, %cond3A_404 : i32
    scf.if %cond3A_405 {
      %mul3A_406 = arith.constant 10000 : i32
      %mul3A_407 = arith.muli %arg0, %mul3A_406 : i32
      %add3A_408 = arith.constant 9984 : i32
      %add3A_409 = arith.addi %mul3A_407, %add3A_408 : i32
      "tpu.region"() ({
        %run_scoped3A = tpu.sem_alloc : memref<!tpu.dma_semaphore, #tpu.memory_space<semaphore_mem>>
        %dma_start3A_410 = arith.constant 0 : i32
        %dma_start3A_411 = tpu.memref_slice %arg5[%add3A_409, %dma_start3A_410] : memref<20000x32xf32, #tpu.memory_space<hbm>> -> memref<16x32xf32, #tpu.memory_space<hbm>>
        %dma_start3A_412 = arith.constant 9984 : i32
        %dma_start3A_413 = arith.constant 0 : i32
        %dma_start3A_414 = tpu.memref_slice %arg6[%dma_start3A_412, %dma_start3A_413] : memref<10016x32xf32, #tpu.memory_space<vmem_shared>> -> memref<16x32xf32, #tpu.memory_space<vmem_shared>>
        tpu.enqueue_dma source(%dma_start3A_414 : memref<16x32xf32, #tpu.memory_space<vmem_shared>>) target(%dma_start3A_411 : memref<16x32xf32, #tpu.memory_space<hbm>>) target_semaphore(%run_scoped3A : memref<!tpu.dma_semaphore, #tpu.memory_space<semaphore_mem>>)
        %dma_wait3A_415 = arith.constant 0 : i32
        %dma_wait3A_416 = tpu.memref_slice %arg5[%add3A_409, %dma_wait3A_415] : memref<20000x32xf32, #tpu.memory_space<hbm>> -> memref<16x32xf32, #tpu.memory_space<hbm>>
        %dma_wait3A_417 = arith.constant 9984 : i32
        %dma_wait3A_418 = arith.constant 0 : i32
        %dma_wait3A_419 = tpu.memref_slice %arg6[%dma_wait3A_417, %dma_wait3A_418] : memref<10016x32xf32, #tpu.memory_space<vmem_shared>> -> memref<16x32xf32, #tpu.memory_space<vmem_shared>>
        tpu.wait_dma2 semaphore(%run_scoped3A : memref<!tpu.dma_semaphore, #tpu.memory_space<semaphore_mem>>) src(%dma_wait3A_419 : memref<16x32xf32, #tpu.memory_space<vmem_shared>>) dst(%dma_wait3A_416 : memref<16x32xf32, #tpu.memory_space<hbm>>)
        tpu.yield
      }) : () -> ()
    } else {
    }
    return
  }
}

module attributes {stable_mosaic.version = 14 : i64} {
  func.func @_tc1_body(%arg0: i32, %arg1: i32, %arg2: memref<1000x128xf32, #tpu.memory_space<vmem>>, %arg3: memref<1x128x32xf32, #tpu.memory_space<vmem>>, %arg4: memref<1000x32xf32, #tpu.memory_space<vmem>>) attributes {dimension_semantics = [#tpu.dimension_semantics<arbitrary>, #tpu.dimension_semantics<arbitrary>], iteration_bounds = array<i64: 2, 10>, scalar_prefetch = 0 : i64, scratch_operands = 0 : i64, tpu.core_type = #tpu.core_type<tc>, window_params = [{transform_indices = @transform_0, window_bounds = array<i64: 1000, 128>}, {transform_indices = @transform_1, window_bounds = array<i64: 1, 128, 32>}, {transform_indices = @transform_2, window_bounds = array<i64: 1000, 32>}]} {
    %get3A = arith.constant 0 : index
    %get3A_0 = arith.constant 0 : index
    %get3A_1 = vector.load %arg2[%get3A, %get3A_0] : memref<1000x128xf32, #tpu.memory_space<vmem>>, vector<1000x128xf32>
    %get3A_2 = arith.constant 0 : index
    %get3A_3 = arith.constant 0 : index
    %get3A_4 = arith.constant 0 : index
    %get3A_5 = vector.load %arg3[%get3A_2, %get3A_3, %get3A_4] : memref<1x128x32xf32, #tpu.memory_space<vmem>>, vector<1x128x32xf32>
    %get3A_6 = vector.shape_cast %get3A_5 : vector<1x128x32xf32> to vector<128x32xf32>
    %dot_general3A = arith.constant dense<0.000000e+00> : vector<1000x32xf32>
    %dot_general3A_7 = tpu.matmul %get3A_1, %get3A_6, %dot_general3A {dimension_numbers = #tpu.dot_dimension_numbers<[1], [0], [0], [1], [0, 0, 1, 1], [], []>, transpose_lhs_hint = false} : vector<1000x128xf32>, vector<128x32xf32>, vector<1000x32xf32> -> vector<1000x32xf32>
    %swap3A = arith.constant 0 : index
    %swap3A_8 = arith.constant 0 : index
    %swap3A_9 = vector.load %arg4[%swap3A, %swap3A_8] : memref<1000x32xf32, #tpu.memory_space<vmem>>, vector<1000x32xf32>
    tpu.vector_store %arg4[%swap3A, %swap3A_8], %dot_general3A_7 {strides = array<i32>} : memref<1000x32xf32, #tpu.memory_space<vmem>>, vector<1000x32xf32>,
    return
  }
  func.func @transform_0(%arg0: i32, %arg1: i32) -> (i32, i32) {
    %c0_i32 = arith.constant 0 : i32
    %c0_i32_0 = arith.constant 0 : i32
    return %arg1, %c0_i32 : i32, i32
  }
  func.func @transform_1(%arg0: i32, %arg1: i32) -> (i32, i32, i32) {
    %c0_i32 = arith.constant 0 : i32
    %c0_i32_0 = arith.constant 0 : i32
    %c0_i32_1 = arith.constant 0 : i32
    return %arg0, %c0_i32, %c0_i32_0 : i32, i32, i32
  }
  func.func @transform_2(%arg0: i32, %arg1: i32) -> (i32, i32) {
    %mul3A = arith.constant 10 : i32
    %mul3A_0 = arith.muli %arg0, %mul3A : i32
    %add3A = arith.addi %mul3A_0, %arg1 : i32
    %c0_i32 = arith.constant 0 : i32
    %c0_i32_1 = arith.constant 0 : i32
    return %add3A, %c0_i32 : i32, i32
  }
}

module attributes {stable_mosaic.version = 14 : i64} {
  func.func @_tc2_body(%arg0: i32, %arg1: i32, %arg2: memref<1000x32xf32, #tpu.memory_space<vmem>>, %arg3: memref<1000x32xf32, #tpu.memory_space<vmem>>, %arg4: memref<1x32xf32, #tpu.memory_space<vmem>>, %arg5: memref<32x32xf32, #tpu.memory_space<vmem>>, %arg6: memref<1x32xf32, #tpu.memory_space<vmem>>, %arg7: memref<1x32xf32, #tpu.memory_space<vmem>>, %arg8: memref<32x32xf32, #tpu.memory_space<vmem>>, %arg9: memref<1x32xf32, #tpu.memory_space<vmem>>, %arg10: memref<64x32xf32, #tpu.memory_space<vmem>>, %arg11: memref<1x32xf32, #tpu.memory_space<vmem>>, %arg12: memref<32x32xf32, #tpu.memory_space<vmem>>, %arg13: memref<1x32xf32, #tpu.memory_space<vmem>>, %arg14: memref<1x32x32xf32, #tpu.memory_space<vmem>>, %arg15: memref<1000x32xf32, #tpu.memory_space<vmem>>) attributes {dimension_semantics = [#tpu.dimension_semantics<arbitrary>, #tpu.dimension_semantics<arbitrary>], iteration_bounds = array<i64: 2, 10>, scalar_prefetch = 0 : i64, scratch_operands = 0 : i64, tpu.core_type = #tpu.core_type<tc>, window_params = [{transform_indices = @transform_0, window_bounds = array<i64: 1000, 32>}, {transform_indices = @transform_1, window_bounds = array<i64: 1000, 32>}, {pipeline_mode = #tpu.pipeline_mode<synchronous>, transform_indices = @transform_2, window_bounds = array<i64: 1, 32>}, {pipeline_mode = #tpu.pipeline_mode<synchronous>, transform_indices = @transform_3, window_bounds = array<i64: 32, 32>}, {pipeline_mode = #tpu.pipeline_mode<synchronous>, transform_indices = @transform_4, window_bounds = array<i64: 1, 32>}, {pipeline_mode = #tpu.pipeline_mode<synchronous>, transform_indices = @transform_5, window_bounds = array<i64: 1, 32>}, {pipeline_mode = #tpu.pipeline_mode<synchronous>, transform_indices = @transform_6, window_bounds = array<i64: 32, 32>}, {pipeline_mode = #tpu.pipeline_mode<synchronous>, transform_indices = @transform_7, window_bounds = array<i64: 1, 32>}, {pipeline_mode = #tpu.pipeline_mode<synchronous>, transform_indices = @transform_8, window_bounds = array<i64: 64, 32>}, {pipeline_mode = #tpu.pipeline_mode<synchronous>, transform_indices = @transform_9, window_bounds = array<i64: 1, 32>}, {pipeline_mode = #tpu.pipeline_mode<synchronous>, transform_indices = @transform_10, window_bounds = array<i64: 32, 32>}, {pipeline_mode = #tpu.pipeline_mode<synchronous>, transform_indices = @transform_11, window_bounds = array<i64: 1, 32>}, {transform_indices = @transform_12, window_bounds = array<i64: 1, 32, 32>}, {transform_indices = @transform_13, window_bounds = array<i64: 1000, 32>}]} {
    %get3A = arith.constant 0 : index
    %get3A_0 = arith.constant 0 : index
    %get3A_1 = vector.load %arg2[%get3A, %get3A_0] : memref<1000x32xf32, #tpu.memory_space<vmem>>, vector<1000x32xf32>
    %get3A_2 = arith.constant 0 : index
    %get3A_3 = arith.constant 0 : index
    %get3A_4 = vector.load %arg4[%get3A_2, %get3A_3] : memref<1x32xf32, #tpu.memory_space<vmem>>, vector<1x32xf32>
    %add3A = vector.broadcast %get3A_4 : vector<1x32xf32> to vector<1000x32xf32>
    %add3A_5 = arith.addf %get3A_1, %add3A : vector<1000x32xf32>
    %max3A = arith.constant 0.000000e+00 : f32
    %max3A_6 = vector.broadcast %max3A : f32 to vector<1000x32xf32>
    %max3A_7 = arith.maximumf %add3A_5, %max3A_6 : vector<1000x32xf32>
    %get3A_8 = arith.constant 0 : index
    %get3A_9 = arith.constant 0 : index
    %get3A_10 = vector.load %arg3[%get3A_8, %get3A_9] : memref<1000x32xf32, #tpu.memory_space<vmem>>, vector<1000x32xf32>
    %get3A_11 = arith.constant 0 : index
    %get3A_12 = arith.constant 0 : index
    %get3A_13 = vector.load %arg7[%get3A_11, %get3A_12] : memref<1x32xf32, #tpu.memory_space<vmem>>, vector<1x32xf32>
    %add3A_14 = vector.broadcast %get3A_13 : vector<1x32xf32> to vector<1000x32xf32>
    %add3A_15 = arith.addf %get3A_10, %add3A_14 : vector<1000x32xf32>
    %max3A_16 = arith.constant 0.000000e+00 : f32
    %max3A_17 = vector.broadcast %max3A_16 : f32 to vector<1000x32xf32>
    %max3A_18 = arith.maximumf %add3A_15, %max3A_17 : vector<1000x32xf32>
    %get3A_19 = arith.constant 0 : index
    %get3A_20 = arith.constant 0 : index
    %get3A_21 = vector.load %arg5[%get3A_19, %get3A_20] : memref<32x32xf32, #tpu.memory_space<vmem>>, vector<32x32xf32>
    %dot_general3A = arith.constant dense<0.000000e+00> : vector<1000x32xf32>
    %dot_general3A_22 = tpu.matmul %max3A_7, %get3A_21, %dot_general3A {dimension_numbers = #tpu.dot_dimension_numbers<[1], [0], [0], [1], [0, 0, 1, 1], [], []>, transpose_lhs_hint = false} : vector<1000x32xf32>, vector<32x32xf32>, vector<1000x32xf32> -> vector<1000x32xf32>
    %get3A_23 = arith.constant 0 : index
    %get3A_24 = arith.constant 0 : index
    %get3A_25 = vector.load %arg6[%get3A_23, %get3A_24] : memref<1x32xf32, #tpu.memory_space<vmem>>, vector<1x32xf32>
    %add3A_26 = vector.broadcast %get3A_25 : vector<1x32xf32> to vector<1000x32xf32>
    %add3A_27 = arith.addf %dot_general3A_22, %add3A_26 : vector<1000x32xf32>
    %get3A_28 = arith.constant 0 : index
    %get3A_29 = arith.constant 0 : index
    %get3A_30 = vector.load %arg8[%get3A_28, %get3A_29] : memref<32x32xf32, #tpu.memory_space<vmem>>, vector<32x32xf32>
    %dot_general3A_31 = arith.constant dense<0.000000e+00> : vector<1000x32xf32>
    %dot_general3A_32 = tpu.matmul %max3A_18, %get3A_30, %dot_general3A_31 {dimension_numbers = #tpu.dot_dimension_numbers<[1], [0], [0], [1], [0, 0, 1, 1], [], []>, transpose_lhs_hint = false} : vector<1000x32xf32>, vector<32x32xf32>, vector<1000x32xf32> -> vector<1000x32xf32>
    %get3A_33 = arith.constant 0 : index
    %get3A_34 = arith.constant 0 : index
    %get3A_35 = vector.load %arg9[%get3A_33, %get3A_34] : memref<1x32xf32, #tpu.memory_space<vmem>>, vector<1x32xf32>
    %add3A_36 = vector.broadcast %get3A_35 : vector<1x32xf32> to vector<1000x32xf32>
    %add3A_37 = arith.addf %dot_general3A_32, %add3A_36 : vector<1000x32xf32>
    %concatenate3A = tpu.concatenate %add3A_27, %add3A_37 in 1 : vector<1000x32xf32>, vector<1000x32xf32> -> vector<1000x64xf32>
    %get3A_38 = arith.constant 0 : index
    %get3A_39 = arith.constant 0 : index
    %get3A_40 = vector.load %arg10[%get3A_38, %get3A_39] : memref<64x32xf32, #tpu.memory_space<vmem>>, vector<64x32xf32>
    %dot_general3A_41 = arith.constant dense<0.000000e+00> : vector<1000x32xf32>
    %dot_general3A_42 = tpu.matmul %concatenate3A, %get3A_40, %dot_general3A_41 {dimension_numbers = #tpu.dot_dimension_numbers<[1], [0], [0], [1], [0, 0, 1, 1], [], []>, transpose_lhs_hint = false} : vector<1000x64xf32>, vector<64x32xf32>, vector<1000x32xf32> -> vector<1000x32xf32>
    %get3A_43 = arith.constant 0 : index
    %get3A_44 = arith.constant 0 : index
    %get3A_45 = vector.load %arg11[%get3A_43, %get3A_44] : memref<1x32xf32, #tpu.memory_space<vmem>>, vector<1x32xf32>
    %add3A_46 = vector.broadcast %get3A_45 : vector<1x32xf32> to vector<1000x32xf32>
    %add3A_47 = arith.addf %dot_general3A_42, %add3A_46 : vector<1000x32xf32>
    %max3A_48 = arith.constant 0.000000e+00 : f32
    %max3A_49 = vector.broadcast %max3A_48 : f32 to vector<1000x32xf32>
    %max3A_50 = arith.maximumf %add3A_47, %max3A_49 : vector<1000x32xf32>
    %get3A_51 = arith.constant 0 : index
    %get3A_52 = arith.constant 0 : index
    %get3A_53 = vector.load %arg12[%get3A_51, %get3A_52] : memref<32x32xf32, #tpu.memory_space<vmem>>, vector<32x32xf32>
    %dot_general3A_54 = arith.constant dense<0.000000e+00> : vector<1000x32xf32>
    %dot_general3A_55 = tpu.matmul %max3A_50, %get3A_53, %dot_general3A_54 {dimension_numbers = #tpu.dot_dimension_numbers<[1], [0], [0], [1], [0, 0, 1, 1], [], []>, transpose_lhs_hint = false} : vector<1000x32xf32>, vector<32x32xf32>, vector<1000x32xf32> -> vector<1000x32xf32>
    %get3A_56 = arith.constant 0 : index
    %get3A_57 = arith.constant 0 : index
    %get3A_58 = vector.load %arg13[%get3A_56, %get3A_57] : memref<1x32xf32, #tpu.memory_space<vmem>>, vector<1x32xf32>
    %add3A_59 = vector.broadcast %get3A_58 : vector<1x32xf32> to vector<1000x32xf32>
    %add3A_60 = arith.addf %dot_general3A_55, %add3A_59 : vector<1000x32xf32>
    %get3A_61 = arith.constant 0 : index
    %get3A_62 = arith.constant 0 : index
    %get3A_63 = arith.constant 0 : index
    %get3A_64 = vector.load %arg14[%get3A_61, %get3A_62, %get3A_63] : memref<1x32x32xf32, #tpu.memory_space<vmem>>, vector<1x32x32xf32>
    %get3A_65 = vector.shape_cast %get3A_64 : vector<1x32x32xf32> to vector<32x32xf32>
    %dot_general3A_66 = arith.constant dense<0.000000e+00> : vector<1000x32xf32>
    %dot_general3A_67 = tpu.matmul %add3A_60, %get3A_65, %dot_general3A_66 {dimension_numbers = #tpu.dot_dimension_numbers<[1], [0], [0], [1], [0, 0, 1, 1], [], []>, transpose_lhs_hint = false} : vector<1000x32xf32>, vector<32x32xf32>, vector<1000x32xf32> -> vector<1000x32xf32>
    %swap3A = arith.constant 0 : index
    %swap3A_68 = arith.constant 0 : index
    %swap3A_69 = vector.load %arg15[%swap3A, %swap3A_68] : memref<1000x32xf32, #tpu.memory_space<vmem>>, vector<1000x32xf32>
    tpu.vector_store %arg15[%swap3A, %swap3A_68], %dot_general3A_67 {strides = array<i32>} : memref<1000x32xf32, #tpu.memory_space<vmem>>, vector<1000x32xf32>,
    return
  }
  func.func @transform_0(%arg0: i32, %arg1: i32) -> (i32, i32) {
    %c0_i32 = arith.constant 0 : i32
    %c0_i32_0 = arith.constant 0 : i32
    return %arg1, %c0_i32 : i32, i32
  }
  func.func @transform_1(%arg0: i32, %arg1: i32) -> (i32, i32) {
    %add3A = arith.constant 10 : i32
    %add3A_0 = arith.addi %add3A, %arg1 : i32
    %c0_i32 = arith.constant 0 : i32
    %c0_i32_1 = arith.constant 0 : i32
    return %add3A_0, %c0_i32 : i32, i32
  }
  func.func @transform_2(%arg0: i32, %arg1: i32) -> (i32, i32) {
    %c0_i32 = arith.constant 0 : i32
    %c0_i32_0 = arith.constant 0 : i32
    %c0_i32_1 = arith.constant 0 : i32
    return %c0_i32, %c0_i32_0 : i32, i32
  }
  func.func @transform_3(%arg0: i32, %arg1: i32) -> (i32, i32) {
    %c0_i32 = arith.constant 0 : i32
    %c0_i32_0 = arith.constant 0 : i32
    %c0_i32_1 = arith.constant 0 : i32
    return %c0_i32, %c0_i32_0 : i32, i32
  }
  func.func @transform_4(%arg0: i32, %arg1: i32) -> (i32, i32) {
    %c0_i32 = arith.constant 0 : i32
    %c0_i32_0 = arith.constant 0 : i32
    %c0_i32_1 = arith.constant 0 : i32
    return %c0_i32, %c0_i32_0 : i32, i32
  }
  func.func @transform_5(%arg0: i32, %arg1: i32) -> (i32, i32) {
    %c0_i32 = arith.constant 0 : i32
    %c0_i32_0 = arith.constant 0 : i32
    %c0_i32_1 = arith.constant 0 : i32
    return %c0_i32, %c0_i32_0 : i32, i32
  }
  func.func @transform_6(%arg0: i32, %arg1: i32) -> (i32, i32) {
    %c0_i32 = arith.constant 0 : i32
    %c0_i32_0 = arith.constant 0 : i32
    %c0_i32_1 = arith.constant 0 : i32
    return %c0_i32, %c0_i32_0 : i32, i32
  }
  func.func @transform_7(%arg0: i32, %arg1: i32) -> (i32, i32) {
    %c0_i32 = arith.constant 0 : i32
    %c0_i32_0 = arith.constant 0 : i32
    %c0_i32_1 = arith.constant 0 : i32
    return %c0_i32, %c0_i32_0 : i32, i32
  }
  func.func @transform_8(%arg0: i32, %arg1: i32) -> (i32, i32) {
    %c0_i32 = arith.constant 0 : i32
    %c0_i32_0 = arith.constant 0 : i32
    %c0_i32_1 = arith.constant 0 : i32
    return %c0_i32, %c0_i32_0 : i32, i32
  }
  func.func @transform_9(%arg0: i32, %arg1: i32) -> (i32, i32) {
    %c0_i32 = arith.constant 0 : i32
    %c0_i32_0 = arith.constant 0 : i32
    %c0_i32_1 = arith.constant 0 : i32
    return %c0_i32, %c0_i32_0 : i32, i32
  }
  func.func @transform_10(%arg0: i32, %arg1: i32) -> (i32, i32) {
    %c0_i32 = arith.constant 0 : i32
    %c0_i32_0 = arith.constant 0 : i32
    %c0_i32_1 = arith.constant 0 : i32
    return %c0_i32, %c0_i32_0 : i32, i32
  }
  func.func @transform_11(%arg0: i32, %arg1: i32) -> (i32, i32) {
    %c0_i32 = arith.constant 0 : i32
    %c0_i32_0 = arith.constant 0 : i32
    %c0_i32_1 = arith.constant 0 : i32
    return %c0_i32, %c0_i32_0 : i32, i32
  }
  func.func @transform_12(%arg0: i32, %arg1: i32) -> (i32, i32, i32) {
    %c0_i32 = arith.constant 0 : i32
    %c0_i32_0 = arith.constant 0 : i32
    %c0_i32_1 = arith.constant 0 : i32
    return %arg0, %c0_i32, %c0_i32_0 : i32, i32, i32
  }
  func.func @transform_13(%arg0: i32, %arg1: i32) -> (i32, i32) {
    %mul3A = arith.constant 10 : i32
    %mul3A_0 = arith.muli %arg0, %mul3A : i32
    %add3A = arith.addi %mul3A_0, %arg1 : i32
    %c0_i32 = arith.constant 0 : i32
    %c0_i32_1 = arith.constant 0 : i32
    return %add3A, %c0_i32 : i32, i32
  }
}

module attributes {stable_mosaic.version = 14 : i64} {
  func.func @_tc3_body(%arg0: i32, %arg1: memref<1000x32xf32, #tpu.memory_space<vmem>>, %arg2: memref<1000x32xf32, #tpu.memory_space<vmem>>, %arg3: memref<1x1x1000xi32, #tpu.memory_space<vmem>>, %arg4: memref<1x32xf32, #tpu.memory_space<vmem>>, %arg5: memref<32x32xf32, #tpu.memory_space<vmem>>, %arg6: memref<1x32xf32, #tpu.memory_space<vmem>>, %arg7: memref<1x32xf32, #tpu.memory_space<vmem>>, %arg8: memref<32x32xf32, #tpu.memory_space<vmem>>, %arg9: memref<1x32xf32, #tpu.memory_space<vmem>>, %arg10: memref<64x32xf32, #tpu.memory_space<vmem>>, %arg11: memref<1x32xf32, #tpu.memory_space<vmem>>, %arg12: memref<32x32xf32, #tpu.memory_space<vmem>>, %arg13: memref<1x32xf32, #tpu.memory_space<vmem>>, %arg14: memref<32x1xf32, #tpu.memory_space<vmem>>, %arg15: memref<1x1xf32, #tpu.memory_space<vmem>>, %arg16: memref<64x1xf32, #tpu.memory_space<vmem>>) attributes {dimension_semantics = [#tpu.dimension_semantics<arbitrary>], iteration_bounds = array<i64: 10>, scalar_prefetch = 0 : i64, scratch_operands = 0 : i64, tpu.core_type = #tpu.core_type<tc>, window_params = [{transform_indices = @transform_0, window_bounds = array<i64: 1000, 32>}, {transform_indices = @transform_1, window_bounds = array<i64: 1000, 32>}, {transform_indices = @transform_2, window_bounds = array<i64: 1, 1, 1000>}, {pipeline_mode = #tpu.pipeline_mode<synchronous>, transform_indices = @transform_3, window_bounds = array<i64: 1, 32>}, {pipeline_mode = #tpu.pipeline_mode<synchronous>, transform_indices = @transform_4, window_bounds = array<i64: 32, 32>}, {pipeline_mode = #tpu.pipeline_mode<synchronous>, transform_indices = @transform_5, window_bounds = array<i64: 1, 32>}, {pipeline_mode = #tpu.pipeline_mode<synchronous>, transform_indices = @transform_6, window_bounds = array<i64: 1, 32>}, {pipeline_mode = #tpu.pipeline_mode<synchronous>, transform_indices = @transform_7, window_bounds = array<i64: 32, 32>}, {pipeline_mode = #tpu.pipeline_mode<synchronous>, transform_indices = @transform_8, window_bounds = array<i64: 1, 32>}, {pipeline_mode = #tpu.pipeline_mode<synchronous>, transform_indices = @transform_9, window_bounds = array<i64: 64, 32>}, {pipeline_mode = #tpu.pipeline_mode<synchronous>, transform_indices = @transform_10, window_bounds = array<i64: 1, 32>}, {pipeline_mode = #tpu.pipeline_mode<synchronous>, transform_indices = @transform_11, window_bounds = array<i64: 32, 32>}, {pipeline_mode = #tpu.pipeline_mode<synchronous>, transform_indices = @transform_12, window_bounds = array<i64: 1, 32>}, {pipeline_mode = #tpu.pipeline_mode<synchronous>, transform_indices = @transform_13, window_bounds = array<i64: 32, 1>}, {pipeline_mode = #tpu.pipeline_mode<synchronous>, transform_indices = @transform_14, window_bounds = array<i64: 1, 1>}, {pipeline_mode = #tpu.pipeline_mode<synchronous>, transform_indices = @transform_15, window_bounds = array<i64: 64, 1>}]} {
    %get3A = arith.constant 0 : index
    %get3A_0 = arith.constant 0 : index
    %get3A_1 = vector.load %arg1[%get3A, %get3A_0] : memref<1000x32xf32, #tpu.memory_space<vmem>>, vector<1000x32xf32>
    %get3A_2 = arith.constant 0 : index
    %get3A_3 = arith.constant 0 : index
    %get3A_4 = vector.load %arg4[%get3A_2, %get3A_3] : memref<1x32xf32, #tpu.memory_space<vmem>>, vector<1x32xf32>
    %add3A = vector.broadcast %get3A_4 : vector<1x32xf32> to vector<1000x32xf32>
    %add3A_5 = arith.addf %get3A_1, %add3A : vector<1000x32xf32>
    %max3A = arith.constant 0.000000e+00 : f32
    %max3A_6 = vector.broadcast %max3A : f32 to vector<1000x32xf32>
    %max3A_7 = arith.maximumf %add3A_5, %max3A_6 : vector<1000x32xf32>
    %get3A_8 = arith.constant 0 : index
    %get3A_9 = arith.constant 0 : index
    %get3A_10 = vector.load %arg2[%get3A_8, %get3A_9] : memref<1000x32xf32, #tpu.memory_space<vmem>>, vector<1000x32xf32>
    %get3A_11 = arith.constant 0 : index
    %get3A_12 = arith.constant 0 : index
    %get3A_13 = vector.load %arg7[%get3A_11, %get3A_12] : memref<1x32xf32, #tpu.memory_space<vmem>>, vector<1x32xf32>
    %add3A_14 = vector.broadcast %get3A_13 : vector<1x32xf32> to vector<1000x32xf32>
    %add3A_15 = arith.addf %get3A_10, %add3A_14 : vector<1000x32xf32>
    %max3A_16 = arith.constant 0.000000e+00 : f32
    %max3A_17 = vector.broadcast %max3A_16 : f32 to vector<1000x32xf32>
    %max3A_18 = arith.maximumf %add3A_15, %max3A_17 : vector<1000x32xf32>
    %get3A_19 = arith.constant 0 : index
    %get3A_20 = arith.constant 0 : index
    %get3A_21 = vector.load %arg5[%get3A_19, %get3A_20] : memref<32x32xf32, #tpu.memory_space<vmem>>, vector<32x32xf32>
    %dot_general3A = arith.constant dense<0.000000e+00> : vector<1000x32xf32>
    %dot_general3A_22 = tpu.matmul %max3A_7, %get3A_21, %dot_general3A {dimension_numbers = #tpu.dot_dimension_numbers<[1], [0], [0], [1], [0, 0, 1, 1], [], []>, transpose_lhs_hint = false} : vector<1000x32xf32>, vector<32x32xf32>, vector<1000x32xf32> -> vector<1000x32xf32>
    %get3A_23 = arith.constant 0 : index
    %get3A_24 = arith.constant 0 : index
    %get3A_25 = vector.load %arg6[%get3A_23, %get3A_24] : memref<1x32xf32, #tpu.memory_space<vmem>>, vector<1x32xf32>
    %add3A_26 = vector.broadcast %get3A_25 : vector<1x32xf32> to vector<1000x32xf32>
    %add3A_27 = arith.addf %dot_general3A_22, %add3A_26 : vector<1000x32xf32>
    %max3A_28 = arith.constant 0.000000e+00 : f32
    %max3A_29 = vector.broadcast %max3A_28 : f32 to vector<1000x32xf32>
    %max3A_30 = arith.maximumf %add3A_27, %max3A_29 : vector<1000x32xf32>
    %get3A_31 = arith.constant 0 : index
    %get3A_32 = arith.constant 0 : index
    %get3A_33 = vector.load %arg8[%get3A_31, %get3A_32] : memref<32x32xf32, #tpu.memory_space<vmem>>, vector<32x32xf32>
    %dot_general3A_34 = arith.constant dense<0.000000e+00> : vector<1000x32xf32>
    %dot_general3A_35 = tpu.matmul %max3A_18, %get3A_33, %dot_general3A_34 {dimension_numbers = #tpu.dot_dimension_numbers<[1], [0], [0], [1], [0, 0, 1, 1], [], []>, transpose_lhs_hint = false} : vector<1000x32xf32>, vector<32x32xf32>, vector<1000x32xf32> -> vector<1000x32xf32>
    %get3A_36 = arith.constant 0 : index
    %get3A_37 = arith.constant 0 : index
    %get3A_38 = vector.load %arg9[%get3A_36, %get3A_37] : memref<1x32xf32, #tpu.memory_space<vmem>>, vector<1x32xf32>
    %add3A_39 = vector.broadcast %get3A_38 : vector<1x32xf32> to vector<1000x32xf32>
    %add3A_40 = arith.addf %dot_general3A_35, %add3A_39 : vector<1000x32xf32>
    %max3A_41 = arith.constant 0.000000e+00 : f32
    %max3A_42 = vector.broadcast %max3A_41 : f32 to vector<1000x32xf32>
    %max3A_43 = arith.maximumf %add3A_40, %max3A_42 : vector<1000x32xf32>
    %concatenate3A = tpu.concatenate %max3A_30, %max3A_43 in 1 : vector<1000x32xf32>, vector<1000x32xf32> -> vector<1000x64xf32>
    %get3A_44 = arith.constant 0 : index
    %get3A_45 = arith.constant 0 : index
    %get3A_46 = vector.load %arg10[%get3A_44, %get3A_45] : memref<64x32xf32, #tpu.memory_space<vmem>>, vector<64x32xf32>
    %dot_general3A_47 = arith.constant dense<0.000000e+00> : vector<1000x32xf32>
    %dot_general3A_48 = tpu.matmul %concatenate3A, %get3A_46, %dot_general3A_47 {dimension_numbers = #tpu.dot_dimension_numbers<[1], [0], [0], [1], [0, 0, 1, 1], [], []>, transpose_lhs_hint = false} : vector<1000x64xf32>, vector<64x32xf32>, vector<1000x32xf32> -> vector<1000x32xf32>
    %get3A_49 = arith.constant 0 : index
    %get3A_50 = arith.constant 0 : index
    %get3A_51 = vector.load %arg11[%get3A_49, %get3A_50] : memref<1x32xf32, #tpu.memory_space<vmem>>, vector<1x32xf32>
    %add3A_52 = vector.broadcast %get3A_51 : vector<1x32xf32> to vector<1000x32xf32>
    %add3A_53 = arith.addf %dot_general3A_48, %add3A_52 : vector<1000x32xf32>
    %max3A_54 = arith.constant 0.000000e+00 : f32
    %max3A_55 = vector.broadcast %max3A_54 : f32 to vector<1000x32xf32>
    %max3A_56 = arith.maximumf %add3A_53, %max3A_55 : vector<1000x32xf32>
    %get3A_57 = arith.constant 0 : index
    %get3A_58 = arith.constant 0 : index
    %get3A_59 = vector.load %arg12[%get3A_57, %get3A_58] : memref<32x32xf32, #tpu.memory_space<vmem>>, vector<32x32xf32>
    %dot_general3A_60 = arith.constant dense<0.000000e+00> : vector<1000x32xf32>
    %dot_general3A_61 = tpu.matmul %max3A_56, %get3A_59, %dot_general3A_60 {dimension_numbers = #tpu.dot_dimension_numbers<[1], [0], [0], [1], [0, 0, 1, 1], [], []>, transpose_lhs_hint = false} : vector<1000x32xf32>, vector<32x32xf32>, vector<1000x32xf32> -> vector<1000x32xf32>
    %get3A_62 = arith.constant 0 : index
    %get3A_63 = arith.constant 0 : index
    %get3A_64 = vector.load %arg13[%get3A_62, %get3A_63] : memref<1x32xf32, #tpu.memory_space<vmem>>, vector<1x32xf32>
    %add3A_65 = vector.broadcast %get3A_64 : vector<1x32xf32> to vector<1000x32xf32>
    %add3A_66 = arith.addf %dot_general3A_61, %add3A_65 : vector<1000x32xf32>
    %get3A_67 = arith.constant 0 : index
    %get3A_68 = arith.constant 0 : index
    %get3A_69 = vector.load %arg14[%get3A_67, %get3A_68] : memref<32x1xf32, #tpu.memory_space<vmem>>, vector<32x1xf32>
    %dot_general3A_70 = arith.constant dense<0.000000e+00> : vector<1000x1xf32>
    %dot_general3A_71 = tpu.matmul %add3A_66, %get3A_69, %dot_general3A_70 {dimension_numbers = #tpu.dot_dimension_numbers<[1], [0], [0], [1], [0, 0, 1, 1], [], []>, transpose_lhs_hint = false} : vector<1000x32xf32>, vector<32x1xf32>, vector<1000x1xf32> -> vector<1000x1xf32>
    %iota3A = tpu.iota {dimensions = array<i32: 0>} : vector<64x1000xi32>
    %get3A_72 = arith.constant 0 : index
    %get3A_73 = arith.constant 0 : index
    %get3A_74 = arith.constant 0 : index
    %get3A_75 = vector.load %arg3[%get3A_72, %get3A_73, %get3A_74] : memref<1x1x1000xi32, #tpu.memory_space<vmem>>, vector<1x1x1000xi32>
    %get3A_76 = vector.shape_cast %get3A_75 : vector<1x1x1000xi32> to vector<1x1000xi32>
    %eq3A = vector.broadcast %get3A_76 : vector<1x1000xi32> to vector<64x1000xi32>
    %eq3A_77 = arith.cmpi eq, %iota3A, %eq3A : vector<64x1000xi32>
    %convert_element_type3A = arith.extui %eq3A_77 : vector<64x1000xi1> to vector<64x1000xi32>
    %convert_element_type3A_78 = arith.sitofp %convert_element_type3A : vector<64x1000xi32> to vector<64x1000xf32>
    %dot_general3A_79 = arith.constant dense<0.000000e+00> : vector<64x1xf32>
    %dot_general3A_80 = tpu.matmul %convert_element_type3A_78, %dot_general3A_71, %dot_general3A_79 {dimension_numbers = #tpu.dot_dimension_numbers<[1], [0], [0], [1], [0, 0, 1, 1], [], []>, transpose_lhs_hint = false} : vector<64x1000xf32>, vector<1000x1xf32>, vector<64x1xf32> -> vector<64x1xf32>
    %eq3A_81 = arith.constant 0 : i32
    %eq3A_82 = arith.cmpi eq, %arg0, %eq3A_81 : i32
    %convert_element_type3A_83 = arith.extui %eq3A_82 : i1 to i32
    %cond3A = arith.constant 0 : i32
    %cond3A_84 = arith.cmpi ne, %convert_element_type3A_83, %cond3A : i32
    scf.if %cond3A_84 {
      %get3A_91 = arith.constant 0 : index
      %get3A_92 = arith.constant 0 : index
      %get3A_93 = vector.load %arg15[%get3A_91, %get3A_92] : memref<1x1xf32, #tpu.memory_space<vmem>>, vector<1x1xf32>
      %broadcast_in_dim3A = vector.shape_cast %get3A_93 : vector<1x1xf32> to vector<1x1xf32>
      %broadcast_in_dim3A_94 = vector.broadcast %broadcast_in_dim3A : vector<1x1xf32> to vector<64x1xf32>
      %swap3A_95 = arith.constant 0 : index
      %swap3A_96 = arith.constant 0 : index
      %swap3A_97 = vector.load %arg16[%swap3A_95, %swap3A_96] : memref<64x1xf32, #tpu.memory_space<vmem>>, vector<64x1xf32>
      tpu.vector_store %arg16[%swap3A_95, %swap3A_96], %broadcast_in_dim3A_94 {strides = array<i32>} : memref<64x1xf32, #tpu.memory_space<vmem>>, vector<64x1xf32>,
    } else {
    }
    %get3A_85 = arith.constant 0 : index
    %get3A_86 = arith.constant 0 : index
    %get3A_87 = vector.load %arg16[%get3A_85, %get3A_86] : memref<64x1xf32, #tpu.memory_space<vmem>>, vector<64x1xf32>
    %add3A_88 = arith.addf %get3A_87, %dot_general3A_80 : vector<64x1xf32>
    %swap3A = arith.constant 0 : index
    %swap3A_89 = arith.constant 0 : index
    %swap3A_90 = vector.load %arg16[%swap3A, %swap3A_89] : memref<64x1xf32, #tpu.memory_space<vmem>>, vector<64x1xf32>
    tpu.vector_store %arg16[%swap3A, %swap3A_89], %add3A_88 {strides = array<i32>} : memref<64x1xf32, #tpu.memory_space<vmem>>, vector<64x1xf32>,
    return
  }
  func.func @transform_0(%arg0: i32) -> (i32, i32) {
    %c0_i32 = arith.constant 0 : i32
    %c0_i32_0 = arith.constant 0 : i32
    return %arg0, %c0_i32 : i32, i32
  }
  func.func @transform_1(%arg0: i32) -> (i32, i32) {
    %add3A = arith.constant 10 : i32
    %add3A_0 = arith.addi %add3A, %arg0 : i32
    %c0_i32 = arith.constant 0 : i32
    %c0_i32_1 = arith.constant 0 : i32
    return %add3A_0, %c0_i32 : i32, i32
  }
  func.func @transform_2(%arg0: i32) -> (i32, i32, i32) {
    %c0_i32 = arith.constant 0 : i32
    %c0_i32_0 = arith.constant 0 : i32
    %c0_i32_1 = arith.constant 0 : i32
    return %arg0, %c0_i32, %c0_i32_0 : i32, i32, i32
  }
  func.func @transform_3(%arg0: i32) -> (i32, i32) {
    %c0_i32 = arith.constant 0 : i32
    %c0_i32_0 = arith.constant 0 : i32
    %c0_i32_1 = arith.constant 0 : i32
    return %c0_i32, %c0_i32_0 : i32, i32
  }
  func.func @transform_4(%arg0: i32) -> (i32, i32) {
    %c0_i32 = arith.constant 0 : i32
    %c0_i32_0 = arith.constant 0 : i32
    %c0_i32_1 = arith.constant 0 : i32
    return %c0_i32, %c0_i32_0 : i32, i32
  }
  func.func @transform_5(%arg0: i32) -> (i32, i32) {
    %c0_i32 = arith.constant 0 : i32
    %c0_i32_0 = arith.constant 0 : i32
    %c0_i32_1 = arith.constant 0 : i32
    return %c0_i32, %c0_i32_0 : i32, i32
  }
  func.func @transform_6(%arg0: i32) -> (i32, i32) {
    %c0_i32 = arith.constant 0 : i32
    %c0_i32_0 = arith.constant 0 : i32
    %c0_i32_1 = arith.constant 0 : i32
    return %c0_i32, %c0_i32_0 : i32, i32
  }
  func.func @transform_7(%arg0: i32) -> (i32, i32) {
    %c0_i32 = arith.constant 0 : i32
    %c0_i32_0 = arith.constant 0 : i32
    %c0_i32_1 = arith.constant 0 : i32
    return %c0_i32, %c0_i32_0 : i32, i32
  }
  func.func @transform_8(%arg0: i32) -> (i32, i32) {
    %c0_i32 = arith.constant 0 : i32
    %c0_i32_0 = arith.constant 0 : i32
    %c0_i32_1 = arith.constant 0 : i32
    return %c0_i32, %c0_i32_0 : i32, i32
  }
  func.func @transform_9(%arg0: i32) -> (i32, i32) {
    %c0_i32 = arith.constant 0 : i32
    %c0_i32_0 = arith.constant 0 : i32
    %c0_i32_1 = arith.constant 0 : i32
    return %c0_i32, %c0_i32_0 : i32, i32
  }
  func.func @transform_10(%arg0: i32) -> (i32, i32) {
    %c0_i32 = arith.constant 0 : i32
    %c0_i32_0 = arith.constant 0 : i32
    %c0_i32_1 = arith.constant 0 : i32
    return %c0_i32, %c0_i32_0 : i32, i32
  }
  func.func @transform_11(%arg0: i32) -> (i32, i32) {
    %c0_i32 = arith.constant 0 : i32
    %c0_i32_0 = arith.constant 0 : i32
    %c0_i32_1 = arith.constant 0 : i32
    return %c0_i32, %c0_i32_0 : i32, i32
  }
  func.func @transform_12(%arg0: i32) -> (i32, i32) {
    %c0_i32 = arith.constant 0 : i32
    %c0_i32_0 = arith.constant 0 : i32
    %c0_i32_1 = arith.constant 0 : i32
    return %c0_i32, %c0_i32_0 : i32, i32
  }
  func.func @transform_13(%arg0: i32) -> (i32, i32) {
    %c0_i32 = arith.constant 0 : i32
    %c0_i32_0 = arith.constant 0 : i32
    %c0_i32_1 = arith.constant 0 : i32
    return %c0_i32, %c0_i32_0 : i32, i32
  }
  func.func @transform_14(%arg0: i32) -> (i32, i32) {
    %c0_i32 = arith.constant 0 : i32
    %c0_i32_0 = arith.constant 0 : i32
    %c0_i32_1 = arith.constant 0 : i32
    return %c0_i32, %c0_i32_0 : i32, i32
  }
  func.func @transform_15(%arg0: i32) -> (i32, i32) {
    %c0_i32 = arith.constant 0 : i32
    %c0_i32_0 = arith.constant 0 : i32
    %c0_i32_1 = arith.constant 0 : i32
    return %c0_i32, %c0_i32_0 : i32, i32
  }
}

</mosaic_0001>

<sc_bundles>
// kernel: kernel.10.cloned.1.call-start
scs
__scs_entry_jumppad:
0x0: {  	(pc) =	sbr.rel $0x88, $3  }
0x1: {  	(tag) =	ssettag $0x0;
	lr =	simm.s32 $0x1  }
0x2: {  	[smem:$0x3F83] =	sst lr;
	_ =	strace $0xD0000000  }
0x3: {  	_ = 	snop  }
0x4: {  	_ = 	snop  }
0x5: {  	_ = 	snop  }
0x6: {  	_ = 	snop  }
0x7: {  	_ = 	snop  }
__scs_overlays_trampoline_lowered:
0x8: {  	[smem:$0x3F92] =	sst s0  }
0x9: {  	[smem:$0x3F93] =	sst s1  }
0xa: {  	[smem:$0x3F94] =	sst s2  }
0xb: {  	[smem:$0x3F95] =	sst s3  }
0xc: {  	[smem:$0x3F96] =	sst s4  }
0xd: {  	[smem:$0x3F97] =	sst s5  }
0xe: {  	[smem:$0x3F98] =	sst s6  }
0xf: {  	[smem:$0x3F99] =	sst s7  }
0x10: {  	[smem:$0x3F9A] =	sst s8  }
0x11: {  	[smem:$0x3F9B] =	sst s9;
	s0 =	simm.s32 @!p0 $0x0  }
0x12: {  	s1 =	sld [smem:$0x3F81];
	s0 =	simm.s32 @p0 $0x1  }
0x13: {  	[smem:$0x3F9C] =	sst s0;
	s0 =	simm.s32 @!p1 $0x0  }
0x14: {  	s2 =	sld [smem:$0x3F80];
	s0 =	simm.s32 @p1 $0x1  }
0x15: {  	[smem:$0x3F9D] =	sst s0;
	s0 =	simm.s32 @!p2 $0x0  }
0x16: {  	s3 =	sld [smem:$0x3FDB];
	s0 =	simm.s32 @p2 $0x1  }
0x17: {  	s4 =	simm.s32 $0x1BF5;
	[smem:$0x3F9F] =	sst s0  }
0x18: {  	s0 =	sld [smem:$0x3F82];
	_ =	swait.ge [sflag:s4], $0x0  }
0x19: {  	s7 =	sld [smem:$0x3F83]  }
0x1a: {  	s8 =	sadd.s32 $0xFFFFE003, lr  }
0x1b: {  	s9 =	sadd.s32 $0xFFFFFEF7, lr;
	s5 =	simm.s32 $0xFFFFFFFF;
	p2 =	slt.u32 s8, $0xFFFFF086  }
0x1c: {  	p1 =	slt.u32 s9, $0xF7A;
	s5 =	simm.s32 @!p2 $0x0  }
0x1d: {  	s5 =	simm.s32 @p1 $0x1;
	p0 =	seq.s32 s7, s2  }
0x1e: {  	s7 =	smul.u32 @!p0 $0xF7A, s2;
	p2 =	seq.s32 @!p0 s5, $0x0  }
0x1f: {  	s9 =	smul.u32 $0xF7A, s1;
	s8 =	simm.s32 @!p0 $0x1BF5;
	p2 =	por !p2, p0  }
0x20: {  	[sflag:s8] =	ssyncset.s32 @!p0 $0xFFFFF086;
	s6 =	sadd.s32 @!p0 s3, s7;
	s7 =	simm.s32 @!p0 $0x108  }
0x21: {  	s3 =	sadd.s32 s3, s9;
	s6 =	sadd.s32 @!p0 $0x88, s6;
	s7 =	simm.s32 @p2 $0x1082  }
0x22: {  	[simem:s7], [sflag:s8] =	dma.local @!p0 [hbm:s6], $0xF7A  }
0x23: {  	s9 =	sor.u32 $0xD0000000, s2;
	s6 =	simm.s32 $0x108;
	_ =	swait.ge @!p0 [sflag:s8], $0x0  }
0x24: {  	s3 =	sadd.s32 $0x88, s3;
	s6 =	simm.s32 @!p1 $0x1082;
	[sflag:s4] =	ssyncset.s32 $0xFFFFF086  }
0x25: {  	[simem:s6], [sflag:s4] =	dma.local [hbm:s3], $0xF7A  }
0x26: {  	[smem:$0x3F83] =	sst s1;
	(tag) =	ssettag s2;
	_ =	strace s9  }
0x27: {  	s1 =	sld [smem:$0x3F93]  }
0x28: {  	s2 =	sld [smem:$0x3F94]  }
0x29: {  	s4 =	sld [smem:$0x3F96]  }
0x2a: {  	p0 =	seq.s32 s5, $0x0;
	s5 =	sld [smem:$0x3F97]  }
0x2b: {  	s6 =	sld [smem:$0x3F98]  }
0x2c: {  	s7 =	sld [smem:$0x3F99]  }
0x2d: {  	s3 =	simm.s32 $0x108;
	s8 =	sld [smem:$0x3F9A]  }
0x2e: {  	s3 =	simm.s32 @!p0 $0x1082;
	s9 =	sld [smem:$0x3F9B]  }
0x2f: {  	lr =	sadd.s32 s0, s3;
	s0 =	sld [smem:$0x3F92]  }
0x30: {  	s3 =	sld [smem:$0x3F95]  }
0x31: {  	[smem:$0x3F9E] =	sst s10  }
0x32: {  	s10 =	sld [smem:$0x3F9C];
	_ =	sdelay $0x3  }
0x33: {  	p0 =	seq.s32 s10, $0x1;
	s10 =	sld [smem:$0x3F9E];
	_ =	sdelay $0x3  }
0x34: {  	[smem:$0x3F9E] =	sst s10  }
0x35: {  	s10 =	sld [smem:$0x3F9D];
	_ =	sdelay $0x3  }
0x36: {  	p1 =	seq.s32 s10, $0x1;
	s10 =	sld [smem:$0x3F9E];
	_ =	sdelay $0x3  }
0x37: {  	[smem:$0x3F9E] =	sst s10  }
0x38: {  	s10 =	sld [smem:$0x3F9F]  }
0x39: {  	_ = 	snop;
	(pc) =	sbr.ind lr, $3  }
0x3a: {  	_ = 	snop  }
0x3b: {  	_ = 	snop  }
0x3c: {  	p2 =	seq.s32 s10, $0x1;
	s10 =	sld [smem:$0x3F9E]  }
0x3d: {  	_ =	shalt  }
0x3e: {  	_ =	shalt  }
0x3f: {  	_ =	shalt  }
0x40: {  	_ =	shalt  }
0x41: {  	_ =	shalt  }
0x42: {  	_ =	shalt  }
0x43: {  	_ =	shalt  }
0x44: {  	_ =	shalt  }
0x45: {  	_ =	shalt  }
0x46: {  	_ =	shalt  }
0x47: {  	_ =	shalt  }
0x48: {  	_ =	shalt  }
0x49: {  	_ =	shalt  }
0x4a: {  	_ =	shalt  }
0x4b: {  	_ =	shalt  }
0x4c: {  	_ =	shalt  }
0x4d: {  	_ =	shalt  }
0x4e: {  	_ =	shalt  }
0x4f: {  	_ =	shalt  }
0x50: {  	_ =	shalt  }
0x51: {  	_ =	shalt  }
0x52: {  	_ =	shalt  }
0x53: {  	_ =	shalt  }
0x54: {  	_ =	shalt  }
0x55: {  	_ =	shalt  }
0x56: {  	_ =	shalt  }
0x57: {  	_ =	shalt  }
0x58: {  	_ =	shalt  }
0x59: {  	_ =	shalt  }
0x5a: {  	_ =	shalt  }
0x5b: {  	_ =	shalt  }
0x5c: {  	_ =	shalt  }
0x5d: {  	_ =	shalt  }
0x5e: {  	_ =	shalt  }
0x5f: {  	_ =	shalt  }
0x60: {  	_ =	shalt  }
0x61: {  	_ =	shalt  }
0x62: {  	_ =	shalt  }
0x63: {  	_ =	shalt  }
0x64: {  	_ =	shalt  }
0x65: {  	_ =	shalt  }
0x66: {  	_ =	shalt  }
0x67: {  	_ =	shalt  }
0x68: {  	_ =	shalt  }
0x69: {  	_ =	shalt  }
0x6a: {  	_ =	shalt  }
0x6b: {  	_ =	shalt  }
0x6c: {  	_ =	shalt  }
0x6d: {  	_ =	shalt  }
0x6e: {  	_ =	shalt  }
0x6f: {  	_ =	shalt  }
0x70: {  	_ =	shalt  }
0x71: {  	_ =	shalt  }
0x72: {  	_ =	shalt  }
0x73: {  	_ =	shalt  }
0x74: {  	_ =	shalt  }
0x75: {  	_ =	shalt  }
0x76: {  	_ =	shalt  }
0x77: {  	_ =	shalt  }
0x78: {  	_ =	shalt  }
0x79: {  	_ =	shalt  }
0x7a: {  	_ =	shalt  }
0x7b: {  	_ =	shalt  }
0x7c: {  	_ =	shalt  }
0x7d: {  	_ =	shalt  }
0x7e: {  	_ =	shalt  }
0x7f: {  	_ =	shalt  }
0x80: {  	_ =	shalt  }
0x81: {  	_ =	shalt  }
0x82: {  	_ =	shalt  }
0x83: {  	_ =	shalt  }
0x84: {  	_ =	shalt  }
0x85: {  	_ =	shalt  }
0x86: {  	_ =	shalt  }
0x87: {  	_ =	shalt  }
.Lfunc_end0:
.L_simem_size_0:
called_computation.1_lowered:
.L_overlay_start_0:
0x88: {  	s2 =	sld [smem:$0x3FD9]  }
0x89: {  	s3 =	sld [smem:$0x3FFE];
	_ =	sdelay $0x1  }
0x8a: {  	s1 =	srdreg.scid  }
0x8b: {  	s0 =	sand.u32 $0x1, s1  }
0x8c: {  	s16 =	sshll.u32 s0, $0xA;
	s2 =	sadd.s32 s3, s2  }
0x8d: {  	s2 =	sadd.s32 s2, s16  }
0x8e: {  	[smem:$0x3FAA] =	sst s2  }
0x8f: {  	_ = 	snop  }
0x90: {  	(tm) =	ssettm $0x1  }
0x91: {  	s17 =	sld [smem:$0x3FFB];
	_ =	sdelay $0x3  }
0x92: {  	_ =	strace s17  }
0x93: {  	s2 =	sld [smem:$0x3FFC];
	_ =	sdelay $0x3  }
0x94: {  	_ =	strace s2  }
0x95: {  	s2 =	sld [smem:$0x3FFD];
	_ =	sdelay $0x3  }
0x96: {  	_ =	strace s2  }
0x97: {  	_ =	strace $0x8FFFFFFF  }
0x98: {  	s18 =	sld [smem:$0x3FDB];
	_ =	sdelay $0x1  }
0x99: {  	s19 =	simm.s32 $_scs_section_size  }
0x9a: {  	s4 =	simm.s32 $_size__tile_overlayer_lowered;
	s5 =	simm.s32 $_tile_overlayer_lowered  }
0x9b: {  	s22 =	simm.s32 $0x1BFF;
	s21 =	sshll.u32 s5, $0x1;
	s2 =	sadd.s32 s19, s18  }
0x9c: {  	s6 =	simm.s32 $0x0;
	s20 =	sshll.u32 s4, $0x1;
	s4 =	sadd.s32 s21, s2  }
0x9d: {  	[timem:s6], [sflag:s22] =	dma.local [hbm:s4], s20  }
0x9e: {  	_ =	swait.ge [sflag:s22], s20  }
0x9f: {  	s3 =	ssub.s32 $0x0, s20;
	[sflag:s22] =	ssyncset.done $0x0  }
0xa0: {  	[sflag:s22] =	ssyncadd.s32 s3;
	_ =	sdelay $0x1  }
0xa1: {  	s23 =	simm.s32 $0x1B8B  }
0xa2: {  	_ =	swait.ge [sflag:s23], $0x1  }
0xa3: {  	[sflag:s23] =	ssyncset.done $0x0  }
0xa4: {  	s25 =	simm.s32 $0x1B8E;
	s24 =	sld [smem:$0x3FFE];
	[sflag:s23] =	ssyncadd.s32 $0xFFFFFFFF  }
0xa5: {  	s26 =	simm.s32 $execute0_lowered;
	[smem:$0x3FD2] =	sst s25  }
0xa6: {  	s4 =	sshll.u32 s26, $0x1;
	_ =	strace $0x80000049;
	[dreg:$0x1] =	wrdreg $0xFFFFFFFF  }
0xa7: {  	s28 =	simm.s32 $_size_execute0_lowered;
	s2 =	sadd.s32 s2, s4;
	[dreg:$0x0] =	wrdreg $0x0  }
0xa8: {  	s4 =	sshll.u32 s28, $0x1;
	[dreg:$0x2] =	wrdreg s2  }
0xa9: {  	[dreg:$0x3] =	wrdreg s4  }
0xaa: {  	[dreg:$0x4] =	wrdreg $0xC0  }
0xab: {  	_ =	task [dreg:s6], $0x5FFFF  }
0xac: {  	[dreg:$0x1] =	wrdreg $0xFFFFFFFF  }
0xad: {  	[dreg:$0x0] =	wrdreg $0x60  }
0xae: {  	[dreg:$0x2] =	wrdreg s24  }
0xaf: {  	[dreg:$0x3] =	wrdreg $0x0  }
0xb0: {  	[dreg:$0x4] =	wrdreg $0x9  }
0xb1: {  	_ =	task.clear_ibuf [dreg:s6], $0x5FFFF;
	_ =	strace $0x90000049  }
0xb2: {  	s29 =	simm.s32 $0x9;
	_ =	strace $0x8000004B  }
0xb3: {  	_ =	swait.ge [sflag:s29], $0x1  }
0xb4: {  	[sflag:s29] =	ssyncadd.s32 $0xFFFFFFFF  }
0xb5: {  	_ =	strace $0x9000004B  }
0xb6: {  	_ =	sfence  }
0xb7: {  	s30 =	sld [smem:$0x0];
	_ =	sdelay $0x2  }
0xb8: {  	s31 =	sshll.u32 s1, $0xD;
	s1 =	sshrl.u32 s1, $0x2  }
0xb9: {  	s3 =	sand.u32 $0x4000, s31;
	s1 =	sadd.s32 s1, s30  }
0xba: {  	s0 =	sor.u32 s3, s0;
	s1 =	sshll.u32 s1, $0x11  }
0xbb: {  	s0 =	sor.u32 s1, s0  }
0xbc: {  	s0 =	sadd.s32 $0x8F2B, s0  }
0xbd: {  	[sflag:s0] =	ssyncadd.remote.s32 $0x1  }
0xbe: {  	_ =	sfence.sel $0xFFFF  }
0xbf: {  	[dreg:$0x0] =	wrdreg $0xFFFFFFFF;
	(pc) =	sbr.abs _section_cstart, $3  }
0xc0: {  	[dreg:$0x1] =	wrdreg $0xFFFFFFFF  }
0xc1: {  	_ =	task.clear_ibuf [dreg:s6], $0x2FFFF;
	_ =	strace $0x9FFFFFFF  }
0xc2: {  	(tm) =	ssettm $0x7FFFFFFF  }
0xc3: {  	_ =	shalt  }
tec
execute0_lowered:
.L_overlay_start_1:
0x0: {  	(tag) =	ssettag $0x1  }
0x1: {  	s1 =	rddreg [dreg:$0x0]  }
0x2: {  	s0 =	srdreg.scid;
	s2 =	rddreg [dreg:$0x1]  }
0x3: {  	s10 =	stileid.u32;
	s4 =	simm.s32 $0x0;
	s13 =	simm.s32 $0x11  }
0x4: {  	s18 =	simm.s32 $0x80;
	s19 =	simm.s32 $0xEE40;
	s28 =	simm.s32 $0x12E40  }
0x5: {  	s30 =	simm.s32 $0x13E40;
	s17 =	simm.s32 $0x15E40;
	s20 =	simm.s32 $0x1  }
0x6: {  	s29 =	simm.s32 $0x5;
	s31 =	simm.s32 $0x6;
	s16 =	simm.s32 $0xE  }
0x7: {  	s11 =	simm.s32 $0xF;
	s12 =	simm.s32 $0x10;
	s0 =	sand.u32 $0x1, s0  }
0x8: {  	[smem:$0x7FF] =	sst s4;
	s5 =	smul.u32 $0x13800, s10;
	s4 =	sadd.s32 $0x2C00, s1  }
0x9: {  	s8 =	smul.u32 $0x270, s10;
	s21 =	sshll.u32 s10, $0x6;
	p0 =	sne.s32 s10, $0xF  }
0xa: {  	s3 =	sshll.u32 s0, $0x4;
	_ =	strace $0x8000004A;
	s6 =	smul.u32 $0x2710, s0  }
0xb: {  	s7 =	ssub.s32 $0x2, s0;
	s0 =	smul.u32 $0x4E200, s0;
	s14 =	sor.u32 $0x1C11, s21  }
0xc: {  	s21 =	simm.s32 $0xFE40;
	s3 =	sor.u32 s10, s3;
	s9 =	sshrl.u32 s7, $0x1  }
0xd: {  	s5 =	sshrl.u32 s5, $0x2;
	s10 =	simm.s32 $0xD;
	[dreg:$0x4] =	wrdreg s14  }
0xe: {  	s3 =	smul.u32 $0xA00, s3;
	s7 =	ssub.s32 s7, s9;
	s5 =	sadd.s32 s5, s2  }
0xf: {  	s6 =	sadd.s32 s8, s6;
	s0 =	sshrl.u32 s0, $0x3;
	s8 =	sadd.s32 $0x4E000, s2  }
0x10: {  	s9 =	simm.s32 $0xC;
	s6 =	sshll.u32 s6, $0x2;
	s0 =	sadd.s32 $0x9C00, s0  }
0x11: {  	s26 =	smax.u32 s7, $0x1;
	s15 =	sshrl.u32 s5, $0x3;
	s5 =	simm.s32 $0x9  }
0x12: {  	s7 =	simm.s32 $0xA;
	s3 =	sadd.s32 s3, s1;
	[dreg:$0xa] =	wrdreg s26  }
0x13: {  	s1 =	sadd.s32 $0x3E600, s1;
	s22 =	sadd.s32 s4, s6;
	[dreg:$0xb] =	wrdreg s15  }
0x14: {  	s23 =	sadd.s32 s4, s0;
	s26 =	simm.s32 $0x4;
	[dreg:$0x3] =	wrdreg s22  }
0x15: {  	[dreg:$0x5] =	wrdreg s23;
	s24 =	sadd.s32 $0x2A600, s3;
	s3 =	sadd.s32 $0x16600, s3  }
0x16: {  	s25 =	sadd.s32 s1, s6;
	s0 =	sadd.s32 s1, s0;
	[dreg:$0x6] =	wrdreg s24  }
0x17: {  	s23 =	simm.s32 $0x10E40;
	s22 =	simm.s32 $0x2;
	[dreg:$0x7] =	wrdreg s3  }
0x18: {  	s1 =	simm.s32 $0x7;
	s6 =	simm.s32 $0x0;
	[dreg:$0x8] =	wrdreg s25  }
0x19: {  	[dreg:$0x9] =	wrdreg s0;
	s0 =	sshrl.u32 @!p0 s8, $0x3;
	s25 =	simm.s32 $0x11E40  }
0x1a: {  	s24 =	simm.s32 $0x3;
	s3 =	simm.s32 $0x8;
	[dreg:$0xd] =	wrdreg s6  }
0x1b: {  	s8 =	simm.s32 $0xB;
	[dreg:$0xc] =	wrdreg s0;
	s0 =	simm.s32 $0x14E40  }
.LBB2_1:
0x1c: {  	s6 =	rddreg [dreg:$0x3]  }
0x1d: {  	[spmem:s15], [sflag:s14] =	dma.local [hbm:s6], $0x9C0  }
0x1e: {  	_ =	swait.ge [sflag:s13], $0x9C0  }
0x1f: {  	[sflag:s13] =	ssyncset.done $0x0;
	s6 =	rddreg [dreg:$0x5]  }
0x20: {  	s15 =	rddreg [dreg:$0xc];
	[sflag:s13] =	ssyncadd.s32 $0xFFFFF640  }
0x21: {  	[spmem:s15], [sflag:s14] =	dma.local @!p0 [hbm:s6], $0x40  }
0x22: {  	s6 =	simm.s32 @!p0 $0x11  }
0x23: {  	_ =	swait.ge @!p0 [sflag:s6], $0x40  }
0x24: {  	s15 =	simm.s32 $0x4E40;
	[sflag:s6] =	ssyncset.done @!p0 $0x0  }
0x25: {  	s14 =	rddreg [dreg:$0x6];
	[sflag:s6] =	ssyncadd.s32 @!p0 $0xFFFFFFC0;
	s6 =	simm.s32 $0x0  }
0x26: {  	[tilespmem:s15], [sflag:$0x11] =	stream.linear.gather [hbm4b:s14+s6], $0x5000, $0x38;
	[tilespmem:$0x16E40] =	vst v63  }
0x27: {  	_ =	swait.ge [sflag:s13], $0x5000  }
0x28: {  	[sflag:s13] =	ssyncset.done $0x0  }
0x29: {  	s15 =	simm.s32 $0x9E40;
	s14 =	rddreg [dreg:$0x7];
	[sflag:s13] =	ssyncadd.s32 $0xFFFFB000  }
0x2a: {  	[tilespmem:s15], [sflag:$0x11] =	stream.linear.gather [hbm4b:s14+s6], $0x5000, $0x38;
	[tilespmem:$0x16E40] =	vst v63  }
0x2b: {  	_ =	swait.ge [sflag:s13], $0x5000  }
0x2c: {  	[sflag:s13] =	ssyncset.done $0x0  }
0x2d: {  	[sflag:s13] =	ssyncadd.s32 $0xFFFFB000  }
0x2e: {  	s14 =	simm.s32 $0x4E40;
	[bflag:$0x0] =	sbarrier.arrive $0xFFFF  }
0x2f: {  	[tilespmem:s19], [sflag:$0x1] =	stream.indirect.gather [hbm4b:s4+s18], $0x20, s14, s18, $0xb8;
	[tilespmem:$0x16E40] =	vst v63  }
0x30: {  	s15 =	simm.s32 $0x4EC0  }
0x31: {  	[tilespmem:s21], [sflag:$0x2] =	stream.indirect.gather [hbm4b:s4+s18], $0x20, s15, s18, $0xb8;
	[tilespmem:$0x16E40] =	vst v63  }
0x32: {  	s13 =	simm.s32 $0x4F40  }
0x33: {  	[tilespmem:s23], [sflag:$0x3] =	stream.indirect.gather [hbm4b:s4+s18], $0x20, s13, s18, $0xb8;
	[tilespmem:$0x16E40] =	vst v63  }
0x34: {  	s14 =	simm.s32 $0x4FC0  }
0x35: {  	[tilespmem:s25], [sflag:$0x4] =	stream.indirect.gather [hbm4b:s4+s18], $0x20, s14, s18, $0xb8;
	[tilespmem:$0x16E40] =	vst v63  }
0x36: {  	s15 =	simm.s32 $0x5040  }
0x37: {  	[tilespmem:s28], [sflag:$0x5] =	stream.indirect.gather [hbm4b:s4+s18], $0x20, s15, s18, $0xb8;
	[tilespmem:$0x16E40] =	vst v63  }
0x38: {  	s13 =	simm.s32 $0x50C0  }
0x39: {  	[tilespmem:s30], [sflag:$0x6] =	stream.indirect.gather [hbm4b:s4+s18], $0x20, s13, s18, $0xb8;
	[tilespmem:$0x16E40] =	vst v63  }
0x3a: {  	s14 =	simm.s32 $0x5140  }
0x3b: {  	[tilespmem:s0], [sflag:$0x7] =	stream.indirect.gather [hbm4b:s4+s18], $0x20, s14, s18, $0xb8;
	[tilespmem:$0x16E40] =	vst v63  }
0x3c: {  	s15 =	simm.s32 $0x51C0  }
0x3d: {  	[tilespmem:s17], [sflag:$0x8] =	stream.indirect.gather [hbm4b:s4+s18], $0x20, s15, s18, $0xb8;
	[tilespmem:$0x16E40] =	vst v63  }
0x3e: {  	_ =	swait.ge [sflag:s20], $0x1000  }
0x3f: {  	[sflag:s20] =	ssyncset.done $0x0  }
0x40: {  	s13 =	simm.s32 $0x9E40;
	[sflag:s20] =	ssyncadd.s32 $0xFFFFF000  }
0x41: {  	[spmem:s2] =	stream.indirect.scatter.add.f32 [tilespmem:s19], [sflag:$0x9], $0x20, s13, s18, $0xb8;
	[tilespmem:$0x16E40] =	vst v63  }
0x42: {  	_ =	swait.ge [sflag:s22], $0x1000  }
0x43: {  	[sflag:s22] =	ssyncset.done $0x0  }
0x44: {  	s14 =	simm.s32 $0x9EC0;
	[sflag:s22] =	ssyncadd.s32 $0xFFFFF000  }
0x45: {  	[spmem:s2] =	stream.indirect.scatter.add.f32 [tilespmem:s21], [sflag:$0xA], $0x20, s14, s18, $0xb8;
	[tilespmem:$0x16E40] =	vst v63  }
0x46: {  	_ =	swait.ge [sflag:s24], $0x1000  }
0x47: {  	[sflag:s24] =	ssyncset.done $0x0  }
0x48: {  	s15 =	simm.s32 $0x9F40;
	[sflag:s24] =	ssyncadd.s32 $0xFFFFF000  }
0x49: {  	[spmem:s2] =	stream.indirect.scatter.add.f32 [tilespmem:s23], [sflag:$0xB], $0x20, s15, s18, $0xb8;
	[tilespmem:$0x16E40] =	vst v63  }
0x4a: {  	_ =	swait.ge [sflag:s26], $0x1000  }
0x4b: {  	[sflag:s26] =	ssyncset.done $0x0  }
0x4c: {  	s13 =	simm.s32 $0x9FC0;
	[sflag:s26] =	ssyncadd.s32 $0xFFFFF000  }
0x4d: {  	[spmem:s2] =	stream.indirect.scatter.add.f32 [tilespmem:s25], [sflag:$0xC], $0x20, s13, s18, $0xb8;
	[tilespmem:$0x16E40] =	vst v63  }
0x4e: {  	_ =	swait.ge [sflag:s29], $0x1000  }
0x4f: {  	[sflag:s29] =	ssyncset.done $0x0  }
0x50: {  	s14 =	simm.s32 $0xA040;
	[sflag:s29] =	ssyncadd.s32 $0xFFFFF000  }
0x51: {  	[spmem:s2] =	stream.indirect.scatter.add.f32 [tilespmem:s28], [sflag:$0xD], $0x20, s14, s18, $0xb8;
	[tilespmem:$0x16E40] =	vst v63  }
0x52: {  	_ =	swait.ge [sflag:s31], $0x1000  }
0x53: {  	[sflag:s31] =	ssyncset.done $0x0  }
0x54: {  	s15 =	simm.s32 $0xA0C0;
	[sflag:s31] =	ssyncadd.s32 $0xFFFFF000  }
0x55: {  	[spmem:s2] =	stream.indirect.scatter.add.f32 [tilespmem:s30], [sflag:$0xE], $0x20, s15, s18, $0xb8;
	[tilespmem:$0x16E40] =	vst v63  }
0x56: {  	_ =	swait.ge [sflag:s1], $0x1000  }
0x57: {  	[sflag:s1] =	ssyncset.done $0x0  }
0x58: {  	s13 =	simm.s32 $0xA140;
	[sflag:s1] =	ssyncadd.s32 $0xFFFFF000  }
0x59: {  	[spmem:s2] =	stream.indirect.scatter.add.f32 [tilespmem:s0], [sflag:$0xF], $0x20, s13, s18, $0xb8;
	[tilespmem:$0x16E40] =	vst v63  }
0x5a: {  	_ =	swait.ge [sflag:s3], $0x1000  }
0x5b: {  	[sflag:s3] =	ssyncset.done $0x0  }
0x5c: {  	s14 =	simm.s32 $0xA1C0;
	[sflag:s3] =	ssyncadd.s32 $0xFFFFF000  }
0x5d: {  	[spmem:s2] =	stream.indirect.scatter.add.f32 [tilespmem:s17], [sflag:$0x10], $0x20, s14, s18, $0xb8;
	[tilespmem:$0x16E40] =	vst v63  }
0x5e: {  	_ =	swait.ge [sflag:s5], $0x1000  }
0x5f: {  	[sflag:s5] =	ssyncset.done $0x0  }
0x60: {  	s15 =	simm.s32 $0x5240;
	[sflag:s5] =	ssyncadd.s32 $0xFFFFF000  }
0x61: {  	[tilespmem:s19], [sflag:$0x1] =	stream.indirect.gather [hbm4b:s4+s18], $0x20, s15, s18, $0xb8;
	[tilespmem:$0x16E40] =	vst v63  }
0x62: {  	_ =	swait.ge [sflag:s7], $0x1000  }
0x63: {  	[sflag:s7] =	ssyncset.done $0x0  }
0x64: {  	s13 =	simm.s32 $0x52C0;
	[sflag:s7] =	ssyncadd.s32 $0xFFFFF000  }
0x65: {  	[tilespmem:s21], [sflag:$0x2] =	stream.indirect.gather [hbm4b:s4+s18], $0x20, s13, s18, $0xb8;
	[tilespmem:$0x16E40] =	vst v63  }
0x66: {  	_ =	swait.ge [sflag:s8], $0x1000  }
0x67: {  	[sflag:s8] =	ssyncset.done $0x0  }
0x68: {  	s14 =	simm.s32 $0x5340;
	[sflag:s8] =	ssyncadd.s32 $0xFFFFF000  }
0x69: {  	[tilespmem:s23], [sflag:$0x3] =	stream.indirect.gather [hbm4b:s4+s18], $0x20, s14, s18, $0xb8;
	[tilespmem:$0x16E40] =	vst v63  }
0x6a: {  	_ =	swait.ge [sflag:s9], $0x1000  }
0x6b: {  	[sflag:s9] =	ssyncset.done $0x0  }
0x6c: {  	s15 =	simm.s32 $0x53C0;
	[sflag:s9] =	ssyncadd.s32 $0xFFFFF000  }
0x6d: {  	[tilespmem:s25], [sflag:$0x4] =	stream.indirect.gather [hbm4b:s4+s18], $0x20, s15, s18, $0xb8;
	[tilespmem:$0x16E40] =	vst v63  }
0x6e: {  	_ =	swait.ge [sflag:s10], $0x1000  }
0x6f: {  	[sflag:s10] =	ssyncset.done $0x0  }
0x70: {  	s13 =	simm.s32 $0x5440;
	[sflag:s10] =	ssyncadd.s32 $0xFFFFF000  }
0x71: {  	[tilespmem:s28], [sflag:$0x5] =	stream.indirect.gather [hbm4b:s4+s18], $0x20, s13, s18, $0xb8;
	[tilespmem:$0x16E40] =	vst v63  }
0x72: {  	_ =	swait.ge [sflag:s16], $0x1000  }
0x73: {  	[sflag:s16] =	ssyncset.done $0x0  }
0x74: {  	s14 =	simm.s32 $0x54C0;
	[sflag:s16] =	ssyncadd.s32 $0xFFFFF000  }
0x75: {  	[tilespmem:s30], [sflag:$0x6] =	stream.indirect.gather [hbm4b:s4+s18], $0x20, s14, s18, $0xb8;
	[tilespmem:$0x16E40] =	vst v63  }
0x76: {  	_ =	swait.ge [sflag:s11], $0x1000  }
0x77: {  	[sflag:s11] =	ssyncset.done $0x0  }
0x78: {  	s15 =	simm.s32 $0x5540;
	[sflag:s11] =	ssyncadd.s32 $0xFFFFF000  }
0x79: {  	[tilespmem:s0], [sflag:$0x7] =	stream.indirect.gather [hbm4b:s4+s18], $0x20, s15, s18, $0xb8;
	[tilespmem:$0x16E40] =	vst v63  }
0x7a: {  	_ =	swait.ge [sflag:s12], $0x1000  }
0x7b: {  	[sflag:s12] =	ssyncset.done $0x0  }
0x7c: {  	s6 =	simm.s32 $0x55C0;
	s15 =	simm.s32 $0x1000;
	[sflag:s12] =	ssyncadd.s32 $0xFFFFF000  }
.LBB2_2:
0x7d: {  	[tilespmem:s17], [sflag:$0x8] =	stream.indirect.gather [hbm4b:s4+s18], $0x20, s6, s18, $0xb8;
	[tilespmem:$0x16E40] =	vst v63  }
0x7e: {  	s6 =	smov.u32 s15  }
0x7f: {  	p1 =	sne.s32 s15, $0x12000;
	s15 =	sadd.s32 $0x1000, s15;
	_ =	swait.ge [sflag:s20], $0x1000  }
0x80: {  	s6 =	sshra.s32 s6, $0x2;
	[sflag:s20] =	ssyncset.done $0x0  }
0x81: {  	s14 =	sadd.s32 $0x9E40, s6;
	[sflag:s20] =	ssyncadd.s32 $0xFFFFF000  }
0x82: {  	[spmem:s2] =	stream.indirect.scatter.add.f32 [tilespmem:s19], [sflag:$0x9], $0x20, s14, s18, $0xb8;
	[tilespmem:$0x16E40] =	vst v63  }
0x83: {  	_ =	swait.ge [sflag:s22], $0x1000  }
0x84: {  	[sflag:s22] =	ssyncset.done $0x0  }
0x85: {  	s14 =	sadd.s32 $0x9EC0, s6;
	[sflag:s22] =	ssyncadd.s32 $0xFFFFF000  }
0x86: {  	[spmem:s2] =	stream.indirect.scatter.add.f32 [tilespmem:s21], [sflag:$0xA], $0x20, s14, s18, $0xb8;
	[tilespmem:$0x16E40] =	vst v63  }
0x87: {  	_ =	swait.ge [sflag:s24], $0x1000  }
0x88: {  	[sflag:s24] =	ssyncset.done $0x0  }
0x89: {  	s14 =	sadd.s32 $0x9F40, s6;
	[sflag:s24] =	ssyncadd.s32 $0xFFFFF000  }
0x8a: {  	[spmem:s2] =	stream.indirect.scatter.add.f32 [tilespmem:s23], [sflag:$0xB], $0x20, s14, s18, $0xb8;
	[tilespmem:$0x16E40] =	vst v63  }
0x8b: {  	_ =	swait.ge [sflag:s26], $0x1000  }
0x8c: {  	[sflag:s26] =	ssyncset.done $0x0  }
0x8d: {  	s14 =	sadd.s32 $0x9FC0, s6;
	[sflag:s26] =	ssyncadd.s32 $0xFFFFF000  }
0x8e: {  	[spmem:s2] =	stream.indirect.scatter.add.f32 [tilespmem:s25], [sflag:$0xC], $0x20, s14, s18, $0xb8;
	[tilespmem:$0x16E40] =	vst v63  }
0x8f: {  	_ =	swait.ge [sflag:s29], $0x1000  }
0x90: {  	[sflag:s29] =	ssyncset.done $0x0  }
0x91: {  	s14 =	sadd.s32 $0xA040, s6;
	[sflag:s29] =	ssyncadd.s32 $0xFFFFF000  }
0x92: {  	[spmem:s2] =	stream.indirect.scatter.add.f32 [tilespmem:s28], [sflag:$0xD], $0x20, s14, s18, $0xb8;
	[tilespmem:$0x16E40] =	vst v63  }
0x93: {  	_ =	swait.ge [sflag:s31], $0x1000  }
0x94: {  	[sflag:s31] =	ssyncset.done $0x0  }
0x95: {  	s14 =	sadd.s32 $0xA0C0, s6;
	[sflag:s31] =	ssyncadd.s32 $0xFFFFF000  }
0x96: {  	[spmem:s2] =	stream.indirect.scatter.add.f32 [tilespmem:s30], [sflag:$0xE], $0x20, s14, s18, $0xb8;
	[tilespmem:$0x16E40] =	vst v63  }
0x97: {  	_ =	swait.ge [sflag:s1], $0x1000  }
0x98: {  	[sflag:s1] =	ssyncset.done $0x0  }
0x99: {  	s14 =	sadd.s32 $0xA140, s6;
	[sflag:s1] =	ssyncadd.s32 $0xFFFFF000  }
0x9a: {  	[spmem:s2] =	stream.indirect.scatter.add.f32 [tilespmem:s0], [sflag:$0xF], $0x20, s14, s18, $0xb8;
	[tilespmem:$0x16E40] =	vst v63  }
0x9b: {  	_ =	swait.ge [sflag:s3], $0x1000  }
0x9c: {  	[sflag:s3] =	ssyncset.done $0x0  }
0x9d: {  	s14 =	sadd.s32 $0xA1C0, s6;
	[sflag:s3] =	ssyncadd.s32 $0xFFFFF000  }
0x9e: {  	[spmem:s2] =	stream.indirect.scatter.add.f32 [tilespmem:s17], [sflag:$0x10], $0x20, s14, s18, $0xb8;
	[tilespmem:$0x16E40] =	vst v63  }
0x9f: {  	_ =	swait.ge [sflag:s5], $0x1000  }
0xa0: {  	[sflag:s5] =	ssyncset.done $0x0  }
0xa1: {  	s14 =	sadd.s32 $0x5240, s6;
	[sflag:s5] =	ssyncadd.s32 $0xFFFFF000  }
0xa2: {  	[tilespmem:s19], [sflag:$0x1] =	stream.indirect.gather [hbm4b:s4+s18], $0x20, s14, s18, $0xb8;
	[tilespmem:$0x16E40] =	vst v63  }
0xa3: {  	_ =	swait.ge [sflag:s7], $0x1000  }
0xa4: {  	[sflag:s7] =	ssyncset.done $0x0  }
0xa5: {  	s14 =	sadd.s32 $0x52C0, s6;
	[sflag:s7] =	ssyncadd.s32 $0xFFFFF000  }
0xa6: {  	[tilespmem:s21], [sflag:$0x2] =	stream.indirect.gather [hbm4b:s4+s18], $0x20, s14, s18, $0xb8;
	[tilespmem:$0x16E40] =	vst v63  }
0xa7: {  	_ =	swait.ge [sflag:s8], $0x1000  }
0xa8: {  	[sflag:s8] =	ssyncset.done $0x0  }
0xa9: {  	s14 =	sadd.s32 $0x5340, s6;
	[sflag:s8] =	ssyncadd.s32 $0xFFFFF000  }
0xaa: {  	[tilespmem:s23], [sflag:$0x3] =	stream.indirect.gather [hbm4b:s4+s18], $0x20, s14, s18, $0xb8;
	[tilespmem:$0x16E40] =	vst v63  }
0xab: {  	_ =	swait.ge [sflag:s9], $0x1000  }
0xac: {  	[sflag:s9] =	ssyncset.done $0x0  }
0xad: {  	s14 =	sadd.s32 $0x53C0, s6;
	[sflag:s9] =	ssyncadd.s32 $0xFFFFF000  }
0xae: {  	[tilespmem:s25], [sflag:$0x4] =	stream.indirect.gather [hbm4b:s4+s18], $0x20, s14, s18, $0xb8;
	[tilespmem:$0x16E40] =	vst v63  }
0xaf: {  	_ =	swait.ge [sflag:s10], $0x1000  }
0xb0: {  	[sflag:s10] =	ssyncset.done $0x0  }
0xb1: {  	s14 =	sadd.s32 $0x5440, s6;
	[sflag:s10] =	ssyncadd.s32 $0xFFFFF000  }
0xb2: {  	[tilespmem:s28], [sflag:$0x5] =	stream.indirect.gather [hbm4b:s4+s18], $0x20, s14, s18, $0xb8;
	[tilespmem:$0x16E40] =	vst v63  }
0xb3: {  	_ =	swait.ge [sflag:s16], $0x1000  }
0xb4: {  	[sflag:s16] =	ssyncset.done $0x0  }
0xb5: {  	s14 =	sadd.s32 $0x54C0, s6;
	[sflag:s16] =	ssyncadd.s32 $0xFFFFF000  }
0xb6: {  	[tilespmem:s30], [sflag:$0x6] =	stream.indirect.gather [hbm4b:s4+s18], $0x20, s14, s18, $0xb8;
	[tilespmem:$0x16E40] =	vst v63  }
0xb7: {  	_ =	swait.ge [sflag:s11], $0x1000  }
0xb8: {  	[sflag:s11] =	ssyncset.done $0x0  }
.Ltmp0:
0xb9: {  	s14 =	sadd.s32 $0x5540, s6;
	[sflag:s11] =	ssyncadd.s32 $0xFFFFF000;
	(pc) =	sbr.rel @p1 .LBB2_2-.Ltmp0, $4  }
0xba: {  	[tilespmem:s0], [sflag:$0x7] =	stream.indirect.gather [hbm4b:s4+s18], $0x20, s14, s18, $0xb8;
	[tilespmem:$0x16E40] =	vst v63  }
0xbb: {  	_ =	swait.ge [sflag:s12], $0x1000  }
0xbc: {  	[sflag:s12] =	ssyncset.done $0x0  }
0xbd: {  	s6 =	sadd.s32 $0x55C0, s6;
	[sflag:s12] =	ssyncadd.s32 $0xFFFFF000  }
0xbe: {  	[tilespmem:s17], [sflag:$0x8] =	stream.indirect.gather [hbm4b:s4+s18], $0x20, s6, s18, $0xb8;
	[tilespmem:$0x16E40] =	vst v63  }
0xbf: {  	_ =	swait.ge [sflag:s20], $0x1000  }
0xc0: {  	[sflag:s20] =	ssyncset.done $0x0  }
0xc1: {  	s13 =	simm.s32 $0xEA40;
	[sflag:s20] =	ssyncadd.s32 $0xFFFFF000  }
0xc2: {  	[spmem:s2] =	stream.indirect.scatter.add.f32 [tilespmem:s19], [sflag:$0x9], $0x20, s13, s18, $0xb8;
	[tilespmem:$0x16E40] =	vst v63  }
0xc3: {  	_ =	swait.ge [sflag:s22], $0x1000  }
0xc4: {  	[sflag:s22] =	ssyncset.done $0x0  }
0xc5: {  	s14 =	simm.s32 $0xEAC0;
	[sflag:s22] =	ssyncadd.s32 $0xFFFFF000  }
0xc6: {  	[spmem:s2] =	stream.indirect.scatter.add.f32 [tilespmem:s21], [sflag:$0xA], $0x20, s14, s18, $0xb8;
	[tilespmem:$0x16E40] =	vst v63  }
0xc7: {  	_ =	swait.ge [sflag:s24], $0x1000  }
0xc8: {  	[sflag:s24] =	ssyncset.done $0x0  }
0xc9: {  	s15 =	simm.s32 $0xEB40;
	[sflag:s24] =	ssyncadd.s32 $0xFFFFF000  }
0xca: {  	[spmem:s2] =	stream.indirect.scatter.add.f32 [tilespmem:s23], [sflag:$0xB], $0x20, s15, s18, $0xb8;
	[tilespmem:$0x16E40] =	vst v63  }
0xcb: {  	_ =	swait.ge [sflag:s26], $0x1000  }
0xcc: {  	[sflag:s26] =	ssyncset.done $0x0  }
0xcd: {  	s13 =	simm.s32 $0xEBC0;
	[sflag:s26] =	ssyncadd.s32 $0xFFFFF000  }
0xce: {  	[spmem:s2] =	stream.indirect.scatter.add.f32 [tilespmem:s25], [sflag:$0xC], $0x20, s13, s18, $0xb8;
	[tilespmem:$0x16E40] =	vst v63  }
0xcf: {  	_ =	swait.ge [sflag:s29], $0x1000  }
0xd0: {  	[sflag:s29] =	ssyncset.done $0x0  }
0xd1: {  	s14 =	simm.s32 $0xEC40;
	[sflag:s29] =	ssyncadd.s32 $0xFFFFF000  }
0xd2: {  	[spmem:s2] =	stream.indirect.scatter.add.f32 [tilespmem:s28], [sflag:$0xD], $0x20, s14, s18, $0xb8;
	[tilespmem:$0x16E40] =	vst v63  }
0xd3: {  	_ =	swait.ge [sflag:s31], $0x1000  }
0xd4: {  	[sflag:s31] =	ssyncset.done $0x0  }
0xd5: {  	s15 =	simm.s32 $0xECC0;
	[sflag:s31] =	ssyncadd.s32 $0xFFFFF000  }
0xd6: {  	[spmem:s2] =	stream.indirect.scatter.add.f32 [tilespmem:s30], [sflag:$0xE], $0x20, s15, s18, $0xb8;
	[tilespmem:$0x16E40] =	vst v63  }
0xd7: {  	_ =	swait.ge [sflag:s1], $0x1000  }
0xd8: {  	[sflag:s1] =	ssyncset.done $0x0  }
0xd9: {  	s13 =	simm.s32 $0xED40;
	[sflag:s1] =	ssyncadd.s32 $0xFFFFF000  }
0xda: {  	[spmem:s2] =	stream.indirect.scatter.add.f32 [tilespmem:s0], [sflag:$0xF], $0x20, s13, s18, $0xb8;
	[tilespmem:$0x16E40] =	vst v63  }
0xdb: {  	_ =	swait.ge [sflag:s3], $0x1000  }
0xdc: {  	[sflag:s3] =	ssyncset.done $0x0  }
0xdd: {  	s14 =	simm.s32 $0xEDC0;
	[sflag:s3] =	ssyncadd.s32 $0xFFFFF000  }
0xde: {  	[spmem:s2] =	stream.indirect.scatter.add.f32 [tilespmem:s17], [sflag:$0x10], $0x20, s14, s18, $0xb8;
	[tilespmem:$0x16E40] =	vst v63  }
0xdf: {  	_ =	swait.ge [sflag:s5], $0x1000  }
0xe0: {  	[sflag:s5] =	ssyncset.done $0x0  }
0xe1: {  	[sflag:s5] =	ssyncadd.s32 $0xFFFFF000  }
0xe2: {  	_ =	swait.ge [sflag:s7], $0x1000  }
0xe3: {  	[sflag:s7] =	ssyncset.done $0x0  }
0xe4: {  	[sflag:s7] =	ssyncadd.s32 $0xFFFFF000  }
0xe5: {  	_ =	swait.ge [sflag:s8], $0x1000  }
0xe6: {  	[sflag:s8] =	ssyncset.done $0x0  }
0xe7: {  	[sflag:s8] =	ssyncadd.s32 $0xFFFFF000  }
0xe8: {  	_ =	swait.ge [sflag:s9], $0x1000  }
0xe9: {  	[sflag:s9] =	ssyncset.done $0x0  }
0xea: {  	[sflag:s9] =	ssyncadd.s32 $0xFFFFF000  }
0xeb: {  	_ =	swait.ge [sflag:s10], $0x1000  }
0xec: {  	[sflag:s10] =	ssyncset.done $0x0  }
0xed: {  	[sflag:s10] =	ssyncadd.s32 $0xFFFFF000  }
0xee: {  	_ =	swait.ge [sflag:s16], $0x1000  }
0xef: {  	[sflag:s16] =	ssyncset.done $0x0  }
0xf0: {  	[sflag:s16] =	ssyncadd.s32 $0xFFFFF000  }
0xf1: {  	_ =	swait.ge [sflag:s11], $0x1000  }
0xf2: {  	[sflag:s11] =	ssyncset.done $0x0  }
0xf3: {  	[sflag:s11] =	ssyncadd.s32 $0xFFFFF000  }
0xf4: {  	_ =	swait.ge [sflag:s12], $0x1000  }
0xf5: {  	[sflag:s12] =	ssyncset.done $0x0  }
0xf6: {  	[sflag:s12] =	ssyncadd.s32 $0xFFFFF000  }
0xf7: {  	[bflag:$0x0] =	sbarrier.arrive $0xFFFF  }
0xf8: {  	s14 =	rddreg [dreg:$0x4]  }
0xf9: {  	s15 =	rddreg [dreg:$0x8]  }
0xfa: {  	s13 =	rddreg [dreg:$0xb]  }
0xfb: {  	[hbm:s15], [sflag:s14] =	dma.local [spmem:s13], $0x9C0  }
0xfc: {  	s15 =	simm.s32 $0x11  }
0xfd: {  	_ =	swait.ge [sflag:s15], $0x9C0  }
0xfe: {  	[sflag:s15] =	ssyncset.done $0x0;
	s6 =	rddreg [dreg:$0x9]  }
0xff: {  	[sflag:s15] =	ssyncadd.s32 $0xFFFFF640;
	s15 =	rddreg [dreg:$0xc]  }
0x100: {  	[hbm:s6], [sflag:s14] =	dma.local @!p0 [spmem:s15], $0x40  }
0x101: {  	s15 =	simm.s32 @!p0 $0x11  }
0x102: {  	_ =	swait.ge @!p0 [sflag:s15], $0x40  }
0x103: {  	s6 =	rddreg [dreg:$0xd]  }
0x104: {  	[sflag:s15] =	ssyncset.done @!p0 $0x0;
	s15 =	rddreg [dreg:$0xa];
	s6 =	sadd.s32 $0x1, s6  }
0x105: {  	p1 =	sne.s32 s6, s15  }
.Ltmp1:
0x106: {  	_ = 	snop;
	(pc) =	sbr.rel @p1 .LBB2_1-.Ltmp1, $3  }
0x107: {  	_ =	sdelay $0x1  }
0x108: {  	[dreg:$0xd] =	wrdreg s6;
	s6 =	simm.s32 @!p0 $0x11  }
0x109: {  	s15 =	smov.u32 s13;
	s13 =	simm.s32 $0x11;
	[sflag:s6] =	ssyncadd.s32 @!p0 $0xFFFFFFC0  }
0x10a: {  	_ =	sfence.sel $0x180000  }
0x10b: {  	[bflag:$0x0] =	sbarrier.arrive $0xFFFF  }
0x10c: {  	_ =	strace $0x9000004A  }
0x10d: {  	s0 =	stileid.u32;
	[bflag:$0x2] =	sbarrier.arrive $0xFFFF  }
0x10e: {  	p0 =	sne.s32 s0, $0x0;
	s0 =	rddreg [dreg:$0x2]  }
0x10f: {  	s0 =	sadd.s32 @!p0 $0x100000, s0  }
0x110: {  	[sflag:s0] =	ssyncadd.tile.s32 @!p0 $0x1;
	_ =	shalt  }
.Lfunc_end2:
_tile_overlayer_lowered:
.L_overlay_start_2:
0x111: {  	(tag) =	ssettag $0x2  }
0x112: {  	s0 =	rddreg [dreg:$0x0];
	s2 =	stileid.u32  }
0x113: {  	s1 =	rddreg [dreg:$0x1];
	p0 =	sne.s32 s2, $0x0  }
0x114: {  	s3 =	rddreg [dreg:$0x2];
	[bflag:$0x3] =	sbarrier.arrive $0xFFFF;
	s2 =	simm.s32 @!p0 $0x1C11  }
0x115: {  	[timem:s3], [sflag:s2] =	dma.local @!p0 [hbm:s0], s1  }
0x116: {  	s0 =	simm.s32 @!p0 $0x11  }
0x117: {  	_ =	swait.ge @!p0 [sflag:s0], s1  }
0x118: {  	s1 =	ssub.s32 @!p0 $0x0, s1;
	[sflag:s0] =	ssyncset.done @!p0 $0x0  }
0x119: {  	[sflag:s0] =	ssyncadd.s32 @!p0 s1  }
0x11a: {  	[bflag:$0x3] =	sbarrier.arrive $0xFFFF  }
0x11b: {  	_ =	shalt  }

// kernel: kernel.7.cloned.1.call-start
scs
__scs_entry_jumppad:
0x0: {  	(pc) =	sbr.rel $0x88, $3  }
0x1: {  	(tag) =	ssettag $0x0;
	lr =	simm.s32 $0x1  }
0x2: {  	[smem:$0x3F83] =	sst lr;
	_ =	strace $0xD0000000  }
0x3: {  	_ = 	snop  }
0x4: {  	_ = 	snop  }
0x5: {  	_ = 	snop  }
0x6: {  	_ = 	snop  }
0x7: {  	_ = 	snop  }
__scs_overlays_trampoline_lowered:
0x8: {  	[smem:$0x3F92] =	sst s0  }
0x9: {  	[smem:$0x3F93] =	sst s1  }
0xa: {  	[smem:$0x3F94] =	sst s2  }
0xb: {  	[smem:$0x3F95] =	sst s3  }
0xc: {  	[smem:$0x3F96] =	sst s4  }
0xd: {  	[smem:$0x3F97] =	sst s5  }
0xe: {  	[smem:$0x3F98] =	sst s6  }
0xf: {  	[smem:$0x3F99] =	sst s7  }
0x10: {  	[smem:$0x3F9A] =	sst s8  }
0x11: {  	[smem:$0x3F9B] =	sst s9;
	s0 =	simm.s32 @!p0 $0x0  }
0x12: {  	s1 =	sld [smem:$0x3F81];
	s0 =	simm.s32 @p0 $0x1  }
0x13: {  	[smem:$0x3F9C] =	sst s0;
	s0 =	simm.s32 @!p1 $0x0  }
0x14: {  	s2 =	sld [smem:$0x3F80];
	s0 =	simm.s32 @p1 $0x1  }
0x15: {  	[smem:$0x3F9D] =	sst s0;
	s0 =	simm.s32 @!p2 $0x0  }
0x16: {  	s3 =	sld [smem:$0x3FDB];
	s0 =	simm.s32 @p2 $0x1  }
0x17: {  	s4 =	simm.s32 $0x1BF5;
	[smem:$0x3F9F] =	sst s0  }
0x18: {  	s0 =	sld [smem:$0x3F82];
	_ =	swait.ge [sflag:s4], $0x0  }
0x19: {  	s7 =	sld [smem:$0x3F83]  }
0x1a: {  	s8 =	sadd.s32 $0xFFFFE003, lr  }
0x1b: {  	s9 =	sadd.s32 $0xFFFFFEF7, lr;
	s5 =	simm.s32 $0xFFFFFFFF;
	p2 =	slt.u32 s8, $0xFFFFF086  }
0x1c: {  	p1 =	slt.u32 s9, $0xF7A;
	s5 =	simm.s32 @!p2 $0x0  }
0x1d: {  	s5 =	simm.s32 @p1 $0x1;
	p0 =	seq.s32 s7, s2  }
0x1e: {  	s7 =	smul.u32 @!p0 $0xF7A, s2;
	p2 =	seq.s32 @!p0 s5, $0x0  }
0x1f: {  	s9 =	smul.u32 $0xF7A, s1;
	s8 =	simm.s32 @!p0 $0x1BF5;
	p2 =	por !p2, p0  }
0x20: {  	[sflag:s8] =	ssyncset.s32 @!p0 $0xFFFFF086;
	s6 =	sadd.s32 @!p0 s3, s7;
	s7 =	simm.s32 @!p0 $0x108  }
0x21: {  	s3 =	sadd.s32 s3, s9;
	s6 =	sadd.s32 @!p0 $0x88, s6;
	s7 =	simm.s32 @p2 $0x1082  }
0x22: {  	[simem:s7], [sflag:s8] =	dma.local @!p0 [hbm:s6], $0xF7A  }
0x23: {  	s9 =	sor.u32 $0xD0000000, s2;
	s6 =	simm.s32 $0x108;
	_ =	swait.ge @!p0 [sflag:s8], $0x0  }
0x24: {  	s3 =	sadd.s32 $0x88, s3;
	s6 =	simm.s32 @!p1 $0x1082;
	[sflag:s4] =	ssyncset.s32 $0xFFFFF086  }
0x25: {  	[simem:s6], [sflag:s4] =	dma.local [hbm:s3], $0xF7A  }
0x26: {  	[smem:$0x3F83] =	sst s1;
	(tag) =	ssettag s2;
	_ =	strace s9  }
0x27: {  	s1 =	sld [smem:$0x3F93]  }
0x28: {  	s2 =	sld [smem:$0x3F94]  }
0x29: {  	s4 =	sld [smem:$0x3F96]  }
0x2a: {  	p0 =	seq.s32 s5, $0x0;
	s5 =	sld [smem:$0x3F97]  }
0x2b: {  	s6 =	sld [smem:$0x3F98]  }
0x2c: {  	s7 =	sld [smem:$0x3F99]  }
0x2d: {  	s3 =	simm.s32 $0x108;
	s8 =	sld [smem:$0x3F9A]  }
0x2e: {  	s3 =	simm.s32 @!p0 $0x1082;
	s9 =	sld [smem:$0x3F9B]  }
0x2f: {  	lr =	sadd.s32 s0, s3;
	s0 =	sld [smem:$0x3F92]  }
0x30: {  	s3 =	sld [smem:$0x3F95]  }
0x31: {  	[smem:$0x3F9E] =	sst s10  }
0x32: {  	s10 =	sld [smem:$0x3F9C];
	_ =	sdelay $0x3  }
0x33: {  	p0 =	seq.s32 s10, $0x1;
	s10 =	sld [smem:$0x3F9E];
	_ =	sdelay $0x3  }
0x34: {  	[smem:$0x3F9E] =	sst s10  }
0x35: {  	s10 =	sld [smem:$0x3F9D];
	_ =	sdelay $0x3  }
0x36: {  	p1 =	seq.s32 s10, $0x1;
	s10 =	sld [smem:$0x3F9E];
	_ =	sdelay $0x3  }
0x37: {  	[smem:$0x3F9E] =	sst s10  }
0x38: {  	s10 =	sld [smem:$0x3F9F]  }
0x39: {  	_ = 	snop;
	(pc) =	sbr.ind lr, $3  }
0x3a: {  	_ = 	snop  }
0x3b: {  	_ = 	snop  }
0x3c: {  	p2 =	seq.s32 s10, $0x1;
	s10 =	sld [smem:$0x3F9E]  }
0x3d: {  	_ =	shalt  }
0x3e: {  	_ =	shalt  }
0x3f: {  	_ =	shalt  }
0x40: {  	_ =	shalt  }
0x41: {  	_ =	shalt  }
0x42: {  	_ =	shalt  }
0x43: {  	_ =	shalt  }
0x44: {  	_ =	shalt  }
0x45: {  	_ =	shalt  }
0x46: {  	_ =	shalt  }
0x47: {  	_ =	shalt  }
0x48: {  	_ =	shalt  }
0x49: {  	_ =	shalt  }
0x4a: {  	_ =	shalt  }
0x4b: {  	_ =	shalt  }
0x4c: {  	_ =	shalt  }
0x4d: {  	_ =	shalt  }
0x4e: {  	_ =	shalt  }
0x4f: {  	_ =	shalt  }
0x50: {  	_ =	shalt  }
0x51: {  	_ =	shalt  }
0x52: {  	_ =	shalt  }
0x53: {  	_ =	shalt  }
0x54: {  	_ =	shalt  }
0x55: {  	_ =	shalt  }
0x56: {  	_ =	shalt  }
0x57: {  	_ =	shalt  }
0x58: {  	_ =	shalt  }
0x59: {  	_ =	shalt  }
0x5a: {  	_ =	shalt  }
0x5b: {  	_ =	shalt  }
0x5c: {  	_ =	shalt  }
0x5d: {  	_ =	shalt  }
0x5e: {  	_ =	shalt  }
0x5f: {  	_ =	shalt  }
0x60: {  	_ =	shalt  }
0x61: {  	_ =	shalt  }
0x62: {  	_ =	shalt  }
0x63: {  	_ =	shalt  }
0x64: {  	_ =	shalt  }
0x65: {  	_ =	shalt  }
0x66: {  	_ =	shalt  }
0x67: {  	_ =	shalt  }
0x68: {  	_ =	shalt  }
0x69: {  	_ =	shalt  }
0x6a: {  	_ =	shalt  }
0x6b: {  	_ =	shalt  }
0x6c: {  	_ =	shalt  }
0x6d: {  	_ =	shalt  }
0x6e: {  	_ =	shalt  }
0x6f: {  	_ =	shalt  }
0x70: {  	_ =	shalt  }
0x71: {  	_ =	shalt  }
0x72: {  	_ =	shalt  }
0x73: {  	_ =	shalt  }
0x74: {  	_ =	shalt  }
0x75: {  	_ =	shalt  }
0x76: {  	_ =	shalt  }
0x77: {  	_ =	shalt  }
0x78: {  	_ =	shalt  }
0x79: {  	_ =	shalt  }
0x7a: {  	_ =	shalt  }
0x7b: {  	_ =	shalt  }
0x7c: {  	_ =	shalt  }
0x7d: {  	_ =	shalt  }
0x7e: {  	_ =	shalt  }
0x7f: {  	_ =	shalt  }
0x80: {  	_ =	shalt  }
0x81: {  	_ =	shalt  }
0x82: {  	_ =	shalt  }
0x83: {  	_ =	shalt  }
0x84: {  	_ =	shalt  }
0x85: {  	_ =	shalt  }
0x86: {  	_ =	shalt  }
0x87: {  	_ =	shalt  }
.Lfunc_end0:
.L_simem_size_0:
called_computation_lowered:
.L_overlay_start_0:
0x88: {  	s2 =	sld [smem:$0x3FD9]  }
0x89: {  	s3 =	sld [smem:$0x3FFE];
	_ =	sdelay $0x1  }
0x8a: {  	s1 =	srdreg.scid  }
0x8b: {  	s0 =	sand.u32 $0x1, s1  }
0x8c: {  	s16 =	sshll.u32 s0, $0xA;
	s2 =	sadd.s32 s3, s2  }
0x8d: {  	s2 =	sadd.s32 s2, s16  }
0x8e: {  	[smem:$0x3FAA] =	sst s2  }
0x8f: {  	_ = 	snop  }
0x90: {  	(tm) =	ssettm $0x1  }
0x91: {  	s17 =	sld [smem:$0x3FFB];
	_ =	sdelay $0x3  }
0x92: {  	_ =	strace s17  }
0x93: {  	s2 =	sld [smem:$0x3FFC];
	_ =	sdelay $0x3  }
0x94: {  	_ =	strace s2  }
0x95: {  	s2 =	sld [smem:$0x3FFD];
	_ =	sdelay $0x3  }
0x96: {  	_ =	strace s2  }
0x97: {  	_ =	strace $0x8FFFFFFF  }
0x98: {  	s18 =	sld [smem:$0x3FDB];
	_ =	sdelay $0x1  }
0x99: {  	s19 =	simm.s32 $_scs_section_size  }
0x9a: {  	s4 =	simm.s32 $_size__tile_overlayer_lowered;
	s5 =	simm.s32 $_tile_overlayer_lowered  }
0x9b: {  	s22 =	simm.s32 $0x1BFF;
	s21 =	sshll.u32 s5, $0x1;
	s2 =	sadd.s32 s19, s18  }
0x9c: {  	s6 =	simm.s32 $0x0;
	s20 =	sshll.u32 s4, $0x1;
	s4 =	sadd.s32 s21, s2  }
0x9d: {  	[timem:s6], [sflag:s22] =	dma.local [hbm:s4], s20  }
0x9e: {  	_ =	swait.ge [sflag:s22], s20  }
0x9f: {  	s3 =	ssub.s32 $0x0, s20;
	[sflag:s22] =	ssyncset.done $0x0  }
0xa0: {  	[sflag:s22] =	ssyncadd.s32 s3;
	_ =	sdelay $0x1  }
0xa1: {  	s23 =	simm.s32 $0x1B8B  }
0xa2: {  	_ =	swait.ge [sflag:s23], $0x1  }
0xa3: {  	[sflag:s23] =	ssyncset.done $0x0  }
0xa4: {  	s25 =	simm.s32 $0x1B8E;
	s24 =	sld [smem:$0x3FFE];
	[sflag:s23] =	ssyncadd.s32 $0xFFFFFFFF  }
0xa5: {  	s26 =	simm.s32 $execute0_lowered;
	[smem:$0x3FD2] =	sst s25  }
0xa6: {  	s4 =	sshll.u32 s26, $0x1;
	_ =	strace $0x80000046;
	[dreg:$0x1] =	wrdreg $0xFFFFFFFF  }
0xa7: {  	s28 =	simm.s32 $_size_execute0_lowered;
	s2 =	sadd.s32 s2, s4;
	[dreg:$0x0] =	wrdreg $0x0  }
0xa8: {  	s4 =	sshll.u32 s28, $0x1;
	[dreg:$0x2] =	wrdreg s2  }
0xa9: {  	[dreg:$0x3] =	wrdreg s4  }
0xaa: {  	[dreg:$0x4] =	wrdreg $0xC0  }
0xab: {  	_ =	task [dreg:s6], $0x5FFFF  }
0xac: {  	[dreg:$0x1] =	wrdreg $0xFFFFFFFF  }
0xad: {  	[dreg:$0x0] =	wrdreg $0x60  }
0xae: {  	[dreg:$0x2] =	wrdreg s24  }
0xaf: {  	[dreg:$0x3] =	wrdreg $0x0  }
0xb0: {  	[dreg:$0x4] =	wrdreg $0x9  }
0xb1: {  	_ =	task.clear_ibuf [dreg:s6], $0x5FFFF;
	_ =	strace $0x90000046  }
0xb2: {  	s29 =	simm.s32 $0x9;
	_ =	strace $0x80000048  }
0xb3: {  	_ =	swait.ge [sflag:s29], $0x1  }
0xb4: {  	[sflag:s29] =	ssyncadd.s32 $0xFFFFFFFF  }
0xb5: {  	_ =	strace $0x90000048  }
0xb6: {  	_ =	sfence  }
0xb7: {  	s30 =	sld [smem:$0x0];
	_ =	sdelay $0x2  }
0xb8: {  	s31 =	sshll.u32 s1, $0xD;
	s1 =	sshrl.u32 s1, $0x2  }
0xb9: {  	s3 =	sand.u32 $0x4000, s31;
	s1 =	sadd.s32 s1, s30  }
0xba: {  	s0 =	sor.u32 s3, s0;
	s1 =	sshll.u32 s1, $0x11  }
0xbb: {  	s0 =	sor.u32 s1, s0  }
0xbc: {  	s0 =	sadd.s32 $0x8F2B, s0  }
0xbd: {  	[sflag:s0] =	ssyncadd.remote.s32 $0x1  }
0xbe: {  	_ =	sfence.sel $0xFFFF  }
0xbf: {  	[dreg:$0x0] =	wrdreg $0xFFFFFFFF;
	(pc) =	sbr.abs _section_cstart, $3  }
0xc0: {  	[dreg:$0x1] =	wrdreg $0xFFFFFFFF  }
0xc1: {  	_ =	task.clear_ibuf [dreg:s6], $0x2FFFF;
	_ =	strace $0x9FFFFFFF  }
0xc2: {  	(tm) =	ssettm $0x7FFFFFFF  }
0xc3: {  	_ =	shalt  }
tec
execute0_lowered:
.L_overlay_start_1:
0x0: {  	(tag) =	ssettag $0x1  }
0x1: {  	s1 =	rddreg [dreg:$0x0]  }
0x2: {  	s0 =	srdreg.scid;
	s2 =	rddreg [dreg:$0x1]  }
0x3: {  	s10 =	stileid.u32;
	s4 =	simm.s32 $0x0;
	s13 =	simm.s32 $0x11  }
0x4: {  	s18 =	simm.s32 $0x80;
	s19 =	simm.s32 $0xEE40;
	s28 =	simm.s32 $0x12E40  }
0x5: {  	s30 =	simm.s32 $0x13E40;
	s17 =	simm.s32 $0x15E40;
	s20 =	simm.s32 $0x1  }
0x6: {  	s29 =	simm.s32 $0x5;
	s31 =	simm.s32 $0x6;
	s16 =	simm.s32 $0xE  }
0x7: {  	s11 =	simm.s32 $0xF;
	s12 =	simm.s32 $0x10;
	s0 =	sand.u32 $0x1, s0  }
0x8: {  	[smem:$0x7FF] =	sst s4;
	s5 =	smul.u32 $0x13800, s10;
	s4 =	sadd.s32 $0x2C00, s1  }
0x9: {  	s8 =	smul.u32 $0x270, s10;
	s21 =	sshll.u32 s10, $0x6;
	p0 =	sne.s32 s10, $0xF  }
0xa: {  	s3 =	sshll.u32 s0, $0x4;
	_ =	strace $0x80000047;
	s6 =	smul.u32 $0x2710, s0  }
0xb: {  	s7 =	ssub.s32 $0x2, s0;
	s0 =	smul.u32 $0x4E200, s0;
	s14 =	sor.u32 $0x1C11, s21  }
0xc: {  	s21 =	simm.s32 $0xFE40;
	s3 =	sor.u32 s10, s3;
	s9 =	sshrl.u32 s7, $0x1  }
0xd: {  	s5 =	sshrl.u32 s5, $0x2;
	s10 =	simm.s32 $0xD;
	[dreg:$0x4] =	wrdreg s14  }
0xe: {  	s3 =	smul.u32 $0xA00, s3;
	s7 =	ssub.s32 s7, s9;
	s5 =	sadd.s32 s5, s2  }
0xf: {  	s6 =	sadd.s32 s8, s6;
	s0 =	sshrl.u32 s0, $0x3;
	s8 =	sadd.s32 $0x4E000, s2  }
0x10: {  	s9 =	simm.s32 $0xC;
	s6 =	sshll.u32 s6, $0x2;
	s0 =	sadd.s32 $0x9C00, s0  }
0x11: {  	s26 =	smax.u32 s7, $0x1;
	s15 =	sshrl.u32 s5, $0x3;
	s5 =	simm.s32 $0x9  }
0x12: {  	s7 =	simm.s32 $0xA;
	s3 =	sadd.s32 s3, s1;
	[dreg:$0xa] =	wrdreg s26  }
0x13: {  	s1 =	sadd.s32 $0x3E600, s1;
	s22 =	sadd.s32 s4, s6;
	[dreg:$0xb] =	wrdreg s15  }
0x14: {  	s23 =	sadd.s32 s4, s0;
	s26 =	simm.s32 $0x4;
	[dreg:$0x3] =	wrdreg s22  }
0x15: {  	[dreg:$0x5] =	wrdreg s23;
	s24 =	sadd.s32 $0x2A600, s3;
	s3 =	sadd.s32 $0x16600, s3  }
0x16: {  	s25 =	sadd.s32 s1, s6;
	s0 =	sadd.s32 s1, s0;
	[dreg:$0x6] =	wrdreg s24  }
0x17: {  	s23 =	simm.s32 $0x10E40;
	s22 =	simm.s32 $0x2;
	[dreg:$0x7] =	wrdreg s3  }
0x18: {  	s1 =	simm.s32 $0x7;
	s6 =	simm.s32 $0x0;
	[dreg:$0x8] =	wrdreg s25  }
0x19: {  	[dreg:$0x9] =	wrdreg s0;
	s0 =	sshrl.u32 @!p0 s8, $0x3;
	s25 =	simm.s32 $0x11E40  }
0x1a: {  	s24 =	simm.s32 $0x3;
	s3 =	simm.s32 $0x8;
	[dreg:$0xd] =	wrdreg s6  }
0x1b: {  	s8 =	simm.s32 $0xB;
	[dreg:$0xc] =	wrdreg s0;
	s0 =	simm.s32 $0x14E40  }
.LBB2_1:
0x1c: {  	s6 =	rddreg [dreg:$0x3]  }
0x1d: {  	[spmem:s15], [sflag:s14] =	dma.local [hbm:s6], $0x9C0  }
0x1e: {  	_ =	swait.ge [sflag:s13], $0x9C0  }
0x1f: {  	[sflag:s13] =	ssyncset.done $0x0;
	s6 =	rddreg [dreg:$0x5]  }
0x20: {  	s15 =	rddreg [dreg:$0xc];
	[sflag:s13] =	ssyncadd.s32 $0xFFFFF640  }
0x21: {  	[spmem:s15], [sflag:s14] =	dma.local @!p0 [hbm:s6], $0x40  }
0x22: {  	s6 =	simm.s32 @!p0 $0x11  }
0x23: {  	_ =	swait.ge @!p0 [sflag:s6], $0x40  }
0x24: {  	s15 =	simm.s32 $0x4E40;
	[sflag:s6] =	ssyncset.done @!p0 $0x0  }
0x25: {  	s14 =	rddreg [dreg:$0x6];
	[sflag:s6] =	ssyncadd.s32 @!p0 $0xFFFFFFC0;
	s6 =	simm.s32 $0x0  }
0x26: {  	[tilespmem:s15], [sflag:$0x11] =	stream.linear.gather [hbm4b:s14+s6], $0x5000, $0x38;
	[tilespmem:$0x16E40] =	vst v63  }
0x27: {  	_ =	swait.ge [sflag:s13], $0x5000  }
0x28: {  	[sflag:s13] =	ssyncset.done $0x0  }
0x29: {  	s15 =	simm.s32 $0x9E40;
	s14 =	rddreg [dreg:$0x7];
	[sflag:s13] =	ssyncadd.s32 $0xFFFFB000  }
0x2a: {  	[tilespmem:s15], [sflag:$0x11] =	stream.linear.gather [hbm4b:s14+s6], $0x5000, $0x38;
	[tilespmem:$0x16E40] =	vst v63  }
0x2b: {  	_ =	swait.ge [sflag:s13], $0x5000  }
0x2c: {  	[sflag:s13] =	ssyncset.done $0x0  }
0x2d: {  	[sflag:s13] =	ssyncadd.s32 $0xFFFFB000  }
0x2e: {  	s14 =	simm.s32 $0x4E40;
	[bflag:$0x0] =	sbarrier.arrive $0xFFFF  }
0x2f: {  	[tilespmem:s19], [sflag:$0x1] =	stream.indirect.gather [hbm4b:s4+s18], $0x20, s14, s18, $0xb8;
	[tilespmem:$0x16E40] =	vst v63  }
0x30: {  	s15 =	simm.s32 $0x4EC0  }
0x31: {  	[tilespmem:s21], [sflag:$0x2] =	stream.indirect.gather [hbm4b:s4+s18], $0x20, s15, s18, $0xb8;
	[tilespmem:$0x16E40] =	vst v63  }
0x32: {  	s13 =	simm.s32 $0x4F40  }
0x33: {  	[tilespmem:s23], [sflag:$0x3] =	stream.indirect.gather [hbm4b:s4+s18], $0x20, s13, s18, $0xb8;
	[tilespmem:$0x16E40] =	vst v63  }
0x34: {  	s14 =	simm.s32 $0x4FC0  }
0x35: {  	[tilespmem:s25], [sflag:$0x4] =	stream.indirect.gather [hbm4b:s4+s18], $0x20, s14, s18, $0xb8;
	[tilespmem:$0x16E40] =	vst v63  }
0x36: {  	s15 =	simm.s32 $0x5040  }
0x37: {  	[tilespmem:s28], [sflag:$0x5] =	stream.indirect.gather [hbm4b:s4+s18], $0x20, s15, s18, $0xb8;
	[tilespmem:$0x16E40] =	vst v63  }
0x38: {  	s13 =	simm.s32 $0x50C0  }
0x39: {  	[tilespmem:s30], [sflag:$0x6] =	stream.indirect.gather [hbm4b:s4+s18], $0x20, s13, s18, $0xb8;
	[tilespmem:$0x16E40] =	vst v63  }
0x3a: {  	s14 =	simm.s32 $0x5140  }
0x3b: {  	[tilespmem:s0], [sflag:$0x7] =	stream.indirect.gather [hbm4b:s4+s18], $0x20, s14, s18, $0xb8;
	[tilespmem:$0x16E40] =	vst v63  }
0x3c: {  	s15 =	simm.s32 $0x51C0  }
0x3d: {  	[tilespmem:s17], [sflag:$0x8] =	stream.indirect.gather [hbm4b:s4+s18], $0x20, s15, s18, $0xb8;
	[tilespmem:$0x16E40] =	vst v63  }
0x3e: {  	_ =	swait.ge [sflag:s20], $0x1000  }
0x3f: {  	[sflag:s20] =	ssyncset.done $0x0  }
0x40: {  	s13 =	simm.s32 $0x9E40;
	[sflag:s20] =	ssyncadd.s32 $0xFFFFF000  }
0x41: {  	[spmem:s2] =	stream.indirect.scatter.add.f32 [tilespmem:s19], [sflag:$0x9], $0x20, s13, s18, $0xb8;
	[tilespmem:$0x16E40] =	vst v63  }
0x42: {  	_ =	swait.ge [sflag:s22], $0x1000  }
0x43: {  	[sflag:s22] =	ssyncset.done $0x0  }
0x44: {  	s14 =	simm.s32 $0x9EC0;
	[sflag:s22] =	ssyncadd.s32 $0xFFFFF000  }
0x45: {  	[spmem:s2] =	stream.indirect.scatter.add.f32 [tilespmem:s21], [sflag:$0xA], $0x20, s14, s18, $0xb8;
	[tilespmem:$0x16E40] =	vst v63  }
0x46: {  	_ =	swait.ge [sflag:s24], $0x1000  }
0x47: {  	[sflag:s24] =	ssyncset.done $0x0  }
0x48: {  	s15 =	simm.s32 $0x9F40;
	[sflag:s24] =	ssyncadd.s32 $0xFFFFF000  }
0x49: {  	[spmem:s2] =	stream.indirect.scatter.add.f32 [tilespmem:s23], [sflag:$0xB], $0x20, s15, s18, $0xb8;
	[tilespmem:$0x16E40] =	vst v63  }
0x4a: {  	_ =	swait.ge [sflag:s26], $0x1000  }
0x4b: {  	[sflag:s26] =	ssyncset.done $0x0  }
0x4c: {  	s13 =	simm.s32 $0x9FC0;
	[sflag:s26] =	ssyncadd.s32 $0xFFFFF000  }
0x4d: {  	[spmem:s2] =	stream.indirect.scatter.add.f32 [tilespmem:s25], [sflag:$0xC], $0x20, s13, s18, $0xb8;
	[tilespmem:$0x16E40] =	vst v63  }
0x4e: {  	_ =	swait.ge [sflag:s29], $0x1000  }
0x4f: {  	[sflag:s29] =	ssyncset.done $0x0  }
0x50: {  	s14 =	simm.s32 $0xA040;
	[sflag:s29] =	ssyncadd.s32 $0xFFFFF000  }
0x51: {  	[spmem:s2] =	stream.indirect.scatter.add.f32 [tilespmem:s28], [sflag:$0xD], $0x20, s14, s18, $0xb8;
	[tilespmem:$0x16E40] =	vst v63  }
0x52: {  	_ =	swait.ge [sflag:s31], $0x1000  }
0x53: {  	[sflag:s31] =	ssyncset.done $0x0  }
0x54: {  	s15 =	simm.s32 $0xA0C0;
	[sflag:s31] =	ssyncadd.s32 $0xFFFFF000  }
0x55: {  	[spmem:s2] =	stream.indirect.scatter.add.f32 [tilespmem:s30], [sflag:$0xE], $0x20, s15, s18, $0xb8;
	[tilespmem:$0x16E40] =	vst v63  }
0x56: {  	_ =	swait.ge [sflag:s1], $0x1000  }
0x57: {  	[sflag:s1] =	ssyncset.done $0x0  }
0x58: {  	s13 =	simm.s32 $0xA140;
	[sflag:s1] =	ssyncadd.s32 $0xFFFFF000  }
0x59: {  	[spmem:s2] =	stream.indirect.scatter.add.f32 [tilespmem:s0], [sflag:$0xF], $0x20, s13, s18, $0xb8;
	[tilespmem:$0x16E40] =	vst v63  }
0x5a: {  	_ =	swait.ge [sflag:s3], $0x1000  }
0x5b: {  	[sflag:s3] =	ssyncset.done $0x0  }
0x5c: {  	s14 =	simm.s32 $0xA1C0;
	[sflag:s3] =	ssyncadd.s32 $0xFFFFF000  }
0x5d: {  	[spmem:s2] =	stream.indirect.scatter.add.f32 [tilespmem:s17], [sflag:$0x10], $0x20, s14, s18, $0xb8;
	[tilespmem:$0x16E40] =	vst v63  }
0x5e: {  	_ =	swait.ge [sflag:s5], $0x1000  }
0x5f: {  	[sflag:s5] =	ssyncset.done $0x0  }
0x60: {  	s15 =	simm.s32 $0x5240;
	[sflag:s5] =	ssyncadd.s32 $0xFFFFF000  }
0x61: {  	[tilespmem:s19], [sflag:$0x1] =	stream.indirect.gather [hbm4b:s4+s18], $0x20, s15, s18, $0xb8;
	[tilespmem:$0x16E40] =	vst v63  }
0x62: {  	_ =	swait.ge [sflag:s7], $0x1000  }
0x63: {  	[sflag:s7] =	ssyncset.done $0x0  }
0x64: {  	s13 =	simm.s32 $0x52C0;
	[sflag:s7] =	ssyncadd.s32 $0xFFFFF000  }
0x65: {  	[tilespmem:s21], [sflag:$0x2] =	stream.indirect.gather [hbm4b:s4+s18], $0x20, s13, s18, $0xb8;
	[tilespmem:$0x16E40] =	vst v63  }
0x66: {  	_ =	swait.ge [sflag:s8], $0x1000  }
0x67: {  	[sflag:s8] =	ssyncset.done $0x0  }
0x68: {  	s14 =	simm.s32 $0x5340;
	[sflag:s8] =	ssyncadd.s32 $0xFFFFF000  }
0x69: {  	[tilespmem:s23], [sflag:$0x3] =	stream.indirect.gather [hbm4b:s4+s18], $0x20, s14, s18, $0xb8;
	[tilespmem:$0x16E40] =	vst v63  }
0x6a: {  	_ =	swait.ge [sflag:s9], $0x1000  }
0x6b: {  	[sflag:s9] =	ssyncset.done $0x0  }
0x6c: {  	s15 =	simm.s32 $0x53C0;
	[sflag:s9] =	ssyncadd.s32 $0xFFFFF000  }
0x6d: {  	[tilespmem:s25], [sflag:$0x4] =	stream.indirect.gather [hbm4b:s4+s18], $0x20, s15, s18, $0xb8;
	[tilespmem:$0x16E40] =	vst v63  }
0x6e: {  	_ =	swait.ge [sflag:s10], $0x1000  }
0x6f: {  	[sflag:s10] =	ssyncset.done $0x0  }
0x70: {  	s13 =	simm.s32 $0x5440;
	[sflag:s10] =	ssyncadd.s32 $0xFFFFF000  }
0x71: {  	[tilespmem:s28], [sflag:$0x5] =	stream.indirect.gather [hbm4b:s4+s18], $0x20, s13, s18, $0xb8;
	[tilespmem:$0x16E40] =	vst v63  }
0x72: {  	_ =	swait.ge [sflag:s16], $0x1000  }
0x73: {  	[sflag:s16] =	ssyncset.done $0x0  }
0x74: {  	s14 =	simm.s32 $0x54C0;
	[sflag:s16] =	ssyncadd.s32 $0xFFFFF000  }
0x75: {  	[tilespmem:s30], [sflag:$0x6] =	stream.indirect.gather [hbm4b:s4+s18], $0x20, s14, s18, $0xb8;
	[tilespmem:$0x16E40] =	vst v63  }
0x76: {  	_ =	swait.ge [sflag:s11], $0x1000  }
0x77: {  	[sflag:s11] =	ssyncset.done $0x0  }
0x78: {  	s15 =	simm.s32 $0x5540;
	[sflag:s11] =	ssyncadd.s32 $0xFFFFF000  }
0x79: {  	[tilespmem:s0], [sflag:$0x7] =	stream.indirect.gather [hbm4b:s4+s18], $0x20, s15, s18, $0xb8;
	[tilespmem:$0x16E40] =	vst v63  }
0x7a: {  	_ =	swait.ge [sflag:s12], $0x1000  }
0x7b: {  	[sflag:s12] =	ssyncset.done $0x0  }
0x7c: {  	s6 =	simm.s32 $0x55C0;
	s15 =	simm.s32 $0x1000;
	[sflag:s12] =	ssyncadd.s32 $0xFFFFF000  }
.LBB2_2:
0x7d: {  	[tilespmem:s17], [sflag:$0x8] =	stream.indirect.gather [hbm4b:s4+s18], $0x20, s6, s18, $0xb8;
	[tilespmem:$0x16E40] =	vst v63  }
0x7e: {  	s6 =	smov.u32 s15  }
0x7f: {  	p1 =	sne.s32 s15, $0x12000;
	s15 =	sadd.s32 $0x1000, s15;
	_ =	swait.ge [sflag:s20], $0x1000  }
0x80: {  	s6 =	sshra.s32 s6, $0x2;
	[sflag:s20] =	ssyncset.done $0x0  }
0x81: {  	s14 =	sadd.s32 $0x9E40, s6;
	[sflag:s20] =	ssyncadd.s32 $0xFFFFF000  }
0x82: {  	[spmem:s2] =	stream.indirect.scatter.add.f32 [tilespmem:s19], [sflag:$0x9], $0x20, s14, s18, $0xb8;
	[tilespmem:$0x16E40] =	vst v63  }
0x83: {  	_ =	swait.ge [sflag:s22], $0x1000  }
0x84: {  	[sflag:s22] =	ssyncset.done $0x0  }
0x85: {  	s14 =	sadd.s32 $0x9EC0, s6;
	[sflag:s22] =	ssyncadd.s32 $0xFFFFF000  }
0x86: {  	[spmem:s2] =	stream.indirect.scatter.add.f32 [tilespmem:s21], [sflag:$0xA], $0x20, s14, s18, $0xb8;
	[tilespmem:$0x16E40] =	vst v63  }
0x87: {  	_ =	swait.ge [sflag:s24], $0x1000  }
0x88: {  	[sflag:s24] =	ssyncset.done $0x0  }
0x89: {  	s14 =	sadd.s32 $0x9F40, s6;
	[sflag:s24] =	ssyncadd.s32 $0xFFFFF000  }
0x8a: {  	[spmem:s2] =	stream.indirect.scatter.add.f32 [tilespmem:s23], [sflag:$0xB], $0x20, s14, s18, $0xb8;
	[tilespmem:$0x16E40] =	vst v63  }
0x8b: {  	_ =	swait.ge [sflag:s26], $0x1000  }
0x8c: {  	[sflag:s26] =	ssyncset.done $0x0  }
0x8d: {  	s14 =	sadd.s32 $0x9FC0, s6;
	[sflag:s26] =	ssyncadd.s32 $0xFFFFF000  }
0x8e: {  	[spmem:s2] =	stream.indirect.scatter.add.f32 [tilespmem:s25], [sflag:$0xC], $0x20, s14, s18, $0xb8;
	[tilespmem:$0x16E40] =	vst v63  }
0x8f: {  	_ =	swait.ge [sflag:s29], $0x1000  }
0x90: {  	[sflag:s29] =	ssyncset.done $0x0  }
0x91: {  	s14 =	sadd.s32 $0xA040, s6;
	[sflag:s29] =	ssyncadd.s32 $0xFFFFF000  }
0x92: {  	[spmem:s2] =	stream.indirect.scatter.add.f32 [tilespmem:s28], [sflag:$0xD], $0x20, s14, s18, $0xb8;
	[tilespmem:$0x16E40] =	vst v63  }
0x93: {  	_ =	swait.ge [sflag:s31], $0x1000  }
0x94: {  	[sflag:s31] =	ssyncset.done $0x0  }
0x95: {  	s14 =	sadd.s32 $0xA0C0, s6;
	[sflag:s31] =	ssyncadd.s32 $0xFFFFF000  }
0x96: {  	[spmem:s2] =	stream.indirect.scatter.add.f32 [tilespmem:s30], [sflag:$0xE], $0x20, s14, s18, $0xb8;
	[tilespmem:$0x16E40] =	vst v63  }
0x97: {  	_ =	swait.ge [sflag:s1], $0x1000  }
0x98: {  	[sflag:s1] =	ssyncset.done $0x0  }
0x99: {  	s14 =	sadd.s32 $0xA140, s6;
	[sflag:s1] =	ssyncadd.s32 $0xFFFFF000  }
0x9a: {  	[spmem:s2] =	stream.indirect.scatter.add.f32 [tilespmem:s0], [sflag:$0xF], $0x20, s14, s18, $0xb8;
	[tilespmem:$0x16E40] =	vst v63  }
0x9b: {  	_ =	swait.ge [sflag:s3], $0x1000  }
0x9c: {  	[sflag:s3] =	ssyncset.done $0x0  }
0x9d: {  	s14 =	sadd.s32 $0xA1C0, s6;
	[sflag:s3] =	ssyncadd.s32 $0xFFFFF000  }
0x9e: {  	[spmem:s2] =	stream.indirect.scatter.add.f32 [tilespmem:s17], [sflag:$0x10], $0x20, s14, s18, $0xb8;
	[tilespmem:$0x16E40] =	vst v63  }
0x9f: {  	_ =	swait.ge [sflag:s5], $0x1000  }
0xa0: {  	[sflag:s5] =	ssyncset.done $0x0  }
0xa1: {  	s14 =	sadd.s32 $0x5240, s6;
	[sflag:s5] =	ssyncadd.s32 $0xFFFFF000  }
0xa2: {  	[tilespmem:s19], [sflag:$0x1] =	stream.indirect.gather [hbm4b:s4+s18], $0x20, s14, s18, $0xb8;
	[tilespmem:$0x16E40] =	vst v63  }
0xa3: {  	_ =	swait.ge [sflag:s7], $0x1000  }
0xa4: {  	[sflag:s7] =	ssyncset.done $0x0  }
0xa5: {  	s14 =	sadd.s32 $0x52C0, s6;
	[sflag:s7] =	ssyncadd.s32 $0xFFFFF000  }
0xa6: {  	[tilespmem:s21], [sflag:$0x2] =	stream.indirect.gather [hbm4b:s4+s18], $0x20, s14, s18, $0xb8;
	[tilespmem:$0x16E40] =	vst v63  }
0xa7: {  	_ =	swait.ge [sflag:s8], $0x1000  }
0xa8: {  	[sflag:s8] =	ssyncset.done $0x0  }
0xa9: {  	s14 =	sadd.s32 $0x5340, s6;
	[sflag:s8] =	ssyncadd.s32 $0xFFFFF000  }
0xaa: {  	[tilespmem:s23], [sflag:$0x3] =	stream.indirect.gather [hbm4b:s4+s18], $0x20, s14, s18, $0xb8;
	[tilespmem:$0x16E40] =	vst v63  }
0xab: {  	_ =	swait.ge [sflag:s9], $0x1000  }
0xac: {  	[sflag:s9] =	ssyncset.done $0x0  }
0xad: {  	s14 =	sadd.s32 $0x53C0, s6;
	[sflag:s9] =	ssyncadd.s32 $0xFFFFF000  }
0xae: {  	[tilespmem:s25], [sflag:$0x4] =	stream.indirect.gather [hbm4b:s4+s18], $0x20, s14, s18, $0xb8;
	[tilespmem:$0x16E40] =	vst v63  }
0xaf: {  	_ =	swait.ge [sflag:s10], $0x1000  }
0xb0: {  	[sflag:s10] =	ssyncset.done $0x0  }
0xb1: {  	s14 =	sadd.s32 $0x5440, s6;
	[sflag:s10] =	ssyncadd.s32 $0xFFFFF000  }
0xb2: {  	[tilespmem:s28], [sflag:$0x5] =	stream.indirect.gather [hbm4b:s4+s18], $0x20, s14, s18, $0xb8;
	[tilespmem:$0x16E40] =	vst v63  }
0xb3: {  	_ =	swait.ge [sflag:s16], $0x1000  }
0xb4: {  	[sflag:s16] =	ssyncset.done $0x0  }
0xb5: {  	s14 =	sadd.s32 $0x54C0, s6;
	[sflag:s16] =	ssyncadd.s32 $0xFFFFF000  }
0xb6: {  	[tilespmem:s30], [sflag:$0x6] =	stream.indirect.gather [hbm4b:s4+s18], $0x20, s14, s18, $0xb8;
	[tilespmem:$0x16E40] =	vst v63  }
0xb7: {  	_ =	swait.ge [sflag:s11], $0x1000  }
0xb8: {  	[sflag:s11] =	ssyncset.done $0x0  }
.Ltmp0:
0xb9: {  	s14 =	sadd.s32 $0x5540, s6;
	[sflag:s11] =	ssyncadd.s32 $0xFFFFF000;
	(pc) =	sbr.rel @p1 .LBB2_2-.Ltmp0, $4  }
0xba: {  	[tilespmem:s0], [sflag:$0x7] =	stream.indirect.gather [hbm4b:s4+s18], $0x20, s14, s18, $0xb8;
	[tilespmem:$0x16E40] =	vst v63  }
0xbb: {  	_ =	swait.ge [sflag:s12], $0x1000  }
0xbc: {  	[sflag:s12] =	ssyncset.done $0x0  }
0xbd: {  	s6 =	sadd.s32 $0x55C0, s6;
	[sflag:s12] =	ssyncadd.s32 $0xFFFFF000  }
0xbe: {  	[tilespmem:s17], [sflag:$0x8] =	stream.indirect.gather [hbm4b:s4+s18], $0x20, s6, s18, $0xb8;
	[tilespmem:$0x16E40] =	vst v63  }
0xbf: {  	_ =	swait.ge [sflag:s20], $0x1000  }
0xc0: {  	[sflag:s20] =	ssyncset.done $0x0  }
0xc1: {  	s13 =	simm.s32 $0xEA40;
	[sflag:s20] =	ssyncadd.s32 $0xFFFFF000  }
0xc2: {  	[spmem:s2] =	stream.indirect.scatter.add.f32 [tilespmem:s19], [sflag:$0x9], $0x20, s13, s18, $0xb8;
	[tilespmem:$0x16E40] =	vst v63  }
0xc3: {  	_ =	swait.ge [sflag:s22], $0x1000  }
0xc4: {  	[sflag:s22] =	ssyncset.done $0x0  }
0xc5: {  	s14 =	simm.s32 $0xEAC0;
	[sflag:s22] =	ssyncadd.s32 $0xFFFFF000  }
0xc6: {  	[spmem:s2] =	stream.indirect.scatter.add.f32 [tilespmem:s21], [sflag:$0xA], $0x20, s14, s18, $0xb8;
	[tilespmem:$0x16E40] =	vst v63  }
0xc7: {  	_ =	swait.ge [sflag:s24], $0x1000  }
0xc8: {  	[sflag:s24] =	ssyncset.done $0x0  }
0xc9: {  	s15 =	simm.s32 $0xEB40;
	[sflag:s24] =	ssyncadd.s32 $0xFFFFF000  }
0xca: {  	[spmem:s2] =	stream.indirect.scatter.add.f32 [tilespmem:s23], [sflag:$0xB], $0x20, s15, s18, $0xb8;
	[tilespmem:$0x16E40] =	vst v63  }
0xcb: {  	_ =	swait.ge [sflag:s26], $0x1000  }
0xcc: {  	[sflag:s26] =	ssyncset.done $0x0  }
0xcd: {  	s13 =	simm.s32 $0xEBC0;
	[sflag:s26] =	ssyncadd.s32 $0xFFFFF000  }
0xce: {  	[spmem:s2] =	stream.indirect.scatter.add.f32 [tilespmem:s25], [sflag:$0xC], $0x20, s13, s18, $0xb8;
	[tilespmem:$0x16E40] =	vst v63  }
0xcf: {  	_ =	swait.ge [sflag:s29], $0x1000  }
0xd0: {  	[sflag:s29] =	ssyncset.done $0x0  }
0xd1: {  	s14 =	simm.s32 $0xEC40;
	[sflag:s29] =	ssyncadd.s32 $0xFFFFF000  }
0xd2: {  	[spmem:s2] =	stream.indirect.scatter.add.f32 [tilespmem:s28], [sflag:$0xD], $0x20, s14, s18, $0xb8;
	[tilespmem:$0x16E40] =	vst v63  }
0xd3: {  	_ =	swait.ge [sflag:s31], $0x1000  }
0xd4: {  	[sflag:s31] =	ssyncset.done $0x0  }
0xd5: {  	s15 =	simm.s32 $0xECC0;
	[sflag:s31] =	ssyncadd.s32 $0xFFFFF000  }
0xd6: {  	[spmem:s2] =	stream.indirect.scatter.add.f32 [tilespmem:s30], [sflag:$0xE], $0x20, s15, s18, $0xb8;
	[tilespmem:$0x16E40] =	vst v63  }
0xd7: {  	_ =	swait.ge [sflag:s1], $0x1000  }
0xd8: {  	[sflag:s1] =	ssyncset.done $0x0  }
0xd9: {  	s13 =	simm.s32 $0xED40;
	[sflag:s1] =	ssyncadd.s32 $0xFFFFF000  }
0xda: {  	[spmem:s2] =	stream.indirect.scatter.add.f32 [tilespmem:s0], [sflag:$0xF], $0x20, s13, s18, $0xb8;
	[tilespmem:$0x16E40] =	vst v63  }
0xdb: {  	_ =	swait.ge [sflag:s3], $0x1000  }
0xdc: {  	[sflag:s3] =	ssyncset.done $0x0  }
0xdd: {  	s14 =	simm.s32 $0xEDC0;
	[sflag:s3] =	ssyncadd.s32 $0xFFFFF000  }
0xde: {  	[spmem:s2] =	stream.indirect.scatter.add.f32 [tilespmem:s17], [sflag:$0x10], $0x20, s14, s18, $0xb8;
	[tilespmem:$0x16E40] =	vst v63  }
0xdf: {  	_ =	swait.ge [sflag:s5], $0x1000  }
0xe0: {  	[sflag:s5] =	ssyncset.done $0x0  }
0xe1: {  	[sflag:s5] =	ssyncadd.s32 $0xFFFFF000  }
0xe2: {  	_ =	swait.ge [sflag:s7], $0x1000  }
0xe3: {  	[sflag:s7] =	ssyncset.done $0x0  }
0xe4: {  	[sflag:s7] =	ssyncadd.s32 $0xFFFFF000  }
0xe5: {  	_ =	swait.ge [sflag:s8], $0x1000  }
0xe6: {  	[sflag:s8] =	ssyncset.done $0x0  }
0xe7: {  	[sflag:s8] =	ssyncadd.s32 $0xFFFFF000  }
0xe8: {  	_ =	swait.ge [sflag:s9], $0x1000  }
0xe9: {  	[sflag:s9] =	ssyncset.done $0x0  }
0xea: {  	[sflag:s9] =	ssyncadd.s32 $0xFFFFF000  }
0xeb: {  	_ =	swait.ge [sflag:s10], $0x1000  }
0xec: {  	[sflag:s10] =	ssyncset.done $0x0  }
0xed: {  	[sflag:s10] =	ssyncadd.s32 $0xFFFFF000  }
0xee: {  	_ =	swait.ge [sflag:s16], $0x1000  }
0xef: {  	[sflag:s16] =	ssyncset.done $0x0  }
0xf0: {  	[sflag:s16] =	ssyncadd.s32 $0xFFFFF000  }
0xf1: {  	_ =	swait.ge [sflag:s11], $0x1000  }
0xf2: {  	[sflag:s11] =	ssyncset.done $0x0  }
0xf3: {  	[sflag:s11] =	ssyncadd.s32 $0xFFFFF000  }
0xf4: {  	_ =	swait.ge [sflag:s12], $0x1000  }
0xf5: {  	[sflag:s12] =	ssyncset.done $0x0  }
0xf6: {  	[sflag:s12] =	ssyncadd.s32 $0xFFFFF000  }
0xf7: {  	[bflag:$0x0] =	sbarrier.arrive $0xFFFF  }
0xf8: {  	s14 =	rddreg [dreg:$0x4]  }
0xf9: {  	s15 =	rddreg [dreg:$0x8]  }
0xfa: {  	s13 =	rddreg [dreg:$0xb]  }
0xfb: {  	[hbm:s15], [sflag:s14] =	dma.local [spmem:s13], $0x9C0  }
0xfc: {  	s15 =	simm.s32 $0x11  }
0xfd: {  	_ =	swait.ge [sflag:s15], $0x9C0  }
0xfe: {  	[sflag:s15] =	ssyncset.done $0x0;
	s6 =	rddreg [dreg:$0x9]  }
0xff: {  	[sflag:s15] =	ssyncadd.s32 $0xFFFFF640;
	s15 =	rddreg [dreg:$0xc]  }
0x100: {  	[hbm:s6], [sflag:s14] =	dma.local @!p0 [spmem:s15], $0x40  }
0x101: {  	s15 =	simm.s32 @!p0 $0x11  }
0x102: {  	_ =	swait.ge @!p0 [sflag:s15], $0x40  }
0x103: {  	s6 =	rddreg [dreg:$0xd]  }
0x104: {  	[sflag:s15] =	ssyncset.done @!p0 $0x0;
	s15 =	rddreg [dreg:$0xa];
	s6 =	sadd.s32 $0x1, s6  }
0x105: {  	p1 =	sne.s32 s6, s15  }
.Ltmp1:
0x106: {  	_ = 	snop;
	(pc) =	sbr.rel @p1 .LBB2_1-.Ltmp1, $3  }
0x107: {  	_ =	sdelay $0x1  }
0x108: {  	[dreg:$0xd] =	wrdreg s6;
	s6 =	simm.s32 @!p0 $0x11  }
0x109: {  	s15 =	smov.u32 s13;
	s13 =	simm.s32 $0x11;
	[sflag:s6] =	ssyncadd.s32 @!p0 $0xFFFFFFC0  }
0x10a: {  	_ =	sfence.sel $0x180000  }
0x10b: {  	[bflag:$0x0] =	sbarrier.arrive $0xFFFF  }
0x10c: {  	_ =	strace $0x90000047  }
0x10d: {  	s0 =	stileid.u32;
	[bflag:$0x2] =	sbarrier.arrive $0xFFFF  }
0x10e: {  	p0 =	sne.s32 s0, $0x0;
	s0 =	rddreg [dreg:$0x2]  }
0x10f: {  	s0 =	sadd.s32 @!p0 $0x100000, s0  }
0x110: {  	[sflag:s0] =	ssyncadd.tile.s32 @!p0 $0x1;
	_ =	shalt  }
.Lfunc_end2:
_tile_overlayer_lowered:
.L_overlay_start_2:
0x111: {  	(tag) =	ssettag $0x2  }
0x112: {  	s0 =	rddreg [dreg:$0x0];
	s2 =	stileid.u32  }
0x113: {  	s1 =	rddreg [dreg:$0x1];
	p0 =	sne.s32 s2, $0x0  }
0x114: {  	s3 =	rddreg [dreg:$0x2];
	[bflag:$0x3] =	sbarrier.arrive $0xFFFF;
	s2 =	simm.s32 @!p0 $0x1C11  }
0x115: {  	[timem:s3], [sflag:s2] =	dma.local @!p0 [hbm:s0], s1  }
0x116: {  	s0 =	simm.s32 @!p0 $0x11  }
0x117: {  	_ =	swait.ge @!p0 [sflag:s0], s1  }
0x118: {  	s1 =	ssub.s32 @!p0 $0x0, s1;
	[sflag:s0] =	ssyncset.done @!p0 $0x0  }
0x119: {  	[sflag:s0] =	ssyncadd.s32 @!p0 s1  }
0x11a: {  	[bflag:$0x3] =	sbarrier.arrive $0xFFFF  }
0x11b: {  	_ =	shalt  }

</sc_bundles>
